<compile_context>
chip_gen: v7x
topology: tpu7x:2x2x1
jax: 0.10.2.dev20260603
libtpu: 0.0.44.dev20260713+nightly
codegen_flags: <defaults>
</compile_context>

<pallas_src>
import numpy as np

import jax
import jax.numpy as jnp
from jax import lax
from jax.experimental import pallas as pl
from jax.experimental.pallas import tpu as pltpu
from jax.experimental.pallas import tpu_sc as plsc

_N = 10000
_E = 320000
_V = 3
_DIN = 128
_H1 = 64
_H2 = 32

_NC = 2
_NS = 16
_NW = _NC * _NS

_CHUNK = 200
_EPW = _E // _NW
_NCHUNKS = _EPW // _CHUNK
_ZROWS = _N // _NS



_BN = 2000


def _mm_body(x_ref, w_ref, o_ref):
    o_ref[0] = jnp.dot(
        x_ref[...], w_ref[0], preferred_element_type=jnp.float32
    ).astype(jnp.bfloat16)


def _support_matmul(x, W_views):
    return pl.pallas_call(
        _mm_body,
        grid=(_V, _N // _BN),
        in_specs=[
            pl.BlockSpec((_BN, _DIN), lambda v, i: (i, 0)),
            pl.BlockSpec((1, _DIN, _H1), lambda v, i: (v, 0, 0)),
        ],
        out_specs=pl.BlockSpec((1, _BN, _H1), lambda v, i: (v, i, 0)),
        out_shape=jax.ShapeDtypeStruct((_V, _N, _H1), jnp.bfloat16),
    )(x, W_views)


_BF = 1000


def _fuse_body(p_ref, w_ref, o_ref):
    p = p_ref[...]
    h = jax.nn.relu(p[0, :, :_H1] + p[0, :, _H1:])
    h += jax.nn.relu(p[1, :, :_H1] + p[1, :, _H1:])
    h += jax.nn.relu(p[2, :, :_H1] + p[2, :, _H1:])
    mean = h * (1.0 / _V)
    o_ref[...] = jnp.dot(
        mean, w_ref[...], preferred_element_type=jnp.float32
    ).astype(jnp.bfloat16)


def _fuse_matmul(p1, W_out):
    return pl.pallas_call(
        _fuse_body,
        grid=(_N // _BF,),
        in_specs=[
            pl.BlockSpec((_V, _BF, _NC * _H1), lambda i: (0, i, 0)),
            pl.BlockSpec((_H1, _H2), lambda i: (0, 0)),
        ],
        out_specs=pl.BlockSpec((_BF, _H2), lambda i: (i, 0)),
        out_shape=jax.ShapeDtypeStruct((_N, _H2), jnp.bfloat16),
    )(p1, W_out)


def _final_body(p_ref, o_ref):
    p = p_ref[...]
    o_ref[...] = jax.nn.relu(p[:, :_H2] + p[:, _H2:])


def _final_relu(p2):
    return pl.pallas_call(
        _final_body,
        grid=(_N // _BN,),
        in_specs=[pl.BlockSpec((_BN, _NC * _H2), lambda i: (i, 0))],
        out_specs=pl.BlockSpec((_BN, _H2), lambda i: (i, 0)),
        out_shape=jax.ShapeDtypeStruct((_N, _H2), jnp.float32),
    )(p2)




def _make_sc_scatter(view_ids, H):
    n_views = len(view_ids)
    mesh = plsc.VectorSubcoreMesh(core_axis_name="c", subcore_axis_name="s")

    zoffs = list(range(0, _ZROWS - _CHUNK + 1, _CHUNK))
    if zoffs[-1] != _ZROWS - _CHUNK:
        zoffs.append(_ZROWS - _CHUNK)

    scratch = [
        pltpu.VMEM((_EPW,), jnp.int32),
        pltpu.VMEM((_EPW,), jnp.int32),
        pltpu.VMEM((_EPW,), jnp.float32),
        pltpu.VMEM((_CHUNK, H), jnp.bfloat16),
        pltpu.VMEM((_CHUNK, H), jnp.bfloat16),
        pltpu.VMEM((_CHUNK, H), jnp.float32),
        pltpu.VMEM((_CHUNK, H), jnp.float32),
        pltpu.VMEM((_CHUNK, H), jnp.float32),
        pltpu.VMEM_SHARED((_N, H), jnp.float32),
        pltpu.SemaphoreType.DMA,
        pltpu.SemaphoreType.DMA,
        pltpu.SemaphoreType.DMA,
        pltpu.SemaphoreType.DMA,
    ]

    def body(ei_ref, ew_ref, sup3_ref, out_ref, *rest):
        (src_v, dst_v, w_v, g0, g1, s0, s1, zbuf, acc,
         smg0, smg1, sms0, sms1) = rest
        gbufs = ((g0, smg0), (g1, smg1))
        sbufs = ((s0, sms0), (s1, sms1))

        c = lax.axis_index("c")
        s = lax.axis_index("s")
        wid = c * _NS + s
        zbase = s * _ZROWS

        zero16 = jnp.zeros((16,), jnp.float32)

        @plsc.parallel_loop(0, _CHUNK, step=1, unroll=4)
        def zfill(r):
            for f in range(H // 16):
                zbuf[r, pl.ds(f * 16, 16)] = zero16

        def fire_gather(sup, p, k):
            gb, sem = gbufs[p]
            pltpu.async_copy(sup.at[src_v.at[pl.ds(k * _CHUNK, _CHUNK)]], gb, sem)

        def wait_gather(sup, p, k):
            gb, sem = gbufs[p]
            pltpu.make_async_copy(
                sup.at[src_v.at[pl.ds(k * _CHUNK, _CHUNK)]], gb, sem
            ).wait()

        def fire_scatter(p, k):
            sb, sem = sbufs[p]
            pltpu.async_copy(
                sb, acc.at[dst_v.at[pl.ds(k * _CHUNK, _CHUNK)]], sem, add=True
            )

        def wait_scatter(p, k):
            sb, sem = sbufs[p]
            pltpu.make_async_copy(
                sb, acc.at[dst_v.at[pl.ds(k * _CHUNK, _CHUNK)]], sem
            ).wait()

        def scale_chunk(p, k):
            gb, _ = gbufs[p]
            sb, _ = sbufs[p]
            kbase = k * _CHUNK

            @plsc.parallel_loop(0, _CHUNK, step=1, unroll=4)
            def scale(e):
                wt = plsc.load_gather(w_v, [jnp.full((16,), kbase + e, jnp.int32)])
                for f in range(H // 32):
                    ab = gb[e, pl.ds(32 * f, 32)]
                    a, b = plsc.unpack(ab, format=plsc.PackFormat.INTERLEAVED)
                    sb[e, pl.ds(32 * f, 16)] = a * wt
                    sb[e, pl.ds(32 * f + 16, 16)] = b * wt

        for i, vi in enumerate(view_ids):
            sup = sup3_ref.at[vi] if n_views > 1 else sup3_ref
            for off in zoffs:
                pltpu.sync_copy(zbuf, acc.at[pl.ds(zbase + off, _CHUNK)])

            pltpu.sync_copy(
                ei_ref.at[pl.ds((2 * vi + 0) * _E + wid * _EPW, _EPW)], src_v)
            pltpu.sync_copy(
                ei_ref.at[pl.ds((2 * vi + 1) * _E + wid * _EPW, _EPW)], dst_v)
            pltpu.sync_copy(ew_ref.at[pl.ds(vi * _E + wid * _EPW, _EPW)], w_v)

            plsc.subcore_barrier()

            fire_gather(sup, 0, 0)
            fire_gather(sup, 1, 1)
            for k in (0, 1):
                wait_gather(sup, k, k)
                scale_chunk(k, k)
                fire_gather(sup, k, k + 2)
                fire_scatter(k, k)

            def pair(gi, _):
                k0 = 2 * gi
                for p in range(2):
                    k = k0 + p
                    wait_gather(sup, p, k)
                    wait_scatter(p, k - 2)
                    scale_chunk(p, k)

                    @pl.when(k + 2 < _NCHUNKS)
                    def _():
                        fire_gather(sup, p, k + 2)

                    fire_scatter(p, k)
                return 0

            lax.fori_loop(1, _NCHUNKS // 2, pair, 0)

            wait_scatter(0, _NCHUNKS - 2)
            wait_scatter(1, _NCHUNKS - 1)

            plsc.subcore_barrier()

            dst = (out_ref.at[i] if n_views > 1 else out_ref)
            pltpu.sync_copy(
                acc.at[pl.ds(zbase, _ZROWS)],
                dst.at[pl.ds(zbase, _ZROWS), pl.ds(c * H, H)],
            )

    return pl.kernel(
        body,
        out_type=jax.ShapeDtypeStruct(
            (n_views, _N, _NC * H) if n_views > 1 else (_N, _NC * H),
            jnp.float32),
        mesh=mesh,
        scratch_types=scratch,
        compiler_params=pltpu.CompilerParams(
            use_tc_tiling_on_sc=False, needs_layout_passes=False
        ),
    )




def _slot_perm(H):
    perm = []
    for f in range(H // 32):
        perm += list(range(32 * f, 32 * f + 32, 2))
        perm += list(range(32 * f + 1, 32 * f + 32, 2))
    return perm


def kernel(x, edge_index, edge_weight, W_views, W_out):
    ei_flat = edge_index.reshape(-1)
    ew_flat = edge_weight.reshape(-1)

    support = _support_matmul(x, W_views)

    sc1 = _make_sc_scatter([0, 1, 2], _H1)
    p1 = sc1(ei_flat, ew_flat, support)

    w_pp = W_out[np.array(_slot_perm(_H1))][:, np.argsort(_slot_perm(_H2))]
    s2 = _fuse_matmul(p1, w_pp)

    sc2 = _make_sc_scatter([0], _H2)
    p2 = sc2(ei_flat, ew_flat, s2)

    return _final_relu(p2)

# --- scband reference (transcript-rebuilt; emitter-appended) ---
"""Pipeline reference for scband-graph-encoder-1-65274912964663 (READ-ONLY COPY).

The authoritative reference and input builder live on the scoring server;
editing this copy changes nothing except your own understanding.
"""

import jax, jax.numpy as jnp
import numpy as np

N = 10000
E = 320000
V = 3
D_IN = 128
H1 = 64
H2 = 32


def setup_inputs(seed: int = 0) -> dict:
    key = jax.random.key(seed)
    ks = jax.random.split(key, 6)
    x = jax.random.normal(ks[0], (N, D_IN), dtype=jnp.float32)
    edge_index = jax.random.randint(ks[1], (V, 2, E), 0, N, dtype=jnp.int32)
    edge_weight = jax.random.uniform(ks[2], (V, E), dtype=jnp.float32)
    # GraphConvolution weights (glorot-style init), one per view encoder + final encoder
    W_views = jax.random.normal(ks[3], (V, D_IN, H1), dtype=jnp.float32) * (1.0 / np.sqrt(D_IN))
    W_out = jax.random.normal(ks[4], (H1, H2), dtype=jnp.float32) * (1.0 / np.sqrt(H1))
    return {"x": x, "edge_index": edge_index, "edge_weight": edge_weight,
            "W_views": W_views, "W_out": W_out}


def _gcn_layer(h, src, dst, w, W):
    # support = dropout(h) @ W  (dropout p=0.0 -> identity)
    support = h @ W
    # output = adj @ support, adj given as weighted edge list (src -> dst)
    msgs = jnp.take(support, src, axis=0) * w[:, None]
    out = jax.ops.segment_sum(msgs, dst, num_segments=N)
    # GraphConvolution activation
    return jax.nn.relu(out)


def reference(x, edge_index, edge_weight, W_views, W_out):
    # First layer: one GraphConvolution per view, same input x, different adjacency
    fst_hidden = []
    for v in range(V):
        src = edge_index[v, 0]
        dst = edge_index[v, 1]
        h_v = _gcn_layer(x, src, dst, edge_weight[v], W_views[v])
        fst_hidden.append(h_v[None, :, :])
    fst_hidden = jnp.concatenate(fst_hidden, axis=0)  # [V, N, H1]
    mean = fst_hidden.mean(axis=0)                    # [N, H1]
    # Final layer uses adjacency of view 0
    src0 = edge_index[0, 0]
    dst0 = edge_index[0, 1]
    ret = _gcn_layer(mean, src0, dst0, edge_weight[0], W_out)  # [N, H2]
    return ret

if __name__ == "__main__":
    import jax
    _d = setup_inputs()
    print(jax.jit(kernel)(*tuple(_d.values())))

</pallas_src>

<mosaic_0001>
#map = affine_map<(d0, d1) -> (0)>
#map1 = affine_map<(d0, d1) -> (0, 0)>
module attributes {stable_mosaic.version = 14 : i64} {
  func.func @body(%arg0: i32, %arg1: i32, %arg2: memref<1920000xi32, #tpu.memory_space<hbm>>, %arg3: memref<960000xf32, #tpu.memory_space<hbm>>, %arg4: memref<10000x32xbf16, #tpu.memory_space<hbm>>, %arg5: memref<10000x64xf32, #tpu.memory_space<hbm>>, %arg6: memref<10000xi32, #tpu.memory_space<vmem>>, %arg7: memref<10000xi32, #tpu.memory_space<vmem>>, %arg8: memref<10000xf32, #tpu.memory_space<vmem>>, %arg9: memref<200x32xbf16, #tpu.memory_space<vmem>>, %arg10: memref<200x32xbf16, #tpu.memory_space<vmem>>, %arg11: memref<200x32xf32, #tpu.memory_space<vmem>>, %arg12: memref<200x32xf32, #tpu.memory_space<vmem>>, %arg13: memref<200x32xf32, #tpu.memory_space<vmem>>, %arg14: memref<10000x32xf32, #tpu.memory_space<vmem_shared>>, %arg15: memref<!tpu.dma_semaphore, #tpu.memory_space<semaphore_mem>>, %arg16: memref<!tpu.dma_semaphore, #tpu.memory_space<semaphore_mem>>, %arg17: memref<!tpu.dma_semaphore, #tpu.memory_space<semaphore_mem>>, %arg18: memref<!tpu.dma_semaphore, #tpu.memory_space<semaphore_mem>>) attributes {dimension_semantics = [#tpu.dimension_semantics<core_parallel>, #tpu.dimension_semantics<subcore_parallel>], iteration_bounds = array<i64: 2, 16>, scalar_prefetch = 0 : i64, scratch_operands = 13 : i64, tpu.core_type = #tpu.core_type<sc_vector_subcore>, window_params = [{transform_indices = #map}, {transform_indices = #map}, {transform_indices = #map1}, {transform_indices = #map1}]} {
    %mul3A = arith.constant 16 : i32
    %mul3A_0 = arith.muli %arg0, %mul3A : i32
    %add3A = arith.addi %mul3A_0, %arg1 : i32
    %mul3A_1 = arith.constant 625 : i32
    %mul3A_2 = arith.muli %arg1, %mul3A_1 : i32
    %broadcast_in_dim3A = arith.constant 0.000000e+00 : f32
    %broadcast_in_dim3A_3 = vector.broadcast %broadcast_in_dim3A : f32 to vector<16xf32>
    %parallel_loop3A = arith.constant 0 : i32
    %parallel_loop3A_4 = arith.constant 200 : i32
    %parallel_loop3A_5 = arith.constant 1 : i32
    scf.for %parallel_loop3A_89 = %parallel_loop3A to %parallel_loop3A_4 step %parallel_loop3A_5  : i32 {
      %parallel_loop3A_90 = arith.index_cast %parallel_loop3A_89 : i32 to index
      %parallel_loop3A_91 = arith.constant 0 : index
      %parallel_loop3A_92 = tpu.vector_load %arg13[%parallel_loop3A_90, %parallel_loop3A_91] {strides = array<i32>} : memref<200x32xf32, #tpu.memory_space<vmem>>, vector<16xf32>,
      tpu.vector_store %arg13[%parallel_loop3A_90, %parallel_loop3A_91], %broadcast_in_dim3A_3 {strides = array<i32>} : memref<200x32xf32, #tpu.memory_space<vmem>>, vector<16xf32>,
      %parallel_loop3A_93 = arith.index_cast %parallel_loop3A_89 : i32 to index
      %parallel_loop3A_94 = arith.constant 16 : index
      %parallel_loop3A_95 = tpu.vector_load %arg13[%parallel_loop3A_93, %parallel_loop3A_94] {strides = array<i32>} : memref<200x32xf32, #tpu.memory_space<vmem>>, vector<16xf32>,
      tpu.vector_store %arg13[%parallel_loop3A_93, %parallel_loop3A_94], %broadcast_in_dim3A_3 {strides = array<i32>} : memref<200x32xf32, #tpu.memory_space<vmem>>, vector<16xf32>,
    } {sc.loop_unroll_factor = 4 : i64, sc.parallel_access}
    %add3A_6 = arith.constant 0 : i32
    %add3A_7 = arith.addi %mul3A_2, %add3A_6 : i32
    "tpu.region"() ({
      %run_scoped3A = tpu.sem_alloc : memref<!tpu.dma_semaphore, #tpu.memory_space<semaphore_mem>>
      %dma_start3A_89 = arith.constant 0 : i32
      %dma_start3A_90 = tpu.memref_slice %arg14[%add3A_7, %dma_start3A_89] : memref<10000x32xf32, #tpu.memory_space<vmem_shared>> -> memref<200x32xf32, #tpu.memory_space<vmem_shared>>
      %dma_start3A_91 = arith.constant 0 : i32
      %dma_start3A_92 = tpu.memref_slice %arg14[%add3A_7, %dma_start3A_91] : memref<10000x32xf32, #tpu.memory_space<vmem_shared>> -> memref<200x32xf32, #tpu.memory_space<vmem_shared>>
      tpu.enqueue_dma source(%arg13 : memref<200x32xf32, #tpu.memory_space<vmem>>) target(%dma_start3A_92 : memref<200x32xf32, #tpu.memory_space<vmem_shared>>) target_semaphore(%run_scoped3A : memref<!tpu.dma_semaphore, #tpu.memory_space<semaphore_mem>>)
      %dma_wait3A_93 = arith.constant 0 : i32
      %dma_wait3A_94 = tpu.memref_slice %arg14[%add3A_7, %dma_wait3A_93] : memref<10000x32xf32, #tpu.memory_space<vmem_shared>> -> memref<200x32xf32, #tpu.memory_space<vmem_shared>>
      %dma_wait3A_95 = arith.constant 0 : i32
      %dma_wait3A_96 = tpu.memref_slice %arg14[%add3A_7, %dma_wait3A_95] : memref<10000x32xf32, #tpu.memory_space<vmem_shared>> -> memref<200x32xf32, #tpu.memory_space<vmem_shared>>
      tpu.wait_dma2 semaphore(%run_scoped3A : memref<!tpu.dma_semaphore, #tpu.memory_space<semaphore_mem>>) src(%arg13 : memref<200x32xf32, #tpu.memory_space<vmem>>) dst(%dma_wait3A_96 : memref<200x32xf32, #tpu.memory_space<vmem_shared>>)
      tpu.yield
    }) : () -> ()
    %add3A_8 = arith.constant 200 : i32
    %add3A_9 = arith.addi %mul3A_2, %add3A_8 : i32
    "tpu.region"() ({
      %run_scoped3A = tpu.sem_alloc : memref<!tpu.dma_semaphore, #tpu.memory_space<semaphore_mem>>
      %dma_start3A_89 = arith.constant 0 : i32
      %dma_start3A_90 = tpu.memref_slice %arg14[%add3A_9, %dma_start3A_89] : memref<10000x32xf32, #tpu.memory_space<vmem_shared>> -> memref<200x32xf32, #tpu.memory_space<vmem_shared>>
      %dma_start3A_91 = arith.constant 0 : i32
      %dma_start3A_92 = tpu.memref_slice %arg14[%add3A_9, %dma_start3A_91] : memref<10000x32xf32, #tpu.memory_space<vmem_shared>> -> memref<200x32xf32, #tpu.memory_space<vmem_shared>>
      tpu.enqueue_dma source(%arg13 : memref<200x32xf32, #tpu.memory_space<vmem>>) target(%dma_start3A_92 : memref<200x32xf32, #tpu.memory_space<vmem_shared>>) target_semaphore(%run_scoped3A : memref<!tpu.dma_semaphore, #tpu.memory_space<semaphore_mem>>)
      %dma_wait3A_93 = arith.constant 0 : i32
      %dma_wait3A_94 = tpu.memref_slice %arg14[%add3A_9, %dma_wait3A_93] : memref<10000x32xf32, #tpu.memory_space<vmem_shared>> -> memref<200x32xf32, #tpu.memory_space<vmem_shared>>
      %dma_wait3A_95 = arith.constant 0 : i32
      %dma_wait3A_96 = tpu.memref_slice %arg14[%add3A_9, %dma_wait3A_95] : memref<10000x32xf32, #tpu.memory_space<vmem_shared>> -> memref<200x32xf32, #tpu.memory_space<vmem_shared>>
      tpu.wait_dma2 semaphore(%run_scoped3A : memref<!tpu.dma_semaphore, #tpu.memory_space<semaphore_mem>>) src(%arg13 : memref<200x32xf32, #tpu.memory_space<vmem>>) dst(%dma_wait3A_96 : memref<200x32xf32, #tpu.memory_space<vmem_shared>>)
      tpu.yield
    }) : () -> ()
    %add3A_10 = arith.constant 400 : i32
    %add3A_11 = arith.addi %mul3A_2, %add3A_10 : i32
    "tpu.region"() ({
      %run_scoped3A = tpu.sem_alloc : memref<!tpu.dma_semaphore, #tpu.memory_space<semaphore_mem>>
      %dma_start3A_89 = arith.constant 0 : i32
      %dma_start3A_90 = tpu.memref_slice %arg14[%add3A_11, %dma_start3A_89] : memref<10000x32xf32, #tpu.memory_space<vmem_shared>> -> memref<200x32xf32, #tpu.memory_space<vmem_shared>>
      %dma_start3A_91 = arith.constant 0 : i32
      %dma_start3A_92 = tpu.memref_slice %arg14[%add3A_11, %dma_start3A_91] : memref<10000x32xf32, #tpu.memory_space<vmem_shared>> -> memref<200x32xf32, #tpu.memory_space<vmem_shared>>
      tpu.enqueue_dma source(%arg13 : memref<200x32xf32, #tpu.memory_space<vmem>>) target(%dma_start3A_92 : memref<200x32xf32, #tpu.memory_space<vmem_shared>>) target_semaphore(%run_scoped3A : memref<!tpu.dma_semaphore, #tpu.memory_space<semaphore_mem>>)
      %dma_wait3A_93 = arith.constant 0 : i32
      %dma_wait3A_94 = tpu.memref_slice %arg14[%add3A_11, %dma_wait3A_93] : memref<10000x32xf32, #tpu.memory_space<vmem_shared>> -> memref<200x32xf32, #tpu.memory_space<vmem_shared>>
      %dma_wait3A_95 = arith.constant 0 : i32
      %dma_wait3A_96 = tpu.memref_slice %arg14[%add3A_11, %dma_wait3A_95] : memref<10000x32xf32, #tpu.memory_space<vmem_shared>> -> memref<200x32xf32, #tpu.memory_space<vmem_shared>>
      tpu.wait_dma2 semaphore(%run_scoped3A : memref<!tpu.dma_semaphore, #tpu.memory_space<semaphore_mem>>) src(%arg13 : memref<200x32xf32, #tpu.memory_space<vmem>>) dst(%dma_wait3A_96 : memref<200x32xf32, #tpu.memory_space<vmem_shared>>)
      tpu.yield
    }) : () -> ()
    %add3A_12 = arith.constant 425 : i32
    %add3A_13 = arith.addi %mul3A_2, %add3A_12 : i32
    "tpu.region"() ({
      %run_scoped3A = tpu.sem_alloc : memref<!tpu.dma_semaphore, #tpu.memory_space<semaphore_mem>>
      %dma_start3A_89 = arith.constant 0 : i32
      %dma_start3A_90 = tpu.memref_slice %arg14[%add3A_13, %dma_start3A_89] : memref<10000x32xf32, #tpu.memory_space<vmem_shared>> -> memref<200x32xf32, #tpu.memory_space<vmem_shared>>
      %dma_start3A_91 = arith.constant 0 : i32
      %dma_start3A_92 = tpu.memref_slice %arg14[%add3A_13, %dma_start3A_91] : memref<10000x32xf32, #tpu.memory_space<vmem_shared>> -> memref<200x32xf32, #tpu.memory_space<vmem_shared>>
      tpu.enqueue_dma source(%arg13 : memref<200x32xf32, #tpu.memory_space<vmem>>) target(%dma_start3A_92 : memref<200x32xf32, #tpu.memory_space<vmem_shared>>) target_semaphore(%run_scoped3A : memref<!tpu.dma_semaphore, #tpu.memory_space<semaphore_mem>>)
      %dma_wait3A_93 = arith.constant 0 : i32
      %dma_wait3A_94 = tpu.memref_slice %arg14[%add3A_13, %dma_wait3A_93] : memref<10000x32xf32, #tpu.memory_space<vmem_shared>> -> memref<200x32xf32, #tpu.memory_space<vmem_shared>>
      %dma_wait3A_95 = arith.constant 0 : i32
      %dma_wait3A_96 = tpu.memref_slice %arg14[%add3A_13, %dma_wait3A_95] : memref<10000x32xf32, #tpu.memory_space<vmem_shared>> -> memref<200x32xf32, #tpu.memory_space<vmem_shared>>
      tpu.wait_dma2 semaphore(%run_scoped3A : memref<!tpu.dma_semaphore, #tpu.memory_space<semaphore_mem>>) src(%arg13 : memref<200x32xf32, #tpu.memory_space<vmem>>) dst(%dma_wait3A_96 : memref<200x32xf32, #tpu.memory_space<vmem_shared>>)
      tpu.yield
    }) : () -> ()
    %mul3A_14 = arith.constant 10000 : i32
    %mul3A_15 = arith.muli %add3A, %mul3A_14 : i32
    %add3A_16 = arith.constant 0 : i32
    %add3A_17 = arith.addi %add3A_16, %mul3A_15 : i32
    "tpu.region"() ({
      %run_scoped3A = tpu.sem_alloc : memref<!tpu.dma_semaphore, #tpu.memory_space<semaphore_mem>>
      %dma_start3A_89 = tpu.memref_slice %arg2[%add3A_17] : memref<1920000xi32, #tpu.memory_space<hbm>> -> memref<10000xi32, #tpu.memory_space<hbm>>
      %dma_start3A_90 = tpu.memref_slice %arg2[%add3A_17] : memref<1920000xi32, #tpu.memory_space<hbm>> -> memref<10000xi32, #tpu.memory_space<hbm>>
      tpu.enqueue_dma source(%dma_start3A_90 : memref<10000xi32, #tpu.memory_space<hbm>>) target(%arg6 : memref<10000xi32, #tpu.memory_space<vmem>>) target_semaphore(%run_scoped3A : memref<!tpu.dma_semaphore, #tpu.memory_space<semaphore_mem>>)
      %dma_wait3A_91 = tpu.memref_slice %arg2[%add3A_17] : memref<1920000xi32, #tpu.memory_space<hbm>> -> memref<10000xi32, #tpu.memory_space<hbm>>
      %dma_wait3A_92 = tpu.memref_slice %arg2[%add3A_17] : memref<1920000xi32, #tpu.memory_space<hbm>> -> memref<10000xi32, #tpu.memory_space<hbm>>
      tpu.wait_dma2 semaphore(%run_scoped3A : memref<!tpu.dma_semaphore, #tpu.memory_space<semaphore_mem>>) src(%dma_wait3A_92 : memref<10000xi32, #tpu.memory_space<hbm>>) dst(%arg6 : memref<10000xi32, #tpu.memory_space<vmem>>)
      tpu.yield
    }) : () -> ()
    %mul3A_18 = arith.constant 10000 : i32
    %mul3A_19 = arith.muli %add3A, %mul3A_18 : i32
    %add3A_20 = arith.constant 320000 : i32
    %add3A_21 = arith.addi %add3A_20, %mul3A_19 : i32
    "tpu.region"() ({
      %run_scoped3A = tpu.sem_alloc : memref<!tpu.dma_semaphore, #tpu.memory_space<semaphore_mem>>
      %dma_start3A_89 = tpu.memref_slice %arg2[%add3A_21] : memref<1920000xi32, #tpu.memory_space<hbm>> -> memref<10000xi32, #tpu.memory_space<hbm>>
      %dma_start3A_90 = tpu.memref_slice %arg2[%add3A_21] : memref<1920000xi32, #tpu.memory_space<hbm>> -> memref<10000xi32, #tpu.memory_space<hbm>>
      tpu.enqueue_dma source(%dma_start3A_90 : memref<10000xi32, #tpu.memory_space<hbm>>) target(%arg7 : memref<10000xi32, #tpu.memory_space<vmem>>) target_semaphore(%run_scoped3A : memref<!tpu.dma_semaphore, #tpu.memory_space<semaphore_mem>>)
      %dma_wait3A_91 = tpu.memref_slice %arg2[%add3A_21] : memref<1920000xi32, #tpu.memory_space<hbm>> -> memref<10000xi32, #tpu.memory_space<hbm>>
      %dma_wait3A_92 = tpu.memref_slice %arg2[%add3A_21] : memref<1920000xi32, #tpu.memory_space<hbm>> -> memref<10000xi32, #tpu.memory_space<hbm>>
      tpu.wait_dma2 semaphore(%run_scoped3A : memref<!tpu.dma_semaphore, #tpu.memory_space<semaphore_mem>>) src(%dma_wait3A_92 : memref<10000xi32, #tpu.memory_space<hbm>>) dst(%arg7 : memref<10000xi32, #tpu.memory_space<vmem>>)
      tpu.yield
    }) : () -> ()
    %mul3A_22 = arith.constant 10000 : i32
    %mul3A_23 = arith.muli %add3A, %mul3A_22 : i32
    %add3A_24 = arith.constant 0 : i32
    %add3A_25 = arith.addi %add3A_24, %mul3A_23 : i32
    "tpu.region"() ({
      %run_scoped3A = tpu.sem_alloc : memref<!tpu.dma_semaphore, #tpu.memory_space<semaphore_mem>>
      %dma_start3A_89 = tpu.memref_slice %arg3[%add3A_25] : memref<960000xf32, #tpu.memory_space<hbm>> -> memref<10000xf32, #tpu.memory_space<hbm>>
      %dma_start3A_90 = tpu.memref_slice %arg3[%add3A_25] : memref<960000xf32, #tpu.memory_space<hbm>> -> memref<10000xf32, #tpu.memory_space<hbm>>
      tpu.enqueue_dma source(%dma_start3A_90 : memref<10000xf32, #tpu.memory_space<hbm>>) target(%arg8 : memref<10000xf32, #tpu.memory_space<vmem>>) target_semaphore(%run_scoped3A : memref<!tpu.dma_semaphore, #tpu.memory_space<semaphore_mem>>)
      %dma_wait3A_91 = tpu.memref_slice %arg3[%add3A_25] : memref<960000xf32, #tpu.memory_space<hbm>> -> memref<10000xf32, #tpu.memory_space<hbm>>
      %dma_wait3A_92 = tpu.memref_slice %arg3[%add3A_25] : memref<960000xf32, #tpu.memory_space<hbm>> -> memref<10000xf32, #tpu.memory_space<hbm>>
      tpu.wait_dma2 semaphore(%run_scoped3A : memref<!tpu.dma_semaphore, #tpu.memory_space<semaphore_mem>>) src(%dma_wait3A_92 : memref<10000xf32, #tpu.memory_space<hbm>>) dst(%arg8 : memref<10000xf32, #tpu.memory_space<vmem>>)
      tpu.yield
    }) : () -> ()
    %barrier3A = arith.constant 0 : index
    tpu.barrier barrier_id(%barrier3A)
    %dma_start3A = arith.constant 0 : i32
    %dma_start3A_26 = tpu.memref_slice %arg6[%dma_start3A] : memref<10000xi32, #tpu.memory_space<vmem>> -> memref<200xi32, #tpu.memory_space<vmem>>
    %dma_start3A_27 = arith.constant 0 : i32
    %dma_start3A_28 = arith.constant 0 : i32
    %dma_start3A_29 = tpu.memref_slice %arg4[%dma_start3A_27, %dma_start3A_28] : memref<10000x32xbf16, #tpu.memory_space<hbm>> -> memref<10000x32xbf16, #tpu.memory_space<hbm>>
    tpu.enqueue_indirect_dma source(%dma_start3A_29 : memref<10000x32xbf16, #tpu.memory_space<hbm>>) target(%arg9 : memref<200x32xbf16, #tpu.memory_space<vmem>>) offsets(%dma_start3A_26 : memref<200xi32, #tpu.memory_space<vmem>>) semaphore(%arg15 : memref<!tpu.dma_semaphore, #tpu.memory_space<semaphore_mem>>)
    %dma_start3A_30 = arith.constant 200 : i32
    %dma_start3A_31 = tpu.memref_slice %arg6[%dma_start3A_30] : memref<10000xi32, #tpu.memory_space<vmem>> -> memref<200xi32, #tpu.memory_space<vmem>>
    %dma_start3A_32 = arith.constant 0 : i32
    %dma_start3A_33 = arith.constant 0 : i32
    %dma_start3A_34 = tpu.memref_slice %arg4[%dma_start3A_32, %dma_start3A_33] : memref<10000x32xbf16, #tpu.memory_space<hbm>> -> memref<10000x32xbf16, #tpu.memory_space<hbm>>
    tpu.enqueue_indirect_dma source(%dma_start3A_34 : memref<10000x32xbf16, #tpu.memory_space<hbm>>) target(%arg10 : memref<200x32xbf16, #tpu.memory_space<vmem>>) offsets(%dma_start3A_31 : memref<200xi32, #tpu.memory_space<vmem>>) semaphore(%arg16 : memref<!tpu.dma_semaphore, #tpu.memory_space<semaphore_mem>>)
    %dma_wait3A = arith.constant 0 : i32
    %dma_wait3A_35 = tpu.memref_slice %arg6[%dma_wait3A] : memref<10000xi32, #tpu.memory_space<vmem>> -> memref<200xi32, #tpu.memory_space<vmem>>
    %dma_wait3A_36 = arith.constant 0 : i32
    %dma_wait3A_37 = arith.constant 0 : i32
    %dma_wait3A_38 = tpu.memref_slice %arg4[%dma_wait3A_36, %dma_wait3A_37] : memref<10000x32xbf16, #tpu.memory_space<hbm>> -> memref<10000x32xbf16, #tpu.memory_space<hbm>>
    tpu.wait_indirect_dma semaphore(%arg15 : memref<!tpu.dma_semaphore, #tpu.memory_space<semaphore_mem>>) src(%dma_wait3A_38 : memref<10000x32xbf16, #tpu.memory_space<hbm>>) dst(%arg9 : memref<200x32xbf16, #tpu.memory_space<vmem>>)
    %parallel_loop3A_39 = arith.constant 0 : i32
    %parallel_loop3A_40 = arith.constant 200 : i32
    %parallel_loop3A_41 = arith.constant 1 : i32
    scf.for %parallel_loop3A_89 = %parallel_loop3A_39 to %parallel_loop3A_40 step %parallel_loop3A_41  : i32 {
      %parallel_loop3A_90 = arith.constant 0 : i32
      %parallel_loop3A_91 = arith.addi %parallel_loop3A_90, %parallel_loop3A_89 : i32
      %parallel_loop3A_92 = vector.broadcast %parallel_loop3A_91 : i32 to vector<16xi32>
      %parallel_loop3A_93 = tpu.vector_load_idx %arg8[%parallel_loop3A_92] : memref<10000xf32, #tpu.memory_space<vmem>>[vector<16xi32>], vector<16xf32>,
      %parallel_loop3A_94 = arith.index_cast %parallel_loop3A_89 : i32 to index
      %parallel_loop3A_95 = arith.constant 0 : index
      %parallel_loop3A_96 = tpu.vector_load %arg9[%parallel_loop3A_94, %parallel_loop3A_95] {strides = array<i32>} : memref<200x32xbf16, #tpu.memory_space<vmem>>, vector<32xbf16>,
      %parallel_loop3A_97 = tpu.unpack_subelements %parallel_loop3A_96, 0 {pack_format = #tpu.pack_format<interleaved>} : vector<32xbf16> -> vector<16xf32>
      %parallel_loop3A_98 = tpu.unpack_subelements %parallel_loop3A_96, 1 {pack_format = #tpu.pack_format<interleaved>} : vector<32xbf16> -> vector<16xf32>
      %parallel_loop3A_99 = arith.mulf %parallel_loop3A_97, %parallel_loop3A_93 : vector<16xf32>
      %parallel_loop3A_100 = arith.index_cast %parallel_loop3A_89 : i32 to index
      %parallel_loop3A_101 = arith.constant 0 : index
      %parallel_loop3A_102 = tpu.vector_load %arg11[%parallel_loop3A_100, %parallel_loop3A_101] {strides = array<i32>} : memref<200x32xf32, #tpu.memory_space<vmem>>, vector<16xf32>,
      tpu.vector_store %arg11[%parallel_loop3A_100, %parallel_loop3A_101], %parallel_loop3A_99 {strides = array<i32>} : memref<200x32xf32, #tpu.memory_space<vmem>>, vector<16xf32>,
      %parallel_loop3A_103 = arith.mulf %parallel_loop3A_98, %parallel_loop3A_93 : vector<16xf32>
      %parallel_loop3A_104 = arith.index_cast %parallel_loop3A_89 : i32 to index
      %parallel_loop3A_105 = arith.constant 16 : index
      %parallel_loop3A_106 = tpu.vector_load %arg11[%parallel_loop3A_104, %parallel_loop3A_105] {strides = array<i32>} : memref<200x32xf32, #tpu.memory_space<vmem>>, vector<16xf32>,
      tpu.vector_store %arg11[%parallel_loop3A_104, %parallel_loop3A_105], %parallel_loop3A_103 {strides = array<i32>} : memref<200x32xf32, #tpu.memory_space<vmem>>, vector<16xf32>,
    } {sc.loop_unroll_factor = 4 : i64, sc.parallel_access}
    %dma_start3A_42 = arith.constant 400 : i32
    %dma_start3A_43 = tpu.memref_slice %arg6[%dma_start3A_42] : memref<10000xi32, #tpu.memory_space<vmem>> -> memref<200xi32, #tpu.memory_space<vmem>>
    %dma_start3A_44 = arith.constant 0 : i32
    %dma_start3A_45 = arith.constant 0 : i32
    %dma_start3A_46 = tpu.memref_slice %arg4[%dma_start3A_44, %dma_start3A_45] : memref<10000x32xbf16, #tpu.memory_space<hbm>> -> memref<10000x32xbf16, #tpu.memory_space<hbm>>
    tpu.enqueue_indirect_dma source(%dma_start3A_46 : memref<10000x32xbf16, #tpu.memory_space<hbm>>) target(%arg9 : memref<200x32xbf16, #tpu.memory_space<vmem>>) offsets(%dma_start3A_43 : memref<200xi32, #tpu.memory_space<vmem>>) semaphore(%arg15 : memref<!tpu.dma_semaphore, #tpu.memory_space<semaphore_mem>>)
    %dma_start3A_47 = arith.constant 0 : i32
    %dma_start3A_48 = tpu.memref_slice %arg7[%dma_start3A_47] : memref<10000xi32, #tpu.memory_space<vmem>> -> memref<200xi32, #tpu.memory_space<vmem>>
    %dma_start3A_49 = arith.constant 0 : i32
    %dma_start3A_50 = arith.constant 0 : i32
    %dma_start3A_51 = tpu.memref_slice %arg14[%dma_start3A_49, %dma_start3A_50] : memref<10000x32xf32, #tpu.memory_space<vmem_shared>> -> memref<10000x32xf32, #tpu.memory_space<vmem_shared>>
    tpu.enqueue_indirect_dma source(%arg11 : memref<200x32xf32, #tpu.memory_space<vmem>>) target(%dma_start3A_51 : memref<10000x32xf32, #tpu.memory_space<vmem_shared>>) offsets(%dma_start3A_48 : memref<200xi32, #tpu.memory_space<vmem>>) semaphore(%arg17 : memref<!tpu.dma_semaphore, #tpu.memory_space<semaphore_mem>>) {add = true}
    %dma_wait3A_52 = arith.constant 200 : i32
    %dma_wait3A_53 = tpu.memref_slice %arg6[%dma_wait3A_52] : memref<10000xi32, #tpu.memory_space<vmem>> -> memref<200xi32, #tpu.memory_space<vmem>>
    %dma_wait3A_54 = arith.constant 0 : i32
    %dma_wait3A_55 = arith.constant 0 : i32
    %dma_wait3A_56 = tpu.memref_slice %arg4[%dma_wait3A_54, %dma_wait3A_55] : memref<10000x32xbf16, #tpu.memory_space<hbm>> -> memref<10000x32xbf16, #tpu.memory_space<hbm>>
    tpu.wait_indirect_dma semaphore(%arg16 : memref<!tpu.dma_semaphore, #tpu.memory_space<semaphore_mem>>) src(%dma_wait3A_56 : memref<10000x32xbf16, #tpu.memory_space<hbm>>) dst(%arg10 : memref<200x32xbf16, #tpu.memory_space<vmem>>)
    %parallel_loop3A_57 = arith.constant 0 : i32
    %parallel_loop3A_58 = arith.constant 200 : i32
    %parallel_loop3A_59 = arith.constant 1 : i32
    scf.for %parallel_loop3A_89 = %parallel_loop3A_57 to %parallel_loop3A_58 step %parallel_loop3A_59  : i32 {
      %parallel_loop3A_90 = arith.constant 200 : i32
      %parallel_loop3A_91 = arith.addi %parallel_loop3A_90, %parallel_loop3A_89 : i32
      %parallel_loop3A_92 = vector.broadcast %parallel_loop3A_91 : i32 to vector<16xi32>
      %parallel_loop3A_93 = tpu.vector_load_idx %arg8[%parallel_loop3A_92] : memref<10000xf32, #tpu.memory_space<vmem>>[vector<16xi32>], vector<16xf32>,
      %parallel_loop3A_94 = arith.index_cast %parallel_loop3A_89 : i32 to index
      %parallel_loop3A_95 = arith.constant 0 : index
      %parallel_loop3A_96 = tpu.vector_load %arg10[%parallel_loop3A_94, %parallel_loop3A_95] {strides = array<i32>} : memref<200x32xbf16, #tpu.memory_space<vmem>>, vector<32xbf16>,
      %parallel_loop3A_97 = tpu.unpack_subelements %parallel_loop3A_96, 0 {pack_format = #tpu.pack_format<interleaved>} : vector<32xbf16> -> vector<16xf32>
      %parallel_loop3A_98 = tpu.unpack_subelements %parallel_loop3A_96, 1 {pack_format = #tpu.pack_format<interleaved>} : vector<32xbf16> -> vector<16xf32>
      %parallel_loop3A_99 = arith.mulf %parallel_loop3A_97, %parallel_loop3A_93 : vector<16xf32>
      %parallel_loop3A_100 = arith.index_cast %parallel_loop3A_89 : i32 to index
      %parallel_loop3A_101 = arith.constant 0 : index
      %parallel_loop3A_102 = tpu.vector_load %arg12[%parallel_loop3A_100, %parallel_loop3A_101] {strides = array<i32>} : memref<200x32xf32, #tpu.memory_space<vmem>>, vector<16xf32>,
      tpu.vector_store %arg12[%parallel_loop3A_100, %parallel_loop3A_101], %parallel_loop3A_99 {strides = array<i32>} : memref<200x32xf32, #tpu.memory_space<vmem>>, vector<16xf32>,
      %parallel_loop3A_103 = arith.mulf %parallel_loop3A_98, %parallel_loop3A_93 : vector<16xf32>
      %parallel_loop3A_104 = arith.index_cast %parallel_loop3A_89 : i32 to index
      %parallel_loop3A_105 = arith.constant 16 : index
      %parallel_loop3A_106 = tpu.vector_load %arg12[%parallel_loop3A_104, %parallel_loop3A_105] {strides = array<i32>} : memref<200x32xf32, #tpu.memory_space<vmem>>, vector<16xf32>,
      tpu.vector_store %arg12[%parallel_loop3A_104, %parallel_loop3A_105], %parallel_loop3A_103 {strides = array<i32>} : memref<200x32xf32, #tpu.memory_space<vmem>>, vector<16xf32>,
    } {sc.loop_unroll_factor = 4 : i64, sc.parallel_access}
    %dma_start3A_60 = arith.constant 600 : i32
    %dma_start3A_61 = tpu.memref_slice %arg6[%dma_start3A_60] : memref<10000xi32, #tpu.memory_space<vmem>> -> memref<200xi32, #tpu.memory_space<vmem>>
    %dma_start3A_62 = arith.constant 0 : i32
    %dma_start3A_63 = arith.constant 0 : i32
    %dma_start3A_64 = tpu.memref_slice %arg4[%dma_start3A_62, %dma_start3A_63] : memref<10000x32xbf16, #tpu.memory_space<hbm>> -> memref<10000x32xbf16, #tpu.memory_space<hbm>>
    tpu.enqueue_indirect_dma source(%dma_start3A_64 : memref<10000x32xbf16, #tpu.memory_space<hbm>>) target(%arg10 : memref<200x32xbf16, #tpu.memory_space<vmem>>) offsets(%dma_start3A_61 : memref<200xi32, #tpu.memory_space<vmem>>) semaphore(%arg16 : memref<!tpu.dma_semaphore, #tpu.memory_space<semaphore_mem>>)
    %dma_start3A_65 = arith.constant 200 : i32
    %dma_start3A_66 = tpu.memref_slice %arg7[%dma_start3A_65] : memref<10000xi32, #tpu.memory_space<vmem>> -> memref<200xi32, #tpu.memory_space<vmem>>
    %dma_start3A_67 = arith.constant 0 : i32
    %dma_start3A_68 = arith.constant 0 : i32
    %dma_start3A_69 = tpu.memref_slice %arg14[%dma_start3A_67, %dma_start3A_68] : memref<10000x32xf32, #tpu.memory_space<vmem_shared>> -> memref<10000x32xf32, #tpu.memory_space<vmem_shared>>
    tpu.enqueue_indirect_dma source(%arg12 : memref<200x32xf32, #tpu.memory_space<vmem>>) target(%dma_start3A_69 : memref<10000x32xf32, #tpu.memory_space<vmem_shared>>) offsets(%dma_start3A_66 : memref<200xi32, #tpu.memory_space<vmem>>) semaphore(%arg18 : memref<!tpu.dma_semaphore, #tpu.memory_space<semaphore_mem>>) {add = true}
    %scan3A = arith.constant 0 : i32
    %scan3A_70 = arith.constant 1 : i32
    %scan3A_71 = arith.constant 24 : i32
    %scan3A_72 = arith.addi %scan3A_70, %scan3A_71 : i32
    %scan3A_73 = arith.constant 1 : i32
    %scan3A_74 = scf.for %scan3A_89 = %scan3A_70 to %scan3A_72 step %scan3A_73 iter_args(%scan3A_90 = %scan3A) -> (i32)  : i32 {
      %mul3A_91 = arith.constant 2 : i32
      %mul3A_92 = arith.muli %mul3A_91, %scan3A_89 : i32
      %add3A_93 = arith.constant 0 : i32
      %add3A_94 = arith.addi %mul3A_92, %add3A_93 : i32
      %mul3A_95 = arith.constant 200 : i32
      %mul3A_96 = arith.muli %add3A_94, %mul3A_95 : i32
      %dma_wait3A_97 = tpu.memref_slice %arg6[%mul3A_96] : memref<10000xi32, #tpu.memory_space<vmem>> -> memref<200xi32, #tpu.memory_space<vmem>>
      %dma_wait3A_98 = arith.constant 0 : i32
      %dma_wait3A_99 = arith.constant 0 : i32
      %dma_wait3A_100 = tpu.memref_slice %arg4[%dma_wait3A_98, %dma_wait3A_99] : memref<10000x32xbf16, #tpu.memory_space<hbm>> -> memref<10000x32xbf16, #tpu.memory_space<hbm>>
      tpu.wait_indirect_dma semaphore(%arg15 : memref<!tpu.dma_semaphore, #tpu.memory_space<semaphore_mem>>) src(%dma_wait3A_100 : memref<10000x32xbf16, #tpu.memory_space<hbm>>) dst(%arg9 : memref<200x32xbf16, #tpu.memory_space<vmem>>)
      %sub3A = arith.constant 2 : i32
      %sub3A_101 = arith.subi %add3A_94, %sub3A : i32
      %mul3A_102 = arith.constant 200 : i32
      %mul3A_103 = arith.muli %sub3A_101, %mul3A_102 : i32
      %dma_wait3A_104 = tpu.memref_slice %arg7[%mul3A_103] : memref<10000xi32, #tpu.memory_space<vmem>> -> memref<200xi32, #tpu.memory_space<vmem>>
      %dma_wait3A_105 = arith.constant 0 : i32
      %dma_wait3A_106 = arith.constant 0 : i32
      %dma_wait3A_107 = tpu.memref_slice %arg14[%dma_wait3A_105, %dma_wait3A_106] : memref<10000x32xf32, #tpu.memory_space<vmem_shared>> -> memref<10000x32xf32, #tpu.memory_space<vmem_shared>>
      tpu.wait_indirect_dma semaphore(%arg17 : memref<!tpu.dma_semaphore, #tpu.memory_space<semaphore_mem>>) src(%arg11 : memref<200x32xf32, #tpu.memory_space<vmem>>) dst(%dma_wait3A_107 : memref<10000x32xf32, #tpu.memory_space<vmem_shared>>)
      %mul3A_108 = arith.constant 200 : i32
      %mul3A_109 = arith.muli %add3A_94, %mul3A_108 : i32
      %parallel_loop3A_110 = arith.constant 0 : i32
      %parallel_loop3A_111 = arith.constant 200 : i32
      %parallel_loop3A_112 = arith.constant 1 : i32
      scf.for %parallel_loop3A_158 = %parallel_loop3A_110 to %parallel_loop3A_111 step %parallel_loop3A_112  : i32 {
        %parallel_loop3A_159 = arith.addi %mul3A_109, %parallel_loop3A_158 : i32
        %parallel_loop3A_160 = vector.broadcast %parallel_loop3A_159 : i32 to vector<16xi32>
        %parallel_loop3A_161 = tpu.vector_load_idx %arg8[%parallel_loop3A_160] : memref<10000xf32, #tpu.memory_space<vmem>>[vector<16xi32>], vector<16xf32>,
        %parallel_loop3A_162 = arith.index_cast %parallel_loop3A_158 : i32 to index
        %parallel_loop3A_163 = arith.constant 0 : index
        %parallel_loop3A_164 = tpu.vector_load %arg9[%parallel_loop3A_162, %parallel_loop3A_163] {strides = array<i32>} : memref<200x32xbf16, #tpu.memory_space<vmem>>, vector<32xbf16>,
        %parallel_loop3A_165 = tpu.unpack_subelements %parallel_loop3A_164, 0 {pack_format = #tpu.pack_format<interleaved>} : vector<32xbf16> -> vector<16xf32>
        %parallel_loop3A_166 = tpu.unpack_subelements %parallel_loop3A_164, 1 {pack_format = #tpu.pack_format<interleaved>} : vector<32xbf16> -> vector<16xf32>
        %parallel_loop3A_167 = arith.mulf %parallel_loop3A_165, %parallel_loop3A_161 : vector<16xf32>
        %parallel_loop3A_168 = arith.index_cast %parallel_loop3A_158 : i32 to index
        %parallel_loop3A_169 = arith.constant 0 : index
        %parallel_loop3A_170 = tpu.vector_load %arg11[%parallel_loop3A_168, %parallel_loop3A_169] {strides = array<i32>} : memref<200x32xf32, #tpu.memory_space<vmem>>, vector<16xf32>,
        tpu.vector_store %arg11[%parallel_loop3A_168, %parallel_loop3A_169], %parallel_loop3A_167 {strides = array<i32>} : memref<200x32xf32, #tpu.memory_space<vmem>>, vector<16xf32>,
        %parallel_loop3A_171 = arith.mulf %parallel_loop3A_166, %parallel_loop3A_161 : vector<16xf32>
        %parallel_loop3A_172 = arith.index_cast %parallel_loop3A_158 : i32 to index
        %parallel_loop3A_173 = arith.constant 16 : index
        %parallel_loop3A_174 = tpu.vector_load %arg11[%parallel_loop3A_172, %parallel_loop3A_173] {strides = array<i32>} : memref<200x32xf32, #tpu.memory_space<vmem>>, vector<16xf32>,
        tpu.vector_store %arg11[%parallel_loop3A_172, %parallel_loop3A_173], %parallel_loop3A_171 {strides = array<i32>} : memref<200x32xf32, #tpu.memory_space<vmem>>, vector<16xf32>,
      } {sc.loop_unroll_factor = 4 : i64, sc.parallel_access}
      %add3A_113 = arith.constant 2 : i32
      %add3A_114 = arith.addi %add3A_94, %add3A_113 : i32
      %lt3A = arith.constant 50 : i32
      %lt3A_115 = arith.cmpi slt, %add3A_114, %lt3A : i32
      %convert_element_type3A = arith.extui %lt3A_115 : i1 to i32
      %cond3A = arith.constant 0 : i32
      %cond3A_116 = arith.cmpi ne, %convert_element_type3A, %cond3A : i32
      scf.if %cond3A_116 {
        %add3A_158 = arith.constant 2 : i32
        %add3A_159 = arith.addi %add3A_94, %add3A_158 : i32
        %mul3A_160 = arith.constant 200 : i32
        %mul3A_161 = arith.muli %add3A_159, %mul3A_160 : i32
        %dma_start3A_162 = tpu.memref_slice %arg6[%mul3A_161] : memref<10000xi32, #tpu.memory_space<vmem>> -> memref<200xi32, #tpu.memory_space<vmem>>
        %dma_start3A_163 = arith.constant 0 : i32
        %dma_start3A_164 = arith.constant 0 : i32
        %dma_start3A_165 = tpu.memref_slice %arg4[%dma_start3A_163, %dma_start3A_164] : memref<10000x32xbf16, #tpu.memory_space<hbm>> -> memref<10000x32xbf16, #tpu.memory_space<hbm>>
        tpu.enqueue_indirect_dma source(%dma_start3A_165 : memref<10000x32xbf16, #tpu.memory_space<hbm>>) target(%arg9 : memref<200x32xbf16, #tpu.memory_space<vmem>>) offsets(%dma_start3A_162 : memref<200xi32, #tpu.memory_space<vmem>>) semaphore(%arg15 : memref<!tpu.dma_semaphore, #tpu.memory_space<semaphore_mem>>)
      } else {
      }
      %mul3A_117 = arith.constant 200 : i32
      %mul3A_118 = arith.muli %add3A_94, %mul3A_117 : i32
      %dma_start3A_119 = tpu.memref_slice %arg7[%mul3A_118] : memref<10000xi32, #tpu.memory_space<vmem>> -> memref<200xi32, #tpu.memory_space<vmem>>
      %dma_start3A_120 = arith.constant 0 : i32
      %dma_start3A_121 = arith.constant 0 : i32
      %dma_start3A_122 = tpu.memref_slice %arg14[%dma_start3A_120, %dma_start3A_121] : memref<10000x32xf32, #tpu.memory_space<vmem_shared>> -> memref<10000x32xf32, #tpu.memory_space<vmem_shared>>
      tpu.enqueue_indirect_dma source(%arg11 : memref<200x32xf32, #tpu.memory_space<vmem>>) target(%dma_start3A_122 : memref<10000x32xf32, #tpu.memory_space<vmem_shared>>) offsets(%dma_start3A_119 : memref<200xi32, #tpu.memory_space<vmem>>) semaphore(%arg17 : memref<!tpu.dma_semaphore, #tpu.memory_space<semaphore_mem>>) {add = true}
      %add3A_123 = arith.constant 1 : i32
      %add3A_124 = arith.addi %mul3A_92, %add3A_123 : i32
      %mul3A_125 = arith.constant 200 : i32
      %mul3A_126 = arith.muli %add3A_124, %mul3A_125 : i32
      %dma_wait3A_127 = tpu.memref_slice %arg6[%mul3A_126] : memref<10000xi32, #tpu.memory_space<vmem>> -> memref<200xi32, #tpu.memory_space<vmem>>
      %dma_wait3A_128 = arith.constant 0 : i32
      %dma_wait3A_129 = arith.constant 0 : i32
      %dma_wait3A_130 = tpu.memref_slice %arg4[%dma_wait3A_128, %dma_wait3A_129] : memref<10000x32xbf16, #tpu.memory_space<hbm>> -> memref<10000x32xbf16, #tpu.memory_space<hbm>>
      tpu.wait_indirect_dma semaphore(%arg16 : memref<!tpu.dma_semaphore, #tpu.memory_space<semaphore_mem>>) src(%dma_wait3A_130 : memref<10000x32xbf16, #tpu.memory_space<hbm>>) dst(%arg10 : memref<200x32xbf16, #tpu.memory_space<vmem>>)
      %sub3A_131 = arith.constant 2 : i32
      %sub3A_132 = arith.subi %add3A_124, %sub3A_131 : i32
      %mul3A_133 = arith.constant 200 : i32
      %mul3A_134 = arith.muli %sub3A_132, %mul3A_133 : i32
      %dma_wait3A_135 = tpu.memref_slice %arg7[%mul3A_134] : memref<10000xi32, #tpu.memory_space<vmem>> -> memref<200xi32, #tpu.memory_space<vmem>>
      %dma_wait3A_136 = arith.constant 0 : i32
      %dma_wait3A_137 = arith.constant 0 : i32
      %dma_wait3A_138 = tpu.memref_slice %arg14[%dma_wait3A_136, %dma_wait3A_137] : memref<10000x32xf32, #tpu.memory_space<vmem_shared>> -> memref<10000x32xf32, #tpu.memory_space<vmem_shared>>
      tpu.wait_indirect_dma semaphore(%arg18 : memref<!tpu.dma_semaphore, #tpu.memory_space<semaphore_mem>>) src(%arg12 : memref<200x32xf32, #tpu.memory_space<vmem>>) dst(%dma_wait3A_138 : memref<10000x32xf32, #tpu.memory_space<vmem_shared>>)
      %mul3A_139 = arith.constant 200 : i32
      %mul3A_140 = arith.muli %add3A_124, %mul3A_139 : i32
      %parallel_loop3A_141 = arith.constant 0 : i32
      %parallel_loop3A_142 = arith.constant 200 : i32
      %parallel_loop3A_143 = arith.constant 1 : i32
      scf.for %parallel_loop3A_158 = %parallel_loop3A_141 to %parallel_loop3A_142 step %parallel_loop3A_143  : i32 {
        %parallel_loop3A_159 = arith.addi %mul3A_140, %parallel_loop3A_158 : i32
        %parallel_loop3A_160 = vector.broadcast %parallel_loop3A_159 : i32 to vector<16xi32>
        %parallel_loop3A_161 = tpu.vector_load_idx %arg8[%parallel_loop3A_160] : memref<10000xf32, #tpu.memory_space<vmem>>[vector<16xi32>], vector<16xf32>,
        %parallel_loop3A_162 = arith.index_cast %parallel_loop3A_158 : i32 to index
        %parallel_loop3A_163 = arith.constant 0 : index
        %parallel_loop3A_164 = tpu.vector_load %arg10[%parallel_loop3A_162, %parallel_loop3A_163] {strides = array<i32>} : memref<200x32xbf16, #tpu.memory_space<vmem>>, vector<32xbf16>,
        %parallel_loop3A_165 = tpu.unpack_subelements %parallel_loop3A_164, 0 {pack_format = #tpu.pack_format<interleaved>} : vector<32xbf16> -> vector<16xf32>
        %parallel_loop3A_166 = tpu.unpack_subelements %parallel_loop3A_164, 1 {pack_format = #tpu.pack_format<interleaved>} : vector<32xbf16> -> vector<16xf32>
        %parallel_loop3A_167 = arith.mulf %parallel_loop3A_165, %parallel_loop3A_161 : vector<16xf32>
        %parallel_loop3A_168 = arith.index_cast %parallel_loop3A_158 : i32 to index
        %parallel_loop3A_169 = arith.constant 0 : index
        %parallel_loop3A_170 = tpu.vector_load %arg12[%parallel_loop3A_168, %parallel_loop3A_169] {strides = array<i32>} : memref<200x32xf32, #tpu.memory_space<vmem>>, vector<16xf32>,
        tpu.vector_store %arg12[%parallel_loop3A_168, %parallel_loop3A_169], %parallel_loop3A_167 {strides = array<i32>} : memref<200x32xf32, #tpu.memory_space<vmem>>, vector<16xf32>,
        %parallel_loop3A_171 = arith.mulf %parallel_loop3A_166, %parallel_loop3A_161 : vector<16xf32>
        %parallel_loop3A_172 = arith.index_cast %parallel_loop3A_158 : i32 to index
        %parallel_loop3A_173 = arith.constant 16 : index
        %parallel_loop3A_174 = tpu.vector_load %arg12[%parallel_loop3A_172, %parallel_loop3A_173] {strides = array<i32>} : memref<200x32xf32, #tpu.memory_space<vmem>>, vector<16xf32>,
        tpu.vector_store %arg12[%parallel_loop3A_172, %parallel_loop3A_173], %parallel_loop3A_171 {strides = array<i32>} : memref<200x32xf32, #tpu.memory_space<vmem>>, vector<16xf32>,
      } {sc.loop_unroll_factor = 4 : i64, sc.parallel_access}
      %add3A_144 = arith.constant 2 : i32
      %add3A_145 = arith.addi %add3A_124, %add3A_144 : i32
      %lt3A_146 = arith.constant 50 : i32
      %lt3A_147 = arith.cmpi slt, %add3A_145, %lt3A_146 : i32
      %convert_element_type3A_148 = arith.extui %lt3A_147 : i1 to i32
      %cond3A_149 = arith.constant 0 : i32
      %cond3A_150 = arith.cmpi ne, %convert_element_type3A_148, %cond3A_149 : i32
      scf.if %cond3A_150 {
        %add3A_158 = arith.constant 2 : i32
        %add3A_159 = arith.addi %add3A_124, %add3A_158 : i32
        %mul3A_160 = arith.constant 200 : i32
        %mul3A_161 = arith.muli %add3A_159, %mul3A_160 : i32
        %dma_start3A_162 = tpu.memref_slice %arg6[%mul3A_161] : memref<10000xi32, #tpu.memory_space<vmem>> -> memref<200xi32, #tpu.memory_space<vmem>>
        %dma_start3A_163 = arith.constant 0 : i32
        %dma_start3A_164 = arith.constant 0 : i32
        %dma_start3A_165 = tpu.memref_slice %arg4[%dma_start3A_163, %dma_start3A_164] : memref<10000x32xbf16, #tpu.memory_space<hbm>> -> memref<10000x32xbf16, #tpu.memory_space<hbm>>
        tpu.enqueue_indirect_dma source(%dma_start3A_165 : memref<10000x32xbf16, #tpu.memory_space<hbm>>) target(%arg10 : memref<200x32xbf16, #tpu.memory_space<vmem>>) offsets(%dma_start3A_162 : memref<200xi32, #tpu.memory_space<vmem>>) semaphore(%arg16 : memref<!tpu.dma_semaphore, #tpu.memory_space<semaphore_mem>>)
      } else {
      }
      %mul3A_151 = arith.constant 200 : i32
      %mul3A_152 = arith.muli %add3A_124, %mul3A_151 : i32
      %dma_start3A_153 = tpu.memref_slice %arg7[%mul3A_152] : memref<10000xi32, #tpu.memory_space<vmem>> -> memref<200xi32, #tpu.memory_space<vmem>>
      %dma_start3A_154 = arith.constant 0 : i32
      %dma_start3A_155 = arith.constant 0 : i32
      %dma_start3A_156 = tpu.memref_slice %arg14[%dma_start3A_154, %dma_start3A_155] : memref<10000x32xf32, #tpu.memory_space<vmem_shared>> -> memref<10000x32xf32, #tpu.memory_space<vmem_shared>>
      tpu.enqueue_indirect_dma source(%arg12 : memref<200x32xf32, #tpu.memory_space<vmem>>) target(%dma_start3A_156 : memref<10000x32xf32, #tpu.memory_space<vmem_shared>>) offsets(%dma_start3A_153 : memref<200xi32, #tpu.memory_space<vmem>>) semaphore(%arg18 : memref<!tpu.dma_semaphore, #tpu.memory_space<semaphore_mem>>) {add = true}
      %scan3A_157 = arith.constant 0 : i32
      scf.yield %scan3A_157 : i32
    }
    %scan3A_75 = arith.constant 24 : i32
    %dma_wait3A_76 = arith.constant 9600 : i32
    %dma_wait3A_77 = tpu.memref_slice %arg7[%dma_wait3A_76] : memref<10000xi32, #tpu.memory_space<vmem>> -> memref<200xi32, #tpu.memory_space<vmem>>
    %dma_wait3A_78 = arith.constant 0 : i32
    %dma_wait3A_79 = arith.constant 0 : i32
    %dma_wait3A_80 = tpu.memref_slice %arg14[%dma_wait3A_78, %dma_wait3A_79] : memref<10000x32xf32, #tpu.memory_space<vmem_shared>> -> memref<10000x32xf32, #tpu.memory_space<vmem_shared>>
    tpu.wait_indirect_dma semaphore(%arg17 : memref<!tpu.dma_semaphore, #tpu.memory_space<semaphore_mem>>) src(%arg11 : memref<200x32xf32, #tpu.memory_space<vmem>>) dst(%dma_wait3A_80 : memref<10000x32xf32, #tpu.memory_space<vmem_shared>>)
    %dma_wait3A_81 = arith.constant 9800 : i32
    %dma_wait3A_82 = tpu.memref_slice %arg7[%dma_wait3A_81] : memref<10000xi32, #tpu.memory_space<vmem>> -> memref<200xi32, #tpu.memory_space<vmem>>
    %dma_wait3A_83 = arith.constant 0 : i32
    %dma_wait3A_84 = arith.constant 0 : i32
    %dma_wait3A_85 = tpu.memref_slice %arg14[%dma_wait3A_83, %dma_wait3A_84] : memref<10000x32xf32, #tpu.memory_space<vmem_shared>> -> memref<10000x32xf32, #tpu.memory_space<vmem_shared>>
    tpu.wait_indirect_dma semaphore(%arg18 : memref<!tpu.dma_semaphore, #tpu.memory_space<semaphore_mem>>) src(%arg12 : memref<200x32xf32, #tpu.memory_space<vmem>>) dst(%dma_wait3A_85 : memref<10000x32xf32, #tpu.memory_space<vmem_shared>>)
    %barrier3A_86 = arith.constant 0 : index
    tpu.barrier barrier_id(%barrier3A_86)
    %mul3A_87 = arith.constant 32 : i32
    %mul3A_88 = arith.muli %arg0, %mul3A_87 : i32
    "tpu.region"() ({
      %run_scoped3A = tpu.sem_alloc : memref<!tpu.dma_semaphore, #tpu.memory_space<semaphore_mem>>
      %dma_start3A_89 = tpu.memref_slice %arg5[%mul3A_2, %mul3A_88] : memref<10000x64xf32, #tpu.memory_space<hbm>> -> memref<625x32xf32, #tpu.memory_space<hbm>>
      %dma_start3A_90 = arith.constant 0 : i32
      %dma_start3A_91 = tpu.memref_slice %arg14[%mul3A_2, %dma_start3A_90] : memref<10000x32xf32, #tpu.memory_space<vmem_shared>> -> memref<625x32xf32, #tpu.memory_space<vmem_shared>>
      tpu.enqueue_dma source(%dma_start3A_91 : memref<625x32xf32, #tpu.memory_space<vmem_shared>>) target(%dma_start3A_89 : memref<625x32xf32, #tpu.memory_space<hbm>>) target_semaphore(%run_scoped3A : memref<!tpu.dma_semaphore, #tpu.memory_space<semaphore_mem>>)
      %dma_wait3A_92 = tpu.memref_slice %arg5[%mul3A_2, %mul3A_88] : memref<10000x64xf32, #tpu.memory_space<hbm>> -> memref<625x32xf32, #tpu.memory_space<hbm>>
      %dma_wait3A_93 = arith.constant 0 : i32
      %dma_wait3A_94 = tpu.memref_slice %arg14[%mul3A_2, %dma_wait3A_93] : memref<10000x32xf32, #tpu.memory_space<vmem_shared>> -> memref<625x32xf32, #tpu.memory_space<vmem_shared>>
      tpu.wait_dma2 semaphore(%run_scoped3A : memref<!tpu.dma_semaphore, #tpu.memory_space<semaphore_mem>>) src(%dma_wait3A_94 : memref<625x32xf32, #tpu.memory_space<vmem_shared>>) dst(%dma_wait3A_92 : memref<625x32xf32, #tpu.memory_space<hbm>>)
      tpu.yield
    }) : () -> ()
    return
  }
}

#map = affine_map<(d0, d1) -> (0)>
#map1 = affine_map<(d0, d1) -> (0, 0, 0)>
module attributes {stable_mosaic.version = 14 : i64} {
  func.func @body(%arg0: i32, %arg1: i32, %arg2: memref<1920000xi32, #tpu.memory_space<hbm>>, %arg3: memref<960000xf32, #tpu.memory_space<hbm>>, %arg4: memref<3x10000x64xbf16, #tpu.memory_space<hbm>>, %arg5: memref<3x10000x128xf32, #tpu.memory_space<hbm>>, %arg6: memref<10000xi32, #tpu.memory_space<vmem>>, %arg7: memref<10000xi32, #tpu.memory_space<vmem>>, %arg8: memref<10000xf32, #tpu.memory_space<vmem>>, %arg9: memref<200x64xbf16, #tpu.memory_space<vmem>>, %arg10: memref<200x64xbf16, #tpu.memory_space<vmem>>, %arg11: memref<200x64xf32, #tpu.memory_space<vmem>>, %arg12: memref<200x64xf32, #tpu.memory_space<vmem>>, %arg13: memref<200x64xf32, #tpu.memory_space<vmem>>, %arg14: memref<10000x64xf32, #tpu.memory_space<vmem_shared>>, %arg15: memref<!tpu.dma_semaphore, #tpu.memory_space<semaphore_mem>>, %arg16: memref<!tpu.dma_semaphore, #tpu.memory_space<semaphore_mem>>, %arg17: memref<!tpu.dma_semaphore, #tpu.memory_space<semaphore_mem>>, %arg18: memref<!tpu.dma_semaphore, #tpu.memory_space<semaphore_mem>>) attributes {dimension_semantics = [#tpu.dimension_semantics<core_parallel>, #tpu.dimension_semantics<subcore_parallel>], iteration_bounds = array<i64: 2, 16>, scalar_prefetch = 0 : i64, scratch_operands = 13 : i64, tpu.core_type = #tpu.core_type<sc_vector_subcore>, window_params = [{transform_indices = #map}, {transform_indices = #map}, {transform_indices = #map1}, {transform_indices = #map1}]} {
    %mul3A = arith.constant 16 : i32
    %mul3A_0 = arith.muli %arg0, %mul3A : i32
    %add3A = arith.addi %mul3A_0, %arg1 : i32
    %mul3A_1 = arith.constant 625 : i32
    %mul3A_2 = arith.muli %arg1, %mul3A_1 : i32
    %broadcast_in_dim3A = arith.constant 0.000000e+00 : f32
    %broadcast_in_dim3A_3 = vector.broadcast %broadcast_in_dim3A : f32 to vector<16xf32>
    %parallel_loop3A = arith.constant 0 : i32
    %parallel_loop3A_4 = arith.constant 200 : i32
    %parallel_loop3A_5 = arith.constant 1 : i32
    scf.for %parallel_loop3A_358 = %parallel_loop3A to %parallel_loop3A_4 step %parallel_loop3A_5  : i32 {
      %parallel_loop3A_359 = arith.index_cast %parallel_loop3A_358 : i32 to index
      %parallel_loop3A_360 = arith.constant 0 : index
      %parallel_loop3A_361 = tpu.vector_load %arg13[%parallel_loop3A_359, %parallel_loop3A_360] {strides = array<i32>} : memref<200x64xf32, #tpu.memory_space<vmem>>, vector<16xf32>,
      tpu.vector_store %arg13[%parallel_loop3A_359, %parallel_loop3A_360], %broadcast_in_dim3A_3 {strides = array<i32>} : memref<200x64xf32, #tpu.memory_space<vmem>>, vector<16xf32>,
      %parallel_loop3A_362 = arith.index_cast %parallel_loop3A_358 : i32 to index
      %parallel_loop3A_363 = arith.constant 16 : index
      %parallel_loop3A_364 = tpu.vector_load %arg13[%parallel_loop3A_362, %parallel_loop3A_363] {strides = array<i32>} : memref<200x64xf32, #tpu.memory_space<vmem>>, vector<16xf32>,
      tpu.vector_store %arg13[%parallel_loop3A_362, %parallel_loop3A_363], %broadcast_in_dim3A_3 {strides = array<i32>} : memref<200x64xf32, #tpu.memory_space<vmem>>, vector<16xf32>,
      %parallel_loop3A_365 = arith.index_cast %parallel_loop3A_358 : i32 to index
      %parallel_loop3A_366 = arith.constant 32 : index
      %parallel_loop3A_367 = tpu.vector_load %arg13[%parallel_loop3A_365, %parallel_loop3A_366] {strides = array<i32>} : memref<200x64xf32, #tpu.memory_space<vmem>>, vector<16xf32>,
      tpu.vector_store %arg13[%parallel_loop3A_365, %parallel_loop3A_366], %broadcast_in_dim3A_3 {strides = array<i32>} : memref<200x64xf32, #tpu.memory_space<vmem>>, vector<16xf32>,
      %parallel_loop3A_368 = arith.index_cast %parallel_loop3A_358 : i32 to index
      %parallel_loop3A_369 = arith.constant 48 : index
      %parallel_loop3A_370 = tpu.vector_load %arg13[%parallel_loop3A_368, %parallel_loop3A_369] {strides = array<i32>} : memref<200x64xf32, #tpu.memory_space<vmem>>, vector<16xf32>,
      tpu.vector_store %arg13[%parallel_loop3A_368, %parallel_loop3A_369], %broadcast_in_dim3A_3 {strides = array<i32>} : memref<200x64xf32, #tpu.memory_space<vmem>>, vector<16xf32>,
    } {sc.loop_unroll_factor = 4 : i64, sc.parallel_access}
    %add3A_6 = arith.constant 0 : i32
    %add3A_7 = arith.addi %mul3A_2, %add3A_6 : i32
    "tpu.region"() ({
      %run_scoped3A_358 = tpu.sem_alloc : memref<!tpu.dma_semaphore, #tpu.memory_space<semaphore_mem>>
      %dma_start3A_359 = arith.constant 0 : i32
      %dma_start3A_360 = tpu.memref_slice %arg14[%add3A_7, %dma_start3A_359] : memref<10000x64xf32, #tpu.memory_space<vmem_shared>> -> memref<200x64xf32, #tpu.memory_space<vmem_shared>>
      %dma_start3A_361 = arith.constant 0 : i32
      %dma_start3A_362 = tpu.memref_slice %arg14[%add3A_7, %dma_start3A_361] : memref<10000x64xf32, #tpu.memory_space<vmem_shared>> -> memref<200x64xf32, #tpu.memory_space<vmem_shared>>
      tpu.enqueue_dma source(%arg13 : memref<200x64xf32, #tpu.memory_space<vmem>>) target(%dma_start3A_362 : memref<200x64xf32, #tpu.memory_space<vmem_shared>>) target_semaphore(%run_scoped3A_358 : memref<!tpu.dma_semaphore, #tpu.memory_space<semaphore_mem>>)
      %dma_wait3A_363 = arith.constant 0 : i32
      %dma_wait3A_364 = tpu.memref_slice %arg14[%add3A_7, %dma_wait3A_363] : memref<10000x64xf32, #tpu.memory_space<vmem_shared>> -> memref<200x64xf32, #tpu.memory_space<vmem_shared>>
      %dma_wait3A_365 = arith.constant 0 : i32
      %dma_wait3A_366 = tpu.memref_slice %arg14[%add3A_7, %dma_wait3A_365] : memref<10000x64xf32, #tpu.memory_space<vmem_shared>> -> memref<200x64xf32, #tpu.memory_space<vmem_shared>>
      tpu.wait_dma2 semaphore(%run_scoped3A_358 : memref<!tpu.dma_semaphore, #tpu.memory_space<semaphore_mem>>) src(%arg13 : memref<200x64xf32, #tpu.memory_space<vmem>>) dst(%dma_wait3A_366 : memref<200x64xf32, #tpu.memory_space<vmem_shared>>)
      tpu.yield
    }) : () -> ()
    %add3A_8 = arith.constant 200 : i32
    %add3A_9 = arith.addi %mul3A_2, %add3A_8 : i32
    "tpu.region"() ({
      %run_scoped3A_358 = tpu.sem_alloc : memref<!tpu.dma_semaphore, #tpu.memory_space<semaphore_mem>>
      %dma_start3A_359 = arith.constant 0 : i32
      %dma_start3A_360 = tpu.memref_slice %arg14[%add3A_9, %dma_start3A_359] : memref<10000x64xf32, #tpu.memory_space<vmem_shared>> -> memref<200x64xf32, #tpu.memory_space<vmem_shared>>
      %dma_start3A_361 = arith.constant 0 : i32
      %dma_start3A_362 = tpu.memref_slice %arg14[%add3A_9, %dma_start3A_361] : memref<10000x64xf32, #tpu.memory_space<vmem_shared>> -> memref<200x64xf32, #tpu.memory_space<vmem_shared>>
      tpu.enqueue_dma source(%arg13 : memref<200x64xf32, #tpu.memory_space<vmem>>) target(%dma_start3A_362 : memref<200x64xf32, #tpu.memory_space<vmem_shared>>) target_semaphore(%run_scoped3A_358 : memref<!tpu.dma_semaphore, #tpu.memory_space<semaphore_mem>>)
      %dma_wait3A_363 = arith.constant 0 : i32
      %dma_wait3A_364 = tpu.memref_slice %arg14[%add3A_9, %dma_wait3A_363] : memref<10000x64xf32, #tpu.memory_space<vmem_shared>> -> memref<200x64xf32, #tpu.memory_space<vmem_shared>>
      %dma_wait3A_365 = arith.constant 0 : i32
      %dma_wait3A_366 = tpu.memref_slice %arg14[%add3A_9, %dma_wait3A_365] : memref<10000x64xf32, #tpu.memory_space<vmem_shared>> -> memref<200x64xf32, #tpu.memory_space<vmem_shared>>
      tpu.wait_dma2 semaphore(%run_scoped3A_358 : memref<!tpu.dma_semaphore, #tpu.memory_space<semaphore_mem>>) src(%arg13 : memref<200x64xf32, #tpu.memory_space<vmem>>) dst(%dma_wait3A_366 : memref<200x64xf32, #tpu.memory_space<vmem_shared>>)
      tpu.yield
    }) : () -> ()
    %add3A_10 = arith.constant 400 : i32
    %add3A_11 = arith.addi %mul3A_2, %add3A_10 : i32
    "tpu.region"() ({
      %run_scoped3A_358 = tpu.sem_alloc : memref<!tpu.dma_semaphore, #tpu.memory_space<semaphore_mem>>
      %dma_start3A_359 = arith.constant 0 : i32
      %dma_start3A_360 = tpu.memref_slice %arg14[%add3A_11, %dma_start3A_359] : memref<10000x64xf32, #tpu.memory_space<vmem_shared>> -> memref<200x64xf32, #tpu.memory_space<vmem_shared>>
      %dma_start3A_361 = arith.constant 0 : i32
      %dma_start3A_362 = tpu.memref_slice %arg14[%add3A_11, %dma_start3A_361] : memref<10000x64xf32, #tpu.memory_space<vmem_shared>> -> memref<200x64xf32, #tpu.memory_space<vmem_shared>>
      tpu.enqueue_dma source(%arg13 : memref<200x64xf32, #tpu.memory_space<vmem>>) target(%dma_start3A_362 : memref<200x64xf32, #tpu.memory_space<vmem_shared>>) target_semaphore(%run_scoped3A_358 : memref<!tpu.dma_semaphore, #tpu.memory_space<semaphore_mem>>)
      %dma_wait3A_363 = arith.constant 0 : i32
      %dma_wait3A_364 = tpu.memref_slice %arg14[%add3A_11, %dma_wait3A_363] : memref<10000x64xf32, #tpu.memory_space<vmem_shared>> -> memref<200x64xf32, #tpu.memory_space<vmem_shared>>
      %dma_wait3A_365 = arith.constant 0 : i32
      %dma_wait3A_366 = tpu.memref_slice %arg14[%add3A_11, %dma_wait3A_365] : memref<10000x64xf32, #tpu.memory_space<vmem_shared>> -> memref<200x64xf32, #tpu.memory_space<vmem_shared>>
      tpu.wait_dma2 semaphore(%run_scoped3A_358 : memref<!tpu.dma_semaphore, #tpu.memory_space<semaphore_mem>>) src(%arg13 : memref<200x64xf32, #tpu.memory_space<vmem>>) dst(%dma_wait3A_366 : memref<200x64xf32, #tpu.memory_space<vmem_shared>>)
      tpu.yield
    }) : () -> ()
    %add3A_12 = arith.constant 425 : i32
    %add3A_13 = arith.addi %mul3A_2, %add3A_12 : i32
    "tpu.region"() ({
      %run_scoped3A_358 = tpu.sem_alloc : memref<!tpu.dma_semaphore, #tpu.memory_space<semaphore_mem>>
      %dma_start3A_359 = arith.constant 0 : i32
      %dma_start3A_360 = tpu.memref_slice %arg14[%add3A_13, %dma_start3A_359] : memref<10000x64xf32, #tpu.memory_space<vmem_shared>> -> memref<200x64xf32, #tpu.memory_space<vmem_shared>>
      %dma_start3A_361 = arith.constant 0 : i32
      %dma_start3A_362 = tpu.memref_slice %arg14[%add3A_13, %dma_start3A_361] : memref<10000x64xf32, #tpu.memory_space<vmem_shared>> -> memref<200x64xf32, #tpu.memory_space<vmem_shared>>
      tpu.enqueue_dma source(%arg13 : memref<200x64xf32, #tpu.memory_space<vmem>>) target(%dma_start3A_362 : memref<200x64xf32, #tpu.memory_space<vmem_shared>>) target_semaphore(%run_scoped3A_358 : memref<!tpu.dma_semaphore, #tpu.memory_space<semaphore_mem>>)
      %dma_wait3A_363 = arith.constant 0 : i32
      %dma_wait3A_364 = tpu.memref_slice %arg14[%add3A_13, %dma_wait3A_363] : memref<10000x64xf32, #tpu.memory_space<vmem_shared>> -> memref<200x64xf32, #tpu.memory_space<vmem_shared>>
      %dma_wait3A_365 = arith.constant 0 : i32
      %dma_wait3A_366 = tpu.memref_slice %arg14[%add3A_13, %dma_wait3A_365] : memref<10000x64xf32, #tpu.memory_space<vmem_shared>> -> memref<200x64xf32, #tpu.memory_space<vmem_shared>>
      tpu.wait_dma2 semaphore(%run_scoped3A_358 : memref<!tpu.dma_semaphore, #tpu.memory_space<semaphore_mem>>) src(%arg13 : memref<200x64xf32, #tpu.memory_space<vmem>>) dst(%dma_wait3A_366 : memref<200x64xf32, #tpu.memory_space<vmem_shared>>)
      tpu.yield
    }) : () -> ()
    %mul3A_14 = arith.constant 10000 : i32
    %mul3A_15 = arith.muli %add3A, %mul3A_14 : i32
    %add3A_16 = arith.constant 0 : i32
    %add3A_17 = arith.addi %add3A_16, %mul3A_15 : i32
    "tpu.region"() ({
      %run_scoped3A_358 = tpu.sem_alloc : memref<!tpu.dma_semaphore, #tpu.memory_space<semaphore_mem>>
      %dma_start3A_359 = tpu.memref_slice %arg2[%add3A_17] : memref<1920000xi32, #tpu.memory_space<hbm>> -> memref<10000xi32, #tpu.memory_space<hbm>>
      %dma_start3A_360 = tpu.memref_slice %arg2[%add3A_17] : memref<1920000xi32, #tpu.memory_space<hbm>> -> memref<10000xi32, #tpu.memory_space<hbm>>
      tpu.enqueue_dma source(%dma_start3A_360 : memref<10000xi32, #tpu.memory_space<hbm>>) target(%arg6 : memref<10000xi32, #tpu.memory_space<vmem>>) target_semaphore(%run_scoped3A_358 : memref<!tpu.dma_semaphore, #tpu.memory_space<semaphore_mem>>)
      %dma_wait3A_361 = tpu.memref_slice %arg2[%add3A_17] : memref<1920000xi32, #tpu.memory_space<hbm>> -> memref<10000xi32, #tpu.memory_space<hbm>>
      %dma_wait3A_362 = tpu.memref_slice %arg2[%add3A_17] : memref<1920000xi32, #tpu.memory_space<hbm>> -> memref<10000xi32, #tpu.memory_space<hbm>>
      tpu.wait_dma2 semaphore(%run_scoped3A_358 : memref<!tpu.dma_semaphore, #tpu.memory_space<semaphore_mem>>) src(%dma_wait3A_362 : memref<10000xi32, #tpu.memory_space<hbm>>) dst(%arg6 : memref<10000xi32, #tpu.memory_space<vmem>>)
      tpu.yield
    }) : () -> ()
    %mul3A_18 = arith.constant 10000 : i32
    %mul3A_19 = arith.muli %add3A, %mul3A_18 : i32
    %add3A_20 = arith.constant 320000 : i32
    %add3A_21 = arith.addi %add3A_20, %mul3A_19 : i32
    "tpu.region"() ({
      %run_scoped3A_358 = tpu.sem_alloc : memref<!tpu.dma_semaphore, #tpu.memory_space<semaphore_mem>>
      %dma_start3A_359 = tpu.memref_slice %arg2[%add3A_21] : memref<1920000xi32, #tpu.memory_space<hbm>> -> memref<10000xi32, #tpu.memory_space<hbm>>
      %dma_start3A_360 = tpu.memref_slice %arg2[%add3A_21] : memref<1920000xi32, #tpu.memory_space<hbm>> -> memref<10000xi32, #tpu.memory_space<hbm>>
      tpu.enqueue_dma source(%dma_start3A_360 : memref<10000xi32, #tpu.memory_space<hbm>>) target(%arg7 : memref<10000xi32, #tpu.memory_space<vmem>>) target_semaphore(%run_scoped3A_358 : memref<!tpu.dma_semaphore, #tpu.memory_space<semaphore_mem>>)
      %dma_wait3A_361 = tpu.memref_slice %arg2[%add3A_21] : memref<1920000xi32, #tpu.memory_space<hbm>> -> memref<10000xi32, #tpu.memory_space<hbm>>
      %dma_wait3A_362 = tpu.memref_slice %arg2[%add3A_21] : memref<1920000xi32, #tpu.memory_space<hbm>> -> memref<10000xi32, #tpu.memory_space<hbm>>
      tpu.wait_dma2 semaphore(%run_scoped3A_358 : memref<!tpu.dma_semaphore, #tpu.memory_space<semaphore_mem>>) src(%dma_wait3A_362 : memref<10000xi32, #tpu.memory_space<hbm>>) dst(%arg7 : memref<10000xi32, #tpu.memory_space<vmem>>)
      tpu.yield
    }) : () -> ()
    %mul3A_22 = arith.constant 10000 : i32
    %mul3A_23 = arith.muli %add3A, %mul3A_22 : i32
    %add3A_24 = arith.constant 0 : i32
    %add3A_25 = arith.addi %add3A_24, %mul3A_23 : i32
    "tpu.region"() ({
      %run_scoped3A_358 = tpu.sem_alloc : memref<!tpu.dma_semaphore, #tpu.memory_space<semaphore_mem>>
      %dma_start3A_359 = tpu.memref_slice %arg3[%add3A_25] : memref<960000xf32, #tpu.memory_space<hbm>> -> memref<10000xf32, #tpu.memory_space<hbm>>
      %dma_start3A_360 = tpu.memref_slice %arg3[%add3A_25] : memref<960000xf32, #tpu.memory_space<hbm>> -> memref<10000xf32, #tpu.memory_space<hbm>>
      tpu.enqueue_dma source(%dma_start3A_360 : memref<10000xf32, #tpu.memory_space<hbm>>) target(%arg8 : memref<10000xf32, #tpu.memory_space<vmem>>) target_semaphore(%run_scoped3A_358 : memref<!tpu.dma_semaphore, #tpu.memory_space<semaphore_mem>>)
      %dma_wait3A_361 = tpu.memref_slice %arg3[%add3A_25] : memref<960000xf32, #tpu.memory_space<hbm>> -> memref<10000xf32, #tpu.memory_space<hbm>>
      %dma_wait3A_362 = tpu.memref_slice %arg3[%add3A_25] : memref<960000xf32, #tpu.memory_space<hbm>> -> memref<10000xf32, #tpu.memory_space<hbm>>
      tpu.wait_dma2 semaphore(%run_scoped3A_358 : memref<!tpu.dma_semaphore, #tpu.memory_space<semaphore_mem>>) src(%dma_wait3A_362 : memref<10000xf32, #tpu.memory_space<hbm>>) dst(%arg8 : memref<10000xf32, #tpu.memory_space<vmem>>)
      tpu.yield
    }) : () -> ()
    %barrier3A = arith.constant 0 : index
    tpu.barrier barrier_id(%barrier3A)
    %dma_start3A = arith.constant 0 : i32
    %dma_start3A_26 = arith.constant 0 : i32
    %dma_start3A_27 = tpu.memref_slice %arg6[%dma_start3A_26] : memref<10000xi32, #tpu.memory_space<vmem>> -> memref<200xi32, #tpu.memory_space<vmem>>
    %dma_start3A_28 = arith.constant 0 : i32
    %dma_start3A_29 = arith.constant 0 : i32
    %dma_start3A_30 = tpu.memref_slice %arg4[%dma_start3A, %dma_start3A_28, %dma_start3A_29] : memref<3x10000x64xbf16, #tpu.memory_space<hbm>> -> memref<1x10000x64xbf16, #tpu.memory_space<hbm>>
    %dma_start3A_31 = tpu.memref_squeeze %dma_start3A_30 : memref<1x10000x64xbf16, #tpu.memory_space<hbm>> -> memref<10000x64xbf16, #tpu.memory_space<hbm>>
    %dma_start3A_32 = arith.constant 0 : i32
    %dma_start3A_33 = arith.constant 0 : i32
    %dma_start3A_34 = tpu.memref_slice %dma_start3A_31[%dma_start3A_32, %dma_start3A_33] : memref<10000x64xbf16, #tpu.memory_space<hbm>> -> memref<10000x64xbf16, #tpu.memory_space<hbm>>
    tpu.enqueue_indirect_dma source(%dma_start3A_34 : memref<10000x64xbf16, #tpu.memory_space<hbm>>) target(%arg9 : memref<200x64xbf16, #tpu.memory_space<vmem>>) offsets(%dma_start3A_27 : memref<200xi32, #tpu.memory_space<vmem>>) semaphore(%arg15 : memref<!tpu.dma_semaphore, #tpu.memory_space<semaphore_mem>>)
    %dma_start3A_35 = arith.constant 0 : i32
    %dma_start3A_36 = arith.constant 200 : i32
    %dma_start3A_37 = tpu.memref_slice %arg6[%dma_start3A_36] : memref<10000xi32, #tpu.memory_space<vmem>> -> memref<200xi32, #tpu.memory_space<vmem>>
    %dma_start3A_38 = arith.constant 0 : i32
    %dma_start3A_39 = arith.constant 0 : i32
    %dma_start3A_40 = tpu.memref_slice %arg4[%dma_start3A_35, %dma_start3A_38, %dma_start3A_39] : memref<3x10000x64xbf16, #tpu.memory_space<hbm>> -> memref<1x10000x64xbf16, #tpu.memory_space<hbm>>
    %dma_start3A_41 = tpu.memref_squeeze %dma_start3A_40 : memref<1x10000x64xbf16, #tpu.memory_space<hbm>> -> memref<10000x64xbf16, #tpu.memory_space<hbm>>
    %dma_start3A_42 = arith.constant 0 : i32
    %dma_start3A_43 = arith.constant 0 : i32
    %dma_start3A_44 = tpu.memref_slice %dma_start3A_41[%dma_start3A_42, %dma_start3A_43] : memref<10000x64xbf16, #tpu.memory_space<hbm>> -> memref<10000x64xbf16, #tpu.memory_space<hbm>>
    tpu.enqueue_indirect_dma source(%dma_start3A_44 : memref<10000x64xbf16, #tpu.memory_space<hbm>>) target(%arg10 : memref<200x64xbf16, #tpu.memory_space<vmem>>) offsets(%dma_start3A_37 : memref<200xi32, #tpu.memory_space<vmem>>) semaphore(%arg16 : memref<!tpu.dma_semaphore, #tpu.memory_space<semaphore_mem>>)
    %dma_wait3A = arith.constant 0 : i32
    %dma_wait3A_45 = arith.constant 0 : i32
    %dma_wait3A_46 = tpu.memref_slice %arg6[%dma_wait3A_45] : memref<10000xi32, #tpu.memory_space<vmem>> -> memref<200xi32, #tpu.memory_space<vmem>>
    %dma_wait3A_47 = arith.constant 0 : i32
    %dma_wait3A_48 = arith.constant 0 : i32
    %dma_wait3A_49 = tpu.memref_slice %arg4[%dma_wait3A, %dma_wait3A_47, %dma_wait3A_48] : memref<3x10000x64xbf16, #tpu.memory_space<hbm>> -> memref<1x10000x64xbf16, #tpu.memory_space<hbm>>
    %dma_wait3A_50 = tpu.memref_squeeze %dma_wait3A_49 : memref<1x10000x64xbf16, #tpu.memory_space<hbm>> -> memref<10000x64xbf16, #tpu.memory_space<hbm>>
    %dma_wait3A_51 = arith.constant 0 : i32
    %dma_wait3A_52 = arith.constant 0 : i32
    %dma_wait3A_53 = tpu.memref_slice %dma_wait3A_50[%dma_wait3A_51, %dma_wait3A_52] : memref<10000x64xbf16, #tpu.memory_space<hbm>> -> memref<10000x64xbf16, #tpu.memory_space<hbm>>
    tpu.wait_indirect_dma semaphore(%arg15 : memref<!tpu.dma_semaphore, #tpu.memory_space<semaphore_mem>>) src(%dma_wait3A_53 : memref<10000x64xbf16, #tpu.memory_space<hbm>>) dst(%arg9 : memref<200x64xbf16, #tpu.memory_space<vmem>>)
    %parallel_loop3A_54 = arith.constant 0 : i32
    %parallel_loop3A_55 = arith.constant 200 : i32
    %parallel_loop3A_56 = arith.constant 1 : i32
    scf.for %parallel_loop3A_358 = %parallel_loop3A_54 to %parallel_loop3A_55 step %parallel_loop3A_56  : i32 {
      %parallel_loop3A_359 = arith.constant 0 : i32
      %parallel_loop3A_360 = arith.addi %parallel_loop3A_359, %parallel_loop3A_358 : i32
      %parallel_loop3A_361 = vector.broadcast %parallel_loop3A_360 : i32 to vector<16xi32>
      %parallel_loop3A_362 = tpu.vector_load_idx %arg8[%parallel_loop3A_361] : memref<10000xf32, #tpu.memory_space<vmem>>[vector<16xi32>], vector<16xf32>,
      %parallel_loop3A_363 = arith.index_cast %parallel_loop3A_358 : i32 to index
      %parallel_loop3A_364 = arith.constant 0 : index
      %parallel_loop3A_365 = tpu.vector_load %arg9[%parallel_loop3A_363, %parallel_loop3A_364] {strides = array<i32>} : memref<200x64xbf16, #tpu.memory_space<vmem>>, vector<32xbf16>,
      %parallel_loop3A_366 = tpu.unpack_subelements %parallel_loop3A_365, 0 {pack_format = #tpu.pack_format<interleaved>} : vector<32xbf16> -> vector<16xf32>
      %parallel_loop3A_367 = tpu.unpack_subelements %parallel_loop3A_365, 1 {pack_format = #tpu.pack_format<interleaved>} : vector<32xbf16> -> vector<16xf32>
      %parallel_loop3A_368 = arith.mulf %parallel_loop3A_366, %parallel_loop3A_362 : vector<16xf32>
      %parallel_loop3A_369 = arith.index_cast %parallel_loop3A_358 : i32 to index
      %parallel_loop3A_370 = arith.constant 0 : index
      %parallel_loop3A_371 = tpu.vector_load %arg11[%parallel_loop3A_369, %parallel_loop3A_370] {strides = array<i32>} : memref<200x64xf32, #tpu.memory_space<vmem>>, vector<16xf32>,
      tpu.vector_store %arg11[%parallel_loop3A_369, %parallel_loop3A_370], %parallel_loop3A_368 {strides = array<i32>} : memref<200x64xf32, #tpu.memory_space<vmem>>, vector<16xf32>,
      %parallel_loop3A_372 = arith.mulf %parallel_loop3A_367, %parallel_loop3A_362 : vector<16xf32>
      %parallel_loop3A_373 = arith.index_cast %parallel_loop3A_358 : i32 to index
      %parallel_loop3A_374 = arith.constant 16 : index
      %parallel_loop3A_375 = tpu.vector_load %arg11[%parallel_loop3A_373, %parallel_loop3A_374] {strides = array<i32>} : memref<200x64xf32, #tpu.memory_space<vmem>>, vector<16xf32>,
      tpu.vector_store %arg11[%parallel_loop3A_373, %parallel_loop3A_374], %parallel_loop3A_372 {strides = array<i32>} : memref<200x64xf32, #tpu.memory_space<vmem>>, vector<16xf32>,
      %parallel_loop3A_376 = arith.index_cast %parallel_loop3A_358 : i32 to index
      %parallel_loop3A_377 = arith.constant 32 : index
      %parallel_loop3A_378 = tpu.vector_load %arg9[%parallel_loop3A_376, %parallel_loop3A_377] {strides = array<i32>} : memref<200x64xbf16, #tpu.memory_space<vmem>>, vector<32xbf16>,
      %parallel_loop3A_379 = tpu.unpack_subelements %parallel_loop3A_378, 0 {pack_format = #tpu.pack_format<interleaved>} : vector<32xbf16> -> vector<16xf32>
      %parallel_loop3A_380 = tpu.unpack_subelements %parallel_loop3A_378, 1 {pack_format = #tpu.pack_format<interleaved>} : vector<32xbf16> -> vector<16xf32>
      %parallel_loop3A_381 = arith.mulf %parallel_loop3A_379, %parallel_loop3A_362 : vector<16xf32>
      %parallel_loop3A_382 = arith.index_cast %parallel_loop3A_358 : i32 to index
      %parallel_loop3A_383 = arith.constant 32 : index
      %parallel_loop3A_384 = tpu.vector_load %arg11[%parallel_loop3A_382, %parallel_loop3A_383] {strides = array<i32>} : memref<200x64xf32, #tpu.memory_space<vmem>>, vector<16xf32>,
      tpu.vector_store %arg11[%parallel_loop3A_382, %parallel_loop3A_383], %parallel_loop3A_381 {strides = array<i32>} : memref<200x64xf32, #tpu.memory_space<vmem>>, vector<16xf32>,
      %parallel_loop3A_385 = arith.mulf %parallel_loop3A_380, %parallel_loop3A_362 : vector<16xf32>
      %parallel_loop3A_386 = arith.index_cast %parallel_loop3A_358 : i32 to index
      %parallel_loop3A_387 = arith.constant 48 : index
      %parallel_loop3A_388 = tpu.vector_load %arg11[%parallel_loop3A_386, %parallel_loop3A_387] {strides = array<i32>} : memref<200x64xf32, #tpu.memory_space<vmem>>, vector<16xf32>,
      tpu.vector_store %arg11[%parallel_loop3A_386, %parallel_loop3A_387], %parallel_loop3A_385 {strides = array<i32>} : memref<200x64xf32, #tpu.memory_space<vmem>>, vector<16xf32>,
    } {sc.loop_unroll_factor = 4 : i64, sc.parallel_access}
    %dma_start3A_57 = arith.constant 0 : i32
    %dma_start3A_58 = arith.constant 400 : i32
    %dma_start3A_59 = tpu.memref_slice %arg6[%dma_start3A_58] : memref<10000xi32, #tpu.memory_space<vmem>> -> memref<200xi32, #tpu.memory_space<vmem>>
    %dma_start3A_60 = arith.constant 0 : i32
    %dma_start3A_61 = arith.constant 0 : i32
    %dma_start3A_62 = tpu.memref_slice %arg4[%dma_start3A_57, %dma_start3A_60, %dma_start3A_61] : memref<3x10000x64xbf16, #tpu.memory_space<hbm>> -> memref<1x10000x64xbf16, #tpu.memory_space<hbm>>
    %dma_start3A_63 = tpu.memref_squeeze %dma_start3A_62 : memref<1x10000x64xbf16, #tpu.memory_space<hbm>> -> memref<10000x64xbf16, #tpu.memory_space<hbm>>
    %dma_start3A_64 = arith.constant 0 : i32
    %dma_start3A_65 = arith.constant 0 : i32
    %dma_start3A_66 = tpu.memref_slice %dma_start3A_63[%dma_start3A_64, %dma_start3A_65] : memref<10000x64xbf16, #tpu.memory_space<hbm>> -> memref<10000x64xbf16, #tpu.memory_space<hbm>>
    tpu.enqueue_indirect_dma source(%dma_start3A_66 : memref<10000x64xbf16, #tpu.memory_space<hbm>>) target(%arg9 : memref<200x64xbf16, #tpu.memory_space<vmem>>) offsets(%dma_start3A_59 : memref<200xi32, #tpu.memory_space<vmem>>) semaphore(%arg15 : memref<!tpu.dma_semaphore, #tpu.memory_space<semaphore_mem>>)
    %dma_start3A_67 = arith.constant 0 : i32
    %dma_start3A_68 = tpu.memref_slice %arg7[%dma_start3A_67] : memref<10000xi32, #tpu.memory_space<vmem>> -> memref<200xi32, #tpu.memory_space<vmem>>
    %dma_start3A_69 = arith.constant 0 : i32
    %dma_start3A_70 = arith.constant 0 : i32
    %dma_start3A_71 = tpu.memref_slice %arg14[%dma_start3A_69, %dma_start3A_70] : memref<10000x64xf32, #tpu.memory_space<vmem_shared>> -> memref<10000x64xf32, #tpu.memory_space<vmem_shared>>
    tpu.enqueue_indirect_dma source(%arg11 : memref<200x64xf32, #tpu.memory_space<vmem>>) target(%dma_start3A_71 : memref<10000x64xf32, #tpu.memory_space<vmem_shared>>) offsets(%dma_start3A_68 : memref<200xi32, #tpu.memory_space<vmem>>) semaphore(%arg17 : memref<!tpu.dma_semaphore, #tpu.memory_space<semaphore_mem>>) {add = true}
    %dma_wait3A_72 = arith.constant 0 : i32
    %dma_wait3A_73 = arith.constant 200 : i32
    %dma_wait3A_74 = tpu.memref_slice %arg6[%dma_wait3A_73] : memref<10000xi32, #tpu.memory_space<vmem>> -> memref<200xi32, #tpu.memory_space<vmem>>
    %dma_wait3A_75 = arith.constant 0 : i32
    %dma_wait3A_76 = arith.constant 0 : i32
    %dma_wait3A_77 = tpu.memref_slice %arg4[%dma_wait3A_72, %dma_wait3A_75, %dma_wait3A_76] : memref<3x10000x64xbf16, #tpu.memory_space<hbm>> -> memref<1x10000x64xbf16, #tpu.memory_space<hbm>>
    %dma_wait3A_78 = tpu.memref_squeeze %dma_wait3A_77 : memref<1x10000x64xbf16, #tpu.memory_space<hbm>> -> memref<10000x64xbf16, #tpu.memory_space<hbm>>
    %dma_wait3A_79 = arith.constant 0 : i32
    %dma_wait3A_80 = arith.constant 0 : i32
    %dma_wait3A_81 = tpu.memref_slice %dma_wait3A_78[%dma_wait3A_79, %dma_wait3A_80] : memref<10000x64xbf16, #tpu.memory_space<hbm>> -> memref<10000x64xbf16, #tpu.memory_space<hbm>>
    tpu.wait_indirect_dma semaphore(%arg16 : memref<!tpu.dma_semaphore, #tpu.memory_space<semaphore_mem>>) src(%dma_wait3A_81 : memref<10000x64xbf16, #tpu.memory_space<hbm>>) dst(%arg10 : memref<200x64xbf16, #tpu.memory_space<vmem>>)
    %parallel_loop3A_82 = arith.constant 0 : i32
    %parallel_loop3A_83 = arith.constant 200 : i32
    %parallel_loop3A_84 = arith.constant 1 : i32
    scf.for %parallel_loop3A_358 = %parallel_loop3A_82 to %parallel_loop3A_83 step %parallel_loop3A_84  : i32 {
      %parallel_loop3A_359 = arith.constant 200 : i32
      %parallel_loop3A_360 = arith.addi %parallel_loop3A_359, %parallel_loop3A_358 : i32
      %parallel_loop3A_361 = vector.broadcast %parallel_loop3A_360 : i32 to vector<16xi32>
      %parallel_loop3A_362 = tpu.vector_load_idx %arg8[%parallel_loop3A_361] : memref<10000xf32, #tpu.memory_space<vmem>>[vector<16xi32>], vector<16xf32>,
      %parallel_loop3A_363 = arith.index_cast %parallel_loop3A_358 : i32 to index
      %parallel_loop3A_364 = arith.constant 0 : index
      %parallel_loop3A_365 = tpu.vector_load %arg10[%parallel_loop3A_363, %parallel_loop3A_364] {strides = array<i32>} : memref<200x64xbf16, #tpu.memory_space<vmem>>, vector<32xbf16>,
      %parallel_loop3A_366 = tpu.unpack_subelements %parallel_loop3A_365, 0 {pack_format = #tpu.pack_format<interleaved>} : vector<32xbf16> -> vector<16xf32>
      %parallel_loop3A_367 = tpu.unpack_subelements %parallel_loop3A_365, 1 {pack_format = #tpu.pack_format<interleaved>} : vector<32xbf16> -> vector<16xf32>
      %parallel_loop3A_368 = arith.mulf %parallel_loop3A_366, %parallel_loop3A_362 : vector<16xf32>
      %parallel_loop3A_369 = arith.index_cast %parallel_loop3A_358 : i32 to index
      %parallel_loop3A_370 = arith.constant 0 : index
      %parallel_loop3A_371 = tpu.vector_load %arg12[%parallel_loop3A_369, %parallel_loop3A_370] {strides = array<i32>} : memref<200x64xf32, #tpu.memory_space<vmem>>, vector<16xf32>,
      tpu.vector_store %arg12[%parallel_loop3A_369, %parallel_loop3A_370], %parallel_loop3A_368 {strides = array<i32>} : memref<200x64xf32, #tpu.memory_space<vmem>>, vector<16xf32>,
      %parallel_loop3A_372 = arith.mulf %parallel_loop3A_367, %parallel_loop3A_362 : vector<16xf32>
      %parallel_loop3A_373 = arith.index_cast %parallel_loop3A_358 : i32 to index
      %parallel_loop3A_374 = arith.constant 16 : index
      %parallel_loop3A_375 = tpu.vector_load %arg12[%parallel_loop3A_373, %parallel_loop3A_374] {strides = array<i32>} : memref<200x64xf32, #tpu.memory_space<vmem>>, vector<16xf32>,
      tpu.vector_store %arg12[%parallel_loop3A_373, %parallel_loop3A_374], %parallel_loop3A_372 {strides = array<i32>} : memref<200x64xf32, #tpu.memory_space<vmem>>, vector<16xf32>,
      %parallel_loop3A_376 = arith.index_cast %parallel_loop3A_358 : i32 to index
      %parallel_loop3A_377 = arith.constant 32 : index
      %parallel_loop3A_378 = tpu.vector_load %arg10[%parallel_loop3A_376, %parallel_loop3A_377] {strides = array<i32>} : memref<200x64xbf16, #tpu.memory_space<vmem>>, vector<32xbf16>,
      %parallel_loop3A_379 = tpu.unpack_subelements %parallel_loop3A_378, 0 {pack_format = #tpu.pack_format<interleaved>} : vector<32xbf16> -> vector<16xf32>
      %parallel_loop3A_380 = tpu.unpack_subelements %parallel_loop3A_378, 1 {pack_format = #tpu.pack_format<interleaved>} : vector<32xbf16> -> vector<16xf32>
      %parallel_loop3A_381 = arith.mulf %parallel_loop3A_379, %parallel_loop3A_362 : vector<16xf32>
      %parallel_loop3A_382 = arith.index_cast %parallel_loop3A_358 : i32 to index
      %parallel_loop3A_383 = arith.constant 32 : index
      %parallel_loop3A_384 = tpu.vector_load %arg12[%parallel_loop3A_382, %parallel_loop3A_383] {strides = array<i32>} : memref<200x64xf32, #tpu.memory_space<vmem>>, vector<16xf32>,
      tpu.vector_store %arg12[%parallel_loop3A_382, %parallel_loop3A_383], %parallel_loop3A_381 {strides = array<i32>} : memref<200x64xf32, #tpu.memory_space<vmem>>, vector<16xf32>,
      %parallel_loop3A_385 = arith.mulf %parallel_loop3A_380, %parallel_loop3A_362 : vector<16xf32>
      %parallel_loop3A_386 = arith.index_cast %parallel_loop3A_358 : i32 to index
      %parallel_loop3A_387 = arith.constant 48 : index
      %parallel_loop3A_388 = tpu.vector_load %arg12[%parallel_loop3A_386, %parallel_loop3A_387] {strides = array<i32>} : memref<200x64xf32, #tpu.memory_space<vmem>>, vector<16xf32>,
      tpu.vector_store %arg12[%parallel_loop3A_386, %parallel_loop3A_387], %parallel_loop3A_385 {strides = array<i32>} : memref<200x64xf32, #tpu.memory_space<vmem>>, vector<16xf32>,
    } {sc.loop_unroll_factor = 4 : i64, sc.parallel_access}
    %dma_start3A_85 = arith.constant 0 : i32
    %dma_start3A_86 = arith.constant 600 : i32
    %dma_start3A_87 = tpu.memref_slice %arg6[%dma_start3A_86] : memref<10000xi32, #tpu.memory_space<vmem>> -> memref<200xi32, #tpu.memory_space<vmem>>
    %dma_start3A_88 = arith.constant 0 : i32
    %dma_start3A_89 = arith.constant 0 : i32
    %dma_start3A_90 = tpu.memref_slice %arg4[%dma_start3A_85, %dma_start3A_88, %dma_start3A_89] : memref<3x10000x64xbf16, #tpu.memory_space<hbm>> -> memref<1x10000x64xbf16, #tpu.memory_space<hbm>>
    %dma_start3A_91 = tpu.memref_squeeze %dma_start3A_90 : memref<1x10000x64xbf16, #tpu.memory_space<hbm>> -> memref<10000x64xbf16, #tpu.memory_space<hbm>>
    %dma_start3A_92 = arith.constant 0 : i32
    %dma_start3A_93 = arith.constant 0 : i32
    %dma_start3A_94 = tpu.memref_slice %dma_start3A_91[%dma_start3A_92, %dma_start3A_93] : memref<10000x64xbf16, #tpu.memory_space<hbm>> -> memref<10000x64xbf16, #tpu.memory_space<hbm>>
    tpu.enqueue_indirect_dma source(%dma_start3A_94 : memref<10000x64xbf16, #tpu.memory_space<hbm>>) target(%arg10 : memref<200x64xbf16, #tpu.memory_space<vmem>>) offsets(%dma_start3A_87 : memref<200xi32, #tpu.memory_space<vmem>>) semaphore(%arg16 : memref<!tpu.dma_semaphore, #tpu.memory_space<semaphore_mem>>)
    %dma_start3A_95 = arith.constant 200 : i32
    %dma_start3A_96 = tpu.memref_slice %arg7[%dma_start3A_95] : memref<10000xi32, #tpu.memory_space<vmem>> -> memref<200xi32, #tpu.memory_space<vmem>>
    %dma_start3A_97 = arith.constant 0 : i32
    %dma_start3A_98 = arith.constant 0 : i32
    %dma_start3A_99 = tpu.memref_slice %arg14[%dma_start3A_97, %dma_start3A_98] : memref<10000x64xf32, #tpu.memory_space<vmem_shared>> -> memref<10000x64xf32, #tpu.memory_space<vmem_shared>>
    tpu.enqueue_indirect_dma source(%arg12 : memref<200x64xf32, #tpu.memory_space<vmem>>) target(%dma_start3A_99 : memref<10000x64xf32, #tpu.memory_space<vmem_shared>>) offsets(%dma_start3A_96 : memref<200xi32, #tpu.memory_space<vmem>>) semaphore(%arg18 : memref<!tpu.dma_semaphore, #tpu.memory_space<semaphore_mem>>) {add = true}
    %scan3A = arith.constant 0 : i32
    %scan3A_100 = arith.constant 0 : i32
    %scan3A_101 = arith.constant 1 : i32
    %scan3A_102 = arith.constant 24 : i32
    %scan3A_103 = arith.addi %scan3A_101, %scan3A_102 : i32
    %scan3A_104 = arith.constant 1 : i32
    %scan3A_105 = scf.for %scan3A_358 = %scan3A_101 to %scan3A_103 step %scan3A_104 iter_args(%scan3A_359 = %scan3A_100) -> (i32)  : i32 {
      %mul3A_360 = arith.constant 2 : i32
      %mul3A_361 = arith.muli %mul3A_360, %scan3A_358 : i32
      %add3A_362 = arith.constant 0 : i32
      %add3A_363 = arith.addi %mul3A_361, %add3A_362 : i32
      %mul3A_364 = arith.constant 200 : i32
      %mul3A_365 = arith.muli %add3A_363, %mul3A_364 : i32
      %dma_wait3A_366 = tpu.memref_slice %arg6[%mul3A_365] : memref<10000xi32, #tpu.memory_space<vmem>> -> memref<200xi32, #tpu.memory_space<vmem>>
      %dma_wait3A_367 = arith.constant 0 : i32
      %dma_wait3A_368 = arith.constant 0 : i32
      %dma_wait3A_369 = tpu.memref_slice %arg4[%scan3A, %dma_wait3A_367, %dma_wait3A_368] : memref<3x10000x64xbf16, #tpu.memory_space<hbm>> -> memref<1x10000x64xbf16, #tpu.memory_space<hbm>>
      %dma_wait3A_370 = tpu.memref_squeeze %dma_wait3A_369 : memref<1x10000x64xbf16, #tpu.memory_space<hbm>> -> memref<10000x64xbf16, #tpu.memory_space<hbm>>
      %dma_wait3A_371 = arith.constant 0 : i32
      %dma_wait3A_372 = arith.constant 0 : i32
      %dma_wait3A_373 = tpu.memref_slice %dma_wait3A_370[%dma_wait3A_371, %dma_wait3A_372] : memref<10000x64xbf16, #tpu.memory_space<hbm>> -> memref<10000x64xbf16, #tpu.memory_space<hbm>>
      tpu.wait_indirect_dma semaphore(%arg15 : memref<!tpu.dma_semaphore, #tpu.memory_space<semaphore_mem>>) src(%dma_wait3A_373 : memref<10000x64xbf16, #tpu.memory_space<hbm>>) dst(%arg9 : memref<200x64xbf16, #tpu.memory_space<vmem>>)
      %sub3A = arith.constant 2 : i32
      %sub3A_374 = arith.subi %add3A_363, %sub3A : i32
      %mul3A_375 = arith.constant 200 : i32
      %mul3A_376 = arith.muli %sub3A_374, %mul3A_375 : i32
      %dma_wait3A_377 = tpu.memref_slice %arg7[%mul3A_376] : memref<10000xi32, #tpu.memory_space<vmem>> -> memref<200xi32, #tpu.memory_space<vmem>>
      %dma_wait3A_378 = arith.constant 0 : i32
      %dma_wait3A_379 = arith.constant 0 : i32
      %dma_wait3A_380 = tpu.memref_slice %arg14[%dma_wait3A_378, %dma_wait3A_379] : memref<10000x64xf32, #tpu.memory_space<vmem_shared>> -> memref<10000x64xf32, #tpu.memory_space<vmem_shared>>
      tpu.wait_indirect_dma semaphore(%arg17 : memref<!tpu.dma_semaphore, #tpu.memory_space<semaphore_mem>>) src(%arg11 : memref<200x64xf32, #tpu.memory_space<vmem>>) dst(%dma_wait3A_380 : memref<10000x64xf32, #tpu.memory_space<vmem_shared>>)
      %mul3A_381 = arith.constant 200 : i32
      %mul3A_382 = arith.muli %add3A_363, %mul3A_381 : i32
      %parallel_loop3A_383 = arith.constant 0 : i32
      %parallel_loop3A_384 = arith.constant 200 : i32
      %parallel_loop3A_385 = arith.constant 1 : i32
      scf.for %parallel_loop3A_435 = %parallel_loop3A_383 to %parallel_loop3A_384 step %parallel_loop3A_385  : i32 {
        %parallel_loop3A_436 = arith.addi %mul3A_382, %parallel_loop3A_435 : i32
        %parallel_loop3A_437 = vector.broadcast %parallel_loop3A_436 : i32 to vector<16xi32>
        %parallel_loop3A_438 = tpu.vector_load_idx %arg8[%parallel_loop3A_437] : memref<10000xf32, #tpu.memory_space<vmem>>[vector<16xi32>], vector<16xf32>,
        %parallel_loop3A_439 = arith.index_cast %parallel_loop3A_435 : i32 to index
        %parallel_loop3A_440 = arith.constant 0 : index
        %parallel_loop3A_441 = tpu.vector_load %arg9[%parallel_loop3A_439, %parallel_loop3A_440] {strides = array<i32>} : memref<200x64xbf16, #tpu.memory_space<vmem>>, vector<32xbf16>,
        %parallel_loop3A_442 = tpu.unpack_subelements %parallel_loop3A_441, 0 {pack_format = #tpu.pack_format<interleaved>} : vector<32xbf16> -> vector<16xf32>
        %parallel_loop3A_443 = tpu.unpack_subelements %parallel_loop3A_441, 1 {pack_format = #tpu.pack_format<interleaved>} : vector<32xbf16> -> vector<16xf32>
        %parallel_loop3A_444 = arith.mulf %parallel_loop3A_442, %parallel_loop3A_438 : vector<16xf32>
        %parallel_loop3A_445 = arith.index_cast %parallel_loop3A_435 : i32 to index
        %parallel_loop3A_446 = arith.constant 0 : index
        %parallel_loop3A_447 = tpu.vector_load %arg11[%parallel_loop3A_445, %parallel_loop3A_446] {strides = array<i32>} : memref<200x64xf32, #tpu.memory_space<vmem>>, vector<16xf32>,
        tpu.vector_store %arg11[%parallel_loop3A_445, %parallel_loop3A_446], %parallel_loop3A_444 {strides = array<i32>} : memref<200x64xf32, #tpu.memory_space<vmem>>, vector<16xf32>,
        %parallel_loop3A_448 = arith.mulf %parallel_loop3A_443, %parallel_loop3A_438 : vector<16xf32>
        %parallel_loop3A_449 = arith.index_cast %parallel_loop3A_435 : i32 to index
        %parallel_loop3A_450 = arith.constant 16 : index
        %parallel_loop3A_451 = tpu.vector_load %arg11[%parallel_loop3A_449, %parallel_loop3A_450] {strides = array<i32>} : memref<200x64xf32, #tpu.memory_space<vmem>>, vector<16xf32>,
        tpu.vector_store %arg11[%parallel_loop3A_449, %parallel_loop3A_450], %parallel_loop3A_448 {strides = array<i32>} : memref<200x64xf32, #tpu.memory_space<vmem>>, vector<16xf32>,
        %parallel_loop3A_452 = arith.index_cast %parallel_loop3A_435 : i32 to index
        %parallel_loop3A_453 = arith.constant 32 : index
        %parallel_loop3A_454 = tpu.vector_load %arg9[%parallel_loop3A_452, %parallel_loop3A_453] {strides = array<i32>} : memref<200x64xbf16, #tpu.memory_space<vmem>>, vector<32xbf16>,
        %parallel_loop3A_455 = tpu.unpack_subelements %parallel_loop3A_454, 0 {pack_format = #tpu.pack_format<interleaved>} : vector<32xbf16> -> vector<16xf32>
        %parallel_loop3A_456 = tpu.unpack_subelements %parallel_loop3A_454, 1 {pack_format = #tpu.pack_format<interleaved>} : vector<32xbf16> -> vector<16xf32>
        %parallel_loop3A_457 = arith.mulf %parallel_loop3A_455, %parallel_loop3A_438 : vector<16xf32>
        %parallel_loop3A_458 = arith.index_cast %parallel_loop3A_435 : i32 to index
        %parallel_loop3A_459 = arith.constant 32 : index
        %parallel_loop3A_460 = tpu.vector_load %arg11[%parallel_loop3A_458, %parallel_loop3A_459] {strides = array<i32>} : memref<200x64xf32, #tpu.memory_space<vmem>>, vector<16xf32>,
        tpu.vector_store %arg11[%parallel_loop3A_458, %parallel_loop3A_459], %parallel_loop3A_457 {strides = array<i32>} : memref<200x64xf32, #tpu.memory_space<vmem>>, vector<16xf32>,
        %parallel_loop3A_461 = arith.mulf %parallel_loop3A_456, %parallel_loop3A_438 : vector<16xf32>
        %parallel_loop3A_462 = arith.index_cast %parallel_loop3A_435 : i32 to index
        %parallel_loop3A_463 = arith.constant 48 : index
        %parallel_loop3A_464 = tpu.vector_load %arg11[%parallel_loop3A_462, %parallel_loop3A_463] {strides = array<i32>} : memref<200x64xf32, #tpu.memory_space<vmem>>, vector<16xf32>,
        tpu.vector_store %arg11[%parallel_loop3A_462, %parallel_loop3A_463], %parallel_loop3A_461 {strides = array<i32>} : memref<200x64xf32, #tpu.memory_space<vmem>>, vector<16xf32>,
      } {sc.loop_unroll_factor = 4 : i64, sc.parallel_access}
      %add3A_386 = arith.constant 2 : i32
      %add3A_387 = arith.addi %add3A_363, %add3A_386 : i32
      %lt3A = arith.constant 50 : i32
      %lt3A_388 = arith.cmpi slt, %add3A_387, %lt3A : i32
      %convert_element_type3A = arith.extui %lt3A_388 : i1 to i32
      %cond3A = arith.constant 0 : i32
      %cond3A_389 = arith.cmpi ne, %convert_element_type3A, %cond3A : i32
      scf.if %cond3A_389 {
        %add3A_435 = arith.constant 2 : i32
        %add3A_436 = arith.addi %add3A_363, %add3A_435 : i32
        %mul3A_437 = arith.constant 200 : i32
        %mul3A_438 = arith.muli %add3A_436, %mul3A_437 : i32
        %dma_start3A_439 = tpu.memref_slice %arg6[%mul3A_438] : memref<10000xi32, #tpu.memory_space<vmem>> -> memref<200xi32, #tpu.memory_space<vmem>>
        %dma_start3A_440 = arith.constant 0 : i32
        %dma_start3A_441 = arith.constant 0 : i32
        %dma_start3A_442 = tpu.memref_slice %arg4[%scan3A, %dma_start3A_440, %dma_start3A_441] : memref<3x10000x64xbf16, #tpu.memory_space<hbm>> -> memref<1x10000x64xbf16, #tpu.memory_space<hbm>>
        %dma_start3A_443 = tpu.memref_squeeze %dma_start3A_442 : memref<1x10000x64xbf16, #tpu.memory_space<hbm>> -> memref<10000x64xbf16, #tpu.memory_space<hbm>>
        %dma_start3A_444 = arith.constant 0 : i32
        %dma_start3A_445 = arith.constant 0 : i32
        %dma_start3A_446 = tpu.memref_slice %dma_start3A_443[%dma_start3A_444, %dma_start3A_445] : memref<10000x64xbf16, #tpu.memory_space<hbm>> -> memref<10000x64xbf16, #tpu.memory_space<hbm>>
        tpu.enqueue_indirect_dma source(%dma_start3A_446 : memref<10000x64xbf16, #tpu.memory_space<hbm>>) target(%arg9 : memref<200x64xbf16, #tpu.memory_space<vmem>>) offsets(%dma_start3A_439 : memref<200xi32, #tpu.memory_space<vmem>>) semaphore(%arg15 : memref<!tpu.dma_semaphore, #tpu.memory_space<semaphore_mem>>)
      } else {
      }
      %mul3A_390 = arith.constant 200 : i32
      %mul3A_391 = arith.muli %add3A_363, %mul3A_390 : i32
      %dma_start3A_392 = tpu.memref_slice %arg7[%mul3A_391] : memref<10000xi32, #tpu.memory_space<vmem>> -> memref<200xi32, #tpu.memory_space<vmem>>
      %dma_start3A_393 = arith.constant 0 : i32
      %dma_start3A_394 = arith.constant 0 : i32
      %dma_start3A_395 = tpu.memref_slice %arg14[%dma_start3A_393, %dma_start3A_394] : memref<10000x64xf32, #tpu.memory_space<vmem_shared>> -> memref<10000x64xf32, #tpu.memory_space<vmem_shared>>
      tpu.enqueue_indirect_dma source(%arg11 : memref<200x64xf32, #tpu.memory_space<vmem>>) target(%dma_start3A_395 : memref<10000x64xf32, #tpu.memory_space<vmem_shared>>) offsets(%dma_start3A_392 : memref<200xi32, #tpu.memory_space<vmem>>) semaphore(%arg17 : memref<!tpu.dma_semaphore, #tpu.memory_space<semaphore_mem>>) {add = true}
      %add3A_396 = arith.constant 1 : i32
      %add3A_397 = arith.addi %mul3A_361, %add3A_396 : i32
      %mul3A_398 = arith.constant 200 : i32
      %mul3A_399 = arith.muli %add3A_397, %mul3A_398 : i32
      %dma_wait3A_400 = tpu.memref_slice %arg6[%mul3A_399] : memref<10000xi32, #tpu.memory_space<vmem>> -> memref<200xi32, #tpu.memory_space<vmem>>
      %dma_wait3A_401 = arith.constant 0 : i32
      %dma_wait3A_402 = arith.constant 0 : i32
      %dma_wait3A_403 = tpu.memref_slice %arg4[%scan3A, %dma_wait3A_401, %dma_wait3A_402] : memref<3x10000x64xbf16, #tpu.memory_space<hbm>> -> memref<1x10000x64xbf16, #tpu.memory_space<hbm>>
      %dma_wait3A_404 = tpu.memref_squeeze %dma_wait3A_403 : memref<1x10000x64xbf16, #tpu.memory_space<hbm>> -> memref<10000x64xbf16, #tpu.memory_space<hbm>>
      %dma_wait3A_405 = arith.constant 0 : i32
      %dma_wait3A_406 = arith.constant 0 : i32
      %dma_wait3A_407 = tpu.memref_slice %dma_wait3A_404[%dma_wait3A_405, %dma_wait3A_406] : memref<10000x64xbf16, #tpu.memory_space<hbm>> -> memref<10000x64xbf16, #tpu.memory_space<hbm>>
      tpu.wait_indirect_dma semaphore(%arg16 : memref<!tpu.dma_semaphore, #tpu.memory_space<semaphore_mem>>) src(%dma_wait3A_407 : memref<10000x64xbf16, #tpu.memory_space<hbm>>) dst(%arg10 : memref<200x64xbf16, #tpu.memory_space<vmem>>)
      %sub3A_408 = arith.constant 2 : i32
      %sub3A_409 = arith.subi %add3A_397, %sub3A_408 : i32
      %mul3A_410 = arith.constant 200 : i32
      %mul3A_411 = arith.muli %sub3A_409, %mul3A_410 : i32
      %dma_wait3A_412 = tpu.memref_slice %arg7[%mul3A_411] : memref<10000xi32, #tpu.memory_space<vmem>> -> memref<200xi32, #tpu.memory_space<vmem>>
      %dma_wait3A_413 = arith.constant 0 : i32
      %dma_wait3A_414 = arith.constant 0 : i32
      %dma_wait3A_415 = tpu.memref_slice %arg14[%dma_wait3A_413, %dma_wait3A_414] : memref<10000x64xf32, #tpu.memory_space<vmem_shared>> -> memref<10000x64xf32, #tpu.memory_space<vmem_shared>>
      tpu.wait_indirect_dma semaphore(%arg18 : memref<!tpu.dma_semaphore, #tpu.memory_space<semaphore_mem>>) src(%arg12 : memref<200x64xf32, #tpu.memory_space<vmem>>) dst(%dma_wait3A_415 : memref<10000x64xf32, #tpu.memory_space<vmem_shared>>)
      %mul3A_416 = arith.constant 200 : i32
      %mul3A_417 = arith.muli %add3A_397, %mul3A_416 : i32
      %parallel_loop3A_418 = arith.constant 0 : i32
      %parallel_loop3A_419 = arith.constant 200 : i32
      %parallel_loop3A_420 = arith.constant 1 : i32
      scf.for %parallel_loop3A_435 = %parallel_loop3A_418 to %parallel_loop3A_419 step %parallel_loop3A_420  : i32 {
        %parallel_loop3A_436 = arith.addi %mul3A_417, %parallel_loop3A_435 : i32
        %parallel_loop3A_437 = vector.broadcast %parallel_loop3A_436 : i32 to vector<16xi32>
        %parallel_loop3A_438 = tpu.vector_load_idx %arg8[%parallel_loop3A_437] : memref<10000xf32, #tpu.memory_space<vmem>>[vector<16xi32>], vector<16xf32>,
        %parallel_loop3A_439 = arith.index_cast %parallel_loop3A_435 : i32 to index
        %parallel_loop3A_440 = arith.constant 0 : index
        %parallel_loop3A_441 = tpu.vector_load %arg10[%parallel_loop3A_439, %parallel_loop3A_440] {strides = array<i32>} : memref<200x64xbf16, #tpu.memory_space<vmem>>, vector<32xbf16>,
        %parallel_loop3A_442 = tpu.unpack_subelements %parallel_loop3A_441, 0 {pack_format = #tpu.pack_format<interleaved>} : vector<32xbf16> -> vector<16xf32>
        %parallel_loop3A_443 = tpu.unpack_subelements %parallel_loop3A_441, 1 {pack_format = #tpu.pack_format<interleaved>} : vector<32xbf16> -> vector<16xf32>
        %parallel_loop3A_444 = arith.mulf %parallel_loop3A_442, %parallel_loop3A_438 : vector<16xf32>
        %parallel_loop3A_445 = arith.index_cast %parallel_loop3A_435 : i32 to index
        %parallel_loop3A_446 = arith.constant 0 : index
        %parallel_loop3A_447 = tpu.vector_load %arg12[%parallel_loop3A_445, %parallel_loop3A_446] {strides = array<i32>} : memref<200x64xf32, #tpu.memory_space<vmem>>, vector<16xf32>,
        tpu.vector_store %arg12[%parallel_loop3A_445, %parallel_loop3A_446], %parallel_loop3A_444 {strides = array<i32>} : memref<200x64xf32, #tpu.memory_space<vmem>>, vector<16xf32>,
        %parallel_loop3A_448 = arith.mulf %parallel_loop3A_443, %parallel_loop3A_438 : vector<16xf32>
        %parallel_loop3A_449 = arith.index_cast %parallel_loop3A_435 : i32 to index
        %parallel_loop3A_450 = arith.constant 16 : index
        %parallel_loop3A_451 = tpu.vector_load %arg12[%parallel_loop3A_449, %parallel_loop3A_450] {strides = array<i32>} : memref<200x64xf32, #tpu.memory_space<vmem>>, vector<16xf32>,
        tpu.vector_store %arg12[%parallel_loop3A_449, %parallel_loop3A_450], %parallel_loop3A_448 {strides = array<i32>} : memref<200x64xf32, #tpu.memory_space<vmem>>, vector<16xf32>,
        %parallel_loop3A_452 = arith.index_cast %parallel_loop3A_435 : i32 to index
        %parallel_loop3A_453 = arith.constant 32 : index
        %parallel_loop3A_454 = tpu.vector_load %arg10[%parallel_loop3A_452, %parallel_loop3A_453] {strides = array<i32>} : memref<200x64xbf16, #tpu.memory_space<vmem>>, vector<32xbf16>,
        %parallel_loop3A_455 = tpu.unpack_subelements %parallel_loop3A_454, 0 {pack_format = #tpu.pack_format<interleaved>} : vector<32xbf16> -> vector<16xf32>
        %parallel_loop3A_456 = tpu.unpack_subelements %parallel_loop3A_454, 1 {pack_format = #tpu.pack_format<interleaved>} : vector<32xbf16> -> vector<16xf32>
        %parallel_loop3A_457 = arith.mulf %parallel_loop3A_455, %parallel_loop3A_438 : vector<16xf32>
        %parallel_loop3A_458 = arith.index_cast %parallel_loop3A_435 : i32 to index
        %parallel_loop3A_459 = arith.constant 32 : index
        %parallel_loop3A_460 = tpu.vector_load %arg12[%parallel_loop3A_458, %parallel_loop3A_459] {strides = array<i32>} : memref<200x64xf32, #tpu.memory_space<vmem>>, vector<16xf32>,
        tpu.vector_store %arg12[%parallel_loop3A_458, %parallel_loop3A_459], %parallel_loop3A_457 {strides = array<i32>} : memref<200x64xf32, #tpu.memory_space<vmem>>, vector<16xf32>,
        %parallel_loop3A_461 = arith.mulf %parallel_loop3A_456, %parallel_loop3A_438 : vector<16xf32>
        %parallel_loop3A_462 = arith.index_cast %parallel_loop3A_435 : i32 to index
        %parallel_loop3A_463 = arith.constant 48 : index
        %parallel_loop3A_464 = tpu.vector_load %arg12[%parallel_loop3A_462, %parallel_loop3A_463] {strides = array<i32>} : memref<200x64xf32, #tpu.memory_space<vmem>>, vector<16xf32>,
        tpu.vector_store %arg12[%parallel_loop3A_462, %parallel_loop3A_463], %parallel_loop3A_461 {strides = array<i32>} : memref<200x64xf32, #tpu.memory_space<vmem>>, vector<16xf32>,
      } {sc.loop_unroll_factor = 4 : i64, sc.parallel_access}
      %add3A_421 = arith.constant 2 : i32
      %add3A_422 = arith.addi %add3A_397, %add3A_421 : i32
      %lt3A_423 = arith.constant 50 : i32
      %lt3A_424 = arith.cmpi slt, %add3A_422, %lt3A_423 : i32
      %convert_element_type3A_425 = arith.extui %lt3A_424 : i1 to i32
      %cond3A_426 = arith.constant 0 : i32
      %cond3A_427 = arith.cmpi ne, %convert_element_type3A_425, %cond3A_426 : i32
      scf.if %cond3A_427 {
        %add3A_435 = arith.constant 2 : i32
        %add3A_436 = arith.addi %add3A_397, %add3A_435 : i32
        %mul3A_437 = arith.constant 200 : i32
        %mul3A_438 = arith.muli %add3A_436, %mul3A_437 : i32
        %dma_start3A_439 = tpu.memref_slice %arg6[%mul3A_438] : memref<10000xi32, #tpu.memory_space<vmem>> -> memref<200xi32, #tpu.memory_space<vmem>>
        %dma_start3A_440 = arith.constant 0 : i32
        %dma_start3A_441 = arith.constant 0 : i32
        %dma_start3A_442 = tpu.memref_slice %arg4[%scan3A, %dma_start3A_440, %dma_start3A_441] : memref<3x10000x64xbf16, #tpu.memory_space<hbm>> -> memref<1x10000x64xbf16, #tpu.memory_space<hbm>>
        %dma_start3A_443 = tpu.memref_squeeze %dma_start3A_442 : memref<1x10000x64xbf16, #tpu.memory_space<hbm>> -> memref<10000x64xbf16, #tpu.memory_space<hbm>>
        %dma_start3A_444 = arith.constant 0 : i32
        %dma_start3A_445 = arith.constant 0 : i32
        %dma_start3A_446 = tpu.memref_slice %dma_start3A_443[%dma_start3A_444, %dma_start3A_445] : memref<10000x64xbf16, #tpu.memory_space<hbm>> -> memref<10000x64xbf16, #tpu.memory_space<hbm>>
        tpu.enqueue_indirect_dma source(%dma_start3A_446 : memref<10000x64xbf16, #tpu.memory_space<hbm>>) target(%arg10 : memref<200x64xbf16, #tpu.memory_space<vmem>>) offsets(%dma_start3A_439 : memref<200xi32, #tpu.memory_space<vmem>>) semaphore(%arg16 : memref<!tpu.dma_semaphore, #tpu.memory_space<semaphore_mem>>)
      } else {
      }
      %mul3A_428 = arith.constant 200 : i32
      %mul3A_429 = arith.muli %add3A_397, %mul3A_428 : i32
      %dma_start3A_430 = tpu.memref_slice %arg7[%mul3A_429] : memref<10000xi32, #tpu.memory_space<vmem>> -> memref<200xi32, #tpu.memory_space<vmem>>
      %dma_start3A_431 = arith.constant 0 : i32
      %dma_start3A_432 = arith.constant 0 : i32
      %dma_start3A_433 = tpu.memref_slice %arg14[%dma_start3A_431, %dma_start3A_432] : memref<10000x64xf32, #tpu.memory_space<vmem_shared>> -> memref<10000x64xf32, #tpu.memory_space<vmem_shared>>
      tpu.enqueue_indirect_dma source(%arg12 : memref<200x64xf32, #tpu.memory_space<vmem>>) target(%dma_start3A_433 : memref<10000x64xf32, #tpu.memory_space<vmem_shared>>) offsets(%dma_start3A_430 : memref<200xi32, #tpu.memory_space<vmem>>) semaphore(%arg18 : memref<!tpu.dma_semaphore, #tpu.memory_space<semaphore_mem>>) {add = true}
      %scan3A_434 = arith.constant 0 : i32
      scf.yield %scan3A_434 : i32
    }
    %scan3A_106 = arith.constant 24 : i32
    %dma_wait3A_107 = arith.constant 9600 : i32
    %dma_wait3A_108 = tpu.memref_slice %arg7[%dma_wait3A_107] : memref<10000xi32, #tpu.memory_space<vmem>> -> memref<200xi32, #tpu.memory_space<vmem>>
    %dma_wait3A_109 = arith.constant 0 : i32
    %dma_wait3A_110 = arith.constant 0 : i32
    %dma_wait3A_111 = tpu.memref_slice %arg14[%dma_wait3A_109, %dma_wait3A_110] : memref<10000x64xf32, #tpu.memory_space<vmem_shared>> -> memref<10000x64xf32, #tpu.memory_space<vmem_shared>>
    tpu.wait_indirect_dma semaphore(%arg17 : memref<!tpu.dma_semaphore, #tpu.memory_space<semaphore_mem>>) src(%arg11 : memref<200x64xf32, #tpu.memory_space<vmem>>) dst(%dma_wait3A_111 : memref<10000x64xf32, #tpu.memory_space<vmem_shared>>)
    %dma_wait3A_112 = arith.constant 9800 : i32
    %dma_wait3A_113 = tpu.memref_slice %arg7[%dma_wait3A_112] : memref<10000xi32, #tpu.memory_space<vmem>> -> memref<200xi32, #tpu.memory_space<vmem>>
    %dma_wait3A_114 = arith.constant 0 : i32
    %dma_wait3A_115 = arith.constant 0 : i32
    %dma_wait3A_116 = tpu.memref_slice %arg14[%dma_wait3A_114, %dma_wait3A_115] : memref<10000x64xf32, #tpu.memory_space<vmem_shared>> -> memref<10000x64xf32, #tpu.memory_space<vmem_shared>>
    tpu.wait_indirect_dma semaphore(%arg18 : memref<!tpu.dma_semaphore, #tpu.memory_space<semaphore_mem>>) src(%arg12 : memref<200x64xf32, #tpu.memory_space<vmem>>) dst(%dma_wait3A_116 : memref<10000x64xf32, #tpu.memory_space<vmem_shared>>)
    %barrier3A_117 = arith.constant 0 : index
    tpu.barrier barrier_id(%barrier3A_117)
    %mul3A_118 = arith.constant 64 : i32
    %mul3A_119 = arith.muli %arg0, %mul3A_118 : i32
    %run_scoped3A = arith.constant 0 : i32
    "tpu.region"() ({
      %run_scoped3A_358 = tpu.sem_alloc : memref<!tpu.dma_semaphore, #tpu.memory_space<semaphore_mem>>
      %dma_start3A_359 = arith.constant 0 : i32
      %dma_start3A_360 = arith.constant 0 : i32
      %dma_start3A_361 = tpu.memref_slice %arg5[%run_scoped3A, %dma_start3A_359, %dma_start3A_360] : memref<3x10000x128xf32, #tpu.memory_space<hbm>> -> memref<1x10000x128xf32, #tpu.memory_space<hbm>>
      %dma_start3A_362 = tpu.memref_squeeze %dma_start3A_361 : memref<1x10000x128xf32, #tpu.memory_space<hbm>> -> memref<10000x128xf32, #tpu.memory_space<hbm>>
      %dma_start3A_363 = tpu.memref_slice %dma_start3A_362[%mul3A_2, %mul3A_119] : memref<10000x128xf32, #tpu.memory_space<hbm>> -> memref<625x64xf32, #tpu.memory_space<hbm>>
      %dma_start3A_364 = arith.constant 0 : i32
      %dma_start3A_365 = tpu.memref_slice %arg14[%mul3A_2, %dma_start3A_364] : memref<10000x64xf32, #tpu.memory_space<vmem_shared>> -> memref<625x64xf32, #tpu.memory_space<vmem_shared>>
      tpu.enqueue_dma source(%dma_start3A_365 : memref<625x64xf32, #tpu.memory_space<vmem_shared>>) target(%dma_start3A_363 : memref<625x64xf32, #tpu.memory_space<hbm>>) target_semaphore(%run_scoped3A_358 : memref<!tpu.dma_semaphore, #tpu.memory_space<semaphore_mem>>)
      %dma_wait3A_366 = arith.constant 0 : i32
      %dma_wait3A_367 = arith.constant 0 : i32
      %dma_wait3A_368 = tpu.memref_slice %arg5[%run_scoped3A, %dma_wait3A_366, %dma_wait3A_367] : memref<3x10000x128xf32, #tpu.memory_space<hbm>> -> memref<1x10000x128xf32, #tpu.memory_space<hbm>>
      %dma_wait3A_369 = tpu.memref_squeeze %dma_wait3A_368 : memref<1x10000x128xf32, #tpu.memory_space<hbm>> -> memref<10000x128xf32, #tpu.memory_space<hbm>>
      %dma_wait3A_370 = tpu.memref_slice %dma_wait3A_369[%mul3A_2, %mul3A_119] : memref<10000x128xf32, #tpu.memory_space<hbm>> -> memref<625x64xf32, #tpu.memory_space<hbm>>
      %dma_wait3A_371 = arith.constant 0 : i32
      %dma_wait3A_372 = tpu.memref_slice %arg14[%mul3A_2, %dma_wait3A_371] : memref<10000x64xf32, #tpu.memory_space<vmem_shared>> -> memref<625x64xf32, #tpu.memory_space<vmem_shared>>
      tpu.wait_dma2 semaphore(%run_scoped3A_358 : memref<!tpu.dma_semaphore, #tpu.memory_space<semaphore_mem>>) src(%dma_wait3A_372 : memref<625x64xf32, #tpu.memory_space<vmem_shared>>) dst(%dma_wait3A_370 : memref<625x64xf32, #tpu.memory_space<hbm>>)
      tpu.yield
    }) : () -> ()
    %add3A_120 = arith.constant 0 : i32
    %add3A_121 = arith.addi %mul3A_2, %add3A_120 : i32
    "tpu.region"() ({
      %run_scoped3A_358 = tpu.sem_alloc : memref<!tpu.dma_semaphore, #tpu.memory_space<semaphore_mem>>
      %dma_start3A_359 = arith.constant 0 : i32
      %dma_start3A_360 = tpu.memref_slice %arg14[%add3A_121, %dma_start3A_359] : memref<10000x64xf32, #tpu.memory_space<vmem_shared>> -> memref<200x64xf32, #tpu.memory_space<vmem_shared>>
      %dma_start3A_361 = arith.constant 0 : i32
      %dma_start3A_362 = tpu.memref_slice %arg14[%add3A_121, %dma_start3A_361] : memref<10000x64xf32, #tpu.memory_space<vmem_shared>> -> memref<200x64xf32, #tpu.memory_space<vmem_shared>>
      tpu.enqueue_dma source(%arg13 : memref<200x64xf32, #tpu.memory_space<vmem>>) target(%dma_start3A_362 : memref<200x64xf32, #tpu.memory_space<vmem_shared>>) target_semaphore(%run_scoped3A_358 : memref<!tpu.dma_semaphore, #tpu.memory_space<semaphore_mem>>)
      %dma_wait3A_363 = arith.constant 0 : i32
      %dma_wait3A_364 = tpu.memref_slice %arg14[%add3A_121, %dma_wait3A_363] : memref<10000x64xf32, #tpu.memory_space<vmem_shared>> -> memref<200x64xf32, #tpu.memory_space<vmem_shared>>
      %dma_wait3A_365 = arith.constant 0 : i32
      %dma_wait3A_366 = tpu.memref_slice %arg14[%add3A_121, %dma_wait3A_365] : memref<10000x64xf32, #tpu.memory_space<vmem_shared>> -> memref<200x64xf32, #tpu.memory_space<vmem_shared>>
      tpu.wait_dma2 semaphore(%run_scoped3A_358 : memref<!tpu.dma_semaphore, #tpu.memory_space<semaphore_mem>>) src(%arg13 : memref<200x64xf32, #tpu.memory_space<vmem>>) dst(%dma_wait3A_366 : memref<200x64xf32, #tpu.memory_space<vmem_shared>>)
      tpu.yield
    }) : () -> ()
    %add3A_122 = arith.constant 200 : i32
    %add3A_123 = arith.addi %mul3A_2, %add3A_122 : i32
    "tpu.region"() ({
      %run_scoped3A_358 = tpu.sem_alloc : memref<!tpu.dma_semaphore, #tpu.memory_space<semaphore_mem>>
      %dma_start3A_359 = arith.constant 0 : i32
      %dma_start3A_360 = tpu.memref_slice %arg14[%add3A_123, %dma_start3A_359] : memref<10000x64xf32, #tpu.memory_space<vmem_shared>> -> memref<200x64xf32, #tpu.memory_space<vmem_shared>>
      %dma_start3A_361 = arith.constant 0 : i32
      %dma_start3A_362 = tpu.memref_slice %arg14[%add3A_123, %dma_start3A_361] : memref<10000x64xf32, #tpu.memory_space<vmem_shared>> -> memref<200x64xf32, #tpu.memory_space<vmem_shared>>
      tpu.enqueue_dma source(%arg13 : memref<200x64xf32, #tpu.memory_space<vmem>>) target(%dma_start3A_362 : memref<200x64xf32, #tpu.memory_space<vmem_shared>>) target_semaphore(%run_scoped3A_358 : memref<!tpu.dma_semaphore, #tpu.memory_space<semaphore_mem>>)
      %dma_wait3A_363 = arith.constant 0 : i32
      %dma_wait3A_364 = tpu.memref_slice %arg14[%add3A_123, %dma_wait3A_363] : memref<10000x64xf32, #tpu.memory_space<vmem_shared>> -> memref<200x64xf32, #tpu.memory_space<vmem_shared>>
      %dma_wait3A_365 = arith.constant 0 : i32
      %dma_wait3A_366 = tpu.memref_slice %arg14[%add3A_123, %dma_wait3A_365] : memref<10000x64xf32, #tpu.memory_space<vmem_shared>> -> memref<200x64xf32, #tpu.memory_space<vmem_shared>>
      tpu.wait_dma2 semaphore(%run_scoped3A_358 : memref<!tpu.dma_semaphore, #tpu.memory_space<semaphore_mem>>) src(%arg13 : memref<200x64xf32, #tpu.memory_space<vmem>>) dst(%dma_wait3A_366 : memref<200x64xf32, #tpu.memory_space<vmem_shared>>)
      tpu.yield
    }) : () -> ()
    %add3A_124 = arith.constant 400 : i32
    %add3A_125 = arith.addi %mul3A_2, %add3A_124 : i32
    "tpu.region"() ({
      %run_scoped3A_358 = tpu.sem_alloc : memref<!tpu.dma_semaphore, #tpu.memory_space<semaphore_mem>>
      %dma_start3A_359 = arith.constant 0 : i32
      %dma_start3A_360 = tpu.memref_slice %arg14[%add3A_125, %dma_start3A_359] : memref<10000x64xf32, #tpu.memory_space<vmem_shared>> -> memref<200x64xf32, #tpu.memory_space<vmem_shared>>
      %dma_start3A_361 = arith.constant 0 : i32
      %dma_start3A_362 = tpu.memref_slice %arg14[%add3A_125, %dma_start3A_361] : memref<10000x64xf32, #tpu.memory_space<vmem_shared>> -> memref<200x64xf32, #tpu.memory_space<vmem_shared>>
      tpu.enqueue_dma source(%arg13 : memref<200x64xf32, #tpu.memory_space<vmem>>) target(%dma_start3A_362 : memref<200x64xf32, #tpu.memory_space<vmem_shared>>) target_semaphore(%run_scoped3A_358 : memref<!tpu.dma_semaphore, #tpu.memory_space<semaphore_mem>>)
      %dma_wait3A_363 = arith.constant 0 : i32
      %dma_wait3A_364 = tpu.memref_slice %arg14[%add3A_125, %dma_wait3A_363] : memref<10000x64xf32, #tpu.memory_space<vmem_shared>> -> memref<200x64xf32, #tpu.memory_space<vmem_shared>>
      %dma_wait3A_365 = arith.constant 0 : i32
      %dma_wait3A_366 = tpu.memref_slice %arg14[%add3A_125, %dma_wait3A_365] : memref<10000x64xf32, #tpu.memory_space<vmem_shared>> -> memref<200x64xf32, #tpu.memory_space<vmem_shared>>
      tpu.wait_dma2 semaphore(%run_scoped3A_358 : memref<!tpu.dma_semaphore, #tpu.memory_space<semaphore_mem>>) src(%arg13 : memref<200x64xf32, #tpu.memory_space<vmem>>) dst(%dma_wait3A_366 : memref<200x64xf32, #tpu.memory_space<vmem_shared>>)
      tpu.yield
    }) : () -> ()
    %add3A_126 = arith.constant 425 : i32
    %add3A_127 = arith.addi %mul3A_2, %add3A_126 : i32
    "tpu.region"() ({
      %run_scoped3A_358 = tpu.sem_alloc : memref<!tpu.dma_semaphore, #tpu.memory_space<semaphore_mem>>
      %dma_start3A_359 = arith.constant 0 : i32
      %dma_start3A_360 = tpu.memref_slice %arg14[%add3A_127, %dma_start3A_359] : memref<10000x64xf32, #tpu.memory_space<vmem_shared>> -> memref<200x64xf32, #tpu.memory_space<vmem_shared>>
      %dma_start3A_361 = arith.constant 0 : i32
      %dma_start3A_362 = tpu.memref_slice %arg14[%add3A_127, %dma_start3A_361] : memref<10000x64xf32, #tpu.memory_space<vmem_shared>> -> memref<200x64xf32, #tpu.memory_space<vmem_shared>>
      tpu.enqueue_dma source(%arg13 : memref<200x64xf32, #tpu.memory_space<vmem>>) target(%dma_start3A_362 : memref<200x64xf32, #tpu.memory_space<vmem_shared>>) target_semaphore(%run_scoped3A_358 : memref<!tpu.dma_semaphore, #tpu.memory_space<semaphore_mem>>)
      %dma_wait3A_363 = arith.constant 0 : i32
      %dma_wait3A_364 = tpu.memref_slice %arg14[%add3A_127, %dma_wait3A_363] : memref<10000x64xf32, #tpu.memory_space<vmem_shared>> -> memref<200x64xf32, #tpu.memory_space<vmem_shared>>
      %dma_wait3A_365 = arith.constant 0 : i32
      %dma_wait3A_366 = tpu.memref_slice %arg14[%add3A_127, %dma_wait3A_365] : memref<10000x64xf32, #tpu.memory_space<vmem_shared>> -> memref<200x64xf32, #tpu.memory_space<vmem_shared>>
      tpu.wait_dma2 semaphore(%run_scoped3A_358 : memref<!tpu.dma_semaphore, #tpu.memory_space<semaphore_mem>>) src(%arg13 : memref<200x64xf32, #tpu.memory_space<vmem>>) dst(%dma_wait3A_366 : memref<200x64xf32, #tpu.memory_space<vmem_shared>>)
      tpu.yield
    }) : () -> ()
    %mul3A_128 = arith.constant 10000 : i32
    %mul3A_129 = arith.muli %add3A, %mul3A_128 : i32
    %add3A_130 = arith.constant 640000 : i32
    %add3A_131 = arith.addi %add3A_130, %mul3A_129 : i32
    "tpu.region"() ({
      %run_scoped3A_358 = tpu.sem_alloc : memref<!tpu.dma_semaphore, #tpu.memory_space<semaphore_mem>>
      %dma_start3A_359 = tpu.memref_slice %arg2[%add3A_131] : memref<1920000xi32, #tpu.memory_space<hbm>> -> memref<10000xi32, #tpu.memory_space<hbm>>
      %dma_start3A_360 = tpu.memref_slice %arg2[%add3A_131] : memref<1920000xi32, #tpu.memory_space<hbm>> -> memref<10000xi32, #tpu.memory_space<hbm>>
      tpu.enqueue_dma source(%dma_start3A_360 : memref<10000xi32, #tpu.memory_space<hbm>>) target(%arg6 : memref<10000xi32, #tpu.memory_space<vmem>>) target_semaphore(%run_scoped3A_358 : memref<!tpu.dma_semaphore, #tpu.memory_space<semaphore_mem>>)
      %dma_wait3A_361 = tpu.memref_slice %arg2[%add3A_131] : memref<1920000xi32, #tpu.memory_space<hbm>> -> memref<10000xi32, #tpu.memory_space<hbm>>
      %dma_wait3A_362 = tpu.memref_slice %arg2[%add3A_131] : memref<1920000xi32, #tpu.memory_space<hbm>> -> memref<10000xi32, #tpu.memory_space<hbm>>
      tpu.wait_dma2 semaphore(%run_scoped3A_358 : memref<!tpu.dma_semaphore, #tpu.memory_space<semaphore_mem>>) src(%dma_wait3A_362 : memref<10000xi32, #tpu.memory_space<hbm>>) dst(%arg6 : memref<10000xi32, #tpu.memory_space<vmem>>)
      tpu.yield
    }) : () -> ()
    %mul3A_132 = arith.constant 10000 : i32
    %mul3A_133 = arith.muli %add3A, %mul3A_132 : i32
    %add3A_134 = arith.constant 960000 : i32
    %add3A_135 = arith.addi %add3A_134, %mul3A_133 : i32
    "tpu.region"() ({
      %run_scoped3A_358 = tpu.sem_alloc : memref<!tpu.dma_semaphore, #tpu.memory_space<semaphore_mem>>
      %dma_start3A_359 = tpu.memref_slice %arg2[%add3A_135] : memref<1920000xi32, #tpu.memory_space<hbm>> -> memref<10000xi32, #tpu.memory_space<hbm>>
      %dma_start3A_360 = tpu.memref_slice %arg2[%add3A_135] : memref<1920000xi32, #tpu.memory_space<hbm>> -> memref<10000xi32, #tpu.memory_space<hbm>>
      tpu.enqueue_dma source(%dma_start3A_360 : memref<10000xi32, #tpu.memory_space<hbm>>) target(%arg7 : memref<10000xi32, #tpu.memory_space<vmem>>) target_semaphore(%run_scoped3A_358 : memref<!tpu.dma_semaphore, #tpu.memory_space<semaphore_mem>>)
      %dma_wait3A_361 = tpu.memref_slice %arg2[%add3A_135] : memref<1920000xi32, #tpu.memory_space<hbm>> -> memref<10000xi32, #tpu.memory_space<hbm>>
      %dma_wait3A_362 = tpu.memref_slice %arg2[%add3A_135] : memref<1920000xi32, #tpu.memory_space<hbm>> -> memref<10000xi32, #tpu.memory_space<hbm>>
      tpu.wait_dma2 semaphore(%run_scoped3A_358 : memref<!tpu.dma_semaphore, #tpu.memory_space<semaphore_mem>>) src(%dma_wait3A_362 : memref<10000xi32, #tpu.memory_space<hbm>>) dst(%arg7 : memref<10000xi32, #tpu.memory_space<vmem>>)
      tpu.yield
    }) : () -> ()
    %mul3A_136 = arith.constant 10000 : i32
    %mul3A_137 = arith.muli %add3A, %mul3A_136 : i32
    %add3A_138 = arith.constant 320000 : i32
    %add3A_139 = arith.addi %add3A_138, %mul3A_137 : i32
    "tpu.region"() ({
      %run_scoped3A_358 = tpu.sem_alloc : memref<!tpu.dma_semaphore, #tpu.memory_space<semaphore_mem>>
      %dma_start3A_359 = tpu.memref_slice %arg3[%add3A_139] : memref<960000xf32, #tpu.memory_space<hbm>> -> memref<10000xf32, #tpu.memory_space<hbm>>
      %dma_start3A_360 = tpu.memref_slice %arg3[%add3A_139] : memref<960000xf32, #tpu.memory_space<hbm>> -> memref<10000xf32, #tpu.memory_space<hbm>>
      tpu.enqueue_dma source(%dma_start3A_360 : memref<10000xf32, #tpu.memory_space<hbm>>) target(%arg8 : memref<10000xf32, #tpu.memory_space<vmem>>) target_semaphore(%run_scoped3A_358 : memref<!tpu.dma_semaphore, #tpu.memory_space<semaphore_mem>>)
      %dma_wait3A_361 = tpu.memref_slice %arg3[%add3A_139] : memref<960000xf32, #tpu.memory_space<hbm>> -> memref<10000xf32, #tpu.memory_space<hbm>>
      %dma_wait3A_362 = tpu.memref_slice %arg3[%add3A_139] : memref<960000xf32, #tpu.memory_space<hbm>> -> memref<10000xf32, #tpu.memory_space<hbm>>
      tpu.wait_dma2 semaphore(%run_scoped3A_358 : memref<!tpu.dma_semaphore, #tpu.memory_space<semaphore_mem>>) src(%dma_wait3A_362 : memref<10000xf32, #tpu.memory_space<hbm>>) dst(%arg8 : memref<10000xf32, #tpu.memory_space<vmem>>)
      tpu.yield
    }) : () -> ()
    %barrier3A_140 = arith.constant 0 : index
    tpu.barrier barrier_id(%barrier3A_140)
    %dma_start3A_141 = arith.constant 1 : i32
    %dma_start3A_142 = arith.constant 0 : i32
    %dma_start3A_143 = tpu.memref_slice %arg6[%dma_start3A_142] : memref<10000xi32, #tpu.memory_space<vmem>> -> memref<200xi32, #tpu.memory_space<vmem>>
    %dma_start3A_144 = arith.constant 0 : i32
    %dma_start3A_145 = arith.constant 0 : i32
    %dma_start3A_146 = tpu.memref_slice %arg4[%dma_start3A_141, %dma_start3A_144, %dma_start3A_145] : memref<3x10000x64xbf16, #tpu.memory_space<hbm>> -> memref<1x10000x64xbf16, #tpu.memory_space<hbm>>
    %dma_start3A_147 = tpu.memref_squeeze %dma_start3A_146 : memref<1x10000x64xbf16, #tpu.memory_space<hbm>> -> memref<10000x64xbf16, #tpu.memory_space<hbm>>
    %dma_start3A_148 = arith.constant 0 : i32
    %dma_start3A_149 = arith.constant 0 : i32
    %dma_start3A_150 = tpu.memref_slice %dma_start3A_147[%dma_start3A_148, %dma_start3A_149] : memref<10000x64xbf16, #tpu.memory_space<hbm>> -> memref<10000x64xbf16, #tpu.memory_space<hbm>>
    tpu.enqueue_indirect_dma source(%dma_start3A_150 : memref<10000x64xbf16, #tpu.memory_space<hbm>>) target(%arg9 : memref<200x64xbf16, #tpu.memory_space<vmem>>) offsets(%dma_start3A_143 : memref<200xi32, #tpu.memory_space<vmem>>) semaphore(%arg15 : memref<!tpu.dma_semaphore, #tpu.memory_space<semaphore_mem>>)
    %dma_start3A_151 = arith.constant 1 : i32
    %dma_start3A_152 = arith.constant 200 : i32
    %dma_start3A_153 = tpu.memref_slice %arg6[%dma_start3A_152] : memref<10000xi32, #tpu.memory_space<vmem>> -> memref<200xi32, #tpu.memory_space<vmem>>
    %dma_start3A_154 = arith.constant 0 : i32
    %dma_start3A_155 = arith.constant 0 : i32
    %dma_start3A_156 = tpu.memref_slice %arg4[%dma_start3A_151, %dma_start3A_154, %dma_start3A_155] : memref<3x10000x64xbf16, #tpu.memory_space<hbm>> -> memref<1x10000x64xbf16, #tpu.memory_space<hbm>>
    %dma_start3A_157 = tpu.memref_squeeze %dma_start3A_156 : memref<1x10000x64xbf16, #tpu.memory_space<hbm>> -> memref<10000x64xbf16, #tpu.memory_space<hbm>>
    %dma_start3A_158 = arith.constant 0 : i32
    %dma_start3A_159 = arith.constant 0 : i32
    %dma_start3A_160 = tpu.memref_slice %dma_start3A_157[%dma_start3A_158, %dma_start3A_159] : memref<10000x64xbf16, #tpu.memory_space<hbm>> -> memref<10000x64xbf16, #tpu.memory_space<hbm>>
    tpu.enqueue_indirect_dma source(%dma_start3A_160 : memref<10000x64xbf16, #tpu.memory_space<hbm>>) target(%arg10 : memref<200x64xbf16, #tpu.memory_space<vmem>>) offsets(%dma_start3A_153 : memref<200xi32, #tpu.memory_space<vmem>>) semaphore(%arg16 : memref<!tpu.dma_semaphore, #tpu.memory_space<semaphore_mem>>)
    %dma_wait3A_161 = arith.constant 1 : i32
    %dma_wait3A_162 = arith.constant 0 : i32
    %dma_wait3A_163 = tpu.memref_slice %arg6[%dma_wait3A_162] : memref<10000xi32, #tpu.memory_space<vmem>> -> memref<200xi32, #tpu.memory_space<vmem>>
    %dma_wait3A_164 = arith.constant 0 : i32
    %dma_wait3A_165 = arith.constant 0 : i32
    %dma_wait3A_166 = tpu.memref_slice %arg4[%dma_wait3A_161, %dma_wait3A_164, %dma_wait3A_165] : memref<3x10000x64xbf16, #tpu.memory_space<hbm>> -> memref<1x10000x64xbf16, #tpu.memory_space<hbm>>
    %dma_wait3A_167 = tpu.memref_squeeze %dma_wait3A_166 : memref<1x10000x64xbf16, #tpu.memory_space<hbm>> -> memref<10000x64xbf16, #tpu.memory_space<hbm>>
    %dma_wait3A_168 = arith.constant 0 : i32
    %dma_wait3A_169 = arith.constant 0 : i32
    %dma_wait3A_170 = tpu.memref_slice %dma_wait3A_167[%dma_wait3A_168, %dma_wait3A_169] : memref<10000x64xbf16, #tpu.memory_space<hbm>> -> memref<10000x64xbf16, #tpu.memory_space<hbm>>
    tpu.wait_indirect_dma semaphore(%arg15 : memref<!tpu.dma_semaphore, #tpu.memory_space<semaphore_mem>>) src(%dma_wait3A_170 : memref<10000x64xbf16, #tpu.memory_space<hbm>>) dst(%arg9 : memref<200x64xbf16, #tpu.memory_space<vmem>>)
    %parallel_loop3A_171 = arith.constant 0 : i32
    %parallel_loop3A_172 = arith.constant 200 : i32
    %parallel_loop3A_173 = arith.constant 1 : i32
    scf.for %parallel_loop3A_358 = %parallel_loop3A_171 to %parallel_loop3A_172 step %parallel_loop3A_173  : i32 {
      %parallel_loop3A_359 = arith.constant 0 : i32
      %parallel_loop3A_360 = arith.addi %parallel_loop3A_359, %parallel_loop3A_358 : i32
      %parallel_loop3A_361 = vector.broadcast %parallel_loop3A_360 : i32 to vector<16xi32>
      %parallel_loop3A_362 = tpu.vector_load_idx %arg8[%parallel_loop3A_361] : memref<10000xf32, #tpu.memory_space<vmem>>[vector<16xi32>], vector<16xf32>,
      %parallel_loop3A_363 = arith.index_cast %parallel_loop3A_358 : i32 to index
      %parallel_loop3A_364 = arith.constant 0 : index
      %parallel_loop3A_365 = tpu.vector_load %arg9[%parallel_loop3A_363, %parallel_loop3A_364] {strides = array<i32>} : memref<200x64xbf16, #tpu.memory_space<vmem>>, vector<32xbf16>,
      %parallel_loop3A_366 = tpu.unpack_subelements %parallel_loop3A_365, 0 {pack_format = #tpu.pack_format<interleaved>} : vector<32xbf16> -> vector<16xf32>
      %parallel_loop3A_367 = tpu.unpack_subelements %parallel_loop3A_365, 1 {pack_format = #tpu.pack_format<interleaved>} : vector<32xbf16> -> vector<16xf32>
      %parallel_loop3A_368 = arith.mulf %parallel_loop3A_366, %parallel_loop3A_362 : vector<16xf32>
      %parallel_loop3A_369 = arith.index_cast %parallel_loop3A_358 : i32 to index
      %parallel_loop3A_370 = arith.constant 0 : index
      %parallel_loop3A_371 = tpu.vector_load %arg11[%parallel_loop3A_369, %parallel_loop3A_370] {strides = array<i32>} : memref<200x64xf32, #tpu.memory_space<vmem>>, vector<16xf32>,
      tpu.vector_store %arg11[%parallel_loop3A_369, %parallel_loop3A_370], %parallel_loop3A_368 {strides = array<i32>} : memref<200x64xf32, #tpu.memory_space<vmem>>, vector<16xf32>,
      %parallel_loop3A_372 = arith.mulf %parallel_loop3A_367, %parallel_loop3A_362 : vector<16xf32>
      %parallel_loop3A_373 = arith.index_cast %parallel_loop3A_358 : i32 to index
      %parallel_loop3A_374 = arith.constant 16 : index
      %parallel_loop3A_375 = tpu.vector_load %arg11[%parallel_loop3A_373, %parallel_loop3A_374] {strides = array<i32>} : memref<200x64xf32, #tpu.memory_space<vmem>>, vector<16xf32>,
      tpu.vector_store %arg11[%parallel_loop3A_373, %parallel_loop3A_374], %parallel_loop3A_372 {strides = array<i32>} : memref<200x64xf32, #tpu.memory_space<vmem>>, vector<16xf32>,
      %parallel_loop3A_376 = arith.index_cast %parallel_loop3A_358 : i32 to index
      %parallel_loop3A_377 = arith.constant 32 : index
      %parallel_loop3A_378 = tpu.vector_load %arg9[%parallel_loop3A_376, %parallel_loop3A_377] {strides = array<i32>} : memref<200x64xbf16, #tpu.memory_space<vmem>>, vector<32xbf16>,
      %parallel_loop3A_379 = tpu.unpack_subelements %parallel_loop3A_378, 0 {pack_format = #tpu.pack_format<interleaved>} : vector<32xbf16> -> vector<16xf32>
      %parallel_loop3A_380 = tpu.unpack_subelements %parallel_loop3A_378, 1 {pack_format = #tpu.pack_format<interleaved>} : vector<32xbf16> -> vector<16xf32>
      %parallel_loop3A_381 = arith.mulf %parallel_loop3A_379, %parallel_loop3A_362 : vector<16xf32>
      %parallel_loop3A_382 = arith.index_cast %parallel_loop3A_358 : i32 to index
      %parallel_loop3A_383 = arith.constant 32 : index
      %parallel_loop3A_384 = tpu.vector_load %arg11[%parallel_loop3A_382, %parallel_loop3A_383] {strides = array<i32>} : memref<200x64xf32, #tpu.memory_space<vmem>>, vector<16xf32>,
      tpu.vector_store %arg11[%parallel_loop3A_382, %parallel_loop3A_383], %parallel_loop3A_381 {strides = array<i32>} : memref<200x64xf32, #tpu.memory_space<vmem>>, vector<16xf32>,
      %parallel_loop3A_385 = arith.mulf %parallel_loop3A_380, %parallel_loop3A_362 : vector<16xf32>
      %parallel_loop3A_386 = arith.index_cast %parallel_loop3A_358 : i32 to index
      %parallel_loop3A_387 = arith.constant 48 : index
      %parallel_loop3A_388 = tpu.vector_load %arg11[%parallel_loop3A_386, %parallel_loop3A_387] {strides = array<i32>} : memref<200x64xf32, #tpu.memory_space<vmem>>, vector<16xf32>,
      tpu.vector_store %arg11[%parallel_loop3A_386, %parallel_loop3A_387], %parallel_loop3A_385 {strides = array<i32>} : memref<200x64xf32, #tpu.memory_space<vmem>>, vector<16xf32>,
    } {sc.loop_unroll_factor = 4 : i64, sc.parallel_access}
    %dma_start3A_174 = arith.constant 1 : i32
    %dma_start3A_175 = arith.constant 400 : i32
    %dma_start3A_176 = tpu.memref_slice %arg6[%dma_start3A_175] : memref<10000xi32, #tpu.memory_space<vmem>> -> memref<200xi32, #tpu.memory_space<vmem>>
    %dma_start3A_177 = arith.constant 0 : i32
    %dma_start3A_178 = arith.constant 0 : i32
    %dma_start3A_179 = tpu.memref_slice %arg4[%dma_start3A_174, %dma_start3A_177, %dma_start3A_178] : memref<3x10000x64xbf16, #tpu.memory_space<hbm>> -> memref<1x10000x64xbf16, #tpu.memory_space<hbm>>
    %dma_start3A_180 = tpu.memref_squeeze %dma_start3A_179 : memref<1x10000x64xbf16, #tpu.memory_space<hbm>> -> memref<10000x64xbf16, #tpu.memory_space<hbm>>
    %dma_start3A_181 = arith.constant 0 : i32
    %dma_start3A_182 = arith.constant 0 : i32
    %dma_start3A_183 = tpu.memref_slice %dma_start3A_180[%dma_start3A_181, %dma_start3A_182] : memref<10000x64xbf16, #tpu.memory_space<hbm>> -> memref<10000x64xbf16, #tpu.memory_space<hbm>>
    tpu.enqueue_indirect_dma source(%dma_start3A_183 : memref<10000x64xbf16, #tpu.memory_space<hbm>>) target(%arg9 : memref<200x64xbf16, #tpu.memory_space<vmem>>) offsets(%dma_start3A_176 : memref<200xi32, #tpu.memory_space<vmem>>) semaphore(%arg15 : memref<!tpu.dma_semaphore, #tpu.memory_space<semaphore_mem>>)
    %dma_start3A_184 = arith.constant 0 : i32
    %dma_start3A_185 = tpu.memref_slice %arg7[%dma_start3A_184] : memref<10000xi32, #tpu.memory_space<vmem>> -> memref<200xi32, #tpu.memory_space<vmem>>
    %dma_start3A_186 = arith.constant 0 : i32
    %dma_start3A_187 = arith.constant 0 : i32
    %dma_start3A_188 = tpu.memref_slice %arg14[%dma_start3A_186, %dma_start3A_187] : memref<10000x64xf32, #tpu.memory_space<vmem_shared>> -> memref<10000x64xf32, #tpu.memory_space<vmem_shared>>
    tpu.enqueue_indirect_dma source(%arg11 : memref<200x64xf32, #tpu.memory_space<vmem>>) target(%dma_start3A_188 : memref<10000x64xf32, #tpu.memory_space<vmem_shared>>) offsets(%dma_start3A_185 : memref<200xi32, #tpu.memory_space<vmem>>) semaphore(%arg17 : memref<!tpu.dma_semaphore, #tpu.memory_space<semaphore_mem>>) {add = true}
    %dma_wait3A_189 = arith.constant 1 : i32
    %dma_wait3A_190 = arith.constant 200 : i32
    %dma_wait3A_191 = tpu.memref_slice %arg6[%dma_wait3A_190] : memref<10000xi32, #tpu.memory_space<vmem>> -> memref<200xi32, #tpu.memory_space<vmem>>
    %dma_wait3A_192 = arith.constant 0 : i32
    %dma_wait3A_193 = arith.constant 0 : i32
    %dma_wait3A_194 = tpu.memref_slice %arg4[%dma_wait3A_189, %dma_wait3A_192, %dma_wait3A_193] : memref<3x10000x64xbf16, #tpu.memory_space<hbm>> -> memref<1x10000x64xbf16, #tpu.memory_space<hbm>>
    %dma_wait3A_195 = tpu.memref_squeeze %dma_wait3A_194 : memref<1x10000x64xbf16, #tpu.memory_space<hbm>> -> memref<10000x64xbf16, #tpu.memory_space<hbm>>
    %dma_wait3A_196 = arith.constant 0 : i32
    %dma_wait3A_197 = arith.constant 0 : i32
    %dma_wait3A_198 = tpu.memref_slice %dma_wait3A_195[%dma_wait3A_196, %dma_wait3A_197] : memref<10000x64xbf16, #tpu.memory_space<hbm>> -> memref<10000x64xbf16, #tpu.memory_space<hbm>>
    tpu.wait_indirect_dma semaphore(%arg16 : memref<!tpu.dma_semaphore, #tpu.memory_space<semaphore_mem>>) src(%dma_wait3A_198 : memref<10000x64xbf16, #tpu.memory_space<hbm>>) dst(%arg10 : memref<200x64xbf16, #tpu.memory_space<vmem>>)
    %parallel_loop3A_199 = arith.constant 0 : i32
    %parallel_loop3A_200 = arith.constant 200 : i32
    %parallel_loop3A_201 = arith.constant 1 : i32
    scf.for %parallel_loop3A_358 = %parallel_loop3A_199 to %parallel_loop3A_200 step %parallel_loop3A_201  : i32 {
      %parallel_loop3A_359 = arith.constant 200 : i32
      %parallel_loop3A_360 = arith.addi %parallel_loop3A_359, %parallel_loop3A_358 : i32
      %parallel_loop3A_361 = vector.broadcast %parallel_loop3A_360 : i32 to vector<16xi32>
      %parallel_loop3A_362 = tpu.vector_load_idx %arg8[%parallel_loop3A_361] : memref<10000xf32, #tpu.memory_space<vmem>>[vector<16xi32>], vector<16xf32>,
      %parallel_loop3A_363 = arith.index_cast %parallel_loop3A_358 : i32 to index
      %parallel_loop3A_364 = arith.constant 0 : index
      %parallel_loop3A_365 = tpu.vector_load %arg10[%parallel_loop3A_363, %parallel_loop3A_364] {strides = array<i32>} : memref<200x64xbf16, #tpu.memory_space<vmem>>, vector<32xbf16>,
      %parallel_loop3A_366 = tpu.unpack_subelements %parallel_loop3A_365, 0 {pack_format = #tpu.pack_format<interleaved>} : vector<32xbf16> -> vector<16xf32>
      %parallel_loop3A_367 = tpu.unpack_subelements %parallel_loop3A_365, 1 {pack_format = #tpu.pack_format<interleaved>} : vector<32xbf16> -> vector<16xf32>
      %parallel_loop3A_368 = arith.mulf %parallel_loop3A_366, %parallel_loop3A_362 : vector<16xf32>
      %parallel_loop3A_369 = arith.index_cast %parallel_loop3A_358 : i32 to index
      %parallel_loop3A_370 = arith.constant 0 : index
      %parallel_loop3A_371 = tpu.vector_load %arg12[%parallel_loop3A_369, %parallel_loop3A_370] {strides = array<i32>} : memref<200x64xf32, #tpu.memory_space<vmem>>, vector<16xf32>,
      tpu.vector_store %arg12[%parallel_loop3A_369, %parallel_loop3A_370], %parallel_loop3A_368 {strides = array<i32>} : memref<200x64xf32, #tpu.memory_space<vmem>>, vector<16xf32>,
      %parallel_loop3A_372 = arith.mulf %parallel_loop3A_367, %parallel_loop3A_362 : vector<16xf32>
      %parallel_loop3A_373 = arith.index_cast %parallel_loop3A_358 : i32 to index
      %parallel_loop3A_374 = arith.constant 16 : index
      %parallel_loop3A_375 = tpu.vector_load %arg12[%parallel_loop3A_373, %parallel_loop3A_374] {strides = array<i32>} : memref<200x64xf32, #tpu.memory_space<vmem>>, vector<16xf32>,
      tpu.vector_store %arg12[%parallel_loop3A_373, %parallel_loop3A_374], %parallel_loop3A_372 {strides = array<i32>} : memref<200x64xf32, #tpu.memory_space<vmem>>, vector<16xf32>,
      %parallel_loop3A_376 = arith.index_cast %parallel_loop3A_358 : i32 to index
      %parallel_loop3A_377 = arith.constant 32 : index
      %parallel_loop3A_378 = tpu.vector_load %arg10[%parallel_loop3A_376, %parallel_loop3A_377] {strides = array<i32>} : memref<200x64xbf16, #tpu.memory_space<vmem>>, vector<32xbf16>,
      %parallel_loop3A_379 = tpu.unpack_subelements %parallel_loop3A_378, 0 {pack_format = #tpu.pack_format<interleaved>} : vector<32xbf16> -> vector<16xf32>
      %parallel_loop3A_380 = tpu.unpack_subelements %parallel_loop3A_378, 1 {pack_format = #tpu.pack_format<interleaved>} : vector<32xbf16> -> vector<16xf32>
      %parallel_loop3A_381 = arith.mulf %parallel_loop3A_379, %parallel_loop3A_362 : vector<16xf32>
      %parallel_loop3A_382 = arith.index_cast %parallel_loop3A_358 : i32 to index
      %parallel_loop3A_383 = arith.constant 32 : index
      %parallel_loop3A_384 = tpu.vector_load %arg12[%parallel_loop3A_382, %parallel_loop3A_383] {strides = array<i32>} : memref<200x64xf32, #tpu.memory_space<vmem>>, vector<16xf32>,
      tpu.vector_store %arg12[%parallel_loop3A_382, %parallel_loop3A_383], %parallel_loop3A_381 {strides = array<i32>} : memref<200x64xf32, #tpu.memory_space<vmem>>, vector<16xf32>,
      %parallel_loop3A_385 = arith.mulf %parallel_loop3A_380, %parallel_loop3A_362 : vector<16xf32>
      %parallel_loop3A_386 = arith.index_cast %parallel_loop3A_358 : i32 to index
      %parallel_loop3A_387 = arith.constant 48 : index
      %parallel_loop3A_388 = tpu.vector_load %arg12[%parallel_loop3A_386, %parallel_loop3A_387] {strides = array<i32>} : memref<200x64xf32, #tpu.memory_space<vmem>>, vector<16xf32>,
      tpu.vector_store %arg12[%parallel_loop3A_386, %parallel_loop3A_387], %parallel_loop3A_385 {strides = array<i32>} : memref<200x64xf32, #tpu.memory_space<vmem>>, vector<16xf32>,
    } {sc.loop_unroll_factor = 4 : i64, sc.parallel_access}
    %dma_start3A_202 = arith.constant 1 : i32
    %dma_start3A_203 = arith.constant 600 : i32
    %dma_start3A_204 = tpu.memref_slice %arg6[%dma_start3A_203] : memref<10000xi32, #tpu.memory_space<vmem>> -> memref<200xi32, #tpu.memory_space<vmem>>
    %dma_start3A_205 = arith.constant 0 : i32
    %dma_start3A_206 = arith.constant 0 : i32
    %dma_start3A_207 = tpu.memref_slice %arg4[%dma_start3A_202, %dma_start3A_205, %dma_start3A_206] : memref<3x10000x64xbf16, #tpu.memory_space<hbm>> -> memref<1x10000x64xbf16, #tpu.memory_space<hbm>>
    %dma_start3A_208 = tpu.memref_squeeze %dma_start3A_207 : memref<1x10000x64xbf16, #tpu.memory_space<hbm>> -> memref<10000x64xbf16, #tpu.memory_space<hbm>>
    %dma_start3A_209 = arith.constant 0 : i32
    %dma_start3A_210 = arith.constant 0 : i32
    %dma_start3A_211 = tpu.memref_slice %dma_start3A_208[%dma_start3A_209, %dma_start3A_210] : memref<10000x64xbf16, #tpu.memory_space<hbm>> -> memref<10000x64xbf16, #tpu.memory_space<hbm>>
    tpu.enqueue_indirect_dma source(%dma_start3A_211 : memref<10000x64xbf16, #tpu.memory_space<hbm>>) target(%arg10 : memref<200x64xbf16, #tpu.memory_space<vmem>>) offsets(%dma_start3A_204 : memref<200xi32, #tpu.memory_space<vmem>>) semaphore(%arg16 : memref<!tpu.dma_semaphore, #tpu.memory_space<semaphore_mem>>)
    %dma_start3A_212 = arith.constant 200 : i32
    %dma_start3A_213 = tpu.memref_slice %arg7[%dma_start3A_212] : memref<10000xi32, #tpu.memory_space<vmem>> -> memref<200xi32, #tpu.memory_space<vmem>>
    %dma_start3A_214 = arith.constant 0 : i32
    %dma_start3A_215 = arith.constant 0 : i32
    %dma_start3A_216 = tpu.memref_slice %arg14[%dma_start3A_214, %dma_start3A_215] : memref<10000x64xf32, #tpu.memory_space<vmem_shared>> -> memref<10000x64xf32, #tpu.memory_space<vmem_shared>>
    tpu.enqueue_indirect_dma source(%arg12 : memref<200x64xf32, #tpu.memory_space<vmem>>) target(%dma_start3A_216 : memref<10000x64xf32, #tpu.memory_space<vmem_shared>>) offsets(%dma_start3A_213 : memref<200xi32, #tpu.memory_space<vmem>>) semaphore(%arg18 : memref<!tpu.dma_semaphore, #tpu.memory_space<semaphore_mem>>) {add = true}
    %scan3A_217 = arith.constant 1 : i32
    %scan3A_218 = arith.constant 0 : i32
    %scan3A_219 = arith.constant 1 : i32
    %scan3A_220 = arith.constant 24 : i32
    %scan3A_221 = arith.addi %scan3A_219, %scan3A_220 : i32
    %scan3A_222 = arith.constant 1 : i32
    %scan3A_223 = scf.for %scan3A_358 = %scan3A_219 to %scan3A_221 step %scan3A_222 iter_args(%scan3A_359 = %scan3A_218) -> (i32)  : i32 {
      %mul3A_360 = arith.constant 2 : i32
      %mul3A_361 = arith.muli %mul3A_360, %scan3A_358 : i32
      %add3A_362 = arith.constant 0 : i32
      %add3A_363 = arith.addi %mul3A_361, %add3A_362 : i32
      %mul3A_364 = arith.constant 200 : i32
      %mul3A_365 = arith.muli %add3A_363, %mul3A_364 : i32
      %dma_wait3A_366 = tpu.memref_slice %arg6[%mul3A_365] : memref<10000xi32, #tpu.memory_space<vmem>> -> memref<200xi32, #tpu.memory_space<vmem>>
      %dma_wait3A_367 = arith.constant 0 : i32
      %dma_wait3A_368 = arith.constant 0 : i32
      %dma_wait3A_369 = tpu.memref_slice %arg4[%scan3A_217, %dma_wait3A_367, %dma_wait3A_368] : memref<3x10000x64xbf16, #tpu.memory_space<hbm>> -> memref<1x10000x64xbf16, #tpu.memory_space<hbm>>
      %dma_wait3A_370 = tpu.memref_squeeze %dma_wait3A_369 : memref<1x10000x64xbf16, #tpu.memory_space<hbm>> -> memref<10000x64xbf16, #tpu.memory_space<hbm>>
      %dma_wait3A_371 = arith.constant 0 : i32
      %dma_wait3A_372 = arith.constant 0 : i32
      %dma_wait3A_373 = tpu.memref_slice %dma_wait3A_370[%dma_wait3A_371, %dma_wait3A_372] : memref<10000x64xbf16, #tpu.memory_space<hbm>> -> memref<10000x64xbf16, #tpu.memory_space<hbm>>
      tpu.wait_indirect_dma semaphore(%arg15 : memref<!tpu.dma_semaphore, #tpu.memory_space<semaphore_mem>>) src(%dma_wait3A_373 : memref<10000x64xbf16, #tpu.memory_space<hbm>>) dst(%arg9 : memref<200x64xbf16, #tpu.memory_space<vmem>>)
      %sub3A = arith.constant 2 : i32
      %sub3A_374 = arith.subi %add3A_363, %sub3A : i32
      %mul3A_375 = arith.constant 200 : i32
      %mul3A_376 = arith.muli %sub3A_374, %mul3A_375 : i32
      %dma_wait3A_377 = tpu.memref_slice %arg7[%mul3A_376] : memref<10000xi32, #tpu.memory_space<vmem>> -> memref<200xi32, #tpu.memory_space<vmem>>
      %dma_wait3A_378 = arith.constant 0 : i32
      %dma_wait3A_379 = arith.constant 0 : i32
      %dma_wait3A_380 = tpu.memref_slice %arg14[%dma_wait3A_378, %dma_wait3A_379] : memref<10000x64xf32, #tpu.memory_space<vmem_shared>> -> memref<10000x64xf32, #tpu.memory_space<vmem_shared>>
      tpu.wait_indirect_dma semaphore(%arg17 : memref<!tpu.dma_semaphore, #tpu.memory_space<semaphore_mem>>) src(%arg11 : memref<200x64xf32, #tpu.memory_space<vmem>>) dst(%dma_wait3A_380 : memref<10000x64xf32, #tpu.memory_space<vmem_shared>>)
      %mul3A_381 = arith.constant 200 : i32
      %mul3A_382 = arith.muli %add3A_363, %mul3A_381 : i32
      %parallel_loop3A_383 = arith.constant 0 : i32
      %parallel_loop3A_384 = arith.constant 200 : i32
      %parallel_loop3A_385 = arith.constant 1 : i32
      scf.for %parallel_loop3A_435 = %parallel_loop3A_383 to %parallel_loop3A_384 step %parallel_loop3A_385  : i32 {
        %parallel_loop3A_436 = arith.addi %mul3A_382, %parallel_loop3A_435 : i32
        %parallel_loop3A_437 = vector.broadcast %parallel_loop3A_436 : i32 to vector<16xi32>
        %parallel_loop3A_438 = tpu.vector_load_idx %arg8[%parallel_loop3A_437] : memref<10000xf32, #tpu.memory_space<vmem>>[vector<16xi32>], vector<16xf32>,
        %parallel_loop3A_439 = arith.index_cast %parallel_loop3A_435 : i32 to index
        %parallel_loop3A_440 = arith.constant 0 : index
        %parallel_loop3A_441 = tpu.vector_load %arg9[%parallel_loop3A_439, %parallel_loop3A_440] {strides = array<i32>} : memref<200x64xbf16, #tpu.memory_space<vmem>>, vector<32xbf16>,
        %parallel_loop3A_442 = tpu.unpack_subelements %parallel_loop3A_441, 0 {pack_format = #tpu.pack_format<interleaved>} : vector<32xbf16> -> vector<16xf32>
        %parallel_loop3A_443 = tpu.unpack_subelements %parallel_loop3A_441, 1 {pack_format = #tpu.pack_format<interleaved>} : vector<32xbf16> -> vector<16xf32>
        %parallel_loop3A_444 = arith.mulf %parallel_loop3A_442, %parallel_loop3A_438 : vector<16xf32>
        %parallel_loop3A_445 = arith.index_cast %parallel_loop3A_435 : i32 to index
        %parallel_loop3A_446 = arith.constant 0 : index
        %parallel_loop3A_447 = tpu.vector_load %arg11[%parallel_loop3A_445, %parallel_loop3A_446] {strides = array<i32>} : memref<200x64xf32, #tpu.memory_space<vmem>>, vector<16xf32>,
        tpu.vector_store %arg11[%parallel_loop3A_445, %parallel_loop3A_446], %parallel_loop3A_444 {strides = array<i32>} : memref<200x64xf32, #tpu.memory_space<vmem>>, vector<16xf32>,
        %parallel_loop3A_448 = arith.mulf %parallel_loop3A_443, %parallel_loop3A_438 : vector<16xf32>
        %parallel_loop3A_449 = arith.index_cast %parallel_loop3A_435 : i32 to index
        %parallel_loop3A_450 = arith.constant 16 : index
        %parallel_loop3A_451 = tpu.vector_load %arg11[%parallel_loop3A_449, %parallel_loop3A_450] {strides = array<i32>} : memref<200x64xf32, #tpu.memory_space<vmem>>, vector<16xf32>,
        tpu.vector_store %arg11[%parallel_loop3A_449, %parallel_loop3A_450], %parallel_loop3A_448 {strides = array<i32>} : memref<200x64xf32, #tpu.memory_space<vmem>>, vector<16xf32>,
        %parallel_loop3A_452 = arith.index_cast %parallel_loop3A_435 : i32 to index
        %parallel_loop3A_453 = arith.constant 32 : index
        %parallel_loop3A_454 = tpu.vector_load %arg9[%parallel_loop3A_452, %parallel_loop3A_453] {strides = array<i32>} : memref<200x64xbf16, #tpu.memory_space<vmem>>, vector<32xbf16>,
        %parallel_loop3A_455 = tpu.unpack_subelements %parallel_loop3A_454, 0 {pack_format = #tpu.pack_format<interleaved>} : vector<32xbf16> -> vector<16xf32>
        %parallel_loop3A_456 = tpu.unpack_subelements %parallel_loop3A_454, 1 {pack_format = #tpu.pack_format<interleaved>} : vector<32xbf16> -> vector<16xf32>
        %parallel_loop3A_457 = arith.mulf %parallel_loop3A_455, %parallel_loop3A_438 : vector<16xf32>
        %parallel_loop3A_458 = arith.index_cast %parallel_loop3A_435 : i32 to index
        %parallel_loop3A_459 = arith.constant 32 : index
        %parallel_loop3A_460 = tpu.vector_load %arg11[%parallel_loop3A_458, %parallel_loop3A_459] {strides = array<i32>} : memref<200x64xf32, #tpu.memory_space<vmem>>, vector<16xf32>,
        tpu.vector_store %arg11[%parallel_loop3A_458, %parallel_loop3A_459], %parallel_loop3A_457 {strides = array<i32>} : memref<200x64xf32, #tpu.memory_space<vmem>>, vector<16xf32>,
        %parallel_loop3A_461 = arith.mulf %parallel_loop3A_456, %parallel_loop3A_438 : vector<16xf32>
        %parallel_loop3A_462 = arith.index_cast %parallel_loop3A_435 : i32 to index
        %parallel_loop3A_463 = arith.constant 48 : index
        %parallel_loop3A_464 = tpu.vector_load %arg11[%parallel_loop3A_462, %parallel_loop3A_463] {strides = array<i32>} : memref<200x64xf32, #tpu.memory_space<vmem>>, vector<16xf32>,
        tpu.vector_store %arg11[%parallel_loop3A_462, %parallel_loop3A_463], %parallel_loop3A_461 {strides = array<i32>} : memref<200x64xf32, #tpu.memory_space<vmem>>, vector<16xf32>,
      } {sc.loop_unroll_factor = 4 : i64, sc.parallel_access}
      %add3A_386 = arith.constant 2 : i32
      %add3A_387 = arith.addi %add3A_363, %add3A_386 : i32
      %lt3A = arith.constant 50 : i32
      %lt3A_388 = arith.cmpi slt, %add3A_387, %lt3A : i32
      %convert_element_type3A = arith.extui %lt3A_388 : i1 to i32
      %cond3A = arith.constant 0 : i32
      %cond3A_389 = arith.cmpi ne, %convert_element_type3A, %cond3A : i32
      scf.if %cond3A_389 {
        %add3A_435 = arith.constant 2 : i32
        %add3A_436 = arith.addi %add3A_363, %add3A_435 : i32
        %mul3A_437 = arith.constant 200 : i32
        %mul3A_438 = arith.muli %add3A_436, %mul3A_437 : i32
        %dma_start3A_439 = tpu.memref_slice %arg6[%mul3A_438] : memref<10000xi32, #tpu.memory_space<vmem>> -> memref<200xi32, #tpu.memory_space<vmem>>
        %dma_start3A_440 = arith.constant 0 : i32
        %dma_start3A_441 = arith.constant 0 : i32
        %dma_start3A_442 = tpu.memref_slice %arg4[%scan3A_217, %dma_start3A_440, %dma_start3A_441] : memref<3x10000x64xbf16, #tpu.memory_space<hbm>> -> memref<1x10000x64xbf16, #tpu.memory_space<hbm>>
        %dma_start3A_443 = tpu.memref_squeeze %dma_start3A_442 : memref<1x10000x64xbf16, #tpu.memory_space<hbm>> -> memref<10000x64xbf16, #tpu.memory_space<hbm>>
        %dma_start3A_444 = arith.constant 0 : i32
        %dma_start3A_445 = arith.constant 0 : i32
        %dma_start3A_446 = tpu.memref_slice %dma_start3A_443[%dma_start3A_444, %dma_start3A_445] : memref<10000x64xbf16, #tpu.memory_space<hbm>> -> memref<10000x64xbf16, #tpu.memory_space<hbm>>
        tpu.enqueue_indirect_dma source(%dma_start3A_446 : memref<10000x64xbf16, #tpu.memory_space<hbm>>) target(%arg9 : memref<200x64xbf16, #tpu.memory_space<vmem>>) offsets(%dma_start3A_439 : memref<200xi32, #tpu.memory_space<vmem>>) semaphore(%arg15 : memref<!tpu.dma_semaphore, #tpu.memory_space<semaphore_mem>>)
      } else {
      }
      %mul3A_390 = arith.constant 200 : i32
      %mul3A_391 = arith.muli %add3A_363, %mul3A_390 : i32
      %dma_start3A_392 = tpu.memref_slice %arg7[%mul3A_391] : memref<10000xi32, #tpu.memory_space<vmem>> -> memref<200xi32, #tpu.memory_space<vmem>>
      %dma_start3A_393 = arith.constant 0 : i32
      %dma_start3A_394 = arith.constant 0 : i32
      %dma_start3A_395 = tpu.memref_slice %arg14[%dma_start3A_393, %dma_start3A_394] : memref<10000x64xf32, #tpu.memory_space<vmem_shared>> -> memref<10000x64xf32, #tpu.memory_space<vmem_shared>>
      tpu.enqueue_indirect_dma source(%arg11 : memref<200x64xf32, #tpu.memory_space<vmem>>) target(%dma_start3A_395 : memref<10000x64xf32, #tpu.memory_space<vmem_shared>>) offsets(%dma_start3A_392 : memref<200xi32, #tpu.memory_space<vmem>>) semaphore(%arg17 : memref<!tpu.dma_semaphore, #tpu.memory_space<semaphore_mem>>) {add = true}
      %add3A_396 = arith.constant 1 : i32
      %add3A_397 = arith.addi %mul3A_361, %add3A_396 : i32
      %mul3A_398 = arith.constant 200 : i32
      %mul3A_399 = arith.muli %add3A_397, %mul3A_398 : i32
      %dma_wait3A_400 = tpu.memref_slice %arg6[%mul3A_399] : memref<10000xi32, #tpu.memory_space<vmem>> -> memref<200xi32, #tpu.memory_space<vmem>>
      %dma_wait3A_401 = arith.constant 0 : i32
      %dma_wait3A_402 = arith.constant 0 : i32
      %dma_wait3A_403 = tpu.memref_slice %arg4[%scan3A_217, %dma_wait3A_401, %dma_wait3A_402] : memref<3x10000x64xbf16, #tpu.memory_space<hbm>> -> memref<1x10000x64xbf16, #tpu.memory_space<hbm>>
      %dma_wait3A_404 = tpu.memref_squeeze %dma_wait3A_403 : memref<1x10000x64xbf16, #tpu.memory_space<hbm>> -> memref<10000x64xbf16, #tpu.memory_space<hbm>>
      %dma_wait3A_405 = arith.constant 0 : i32
      %dma_wait3A_406 = arith.constant 0 : i32
      %dma_wait3A_407 = tpu.memref_slice %dma_wait3A_404[%dma_wait3A_405, %dma_wait3A_406] : memref<10000x64xbf16, #tpu.memory_space<hbm>> -> memref<10000x64xbf16, #tpu.memory_space<hbm>>
      tpu.wait_indirect_dma semaphore(%arg16 : memref<!tpu.dma_semaphore, #tpu.memory_space<semaphore_mem>>) src(%dma_wait3A_407 : memref<10000x64xbf16, #tpu.memory_space<hbm>>) dst(%arg10 : memref<200x64xbf16, #tpu.memory_space<vmem>>)
      %sub3A_408 = arith.constant 2 : i32
      %sub3A_409 = arith.subi %add3A_397, %sub3A_408 : i32
      %mul3A_410 = arith.constant 200 : i32
      %mul3A_411 = arith.muli %sub3A_409, %mul3A_410 : i32
      %dma_wait3A_412 = tpu.memref_slice %arg7[%mul3A_411] : memref<10000xi32, #tpu.memory_space<vmem>> -> memref<200xi32, #tpu.memory_space<vmem>>
      %dma_wait3A_413 = arith.constant 0 : i32
      %dma_wait3A_414 = arith.constant 0 : i32
      %dma_wait3A_415 = tpu.memref_slice %arg14[%dma_wait3A_413, %dma_wait3A_414] : memref<10000x64xf32, #tpu.memory_space<vmem_shared>> -> memref<10000x64xf32, #tpu.memory_space<vmem_shared>>
      tpu.wait_indirect_dma semaphore(%arg18 : memref<!tpu.dma_semaphore, #tpu.memory_space<semaphore_mem>>) src(%arg12 : memref<200x64xf32, #tpu.memory_space<vmem>>) dst(%dma_wait3A_415 : memref<10000x64xf32, #tpu.memory_space<vmem_shared>>)
      %mul3A_416 = arith.constant 200 : i32
      %mul3A_417 = arith.muli %add3A_397, %mul3A_416 : i32
      %parallel_loop3A_418 = arith.constant 0 : i32
      %parallel_loop3A_419 = arith.constant 200 : i32
      %parallel_loop3A_420 = arith.constant 1 : i32
      scf.for %parallel_loop3A_435 = %parallel_loop3A_418 to %parallel_loop3A_419 step %parallel_loop3A_420  : i32 {
        %parallel_loop3A_436 = arith.addi %mul3A_417, %parallel_loop3A_435 : i32
        %parallel_loop3A_437 = vector.broadcast %parallel_loop3A_436 : i32 to vector<16xi32>
        %parallel_loop3A_438 = tpu.vector_load_idx %arg8[%parallel_loop3A_437] : memref<10000xf32, #tpu.memory_space<vmem>>[vector<16xi32>], vector<16xf32>,
        %parallel_loop3A_439 = arith.index_cast %parallel_loop3A_435 : i32 to index
        %parallel_loop3A_440 = arith.constant 0 : index
        %parallel_loop3A_441 = tpu.vector_load %arg10[%parallel_loop3A_439, %parallel_loop3A_440] {strides = array<i32>} : memref<200x64xbf16, #tpu.memory_space<vmem>>, vector<32xbf16>,
        %parallel_loop3A_442 = tpu.unpack_subelements %parallel_loop3A_441, 0 {pack_format = #tpu.pack_format<interleaved>} : vector<32xbf16> -> vector<16xf32>
        %parallel_loop3A_443 = tpu.unpack_subelements %parallel_loop3A_441, 1 {pack_format = #tpu.pack_format<interleaved>} : vector<32xbf16> -> vector<16xf32>
        %parallel_loop3A_444 = arith.mulf %parallel_loop3A_442, %parallel_loop3A_438 : vector<16xf32>
        %parallel_loop3A_445 = arith.index_cast %parallel_loop3A_435 : i32 to index
        %parallel_loop3A_446 = arith.constant 0 : index
        %parallel_loop3A_447 = tpu.vector_load %arg12[%parallel_loop3A_445, %parallel_loop3A_446] {strides = array<i32>} : memref<200x64xf32, #tpu.memory_space<vmem>>, vector<16xf32>,
        tpu.vector_store %arg12[%parallel_loop3A_445, %parallel_loop3A_446], %parallel_loop3A_444 {strides = array<i32>} : memref<200x64xf32, #tpu.memory_space<vmem>>, vector<16xf32>,
        %parallel_loop3A_448 = arith.mulf %parallel_loop3A_443, %parallel_loop3A_438 : vector<16xf32>
        %parallel_loop3A_449 = arith.index_cast %parallel_loop3A_435 : i32 to index
        %parallel_loop3A_450 = arith.constant 16 : index
        %parallel_loop3A_451 = tpu.vector_load %arg12[%parallel_loop3A_449, %parallel_loop3A_450] {strides = array<i32>} : memref<200x64xf32, #tpu.memory_space<vmem>>, vector<16xf32>,
        tpu.vector_store %arg12[%parallel_loop3A_449, %parallel_loop3A_450], %parallel_loop3A_448 {strides = array<i32>} : memref<200x64xf32, #tpu.memory_space<vmem>>, vector<16xf32>,
        %parallel_loop3A_452 = arith.index_cast %parallel_loop3A_435 : i32 to index
        %parallel_loop3A_453 = arith.constant 32 : index
        %parallel_loop3A_454 = tpu.vector_load %arg10[%parallel_loop3A_452, %parallel_loop3A_453] {strides = array<i32>} : memref<200x64xbf16, #tpu.memory_space<vmem>>, vector<32xbf16>,
        %parallel_loop3A_455 = tpu.unpack_subelements %parallel_loop3A_454, 0 {pack_format = #tpu.pack_format<interleaved>} : vector<32xbf16> -> vector<16xf32>
        %parallel_loop3A_456 = tpu.unpack_subelements %parallel_loop3A_454, 1 {pack_format = #tpu.pack_format<interleaved>} : vector<32xbf16> -> vector<16xf32>
        %parallel_loop3A_457 = arith.mulf %parallel_loop3A_455, %parallel_loop3A_438 : vector<16xf32>
        %parallel_loop3A_458 = arith.index_cast %parallel_loop3A_435 : i32 to index
        %parallel_loop3A_459 = arith.constant 32 : index
        %parallel_loop3A_460 = tpu.vector_load %arg12[%parallel_loop3A_458, %parallel_loop3A_459] {strides = array<i32>} : memref<200x64xf32, #tpu.memory_space<vmem>>, vector<16xf32>,
        tpu.vector_store %arg12[%parallel_loop3A_458, %parallel_loop3A_459], %parallel_loop3A_457 {strides = array<i32>} : memref<200x64xf32, #tpu.memory_space<vmem>>, vector<16xf32>,
        %parallel_loop3A_461 = arith.mulf %parallel_loop3A_456, %parallel_loop3A_438 : vector<16xf32>
        %parallel_loop3A_462 = arith.index_cast %parallel_loop3A_435 : i32 to index
        %parallel_loop3A_463 = arith.constant 48 : index
        %parallel_loop3A_464 = tpu.vector_load %arg12[%parallel_loop3A_462, %parallel_loop3A_463] {strides = array<i32>} : memref<200x64xf32, #tpu.memory_space<vmem>>, vector<16xf32>,
        tpu.vector_store %arg12[%parallel_loop3A_462, %parallel_loop3A_463], %parallel_loop3A_461 {strides = array<i32>} : memref<200x64xf32, #tpu.memory_space<vmem>>, vector<16xf32>,
      } {sc.loop_unroll_factor = 4 : i64, sc.parallel_access}
      %add3A_421 = arith.constant 2 : i32
      %add3A_422 = arith.addi %add3A_397, %add3A_421 : i32
      %lt3A_423 = arith.constant 50 : i32
      %lt3A_424 = arith.cmpi slt, %add3A_422, %lt3A_423 : i32
      %convert_element_type3A_425 = arith.extui %lt3A_424 : i1 to i32
      %cond3A_426 = arith.constant 0 : i32
      %cond3A_427 = arith.cmpi ne, %convert_element_type3A_425, %cond3A_426 : i32
      scf.if %cond3A_427 {
        %add3A_435 = arith.constant 2 : i32
        %add3A_436 = arith.addi %add3A_397, %add3A_435 : i32
        %mul3A_437 = arith.constant 200 : i32
        %mul3A_438 = arith.muli %add3A_436, %mul3A_437 : i32
        %dma_start3A_439 = tpu.memref_slice %arg6[%mul3A_438] : memref<10000xi32, #tpu.memory_space<vmem>> -> memref<200xi32, #tpu.memory_space<vmem>>
        %dma_start3A_440 = arith.constant 0 : i32
        %dma_start3A_441 = arith.constant 0 : i32
        %dma_start3A_442 = tpu.memref_slice %arg4[%scan3A_217, %dma_start3A_440, %dma_start3A_441] : memref<3x10000x64xbf16, #tpu.memory_space<hbm>> -> memref<1x10000x64xbf16, #tpu.memory_space<hbm>>
        %dma_start3A_443 = tpu.memref_squeeze %dma_start3A_442 : memref<1x10000x64xbf16, #tpu.memory_space<hbm>> -> memref<10000x64xbf16, #tpu.memory_space<hbm>>
        %dma_start3A_444 = arith.constant 0 : i32
        %dma_start3A_445 = arith.constant 0 : i32
        %dma_start3A_446 = tpu.memref_slice %dma_start3A_443[%dma_start3A_444, %dma_start3A_445] : memref<10000x64xbf16, #tpu.memory_space<hbm>> -> memref<10000x64xbf16, #tpu.memory_space<hbm>>
        tpu.enqueue_indirect_dma source(%dma_start3A_446 : memref<10000x64xbf16, #tpu.memory_space<hbm>>) target(%arg10 : memref<200x64xbf16, #tpu.memory_space<vmem>>) offsets(%dma_start3A_439 : memref<200xi32, #tpu.memory_space<vmem>>) semaphore(%arg16 : memref<!tpu.dma_semaphore, #tpu.memory_space<semaphore_mem>>)
      } else {
      }
      %mul3A_428 = arith.constant 200 : i32
      %mul3A_429 = arith.muli %add3A_397, %mul3A_428 : i32
      %dma_start3A_430 = tpu.memref_slice %arg7[%mul3A_429] : memref<10000xi32, #tpu.memory_space<vmem>> -> memref<200xi32, #tpu.memory_space<vmem>>
      %dma_start3A_431 = arith.constant 0 : i32
      %dma_start3A_432 = arith.constant 0 : i32
      %dma_start3A_433 = tpu.memref_slice %arg14[%dma_start3A_431, %dma_start3A_432] : memref<10000x64xf32, #tpu.memory_space<vmem_shared>> -> memref<10000x64xf32, #tpu.memory_space<vmem_shared>>
      tpu.enqueue_indirect_dma source(%arg12 : memref<200x64xf32, #tpu.memory_space<vmem>>) target(%dma_start3A_433 : memref<10000x64xf32, #tpu.memory_space<vmem_shared>>) offsets(%dma_start3A_430 : memref<200xi32, #tpu.memory_space<vmem>>) semaphore(%arg18 : memref<!tpu.dma_semaphore, #tpu.memory_space<semaphore_mem>>) {add = true}
      %scan3A_434 = arith.constant 0 : i32
      scf.yield %scan3A_434 : i32
    }
    %scan3A_224 = arith.constant 24 : i32
    %dma_wait3A_225 = arith.constant 9600 : i32
    %dma_wait3A_226 = tpu.memref_slice %arg7[%dma_wait3A_225] : memref<10000xi32, #tpu.memory_space<vmem>> -> memref<200xi32, #tpu.memory_space<vmem>>
    %dma_wait3A_227 = arith.constant 0 : i32
    %dma_wait3A_228 = arith.constant 0 : i32
    %dma_wait3A_229 = tpu.memref_slice %arg14[%dma_wait3A_227, %dma_wait3A_228] : memref<10000x64xf32, #tpu.memory_space<vmem_shared>> -> memref<10000x64xf32, #tpu.memory_space<vmem_shared>>
    tpu.wait_indirect_dma semaphore(%arg17 : memref<!tpu.dma_semaphore, #tpu.memory_space<semaphore_mem>>) src(%arg11 : memref<200x64xf32, #tpu.memory_space<vmem>>) dst(%dma_wait3A_229 : memref<10000x64xf32, #tpu.memory_space<vmem_shared>>)
    %dma_wait3A_230 = arith.constant 9800 : i32
    %dma_wait3A_231 = tpu.memref_slice %arg7[%dma_wait3A_230] : memref<10000xi32, #tpu.memory_space<vmem>> -> memref<200xi32, #tpu.memory_space<vmem>>
    %dma_wait3A_232 = arith.constant 0 : i32
    %dma_wait3A_233 = arith.constant 0 : i32
    %dma_wait3A_234 = tpu.memref_slice %arg14[%dma_wait3A_232, %dma_wait3A_233] : memref<10000x64xf32, #tpu.memory_space<vmem_shared>> -> memref<10000x64xf32, #tpu.memory_space<vmem_shared>>
    tpu.wait_indirect_dma semaphore(%arg18 : memref<!tpu.dma_semaphore, #tpu.memory_space<semaphore_mem>>) src(%arg12 : memref<200x64xf32, #tpu.memory_space<vmem>>) dst(%dma_wait3A_234 : memref<10000x64xf32, #tpu.memory_space<vmem_shared>>)
    %barrier3A_235 = arith.constant 0 : index
    tpu.barrier barrier_id(%barrier3A_235)
    %mul3A_236 = arith.constant 64 : i32
    %mul3A_237 = arith.muli %arg0, %mul3A_236 : i32
    %run_scoped3A_238 = arith.constant 1 : i32
    "tpu.region"() ({
      %run_scoped3A_358 = tpu.sem_alloc : memref<!tpu.dma_semaphore, #tpu.memory_space<semaphore_mem>>
      %dma_start3A_359 = arith.constant 0 : i32
      %dma_start3A_360 = arith.constant 0 : i32
      %dma_start3A_361 = tpu.memref_slice %arg5[%run_scoped3A_238, %dma_start3A_359, %dma_start3A_360] : memref<3x10000x128xf32, #tpu.memory_space<hbm>> -> memref<1x10000x128xf32, #tpu.memory_space<hbm>>
      %dma_start3A_362 = tpu.memref_squeeze %dma_start3A_361 : memref<1x10000x128xf32, #tpu.memory_space<hbm>> -> memref<10000x128xf32, #tpu.memory_space<hbm>>
      %dma_start3A_363 = tpu.memref_slice %dma_start3A_362[%mul3A_2, %mul3A_237] : memref<10000x128xf32, #tpu.memory_space<hbm>> -> memref<625x64xf32, #tpu.memory_space<hbm>>
      %dma_start3A_364 = arith.constant 0 : i32
      %dma_start3A_365 = tpu.memref_slice %arg14[%mul3A_2, %dma_start3A_364] : memref<10000x64xf32, #tpu.memory_space<vmem_shared>> -> memref<625x64xf32, #tpu.memory_space<vmem_shared>>
      tpu.enqueue_dma source(%dma_start3A_365 : memref<625x64xf32, #tpu.memory_space<vmem_shared>>) target(%dma_start3A_363 : memref<625x64xf32, #tpu.memory_space<hbm>>) target_semaphore(%run_scoped3A_358 : memref<!tpu.dma_semaphore, #tpu.memory_space<semaphore_mem>>)
      %dma_wait3A_366 = arith.constant 0 : i32
      %dma_wait3A_367 = arith.constant 0 : i32
      %dma_wait3A_368 = tpu.memref_slice %arg5[%run_scoped3A_238, %dma_wait3A_366, %dma_wait3A_367] : memref<3x10000x128xf32, #tpu.memory_space<hbm>> -> memref<1x10000x128xf32, #tpu.memory_space<hbm>>
      %dma_wait3A_369 = tpu.memref_squeeze %dma_wait3A_368 : memref<1x10000x128xf32, #tpu.memory_space<hbm>> -> memref<10000x128xf32, #tpu.memory_space<hbm>>
      %dma_wait3A_370 = tpu.memref_slice %dma_wait3A_369[%mul3A_2, %mul3A_237] : memref<10000x128xf32, #tpu.memory_space<hbm>> -> memref<625x64xf32, #tpu.memory_space<hbm>>
      %dma_wait3A_371 = arith.constant 0 : i32
      %dma_wait3A_372 = tpu.memref_slice %arg14[%mul3A_2, %dma_wait3A_371] : memref<10000x64xf32, #tpu.memory_space<vmem_shared>> -> memref<625x64xf32, #tpu.memory_space<vmem_shared>>
      tpu.wait_dma2 semaphore(%run_scoped3A_358 : memref<!tpu.dma_semaphore, #tpu.memory_space<semaphore_mem>>) src(%dma_wait3A_372 : memref<625x64xf32, #tpu.memory_space<vmem_shared>>) dst(%dma_wait3A_370 : memref<625x64xf32, #tpu.memory_space<hbm>>)
      tpu.yield
    }) : () -> ()
    %add3A_239 = arith.constant 0 : i32
    %add3A_240 = arith.addi %mul3A_2, %add3A_239 : i32
    "tpu.region"() ({
      %run_scoped3A_358 = tpu.sem_alloc : memref<!tpu.dma_semaphore, #tpu.memory_space<semaphore_mem>>
      %dma_start3A_359 = arith.constant 0 : i32
      %dma_start3A_360 = tpu.memref_slice %arg14[%add3A_240, %dma_start3A_359] : memref<10000x64xf32, #tpu.memory_space<vmem_shared>> -> memref<200x64xf32, #tpu.memory_space<vmem_shared>>
      %dma_start3A_361 = arith.constant 0 : i32
      %dma_start3A_362 = tpu.memref_slice %arg14[%add3A_240, %dma_start3A_361] : memref<10000x64xf32, #tpu.memory_space<vmem_shared>> -> memref<200x64xf32, #tpu.memory_space<vmem_shared>>
      tpu.enqueue_dma source(%arg13 : memref<200x64xf32, #tpu.memory_space<vmem>>) target(%dma_start3A_362 : memref<200x64xf32, #tpu.memory_space<vmem_shared>>) target_semaphore(%run_scoped3A_358 : memref<!tpu.dma_semaphore, #tpu.memory_space<semaphore_mem>>)
      %dma_wait3A_363 = arith.constant 0 : i32
      %dma_wait3A_364 = tpu.memref_slice %arg14[%add3A_240, %dma_wait3A_363] : memref<10000x64xf32, #tpu.memory_space<vmem_shared>> -> memref<200x64xf32, #tpu.memory_space<vmem_shared>>
      %dma_wait3A_365 = arith.constant 0 : i32
      %dma_wait3A_366 = tpu.memref_slice %arg14[%add3A_240, %dma_wait3A_365] : memref<10000x64xf32, #tpu.memory_space<vmem_shared>> -> memref<200x64xf32, #tpu.memory_space<vmem_shared>>
      tpu.wait_dma2 semaphore(%run_scoped3A_358 : memref<!tpu.dma_semaphore, #tpu.memory_space<semaphore_mem>>) src(%arg13 : memref<200x64xf32, #tpu.memory_space<vmem>>) dst(%dma_wait3A_366 : memref<200x64xf32, #tpu.memory_space<vmem_shared>>)
      tpu.yield
    }) : () -> ()
    %add3A_241 = arith.constant 200 : i32
    %add3A_242 = arith.addi %mul3A_2, %add3A_241 : i32
    "tpu.region"() ({
      %run_scoped3A_358 = tpu.sem_alloc : memref<!tpu.dma_semaphore, #tpu.memory_space<semaphore_mem>>
      %dma_start3A_359 = arith.constant 0 : i32
      %dma_start3A_360 = tpu.memref_slice %arg14[%add3A_242, %dma_start3A_359] : memref<10000x64xf32, #tpu.memory_space<vmem_shared>> -> memref<200x64xf32, #tpu.memory_space<vmem_shared>>
      %dma_start3A_361 = arith.constant 0 : i32
      %dma_start3A_362 = tpu.memref_slice %arg14[%add3A_242, %dma_start3A_361] : memref<10000x64xf32, #tpu.memory_space<vmem_shared>> -> memref<200x64xf32, #tpu.memory_space<vmem_shared>>
      tpu.enqueue_dma source(%arg13 : memref<200x64xf32, #tpu.memory_space<vmem>>) target(%dma_start3A_362 : memref<200x64xf32, #tpu.memory_space<vmem_shared>>) target_semaphore(%run_scoped3A_358 : memref<!tpu.dma_semaphore, #tpu.memory_space<semaphore_mem>>)
      %dma_wait3A_363 = arith.constant 0 : i32
      %dma_wait3A_364 = tpu.memref_slice %arg14[%add3A_242, %dma_wait3A_363] : memref<10000x64xf32, #tpu.memory_space<vmem_shared>> -> memref<200x64xf32, #tpu.memory_space<vmem_shared>>
      %dma_wait3A_365 = arith.constant 0 : i32
      %dma_wait3A_366 = tpu.memref_slice %arg14[%add3A_242, %dma_wait3A_365] : memref<10000x64xf32, #tpu.memory_space<vmem_shared>> -> memref<200x64xf32, #tpu.memory_space<vmem_shared>>
      tpu.wait_dma2 semaphore(%run_scoped3A_358 : memref<!tpu.dma_semaphore, #tpu.memory_space<semaphore_mem>>) src(%arg13 : memref<200x64xf32, #tpu.memory_space<vmem>>) dst(%dma_wait3A_366 : memref<200x64xf32, #tpu.memory_space<vmem_shared>>)
      tpu.yield
    }) : () -> ()
    %add3A_243 = arith.constant 400 : i32
    %add3A_244 = arith.addi %mul3A_2, %add3A_243 : i32
    "tpu.region"() ({
      %run_scoped3A_358 = tpu.sem_alloc : memref<!tpu.dma_semaphore, #tpu.memory_space<semaphore_mem>>
      %dma_start3A_359 = arith.constant 0 : i32
      %dma_start3A_360 = tpu.memref_slice %arg14[%add3A_244, %dma_start3A_359] : memref<10000x64xf32, #tpu.memory_space<vmem_shared>> -> memref<200x64xf32, #tpu.memory_space<vmem_shared>>
      %dma_start3A_361 = arith.constant 0 : i32
      %dma_start3A_362 = tpu.memref_slice %arg14[%add3A_244, %dma_start3A_361] : memref<10000x64xf32, #tpu.memory_space<vmem_shared>> -> memref<200x64xf32, #tpu.memory_space<vmem_shared>>
      tpu.enqueue_dma source(%arg13 : memref<200x64xf32, #tpu.memory_space<vmem>>) target(%dma_start3A_362 : memref<200x64xf32, #tpu.memory_space<vmem_shared>>) target_semaphore(%run_scoped3A_358 : memref<!tpu.dma_semaphore, #tpu.memory_space<semaphore_mem>>)
      %dma_wait3A_363 = arith.constant 0 : i32
      %dma_wait3A_364 = tpu.memref_slice %arg14[%add3A_244, %dma_wait3A_363] : memref<10000x64xf32, #tpu.memory_space<vmem_shared>> -> memref<200x64xf32, #tpu.memory_space<vmem_shared>>
      %dma_wait3A_365 = arith.constant 0 : i32
      %dma_wait3A_366 = tpu.memref_slice %arg14[%add3A_244, %dma_wait3A_365] : memref<10000x64xf32, #tpu.memory_space<vmem_shared>> -> memref<200x64xf32, #tpu.memory_space<vmem_shared>>
      tpu.wait_dma2 semaphore(%run_scoped3A_358 : memref<!tpu.dma_semaphore, #tpu.memory_space<semaphore_mem>>) src(%arg13 : memref<200x64xf32, #tpu.memory_space<vmem>>) dst(%dma_wait3A_366 : memref<200x64xf32, #tpu.memory_space<vmem_shared>>)
      tpu.yield
    }) : () -> ()
    %add3A_245 = arith.constant 425 : i32
    %add3A_246 = arith.addi %mul3A_2, %add3A_245 : i32
    "tpu.region"() ({
      %run_scoped3A_358 = tpu.sem_alloc : memref<!tpu.dma_semaphore, #tpu.memory_space<semaphore_mem>>
      %dma_start3A_359 = arith.constant 0 : i32
      %dma_start3A_360 = tpu.memref_slice %arg14[%add3A_246, %dma_start3A_359] : memref<10000x64xf32, #tpu.memory_space<vmem_shared>> -> memref<200x64xf32, #tpu.memory_space<vmem_shared>>
      %dma_start3A_361 = arith.constant 0 : i32
      %dma_start3A_362 = tpu.memref_slice %arg14[%add3A_246, %dma_start3A_361] : memref<10000x64xf32, #tpu.memory_space<vmem_shared>> -> memref<200x64xf32, #tpu.memory_space<vmem_shared>>
      tpu.enqueue_dma source(%arg13 : memref<200x64xf32, #tpu.memory_space<vmem>>) target(%dma_start3A_362 : memref<200x64xf32, #tpu.memory_space<vmem_shared>>) target_semaphore(%run_scoped3A_358 : memref<!tpu.dma_semaphore, #tpu.memory_space<semaphore_mem>>)
      %dma_wait3A_363 = arith.constant 0 : i32
      %dma_wait3A_364 = tpu.memref_slice %arg14[%add3A_246, %dma_wait3A_363] : memref<10000x64xf32, #tpu.memory_space<vmem_shared>> -> memref<200x64xf32, #tpu.memory_space<vmem_shared>>
      %dma_wait3A_365 = arith.constant 0 : i32
      %dma_wait3A_366 = tpu.memref_slice %arg14[%add3A_246, %dma_wait3A_365] : memref<10000x64xf32, #tpu.memory_space<vmem_shared>> -> memref<200x64xf32, #tpu.memory_space<vmem_shared>>
      tpu.wait_dma2 semaphore(%run_scoped3A_358 : memref<!tpu.dma_semaphore, #tpu.memory_space<semaphore_mem>>) src(%arg13 : memref<200x64xf32, #tpu.memory_space<vmem>>) dst(%dma_wait3A_366 : memref<200x64xf32, #tpu.memory_space<vmem_shared>>)
      tpu.yield
    }) : () -> ()
    %mul3A_247 = arith.constant 10000 : i32
    %mul3A_248 = arith.muli %add3A, %mul3A_247 : i32
    %add3A_249 = arith.constant 1280000 : i32
    %add3A_250 = arith.addi %add3A_249, %mul3A_248 : i32
    "tpu.region"() ({
      %run_scoped3A_358 = tpu.sem_alloc : memref<!tpu.dma_semaphore, #tpu.memory_space<semaphore_mem>>
      %dma_start3A_359 = tpu.memref_slice %arg2[%add3A_250] : memref<1920000xi32, #tpu.memory_space<hbm>> -> memref<10000xi32, #tpu.memory_space<hbm>>
      %dma_start3A_360 = tpu.memref_slice %arg2[%add3A_250] : memref<1920000xi32, #tpu.memory_space<hbm>> -> memref<10000xi32, #tpu.memory_space<hbm>>
      tpu.enqueue_dma source(%dma_start3A_360 : memref<10000xi32, #tpu.memory_space<hbm>>) target(%arg6 : memref<10000xi32, #tpu.memory_space<vmem>>) target_semaphore(%run_scoped3A_358 : memref<!tpu.dma_semaphore, #tpu.memory_space<semaphore_mem>>)
      %dma_wait3A_361 = tpu.memref_slice %arg2[%add3A_250] : memref<1920000xi32, #tpu.memory_space<hbm>> -> memref<10000xi32, #tpu.memory_space<hbm>>
      %dma_wait3A_362 = tpu.memref_slice %arg2[%add3A_250] : memref<1920000xi32, #tpu.memory_space<hbm>> -> memref<10000xi32, #tpu.memory_space<hbm>>
      tpu.wait_dma2 semaphore(%run_scoped3A_358 : memref<!tpu.dma_semaphore, #tpu.memory_space<semaphore_mem>>) src(%dma_wait3A_362 : memref<10000xi32, #tpu.memory_space<hbm>>) dst(%arg6 : memref<10000xi32, #tpu.memory_space<vmem>>)
      tpu.yield
    }) : () -> ()
    %mul3A_251 = arith.constant 10000 : i32
    %mul3A_252 = arith.muli %add3A, %mul3A_251 : i32
    %add3A_253 = arith.constant 1600000 : i32
    %add3A_254 = arith.addi %add3A_253, %mul3A_252 : i32
    "tpu.region"() ({
      %run_scoped3A_358 = tpu.sem_alloc : memref<!tpu.dma_semaphore, #tpu.memory_space<semaphore_mem>>
      %dma_start3A_359 = tpu.memref_slice %arg2[%add3A_254] : memref<1920000xi32, #tpu.memory_space<hbm>> -> memref<10000xi32, #tpu.memory_space<hbm>>
      %dma_start3A_360 = tpu.memref_slice %arg2[%add3A_254] : memref<1920000xi32, #tpu.memory_space<hbm>> -> memref<10000xi32, #tpu.memory_space<hbm>>
      tpu.enqueue_dma source(%dma_start3A_360 : memref<10000xi32, #tpu.memory_space<hbm>>) target(%arg7 : memref<10000xi32, #tpu.memory_space<vmem>>) target_semaphore(%run_scoped3A_358 : memref<!tpu.dma_semaphore, #tpu.memory_space<semaphore_mem>>)
      %dma_wait3A_361 = tpu.memref_slice %arg2[%add3A_254] : memref<1920000xi32, #tpu.memory_space<hbm>> -> memref<10000xi32, #tpu.memory_space<hbm>>
      %dma_wait3A_362 = tpu.memref_slice %arg2[%add3A_254] : memref<1920000xi32, #tpu.memory_space<hbm>> -> memref<10000xi32, #tpu.memory_space<hbm>>
      tpu.wait_dma2 semaphore(%run_scoped3A_358 : memref<!tpu.dma_semaphore, #tpu.memory_space<semaphore_mem>>) src(%dma_wait3A_362 : memref<10000xi32, #tpu.memory_space<hbm>>) dst(%arg7 : memref<10000xi32, #tpu.memory_space<vmem>>)
      tpu.yield
    }) : () -> ()
    %mul3A_255 = arith.constant 10000 : i32
    %mul3A_256 = arith.muli %add3A, %mul3A_255 : i32
    %add3A_257 = arith.constant 640000 : i32
    %add3A_258 = arith.addi %add3A_257, %mul3A_256 : i32
    "tpu.region"() ({
      %run_scoped3A_358 = tpu.sem_alloc : memref<!tpu.dma_semaphore, #tpu.memory_space<semaphore_mem>>
      %dma_start3A_359 = tpu.memref_slice %arg3[%add3A_258] : memref<960000xf32, #tpu.memory_space<hbm>> -> memref<10000xf32, #tpu.memory_space<hbm>>
      %dma_start3A_360 = tpu.memref_slice %arg3[%add3A_258] : memref<960000xf32, #tpu.memory_space<hbm>> -> memref<10000xf32, #tpu.memory_space<hbm>>
      tpu.enqueue_dma source(%dma_start3A_360 : memref<10000xf32, #tpu.memory_space<hbm>>) target(%arg8 : memref<10000xf32, #tpu.memory_space<vmem>>) target_semaphore(%run_scoped3A_358 : memref<!tpu.dma_semaphore, #tpu.memory_space<semaphore_mem>>)
      %dma_wait3A_361 = tpu.memref_slice %arg3[%add3A_258] : memref<960000xf32, #tpu.memory_space<hbm>> -> memref<10000xf32, #tpu.memory_space<hbm>>
      %dma_wait3A_362 = tpu.memref_slice %arg3[%add3A_258] : memref<960000xf32, #tpu.memory_space<hbm>> -> memref<10000xf32, #tpu.memory_space<hbm>>
      tpu.wait_dma2 semaphore(%run_scoped3A_358 : memref<!tpu.dma_semaphore, #tpu.memory_space<semaphore_mem>>) src(%dma_wait3A_362 : memref<10000xf32, #tpu.memory_space<hbm>>) dst(%arg8 : memref<10000xf32, #tpu.memory_space<vmem>>)
      tpu.yield
    }) : () -> ()
    %barrier3A_259 = arith.constant 0 : index
    tpu.barrier barrier_id(%barrier3A_259)
    %dma_start3A_260 = arith.constant 2 : i32
    %dma_start3A_261 = arith.constant 0 : i32
    %dma_start3A_262 = tpu.memref_slice %arg6[%dma_start3A_261] : memref<10000xi32, #tpu.memory_space<vmem>> -> memref<200xi32, #tpu.memory_space<vmem>>
    %dma_start3A_263 = arith.constant 0 : i32
    %dma_start3A_264 = arith.constant 0 : i32
    %dma_start3A_265 = tpu.memref_slice %arg4[%dma_start3A_260, %dma_start3A_263, %dma_start3A_264] : memref<3x10000x64xbf16, #tpu.memory_space<hbm>> -> memref<1x10000x64xbf16, #tpu.memory_space<hbm>>
    %dma_start3A_266 = tpu.memref_squeeze %dma_start3A_265 : memref<1x10000x64xbf16, #tpu.memory_space<hbm>> -> memref<10000x64xbf16, #tpu.memory_space<hbm>>
    %dma_start3A_267 = arith.constant 0 : i32
    %dma_start3A_268 = arith.constant 0 : i32
    %dma_start3A_269 = tpu.memref_slice %dma_start3A_266[%dma_start3A_267, %dma_start3A_268] : memref<10000x64xbf16, #tpu.memory_space<hbm>> -> memref<10000x64xbf16, #tpu.memory_space<hbm>>
    tpu.enqueue_indirect_dma source(%dma_start3A_269 : memref<10000x64xbf16, #tpu.memory_space<hbm>>) target(%arg9 : memref<200x64xbf16, #tpu.memory_space<vmem>>) offsets(%dma_start3A_262 : memref<200xi32, #tpu.memory_space<vmem>>) semaphore(%arg15 : memref<!tpu.dma_semaphore, #tpu.memory_space<semaphore_mem>>)
    %dma_start3A_270 = arith.constant 2 : i32
    %dma_start3A_271 = arith.constant 200 : i32
    %dma_start3A_272 = tpu.memref_slice %arg6[%dma_start3A_271] : memref<10000xi32, #tpu.memory_space<vmem>> -> memref<200xi32, #tpu.memory_space<vmem>>
    %dma_start3A_273 = arith.constant 0 : i32
    %dma_start3A_274 = arith.constant 0 : i32
    %dma_start3A_275 = tpu.memref_slice %arg4[%dma_start3A_270, %dma_start3A_273, %dma_start3A_274] : memref<3x10000x64xbf16, #tpu.memory_space<hbm>> -> memref<1x10000x64xbf16, #tpu.memory_space<hbm>>
    %dma_start3A_276 = tpu.memref_squeeze %dma_start3A_275 : memref<1x10000x64xbf16, #tpu.memory_space<hbm>> -> memref<10000x64xbf16, #tpu.memory_space<hbm>>
    %dma_start3A_277 = arith.constant 0 : i32
    %dma_start3A_278 = arith.constant 0 : i32
    %dma_start3A_279 = tpu.memref_slice %dma_start3A_276[%dma_start3A_277, %dma_start3A_278] : memref<10000x64xbf16, #tpu.memory_space<hbm>> -> memref<10000x64xbf16, #tpu.memory_space<hbm>>
    tpu.enqueue_indirect_dma source(%dma_start3A_279 : memref<10000x64xbf16, #tpu.memory_space<hbm>>) target(%arg10 : memref<200x64xbf16, #tpu.memory_space<vmem>>) offsets(%dma_start3A_272 : memref<200xi32, #tpu.memory_space<vmem>>) semaphore(%arg16 : memref<!tpu.dma_semaphore, #tpu.memory_space<semaphore_mem>>)
    %dma_wait3A_280 = arith.constant 2 : i32
    %dma_wait3A_281 = arith.constant 0 : i32
    %dma_wait3A_282 = tpu.memref_slice %arg6[%dma_wait3A_281] : memref<10000xi32, #tpu.memory_space<vmem>> -> memref<200xi32, #tpu.memory_space<vmem>>
    %dma_wait3A_283 = arith.constant 0 : i32
    %dma_wait3A_284 = arith.constant 0 : i32
    %dma_wait3A_285 = tpu.memref_slice %arg4[%dma_wait3A_280, %dma_wait3A_283, %dma_wait3A_284] : memref<3x10000x64xbf16, #tpu.memory_space<hbm>> -> memref<1x10000x64xbf16, #tpu.memory_space<hbm>>
    %dma_wait3A_286 = tpu.memref_squeeze %dma_wait3A_285 : memref<1x10000x64xbf16, #tpu.memory_space<hbm>> -> memref<10000x64xbf16, #tpu.memory_space<hbm>>
    %dma_wait3A_287 = arith.constant 0 : i32
    %dma_wait3A_288 = arith.constant 0 : i32
    %dma_wait3A_289 = tpu.memref_slice %dma_wait3A_286[%dma_wait3A_287, %dma_wait3A_288] : memref<10000x64xbf16, #tpu.memory_space<hbm>> -> memref<10000x64xbf16, #tpu.memory_space<hbm>>
    tpu.wait_indirect_dma semaphore(%arg15 : memref<!tpu.dma_semaphore, #tpu.memory_space<semaphore_mem>>) src(%dma_wait3A_289 : memref<10000x64xbf16, #tpu.memory_space<hbm>>) dst(%arg9 : memref<200x64xbf16, #tpu.memory_space<vmem>>)
    %parallel_loop3A_290 = arith.constant 0 : i32
    %parallel_loop3A_291 = arith.constant 200 : i32
    %parallel_loop3A_292 = arith.constant 1 : i32
    scf.for %parallel_loop3A_358 = %parallel_loop3A_290 to %parallel_loop3A_291 step %parallel_loop3A_292  : i32 {
      %parallel_loop3A_359 = arith.constant 0 : i32
      %parallel_loop3A_360 = arith.addi %parallel_loop3A_359, %parallel_loop3A_358 : i32
      %parallel_loop3A_361 = vector.broadcast %parallel_loop3A_360 : i32 to vector<16xi32>
      %parallel_loop3A_362 = tpu.vector_load_idx %arg8[%parallel_loop3A_361] : memref<10000xf32, #tpu.memory_space<vmem>>[vector<16xi32>], vector<16xf32>,
      %parallel_loop3A_363 = arith.index_cast %parallel_loop3A_358 : i32 to index
      %parallel_loop3A_364 = arith.constant 0 : index
      %parallel_loop3A_365 = tpu.vector_load %arg9[%parallel_loop3A_363, %parallel_loop3A_364] {strides = array<i32>} : memref<200x64xbf16, #tpu.memory_space<vmem>>, vector<32xbf16>,
      %parallel_loop3A_366 = tpu.unpack_subelements %parallel_loop3A_365, 0 {pack_format = #tpu.pack_format<interleaved>} : vector<32xbf16> -> vector<16xf32>
      %parallel_loop3A_367 = tpu.unpack_subelements %parallel_loop3A_365, 1 {pack_format = #tpu.pack_format<interleaved>} : vector<32xbf16> -> vector<16xf32>
      %parallel_loop3A_368 = arith.mulf %parallel_loop3A_366, %parallel_loop3A_362 : vector<16xf32>
      %parallel_loop3A_369 = arith.index_cast %parallel_loop3A_358 : i32 to index
      %parallel_loop3A_370 = arith.constant 0 : index
      %parallel_loop3A_371 = tpu.vector_load %arg11[%parallel_loop3A_369, %parallel_loop3A_370] {strides = array<i32>} : memref<200x64xf32, #tpu.memory_space<vmem>>, vector<16xf32>,
      tpu.vector_store %arg11[%parallel_loop3A_369, %parallel_loop3A_370], %parallel_loop3A_368 {strides = array<i32>} : memref<200x64xf32, #tpu.memory_space<vmem>>, vector<16xf32>,
      %parallel_loop3A_372 = arith.mulf %parallel_loop3A_367, %parallel_loop3A_362 : vector<16xf32>
      %parallel_loop3A_373 = arith.index_cast %parallel_loop3A_358 : i32 to index
      %parallel_loop3A_374 = arith.constant 16 : index
      %parallel_loop3A_375 = tpu.vector_load %arg11[%parallel_loop3A_373, %parallel_loop3A_374] {strides = array<i32>} : memref<200x64xf32, #tpu.memory_space<vmem>>, vector<16xf32>,
      tpu.vector_store %arg11[%parallel_loop3A_373, %parallel_loop3A_374], %parallel_loop3A_372 {strides = array<i32>} : memref<200x64xf32, #tpu.memory_space<vmem>>, vector<16xf32>,
      %parallel_loop3A_376 = arith.index_cast %parallel_loop3A_358 : i32 to index
      %parallel_loop3A_377 = arith.constant 32 : index
      %parallel_loop3A_378 = tpu.vector_load %arg9[%parallel_loop3A_376, %parallel_loop3A_377] {strides = array<i32>} : memref<200x64xbf16, #tpu.memory_space<vmem>>, vector<32xbf16>,
      %parallel_loop3A_379 = tpu.unpack_subelements %parallel_loop3A_378, 0 {pack_format = #tpu.pack_format<interleaved>} : vector<32xbf16> -> vector<16xf32>
      %parallel_loop3A_380 = tpu.unpack_subelements %parallel_loop3A_378, 1 {pack_format = #tpu.pack_format<interleaved>} : vector<32xbf16> -> vector<16xf32>
      %parallel_loop3A_381 = arith.mulf %parallel_loop3A_379, %parallel_loop3A_362 : vector<16xf32>
      %parallel_loop3A_382 = arith.index_cast %parallel_loop3A_358 : i32 to index
      %parallel_loop3A_383 = arith.constant 32 : index
      %parallel_loop3A_384 = tpu.vector_load %arg11[%parallel_loop3A_382, %parallel_loop3A_383] {strides = array<i32>} : memref<200x64xf32, #tpu.memory_space<vmem>>, vector<16xf32>,
      tpu.vector_store %arg11[%parallel_loop3A_382, %parallel_loop3A_383], %parallel_loop3A_381 {strides = array<i32>} : memref<200x64xf32, #tpu.memory_space<vmem>>, vector<16xf32>,
      %parallel_loop3A_385 = arith.mulf %parallel_loop3A_380, %parallel_loop3A_362 : vector<16xf32>
      %parallel_loop3A_386 = arith.index_cast %parallel_loop3A_358 : i32 to index
      %parallel_loop3A_387 = arith.constant 48 : index
      %parallel_loop3A_388 = tpu.vector_load %arg11[%parallel_loop3A_386, %parallel_loop3A_387] {strides = array<i32>} : memref<200x64xf32, #tpu.memory_space<vmem>>, vector<16xf32>,
      tpu.vector_store %arg11[%parallel_loop3A_386, %parallel_loop3A_387], %parallel_loop3A_385 {strides = array<i32>} : memref<200x64xf32, #tpu.memory_space<vmem>>, vector<16xf32>,
    } {sc.loop_unroll_factor = 4 : i64, sc.parallel_access}
    %dma_start3A_293 = arith.constant 2 : i32
    %dma_start3A_294 = arith.constant 400 : i32
    %dma_start3A_295 = tpu.memref_slice %arg6[%dma_start3A_294] : memref<10000xi32, #tpu.memory_space<vmem>> -> memref<200xi32, #tpu.memory_space<vmem>>
    %dma_start3A_296 = arith.constant 0 : i32
    %dma_start3A_297 = arith.constant 0 : i32
    %dma_start3A_298 = tpu.memref_slice %arg4[%dma_start3A_293, %dma_start3A_296, %dma_start3A_297] : memref<3x10000x64xbf16, #tpu.memory_space<hbm>> -> memref<1x10000x64xbf16, #tpu.memory_space<hbm>>
    %dma_start3A_299 = tpu.memref_squeeze %dma_start3A_298 : memref<1x10000x64xbf16, #tpu.memory_space<hbm>> -> memref<10000x64xbf16, #tpu.memory_space<hbm>>
    %dma_start3A_300 = arith.constant 0 : i32
    %dma_start3A_301 = arith.constant 0 : i32
    %dma_start3A_302 = tpu.memref_slice %dma_start3A_299[%dma_start3A_300, %dma_start3A_301] : memref<10000x64xbf16, #tpu.memory_space<hbm>> -> memref<10000x64xbf16, #tpu.memory_space<hbm>>
    tpu.enqueue_indirect_dma source(%dma_start3A_302 : memref<10000x64xbf16, #tpu.memory_space<hbm>>) target(%arg9 : memref<200x64xbf16, #tpu.memory_space<vmem>>) offsets(%dma_start3A_295 : memref<200xi32, #tpu.memory_space<vmem>>) semaphore(%arg15 : memref<!tpu.dma_semaphore, #tpu.memory_space<semaphore_mem>>)
    %dma_start3A_303 = arith.constant 0 : i32
    %dma_start3A_304 = tpu.memref_slice %arg7[%dma_start3A_303] : memref<10000xi32, #tpu.memory_space<vmem>> -> memref<200xi32, #tpu.memory_space<vmem>>
    %dma_start3A_305 = arith.constant 0 : i32
    %dma_start3A_306 = arith.constant 0 : i32
    %dma_start3A_307 = tpu.memref_slice %arg14[%dma_start3A_305, %dma_start3A_306] : memref<10000x64xf32, #tpu.memory_space<vmem_shared>> -> memref<10000x64xf32, #tpu.memory_space<vmem_shared>>
    tpu.enqueue_indirect_dma source(%arg11 : memref<200x64xf32, #tpu.memory_space<vmem>>) target(%dma_start3A_307 : memref<10000x64xf32, #tpu.memory_space<vmem_shared>>) offsets(%dma_start3A_304 : memref<200xi32, #tpu.memory_space<vmem>>) semaphore(%arg17 : memref<!tpu.dma_semaphore, #tpu.memory_space<semaphore_mem>>) {add = true}
    %dma_wait3A_308 = arith.constant 2 : i32
    %dma_wait3A_309 = arith.constant 200 : i32
    %dma_wait3A_310 = tpu.memref_slice %arg6[%dma_wait3A_309] : memref<10000xi32, #tpu.memory_space<vmem>> -> memref<200xi32, #tpu.memory_space<vmem>>
    %dma_wait3A_311 = arith.constant 0 : i32
    %dma_wait3A_312 = arith.constant 0 : i32
    %dma_wait3A_313 = tpu.memref_slice %arg4[%dma_wait3A_308, %dma_wait3A_311, %dma_wait3A_312] : memref<3x10000x64xbf16, #tpu.memory_space<hbm>> -> memref<1x10000x64xbf16, #tpu.memory_space<hbm>>
    %dma_wait3A_314 = tpu.memref_squeeze %dma_wait3A_313 : memref<1x10000x64xbf16, #tpu.memory_space<hbm>> -> memref<10000x64xbf16, #tpu.memory_space<hbm>>
    %dma_wait3A_315 = arith.constant 0 : i32
    %dma_wait3A_316 = arith.constant 0 : i32
    %dma_wait3A_317 = tpu.memref_slice %dma_wait3A_314[%dma_wait3A_315, %dma_wait3A_316] : memref<10000x64xbf16, #tpu.memory_space<hbm>> -> memref<10000x64xbf16, #tpu.memory_space<hbm>>
    tpu.wait_indirect_dma semaphore(%arg16 : memref<!tpu.dma_semaphore, #tpu.memory_space<semaphore_mem>>) src(%dma_wait3A_317 : memref<10000x64xbf16, #tpu.memory_space<hbm>>) dst(%arg10 : memref<200x64xbf16, #tpu.memory_space<vmem>>)
    %parallel_loop3A_318 = arith.constant 0 : i32
    %parallel_loop3A_319 = arith.constant 200 : i32
    %parallel_loop3A_320 = arith.constant 1 : i32
    scf.for %parallel_loop3A_358 = %parallel_loop3A_318 to %parallel_loop3A_319 step %parallel_loop3A_320  : i32 {
      %parallel_loop3A_359 = arith.constant 200 : i32
      %parallel_loop3A_360 = arith.addi %parallel_loop3A_359, %parallel_loop3A_358 : i32
      %parallel_loop3A_361 = vector.broadcast %parallel_loop3A_360 : i32 to vector<16xi32>
      %parallel_loop3A_362 = tpu.vector_load_idx %arg8[%parallel_loop3A_361] : memref<10000xf32, #tpu.memory_space<vmem>>[vector<16xi32>], vector<16xf32>,
      %parallel_loop3A_363 = arith.index_cast %parallel_loop3A_358 : i32 to index
      %parallel_loop3A_364 = arith.constant 0 : index
      %parallel_loop3A_365 = tpu.vector_load %arg10[%parallel_loop3A_363, %parallel_loop3A_364] {strides = array<i32>} : memref<200x64xbf16, #tpu.memory_space<vmem>>, vector<32xbf16>,
      %parallel_loop3A_366 = tpu.unpack_subelements %parallel_loop3A_365, 0 {pack_format = #tpu.pack_format<interleaved>} : vector<32xbf16> -> vector<16xf32>
      %parallel_loop3A_367 = tpu.unpack_subelements %parallel_loop3A_365, 1 {pack_format = #tpu.pack_format<interleaved>} : vector<32xbf16> -> vector<16xf32>
      %parallel_loop3A_368 = arith.mulf %parallel_loop3A_366, %parallel_loop3A_362 : vector<16xf32>
      %parallel_loop3A_369 = arith.index_cast %parallel_loop3A_358 : i32 to index
      %parallel_loop3A_370 = arith.constant 0 : index
      %parallel_loop3A_371 = tpu.vector_load %arg12[%parallel_loop3A_369, %parallel_loop3A_370] {strides = array<i32>} : memref<200x64xf32, #tpu.memory_space<vmem>>, vector<16xf32>,
      tpu.vector_store %arg12[%parallel_loop3A_369, %parallel_loop3A_370], %parallel_loop3A_368 {strides = array<i32>} : memref<200x64xf32, #tpu.memory_space<vmem>>, vector<16xf32>,
      %parallel_loop3A_372 = arith.mulf %parallel_loop3A_367, %parallel_loop3A_362 : vector<16xf32>
      %parallel_loop3A_373 = arith.index_cast %parallel_loop3A_358 : i32 to index
      %parallel_loop3A_374 = arith.constant 16 : index
      %parallel_loop3A_375 = tpu.vector_load %arg12[%parallel_loop3A_373, %parallel_loop3A_374] {strides = array<i32>} : memref<200x64xf32, #tpu.memory_space<vmem>>, vector<16xf32>,
      tpu.vector_store %arg12[%parallel_loop3A_373, %parallel_loop3A_374], %parallel_loop3A_372 {strides = array<i32>} : memref<200x64xf32, #tpu.memory_space<vmem>>, vector<16xf32>,
      %parallel_loop3A_376 = arith.index_cast %parallel_loop3A_358 : i32 to index
      %parallel_loop3A_377 = arith.constant 32 : index
      %parallel_loop3A_378 = tpu.vector_load %arg10[%parallel_loop3A_376, %parallel_loop3A_377] {strides = array<i32>} : memref<200x64xbf16, #tpu.memory_space<vmem>>, vector<32xbf16>,
      %parallel_loop3A_379 = tpu.unpack_subelements %parallel_loop3A_378, 0 {pack_format = #tpu.pack_format<interleaved>} : vector<32xbf16> -> vector<16xf32>
      %parallel_loop3A_380 = tpu.unpack_subelements %parallel_loop3A_378, 1 {pack_format = #tpu.pack_format<interleaved>} : vector<32xbf16> -> vector<16xf32>
      %parallel_loop3A_381 = arith.mulf %parallel_loop3A_379, %parallel_loop3A_362 : vector<16xf32>
      %parallel_loop3A_382 = arith.index_cast %parallel_loop3A_358 : i32 to index
      %parallel_loop3A_383 = arith.constant 32 : index
      %parallel_loop3A_384 = tpu.vector_load %arg12[%parallel_loop3A_382, %parallel_loop3A_383] {strides = array<i32>} : memref<200x64xf32, #tpu.memory_space<vmem>>, vector<16xf32>,
      tpu.vector_store %arg12[%parallel_loop3A_382, %parallel_loop3A_383], %parallel_loop3A_381 {strides = array<i32>} : memref<200x64xf32, #tpu.memory_space<vmem>>, vector<16xf32>,
      %parallel_loop3A_385 = arith.mulf %parallel_loop3A_380, %parallel_loop3A_362 : vector<16xf32>
      %parallel_loop3A_386 = arith.index_cast %parallel_loop3A_358 : i32 to index
      %parallel_loop3A_387 = arith.constant 48 : index
      %parallel_loop3A_388 = tpu.vector_load %arg12[%parallel_loop3A_386, %parallel_loop3A_387] {strides = array<i32>} : memref<200x64xf32, #tpu.memory_space<vmem>>, vector<16xf32>,
      tpu.vector_store %arg12[%parallel_loop3A_386, %parallel_loop3A_387], %parallel_loop3A_385 {strides = array<i32>} : memref<200x64xf32, #tpu.memory_space<vmem>>, vector<16xf32>,
    } {sc.loop_unroll_factor = 4 : i64, sc.parallel_access}
    %dma_start3A_321 = arith.constant 2 : i32
    %dma_start3A_322 = arith.constant 600 : i32
    %dma_start3A_323 = tpu.memref_slice %arg6[%dma_start3A_322] : memref<10000xi32, #tpu.memory_space<vmem>> -> memref<200xi32, #tpu.memory_space<vmem>>
    %dma_start3A_324 = arith.constant 0 : i32
    %dma_start3A_325 = arith.constant 0 : i32
    %dma_start3A_326 = tpu.memref_slice %arg4[%dma_start3A_321, %dma_start3A_324, %dma_start3A_325] : memref<3x10000x64xbf16, #tpu.memory_space<hbm>> -> memref<1x10000x64xbf16, #tpu.memory_space<hbm>>
    %dma_start3A_327 = tpu.memref_squeeze %dma_start3A_326 : memref<1x10000x64xbf16, #tpu.memory_space<hbm>> -> memref<10000x64xbf16, #tpu.memory_space<hbm>>
    %dma_start3A_328 = arith.constant 0 : i32
    %dma_start3A_329 = arith.constant 0 : i32
    %dma_start3A_330 = tpu.memref_slice %dma_start3A_327[%dma_start3A_328, %dma_start3A_329] : memref<10000x64xbf16, #tpu.memory_space<hbm>> -> memref<10000x64xbf16, #tpu.memory_space<hbm>>
    tpu.enqueue_indirect_dma source(%dma_start3A_330 : memref<10000x64xbf16, #tpu.memory_space<hbm>>) target(%arg10 : memref<200x64xbf16, #tpu.memory_space<vmem>>) offsets(%dma_start3A_323 : memref<200xi32, #tpu.memory_space<vmem>>) semaphore(%arg16 : memref<!tpu.dma_semaphore, #tpu.memory_space<semaphore_mem>>)
    %dma_start3A_331 = arith.constant 200 : i32
    %dma_start3A_332 = tpu.memref_slice %arg7[%dma_start3A_331] : memref<10000xi32, #tpu.memory_space<vmem>> -> memref<200xi32, #tpu.memory_space<vmem>>
    %dma_start3A_333 = arith.constant 0 : i32
    %dma_start3A_334 = arith.constant 0 : i32
    %dma_start3A_335 = tpu.memref_slice %arg14[%dma_start3A_333, %dma_start3A_334] : memref<10000x64xf32, #tpu.memory_space<vmem_shared>> -> memref<10000x64xf32, #tpu.memory_space<vmem_shared>>
    tpu.enqueue_indirect_dma source(%arg12 : memref<200x64xf32, #tpu.memory_space<vmem>>) target(%dma_start3A_335 : memref<10000x64xf32, #tpu.memory_space<vmem_shared>>) offsets(%dma_start3A_332 : memref<200xi32, #tpu.memory_space<vmem>>) semaphore(%arg18 : memref<!tpu.dma_semaphore, #tpu.memory_space<semaphore_mem>>) {add = true}
    %scan3A_336 = arith.constant 2 : i32
    %scan3A_337 = arith.constant 0 : i32
    %scan3A_338 = arith.constant 1 : i32
    %scan3A_339 = arith.constant 24 : i32
    %scan3A_340 = arith.addi %scan3A_338, %scan3A_339 : i32
    %scan3A_341 = arith.constant 1 : i32
    %scan3A_342 = scf.for %scan3A_358 = %scan3A_338 to %scan3A_340 step %scan3A_341 iter_args(%scan3A_359 = %scan3A_337) -> (i32)  : i32 {
      %mul3A_360 = arith.constant 2 : i32
      %mul3A_361 = arith.muli %mul3A_360, %scan3A_358 : i32
      %add3A_362 = arith.constant 0 : i32
      %add3A_363 = arith.addi %mul3A_361, %add3A_362 : i32
      %mul3A_364 = arith.constant 200 : i32
      %mul3A_365 = arith.muli %add3A_363, %mul3A_364 : i32
      %dma_wait3A_366 = tpu.memref_slice %arg6[%mul3A_365] : memref<10000xi32, #tpu.memory_space<vmem>> -> memref<200xi32, #tpu.memory_space<vmem>>
      %dma_wait3A_367 = arith.constant 0 : i32
      %dma_wait3A_368 = arith.constant 0 : i32
      %dma_wait3A_369 = tpu.memref_slice %arg4[%scan3A_336, %dma_wait3A_367, %dma_wait3A_368] : memref<3x10000x64xbf16, #tpu.memory_space<hbm>> -> memref<1x10000x64xbf16, #tpu.memory_space<hbm>>
      %dma_wait3A_370 = tpu.memref_squeeze %dma_wait3A_369 : memref<1x10000x64xbf16, #tpu.memory_space<hbm>> -> memref<10000x64xbf16, #tpu.memory_space<hbm>>
      %dma_wait3A_371 = arith.constant 0 : i32
      %dma_wait3A_372 = arith.constant 0 : i32
      %dma_wait3A_373 = tpu.memref_slice %dma_wait3A_370[%dma_wait3A_371, %dma_wait3A_372] : memref<10000x64xbf16, #tpu.memory_space<hbm>> -> memref<10000x64xbf16, #tpu.memory_space<hbm>>
      tpu.wait_indirect_dma semaphore(%arg15 : memref<!tpu.dma_semaphore, #tpu.memory_space<semaphore_mem>>) src(%dma_wait3A_373 : memref<10000x64xbf16, #tpu.memory_space<hbm>>) dst(%arg9 : memref<200x64xbf16, #tpu.memory_space<vmem>>)
      %sub3A = arith.constant 2 : i32
      %sub3A_374 = arith.subi %add3A_363, %sub3A : i32
      %mul3A_375 = arith.constant 200 : i32
      %mul3A_376 = arith.muli %sub3A_374, %mul3A_375 : i32
      %dma_wait3A_377 = tpu.memref_slice %arg7[%mul3A_376] : memref<10000xi32, #tpu.memory_space<vmem>> -> memref<200xi32, #tpu.memory_space<vmem>>
      %dma_wait3A_378 = arith.constant 0 : i32
      %dma_wait3A_379 = arith.constant 0 : i32
      %dma_wait3A_380 = tpu.memref_slice %arg14[%dma_wait3A_378, %dma_wait3A_379] : memref<10000x64xf32, #tpu.memory_space<vmem_shared>> -> memref<10000x64xf32, #tpu.memory_space<vmem_shared>>
      tpu.wait_indirect_dma semaphore(%arg17 : memref<!tpu.dma_semaphore, #tpu.memory_space<semaphore_mem>>) src(%arg11 : memref<200x64xf32, #tpu.memory_space<vmem>>) dst(%dma_wait3A_380 : memref<10000x64xf32, #tpu.memory_space<vmem_shared>>)
      %mul3A_381 = arith.constant 200 : i32
      %mul3A_382 = arith.muli %add3A_363, %mul3A_381 : i32
      %parallel_loop3A_383 = arith.constant 0 : i32
      %parallel_loop3A_384 = arith.constant 200 : i32
      %parallel_loop3A_385 = arith.constant 1 : i32
      scf.for %parallel_loop3A_435 = %parallel_loop3A_383 to %parallel_loop3A_384 step %parallel_loop3A_385  : i32 {
        %parallel_loop3A_436 = arith.addi %mul3A_382, %parallel_loop3A_435 : i32
        %parallel_loop3A_437 = vector.broadcast %parallel_loop3A_436 : i32 to vector<16xi32>
        %parallel_loop3A_438 = tpu.vector_load_idx %arg8[%parallel_loop3A_437] : memref<10000xf32, #tpu.memory_space<vmem>>[vector<16xi32>], vector<16xf32>,
        %parallel_loop3A_439 = arith.index_cast %parallel_loop3A_435 : i32 to index
        %parallel_loop3A_440 = arith.constant 0 : index
        %parallel_loop3A_441 = tpu.vector_load %arg9[%parallel_loop3A_439, %parallel_loop3A_440] {strides = array<i32>} : memref<200x64xbf16, #tpu.memory_space<vmem>>, vector<32xbf16>,
        %parallel_loop3A_442 = tpu.unpack_subelements %parallel_loop3A_441, 0 {pack_format = #tpu.pack_format<interleaved>} : vector<32xbf16> -> vector<16xf32>
        %parallel_loop3A_443 = tpu.unpack_subelements %parallel_loop3A_441, 1 {pack_format = #tpu.pack_format<interleaved>} : vector<32xbf16> -> vector<16xf32>
        %parallel_loop3A_444 = arith.mulf %parallel_loop3A_442, %parallel_loop3A_438 : vector<16xf32>
        %parallel_loop3A_445 = arith.index_cast %parallel_loop3A_435 : i32 to index
        %parallel_loop3A_446 = arith.constant 0 : index
        %parallel_loop3A_447 = tpu.vector_load %arg11[%parallel_loop3A_445, %parallel_loop3A_446] {strides = array<i32>} : memref<200x64xf32, #tpu.memory_space<vmem>>, vector<16xf32>,
        tpu.vector_store %arg11[%parallel_loop3A_445, %parallel_loop3A_446], %parallel_loop3A_444 {strides = array<i32>} : memref<200x64xf32, #tpu.memory_space<vmem>>, vector<16xf32>,
        %parallel_loop3A_448 = arith.mulf %parallel_loop3A_443, %parallel_loop3A_438 : vector<16xf32>
        %parallel_loop3A_449 = arith.index_cast %parallel_loop3A_435 : i32 to index
        %parallel_loop3A_450 = arith.constant 16 : index
        %parallel_loop3A_451 = tpu.vector_load %arg11[%parallel_loop3A_449, %parallel_loop3A_450] {strides = array<i32>} : memref<200x64xf32, #tpu.memory_space<vmem>>, vector<16xf32>,
        tpu.vector_store %arg11[%parallel_loop3A_449, %parallel_loop3A_450], %parallel_loop3A_448 {strides = array<i32>} : memref<200x64xf32, #tpu.memory_space<vmem>>, vector<16xf32>,
        %parallel_loop3A_452 = arith.index_cast %parallel_loop3A_435 : i32 to index
        %parallel_loop3A_453 = arith.constant 32 : index
        %parallel_loop3A_454 = tpu.vector_load %arg9[%parallel_loop3A_452, %parallel_loop3A_453] {strides = array<i32>} : memref<200x64xbf16, #tpu.memory_space<vmem>>, vector<32xbf16>,
        %parallel_loop3A_455 = tpu.unpack_subelements %parallel_loop3A_454, 0 {pack_format = #tpu.pack_format<interleaved>} : vector<32xbf16> -> vector<16xf32>
        %parallel_loop3A_456 = tpu.unpack_subelements %parallel_loop3A_454, 1 {pack_format = #tpu.pack_format<interleaved>} : vector<32xbf16> -> vector<16xf32>
        %parallel_loop3A_457 = arith.mulf %parallel_loop3A_455, %parallel_loop3A_438 : vector<16xf32>
        %parallel_loop3A_458 = arith.index_cast %parallel_loop3A_435 : i32 to index
        %parallel_loop3A_459 = arith.constant 32 : index
        %parallel_loop3A_460 = tpu.vector_load %arg11[%parallel_loop3A_458, %parallel_loop3A_459] {strides = array<i32>} : memref<200x64xf32, #tpu.memory_space<vmem>>, vector<16xf32>,
        tpu.vector_store %arg11[%parallel_loop3A_458, %parallel_loop3A_459], %parallel_loop3A_457 {strides = array<i32>} : memref<200x64xf32, #tpu.memory_space<vmem>>, vector<16xf32>,
        %parallel_loop3A_461 = arith.mulf %parallel_loop3A_456, %parallel_loop3A_438 : vector<16xf32>
        %parallel_loop3A_462 = arith.index_cast %parallel_loop3A_435 : i32 to index
        %parallel_loop3A_463 = arith.constant 48 : index
        %parallel_loop3A_464 = tpu.vector_load %arg11[%parallel_loop3A_462, %parallel_loop3A_463] {strides = array<i32>} : memref<200x64xf32, #tpu.memory_space<vmem>>, vector<16xf32>,
        tpu.vector_store %arg11[%parallel_loop3A_462, %parallel_loop3A_463], %parallel_loop3A_461 {strides = array<i32>} : memref<200x64xf32, #tpu.memory_space<vmem>>, vector<16xf32>,
      } {sc.loop_unroll_factor = 4 : i64, sc.parallel_access}
      %add3A_386 = arith.constant 2 : i32
      %add3A_387 = arith.addi %add3A_363, %add3A_386 : i32
      %lt3A = arith.constant 50 : i32
      %lt3A_388 = arith.cmpi slt, %add3A_387, %lt3A : i32
      %convert_element_type3A = arith.extui %lt3A_388 : i1 to i32
      %cond3A = arith.constant 0 : i32
      %cond3A_389 = arith.cmpi ne, %convert_element_type3A, %cond3A : i32
      scf.if %cond3A_389 {
        %add3A_435 = arith.constant 2 : i32
        %add3A_436 = arith.addi %add3A_363, %add3A_435 : i32
        %mul3A_437 = arith.constant 200 : i32
        %mul3A_438 = arith.muli %add3A_436, %mul3A_437 : i32
        %dma_start3A_439 = tpu.memref_slice %arg6[%mul3A_438] : memref<10000xi32, #tpu.memory_space<vmem>> -> memref<200xi32, #tpu.memory_space<vmem>>
        %dma_start3A_440 = arith.constant 0 : i32
        %dma_start3A_441 = arith.constant 0 : i32
        %dma_start3A_442 = tpu.memref_slice %arg4[%scan3A_336, %dma_start3A_440, %dma_start3A_441] : memref<3x10000x64xbf16, #tpu.memory_space<hbm>> -> memref<1x10000x64xbf16, #tpu.memory_space<hbm>>
        %dma_start3A_443 = tpu.memref_squeeze %dma_start3A_442 : memref<1x10000x64xbf16, #tpu.memory_space<hbm>> -> memref<10000x64xbf16, #tpu.memory_space<hbm>>
        %dma_start3A_444 = arith.constant 0 : i32
        %dma_start3A_445 = arith.constant 0 : i32
        %dma_start3A_446 = tpu.memref_slice %dma_start3A_443[%dma_start3A_444, %dma_start3A_445] : memref<10000x64xbf16, #tpu.memory_space<hbm>> -> memref<10000x64xbf16, #tpu.memory_space<hbm>>
        tpu.enqueue_indirect_dma source(%dma_start3A_446 : memref<10000x64xbf16, #tpu.memory_space<hbm>>) target(%arg9 : memref<200x64xbf16, #tpu.memory_space<vmem>>) offsets(%dma_start3A_439 : memref<200xi32, #tpu.memory_space<vmem>>) semaphore(%arg15 : memref<!tpu.dma_semaphore, #tpu.memory_space<semaphore_mem>>)
      } else {
      }
      %mul3A_390 = arith.constant 200 : i32
      %mul3A_391 = arith.muli %add3A_363, %mul3A_390 : i32
      %dma_start3A_392 = tpu.memref_slice %arg7[%mul3A_391] : memref<10000xi32, #tpu.memory_space<vmem>> -> memref<200xi32, #tpu.memory_space<vmem>>
      %dma_start3A_393 = arith.constant 0 : i32
      %dma_start3A_394 = arith.constant 0 : i32
      %dma_start3A_395 = tpu.memref_slice %arg14[%dma_start3A_393, %dma_start3A_394] : memref<10000x64xf32, #tpu.memory_space<vmem_shared>> -> memref<10000x64xf32, #tpu.memory_space<vmem_shared>>
      tpu.enqueue_indirect_dma source(%arg11 : memref<200x64xf32, #tpu.memory_space<vmem>>) target(%dma_start3A_395 : memref<10000x64xf32, #tpu.memory_space<vmem_shared>>) offsets(%dma_start3A_392 : memref<200xi32, #tpu.memory_space<vmem>>) semaphore(%arg17 : memref<!tpu.dma_semaphore, #tpu.memory_space<semaphore_mem>>) {add = true}
      %add3A_396 = arith.constant 1 : i32
      %add3A_397 = arith.addi %mul3A_361, %add3A_396 : i32
      %mul3A_398 = arith.constant 200 : i32
      %mul3A_399 = arith.muli %add3A_397, %mul3A_398 : i32
      %dma_wait3A_400 = tpu.memref_slice %arg6[%mul3A_399] : memref<10000xi32, #tpu.memory_space<vmem>> -> memref<200xi32, #tpu.memory_space<vmem>>
      %dma_wait3A_401 = arith.constant 0 : i32
      %dma_wait3A_402 = arith.constant 0 : i32
      %dma_wait3A_403 = tpu.memref_slice %arg4[%scan3A_336, %dma_wait3A_401, %dma_wait3A_402] : memref<3x10000x64xbf16, #tpu.memory_space<hbm>> -> memref<1x10000x64xbf16, #tpu.memory_space<hbm>>
      %dma_wait3A_404 = tpu.memref_squeeze %dma_wait3A_403 : memref<1x10000x64xbf16, #tpu.memory_space<hbm>> -> memref<10000x64xbf16, #tpu.memory_space<hbm>>
      %dma_wait3A_405 = arith.constant 0 : i32
      %dma_wait3A_406 = arith.constant 0 : i32
      %dma_wait3A_407 = tpu.memref_slice %dma_wait3A_404[%dma_wait3A_405, %dma_wait3A_406] : memref<10000x64xbf16, #tpu.memory_space<hbm>> -> memref<10000x64xbf16, #tpu.memory_space<hbm>>
      tpu.wait_indirect_dma semaphore(%arg16 : memref<!tpu.dma_semaphore, #tpu.memory_space<semaphore_mem>>) src(%dma_wait3A_407 : memref<10000x64xbf16, #tpu.memory_space<hbm>>) dst(%arg10 : memref<200x64xbf16, #tpu.memory_space<vmem>>)
      %sub3A_408 = arith.constant 2 : i32
      %sub3A_409 = arith.subi %add3A_397, %sub3A_408 : i32
      %mul3A_410 = arith.constant 200 : i32
      %mul3A_411 = arith.muli %sub3A_409, %mul3A_410 : i32
      %dma_wait3A_412 = tpu.memref_slice %arg7[%mul3A_411] : memref<10000xi32, #tpu.memory_space<vmem>> -> memref<200xi32, #tpu.memory_space<vmem>>
      %dma_wait3A_413 = arith.constant 0 : i32
      %dma_wait3A_414 = arith.constant 0 : i32
      %dma_wait3A_415 = tpu.memref_slice %arg14[%dma_wait3A_413, %dma_wait3A_414] : memref<10000x64xf32, #tpu.memory_space<vmem_shared>> -> memref<10000x64xf32, #tpu.memory_space<vmem_shared>>
      tpu.wait_indirect_dma semaphore(%arg18 : memref<!tpu.dma_semaphore, #tpu.memory_space<semaphore_mem>>) src(%arg12 : memref<200x64xf32, #tpu.memory_space<vmem>>) dst(%dma_wait3A_415 : memref<10000x64xf32, #tpu.memory_space<vmem_shared>>)
      %mul3A_416 = arith.constant 200 : i32
      %mul3A_417 = arith.muli %add3A_397, %mul3A_416 : i32
      %parallel_loop3A_418 = arith.constant 0 : i32
      %parallel_loop3A_419 = arith.constant 200 : i32
      %parallel_loop3A_420 = arith.constant 1 : i32
      scf.for %parallel_loop3A_435 = %parallel_loop3A_418 to %parallel_loop3A_419 step %parallel_loop3A_420  : i32 {
        %parallel_loop3A_436 = arith.addi %mul3A_417, %parallel_loop3A_435 : i32
        %parallel_loop3A_437 = vector.broadcast %parallel_loop3A_436 : i32 to vector<16xi32>
        %parallel_loop3A_438 = tpu.vector_load_idx %arg8[%parallel_loop3A_437] : memref<10000xf32, #tpu.memory_space<vmem>>[vector<16xi32>], vector<16xf32>,
        %parallel_loop3A_439 = arith.index_cast %parallel_loop3A_435 : i32 to index
        %parallel_loop3A_440 = arith.constant 0 : index
        %parallel_loop3A_441 = tpu.vector_load %arg10[%parallel_loop3A_439, %parallel_loop3A_440] {strides = array<i32>} : memref<200x64xbf16, #tpu.memory_space<vmem>>, vector<32xbf16>,
        %parallel_loop3A_442 = tpu.unpack_subelements %parallel_loop3A_441, 0 {pack_format = #tpu.pack_format<interleaved>} : vector<32xbf16> -> vector<16xf32>
        %parallel_loop3A_443 = tpu.unpack_subelements %parallel_loop3A_441, 1 {pack_format = #tpu.pack_format<interleaved>} : vector<32xbf16> -> vector<16xf32>
        %parallel_loop3A_444 = arith.mulf %parallel_loop3A_442, %parallel_loop3A_438 : vector<16xf32>
        %parallel_loop3A_445 = arith.index_cast %parallel_loop3A_435 : i32 to index
        %parallel_loop3A_446 = arith.constant 0 : index
        %parallel_loop3A_447 = tpu.vector_load %arg12[%parallel_loop3A_445, %parallel_loop3A_446] {strides = array<i32>} : memref<200x64xf32, #tpu.memory_space<vmem>>, vector<16xf32>,
        tpu.vector_store %arg12[%parallel_loop3A_445, %parallel_loop3A_446], %parallel_loop3A_444 {strides = array<i32>} : memref<200x64xf32, #tpu.memory_space<vmem>>, vector<16xf32>,
        %parallel_loop3A_448 = arith.mulf %parallel_loop3A_443, %parallel_loop3A_438 : vector<16xf32>
        %parallel_loop3A_449 = arith.index_cast %parallel_loop3A_435 : i32 to index
        %parallel_loop3A_450 = arith.constant 16 : index
        %parallel_loop3A_451 = tpu.vector_load %arg12[%parallel_loop3A_449, %parallel_loop3A_450] {strides = array<i32>} : memref<200x64xf32, #tpu.memory_space<vmem>>, vector<16xf32>,
        tpu.vector_store %arg12[%parallel_loop3A_449, %parallel_loop3A_450], %parallel_loop3A_448 {strides = array<i32>} : memref<200x64xf32, #tpu.memory_space<vmem>>, vector<16xf32>,
        %parallel_loop3A_452 = arith.index_cast %parallel_loop3A_435 : i32 to index
        %parallel_loop3A_453 = arith.constant 32 : index
        %parallel_loop3A_454 = tpu.vector_load %arg10[%parallel_loop3A_452, %parallel_loop3A_453] {strides = array<i32>} : memref<200x64xbf16, #tpu.memory_space<vmem>>, vector<32xbf16>,
        %parallel_loop3A_455 = tpu.unpack_subelements %parallel_loop3A_454, 0 {pack_format = #tpu.pack_format<interleaved>} : vector<32xbf16> -> vector<16xf32>
        %parallel_loop3A_456 = tpu.unpack_subelements %parallel_loop3A_454, 1 {pack_format = #tpu.pack_format<interleaved>} : vector<32xbf16> -> vector<16xf32>
        %parallel_loop3A_457 = arith.mulf %parallel_loop3A_455, %parallel_loop3A_438 : vector<16xf32>
        %parallel_loop3A_458 = arith.index_cast %parallel_loop3A_435 : i32 to index
        %parallel_loop3A_459 = arith.constant 32 : index
        %parallel_loop3A_460 = tpu.vector_load %arg12[%parallel_loop3A_458, %parallel_loop3A_459] {strides = array<i32>} : memref<200x64xf32, #tpu.memory_space<vmem>>, vector<16xf32>,
        tpu.vector_store %arg12[%parallel_loop3A_458, %parallel_loop3A_459], %parallel_loop3A_457 {strides = array<i32>} : memref<200x64xf32, #tpu.memory_space<vmem>>, vector<16xf32>,
        %parallel_loop3A_461 = arith.mulf %parallel_loop3A_456, %parallel_loop3A_438 : vector<16xf32>
        %parallel_loop3A_462 = arith.index_cast %parallel_loop3A_435 : i32 to index
        %parallel_loop3A_463 = arith.constant 48 : index
        %parallel_loop3A_464 = tpu.vector_load %arg12[%parallel_loop3A_462, %parallel_loop3A_463] {strides = array<i32>} : memref<200x64xf32, #tpu.memory_space<vmem>>, vector<16xf32>,
        tpu.vector_store %arg12[%parallel_loop3A_462, %parallel_loop3A_463], %parallel_loop3A_461 {strides = array<i32>} : memref<200x64xf32, #tpu.memory_space<vmem>>, vector<16xf32>,
      } {sc.loop_unroll_factor = 4 : i64, sc.parallel_access}
      %add3A_421 = arith.constant 2 : i32
      %add3A_422 = arith.addi %add3A_397, %add3A_421 : i32
      %lt3A_423 = arith.constant 50 : i32
      %lt3A_424 = arith.cmpi slt, %add3A_422, %lt3A_423 : i32
      %convert_element_type3A_425 = arith.extui %lt3A_424 : i1 to i32
      %cond3A_426 = arith.constant 0 : i32
      %cond3A_427 = arith.cmpi ne, %convert_element_type3A_425, %cond3A_426 : i32
      scf.if %cond3A_427 {
        %add3A_435 = arith.constant 2 : i32
        %add3A_436 = arith.addi %add3A_397, %add3A_435 : i32
        %mul3A_437 = arith.constant 200 : i32
        %mul3A_438 = arith.muli %add3A_436, %mul3A_437 : i32
        %dma_start3A_439 = tpu.memref_slice %arg6[%mul3A_438] : memref<10000xi32, #tpu.memory_space<vmem>> -> memref<200xi32, #tpu.memory_space<vmem>>
        %dma_start3A_440 = arith.constant 0 : i32
        %dma_start3A_441 = arith.constant 0 : i32
        %dma_start3A_442 = tpu.memref_slice %arg4[%scan3A_336, %dma_start3A_440, %dma_start3A_441] : memref<3x10000x64xbf16, #tpu.memory_space<hbm>> -> memref<1x10000x64xbf16, #tpu.memory_space<hbm>>
        %dma_start3A_443 = tpu.memref_squeeze %dma_start3A_442 : memref<1x10000x64xbf16, #tpu.memory_space<hbm>> -> memref<10000x64xbf16, #tpu.memory_space<hbm>>
        %dma_start3A_444 = arith.constant 0 : i32
        %dma_start3A_445 = arith.constant 0 : i32
        %dma_start3A_446 = tpu.memref_slice %dma_start3A_443[%dma_start3A_444, %dma_start3A_445] : memref<10000x64xbf16, #tpu.memory_space<hbm>> -> memref<10000x64xbf16, #tpu.memory_space<hbm>>
        tpu.enqueue_indirect_dma source(%dma_start3A_446 : memref<10000x64xbf16, #tpu.memory_space<hbm>>) target(%arg10 : memref<200x64xbf16, #tpu.memory_space<vmem>>) offsets(%dma_start3A_439 : memref<200xi32, #tpu.memory_space<vmem>>) semaphore(%arg16 : memref<!tpu.dma_semaphore, #tpu.memory_space<semaphore_mem>>)
      } else {
      }
      %mul3A_428 = arith.constant 200 : i32
      %mul3A_429 = arith.muli %add3A_397, %mul3A_428 : i32
      %dma_start3A_430 = tpu.memref_slice %arg7[%mul3A_429] : memref<10000xi32, #tpu.memory_space<vmem>> -> memref<200xi32, #tpu.memory_space<vmem>>
      %dma_start3A_431 = arith.constant 0 : i32
      %dma_start3A_432 = arith.constant 0 : i32
      %dma_start3A_433 = tpu.memref_slice %arg14[%dma_start3A_431, %dma_start3A_432] : memref<10000x64xf32, #tpu.memory_space<vmem_shared>> -> memref<10000x64xf32, #tpu.memory_space<vmem_shared>>
      tpu.enqueue_indirect_dma source(%arg12 : memref<200x64xf32, #tpu.memory_space<vmem>>) target(%dma_start3A_433 : memref<10000x64xf32, #tpu.memory_space<vmem_shared>>) offsets(%dma_start3A_430 : memref<200xi32, #tpu.memory_space<vmem>>) semaphore(%arg18 : memref<!tpu.dma_semaphore, #tpu.memory_space<semaphore_mem>>) {add = true}
      %scan3A_434 = arith.constant 0 : i32
      scf.yield %scan3A_434 : i32
    }
    %scan3A_343 = arith.constant 24 : i32
    %dma_wait3A_344 = arith.constant 9600 : i32
    %dma_wait3A_345 = tpu.memref_slice %arg7[%dma_wait3A_344] : memref<10000xi32, #tpu.memory_space<vmem>> -> memref<200xi32, #tpu.memory_space<vmem>>
    %dma_wait3A_346 = arith.constant 0 : i32
    %dma_wait3A_347 = arith.constant 0 : i32
    %dma_wait3A_348 = tpu.memref_slice %arg14[%dma_wait3A_346, %dma_wait3A_347] : memref<10000x64xf32, #tpu.memory_space<vmem_shared>> -> memref<10000x64xf32, #tpu.memory_space<vmem_shared>>
    tpu.wait_indirect_dma semaphore(%arg17 : memref<!tpu.dma_semaphore, #tpu.memory_space<semaphore_mem>>) src(%arg11 : memref<200x64xf32, #tpu.memory_space<vmem>>) dst(%dma_wait3A_348 : memref<10000x64xf32, #tpu.memory_space<vmem_shared>>)
    %dma_wait3A_349 = arith.constant 9800 : i32
    %dma_wait3A_350 = tpu.memref_slice %arg7[%dma_wait3A_349] : memref<10000xi32, #tpu.memory_space<vmem>> -> memref<200xi32, #tpu.memory_space<vmem>>
    %dma_wait3A_351 = arith.constant 0 : i32
    %dma_wait3A_352 = arith.constant 0 : i32
    %dma_wait3A_353 = tpu.memref_slice %arg14[%dma_wait3A_351, %dma_wait3A_352] : memref<10000x64xf32, #tpu.memory_space<vmem_shared>> -> memref<10000x64xf32, #tpu.memory_space<vmem_shared>>
    tpu.wait_indirect_dma semaphore(%arg18 : memref<!tpu.dma_semaphore, #tpu.memory_space<semaphore_mem>>) src(%arg12 : memref<200x64xf32, #tpu.memory_space<vmem>>) dst(%dma_wait3A_353 : memref<10000x64xf32, #tpu.memory_space<vmem_shared>>)
    %barrier3A_354 = arith.constant 0 : index
    tpu.barrier barrier_id(%barrier3A_354)
    %mul3A_355 = arith.constant 64 : i32
    %mul3A_356 = arith.muli %arg0, %mul3A_355 : i32
    %run_scoped3A_357 = arith.constant 2 : i32
    "tpu.region"() ({
      %run_scoped3A_358 = tpu.sem_alloc : memref<!tpu.dma_semaphore, #tpu.memory_space<semaphore_mem>>
      %dma_start3A_359 = arith.constant 0 : i32
      %dma_start3A_360 = arith.constant 0 : i32
      %dma_start3A_361 = tpu.memref_slice %arg5[%run_scoped3A_357, %dma_start3A_359, %dma_start3A_360] : memref<3x10000x128xf32, #tpu.memory_space<hbm>> -> memref<1x10000x128xf32, #tpu.memory_space<hbm>>
      %dma_start3A_362 = tpu.memref_squeeze %dma_start3A_361 : memref<1x10000x128xf32, #tpu.memory_space<hbm>> -> memref<10000x128xf32, #tpu.memory_space<hbm>>
      %dma_start3A_363 = tpu.memref_slice %dma_start3A_362[%mul3A_2, %mul3A_356] : memref<10000x128xf32, #tpu.memory_space<hbm>> -> memref<625x64xf32, #tpu.memory_space<hbm>>
      %dma_start3A_364 = arith.constant 0 : i32
      %dma_start3A_365 = tpu.memref_slice %arg14[%mul3A_2, %dma_start3A_364] : memref<10000x64xf32, #tpu.memory_space<vmem_shared>> -> memref<625x64xf32, #tpu.memory_space<vmem_shared>>
      tpu.enqueue_dma source(%dma_start3A_365 : memref<625x64xf32, #tpu.memory_space<vmem_shared>>) target(%dma_start3A_363 : memref<625x64xf32, #tpu.memory_space<hbm>>) target_semaphore(%run_scoped3A_358 : memref<!tpu.dma_semaphore, #tpu.memory_space<semaphore_mem>>)
      %dma_wait3A_366 = arith.constant 0 : i32
      %dma_wait3A_367 = arith.constant 0 : i32
      %dma_wait3A_368 = tpu.memref_slice %arg5[%run_scoped3A_357, %dma_wait3A_366, %dma_wait3A_367] : memref<3x10000x128xf32, #tpu.memory_space<hbm>> -> memref<1x10000x128xf32, #tpu.memory_space<hbm>>
      %dma_wait3A_369 = tpu.memref_squeeze %dma_wait3A_368 : memref<1x10000x128xf32, #tpu.memory_space<hbm>> -> memref<10000x128xf32, #tpu.memory_space<hbm>>
      %dma_wait3A_370 = tpu.memref_slice %dma_wait3A_369[%mul3A_2, %mul3A_356] : memref<10000x128xf32, #tpu.memory_space<hbm>> -> memref<625x64xf32, #tpu.memory_space<hbm>>
      %dma_wait3A_371 = arith.constant 0 : i32
      %dma_wait3A_372 = tpu.memref_slice %arg14[%mul3A_2, %dma_wait3A_371] : memref<10000x64xf32, #tpu.memory_space<vmem_shared>> -> memref<625x64xf32, #tpu.memory_space<vmem_shared>>
      tpu.wait_dma2 semaphore(%run_scoped3A_358 : memref<!tpu.dma_semaphore, #tpu.memory_space<semaphore_mem>>) src(%dma_wait3A_372 : memref<625x64xf32, #tpu.memory_space<vmem_shared>>) dst(%dma_wait3A_370 : memref<625x64xf32, #tpu.memory_space<hbm>>)
      tpu.yield
    }) : () -> ()
    return
  }
}

module attributes {stable_mosaic.version = 14 : i64} {
  func.func @_mm_body(%arg0: i32, %arg1: i32, %arg2: memref<2000x128xf32, #tpu.memory_space<vmem>>, %arg3: memref<1x128x64xf32, #tpu.memory_space<vmem>>, %arg4: memref<1x2000x64xbf16, #tpu.memory_space<vmem>>) attributes {dimension_semantics = [#tpu.dimension_semantics<arbitrary>, #tpu.dimension_semantics<arbitrary>], iteration_bounds = array<i64: 3, 5>, scalar_prefetch = 0 : i64, scratch_operands = 0 : i64, tpu.core_type = #tpu.core_type<tc>, window_params = [{transform_indices = @transform_0, window_bounds = array<i64: 2000, 128>}, {transform_indices = @transform_1, window_bounds = array<i64: 1, 128, 64>}, {transform_indices = @transform_2, window_bounds = array<i64: 1, 2000, 64>}]} {
    %get3A = arith.constant 0 : index
    %get3A_0 = arith.constant 0 : index
    %get3A_1 = vector.load %arg2[%get3A, %get3A_0] : memref<2000x128xf32, #tpu.memory_space<vmem>>, vector<2000x128xf32>
    %get3A_2 = arith.constant 0 : index
    %get3A_3 = arith.constant 0 : index
    %get3A_4 = arith.constant 0 : index
    %get3A_5 = vector.load %arg3[%get3A_2, %get3A_3, %get3A_4] : memref<1x128x64xf32, #tpu.memory_space<vmem>>, vector<1x128x64xf32>
    %get3A_6 = vector.shape_cast %get3A_5 : vector<1x128x64xf32> to vector<128x64xf32>
    %dot_general3A = arith.constant dense<0.000000e+00> : vector<2000x64xf32>
    %dot_general3A_7 = tpu.matmul %get3A_1, %get3A_6, %dot_general3A {dimension_numbers = #tpu.dot_dimension_numbers<[1], [0], [0], [1], [0, 0, 1, 1], [], []>, transpose_lhs_hint = false} : vector<2000x128xf32>, vector<128x64xf32>, vector<2000x64xf32> -> vector<2000x64xf32>
    %convert_element_type3A = arith.truncf %dot_general3A_7 : vector<2000x64xf32> to vector<2000x64xbf16>
    %swap3A = arith.constant 0 : index
    %swap3A_8 = arith.constant 0 : index
    %swap3A_9 = arith.constant 0 : index
    %swap3A_10 = vector.load %arg4[%swap3A, %swap3A_8, %swap3A_9] : memref<1x2000x64xbf16, #tpu.memory_space<vmem>>, vector<1x2000x64xbf16>
    %swap3A_11 = vector.shape_cast %swap3A_10 : vector<1x2000x64xbf16> to vector<2000x64xbf16>
    %swap3A_12 = vector.shape_cast %convert_element_type3A : vector<2000x64xbf16> to vector<1x2000x64xbf16>
    tpu.vector_store %arg4[%swap3A, %swap3A_8, %swap3A_9], %swap3A_12 {strides = array<i32>} : memref<1x2000x64xbf16, #tpu.memory_space<vmem>>, vector<1x2000x64xbf16>,
    return
  }
  func.func @transform_0(%arg0: i32, %arg1: i32) -> (i32, i32) {
    %c0_i32 = arith.constant 0 : i32
    %c0_i32_0 = arith.constant 0 : i32
    return %arg1, %c0_i32 : i32, i32
  }
  func.func @transform_1(%arg0: i32, %arg1: i32) -> (i32, i32, i32) {
    %c0_i32 = arith.constant 0 : i32
    %c0_i32_0 = arith.constant 0 : i32
    %c0_i32_1 = arith.constant 0 : i32
    return %arg0, %c0_i32, %c0_i32_0 : i32, i32, i32
  }
  func.func @transform_2(%arg0: i32, %arg1: i32) -> (i32, i32, i32) {
    %c0_i32 = arith.constant 0 : i32
    %c0_i32_0 = arith.constant 0 : i32
    return %arg0, %arg1, %c0_i32 : i32, i32, i32
  }
}

module attributes {stable_mosaic.version = 14 : i64} {
  func.func @_fuse_body(%arg0: i32, %arg1: memref<3x1000x128xf32, #tpu.memory_space<vmem>>, %arg2: memref<64x32xf32, #tpu.memory_space<vmem>>, %arg3: memref<1000x32xbf16, #tpu.memory_space<vmem>>) attributes {dimension_semantics = [#tpu.dimension_semantics<arbitrary>], iteration_bounds = array<i64: 10>, scalar_prefetch = 0 : i64, scratch_operands = 0 : i64, tpu.core_type = #tpu.core_type<tc>, window_params = [{transform_indices = @transform_0, window_bounds = array<i64: 3, 1000, 128>}, {pipeline_mode = #tpu.pipeline_mode<synchronous>, transform_indices = @transform_1, window_bounds = array<i64: 64, 32>}, {transform_indices = @transform_2, window_bounds = array<i64: 1000, 32>}]} {
    %get3A = arith.constant 0 : index
    %get3A_0 = arith.constant 0 : index
    %get3A_1 = arith.constant 0 : index
    %get3A_2 = vector.load %arg1[%get3A, %get3A_0, %get3A_1] : memref<3x1000x128xf32, #tpu.memory_space<vmem>>, vector<3x1000x128xf32>
    %slice3A = vector.extract_strided_slice %get3A_2 {offsets = [0, 0, 0], sizes = [1, 1000, 64], strides = [1, 1, 1]} : vector<3x1000x128xf32> to vector<1x1000x64xf32>
    %squeeze3A = vector.shape_cast %slice3A : vector<1x1000x64xf32> to vector<1000x64xf32>
    %slice3A_3 = vector.extract_strided_slice %get3A_2 {offsets = [0, 0, 64], sizes = [1, 1000, 64], strides = [1, 1, 1]} : vector<3x1000x128xf32> to vector<1x1000x64xf32>
    %squeeze3A_4 = vector.shape_cast %slice3A_3 : vector<1x1000x64xf32> to vector<1000x64xf32>
    %add3A = arith.addf %squeeze3A, %squeeze3A_4 : vector<1000x64xf32>
    %max3A = arith.constant 0.000000e+00 : f32
    %max3A_5 = vector.broadcast %max3A : f32 to vector<1000x64xf32>
    %max3A_6 = arith.maximumf %add3A, %max3A_5 : vector<1000x64xf32>
    %slice3A_7 = vector.extract_strided_slice %get3A_2 {offsets = [1, 0, 0], sizes = [1, 1000, 64], strides = [1, 1, 1]} : vector<3x1000x128xf32> to vector<1x1000x64xf32>
    %squeeze3A_8 = vector.shape_cast %slice3A_7 : vector<1x1000x64xf32> to vector<1000x64xf32>
    %slice3A_9 = vector.extract_strided_slice %get3A_2 {offsets = [1, 0, 64], sizes = [1, 1000, 64], strides = [1, 1, 1]} : vector<3x1000x128xf32> to vector<1x1000x64xf32>
    %squeeze3A_10 = vector.shape_cast %slice3A_9 : vector<1x1000x64xf32> to vector<1000x64xf32>
    %add3A_11 = arith.addf %squeeze3A_8, %squeeze3A_10 : vector<1000x64xf32>
    %max3A_12 = arith.constant 0.000000e+00 : f32
    %max3A_13 = vector.broadcast %max3A_12 : f32 to vector<1000x64xf32>
    %max3A_14 = arith.maximumf %add3A_11, %max3A_13 : vector<1000x64xf32>
    %add3A_15 = arith.addf %max3A_6, %max3A_14 : vector<1000x64xf32>
    %slice3A_16 = vector.extract_strided_slice %get3A_2 {offsets = [2, 0, 0], sizes = [1, 1000, 64], strides = [1, 1, 1]} : vector<3x1000x128xf32> to vector<1x1000x64xf32>
    %squeeze3A_17 = vector.shape_cast %slice3A_16 : vector<1x1000x64xf32> to vector<1000x64xf32>
    %slice3A_18 = vector.extract_strided_slice %get3A_2 {offsets = [2, 0, 64], sizes = [1, 1000, 64], strides = [1, 1, 1]} : vector<3x1000x128xf32> to vector<1x1000x64xf32>
    %squeeze3A_19 = vector.shape_cast %slice3A_18 : vector<1x1000x64xf32> to vector<1000x64xf32>
    %add3A_20 = arith.addf %squeeze3A_17, %squeeze3A_19 : vector<1000x64xf32>
    %max3A_21 = arith.constant 0.000000e+00 : f32
    %max3A_22 = vector.broadcast %max3A_21 : f32 to vector<1000x64xf32>
    %max3A_23 = arith.maximumf %add3A_20, %max3A_22 : vector<1000x64xf32>
    %add3A_24 = arith.addf %add3A_15, %max3A_23 : vector<1000x64xf32>
    %mul3A = arith.constant 0.333333343 : f32
    %mul3A_25 = vector.broadcast %mul3A : f32 to vector<1000x64xf32>
    %mul3A_26 = arith.mulf %add3A_24, %mul3A_25 : vector<1000x64xf32>
    %get3A_27 = arith.constant 0 : index
    %get3A_28 = arith.constant 0 : index
    %get3A_29 = vector.load %arg2[%get3A_27, %get3A_28] : memref<64x32xf32, #tpu.memory_space<vmem>>, vector<64x32xf32>
    %dot_general3A = arith.constant dense<0.000000e+00> : vector<1000x32xf32>
    %dot_general3A_30 = tpu.matmul %mul3A_26, %get3A_29, %dot_general3A {dimension_numbers = #tpu.dot_dimension_numbers<[1], [0], [0], [1], [0, 0, 1, 1], [], []>, transpose_lhs_hint = false} : vector<1000x64xf32>, vector<64x32xf32>, vector<1000x32xf32> -> vector<1000x32xf32>
    %convert_element_type3A = arith.truncf %dot_general3A_30 : vector<1000x32xf32> to vector<1000x32xbf16>
    %swap3A = arith.constant 0 : index
    %swap3A_31 = arith.constant 0 : index
    %swap3A_32 = vector.load %arg3[%swap3A, %swap3A_31] : memref<1000x32xbf16, #tpu.memory_space<vmem>>, vector<1000x32xbf16>
    tpu.vector_store %arg3[%swap3A, %swap3A_31], %convert_element_type3A {strides = array<i32>} : memref<1000x32xbf16, #tpu.memory_space<vmem>>, vector<1000x32xbf16>,
    return
  }
  func.func @transform_0(%arg0: i32) -> (i32, i32, i32) {
    %c0_i32 = arith.constant 0 : i32
    %c0_i32_0 = arith.constant 0 : i32
    %c0_i32_1 = arith.constant 0 : i32
    return %c0_i32, %arg0, %c0_i32_0 : i32, i32, i32
  }
  func.func @transform_1(%arg0: i32) -> (i32, i32) {
    %c0_i32 = arith.constant 0 : i32
    %c0_i32_0 = arith.constant 0 : i32
    %c0_i32_1 = arith.constant 0 : i32
    return %c0_i32, %c0_i32_0 : i32, i32
  }
  func.func @transform_2(%arg0: i32) -> (i32, i32) {
    %c0_i32 = arith.constant 0 : i32
    %c0_i32_0 = arith.constant 0 : i32
    return %arg0, %c0_i32 : i32, i32
  }
}

module attributes {stable_mosaic.version = 14 : i64} {
  func.func @_final_body(%arg0: i32, %arg1: memref<2000x64xf32, #tpu.memory_space<vmem>>, %arg2: memref<2000x32xf32, #tpu.memory_space<vmem>>) attributes {dimension_semantics = [#tpu.dimension_semantics<arbitrary>], iteration_bounds = array<i64: 5>, scalar_prefetch = 0 : i64, scratch_operands = 0 : i64, tpu.core_type = #tpu.core_type<tc>, window_params = [{transform_indices = @transform_0, window_bounds = array<i64: 2000, 64>}, {transform_indices = @transform_1, window_bounds = array<i64: 2000, 32>}]} {
    %get3A = arith.constant 0 : index
    %get3A_0 = arith.constant 0 : index
    %get3A_1 = vector.load %arg1[%get3A, %get3A_0] : memref<2000x64xf32, #tpu.memory_space<vmem>>, vector<2000x64xf32>
    %slice3A = vector.extract_strided_slice %get3A_1 {offsets = [0, 0], sizes = [2000, 32], strides = [1, 1]} : vector<2000x64xf32> to vector<2000x32xf32>
    %slice3A_2 = vector.extract_strided_slice %get3A_1 {offsets = [0, 32], sizes = [2000, 32], strides = [1, 1]} : vector<2000x64xf32> to vector<2000x32xf32>
    %add3A = arith.addf %slice3A, %slice3A_2 : vector<2000x32xf32>
    %max3A = arith.constant 0.000000e+00 : f32
    %max3A_3 = vector.broadcast %max3A : f32 to vector<2000x32xf32>
    %max3A_4 = arith.maximumf %add3A, %max3A_3 : vector<2000x32xf32>
    %swap3A = arith.constant 0 : index
    %swap3A_5 = arith.constant 0 : index
    %swap3A_6 = vector.load %arg2[%swap3A, %swap3A_5] : memref<2000x32xf32, #tpu.memory_space<vmem>>, vector<2000x32xf32>
    tpu.vector_store %arg2[%swap3A, %swap3A_5], %max3A_4 {strides = array<i32>} : memref<2000x32xf32, #tpu.memory_space<vmem>>, vector<2000x32xf32>,
    return
  }
  func.func @transform_0(%arg0: i32) -> (i32, i32) {
    %c0_i32 = arith.constant 0 : i32
    %c0_i32_0 = arith.constant 0 : i32
    return %arg0, %c0_i32 : i32, i32
  }
  func.func @transform_1(%arg0: i32) -> (i32, i32) {
    %c0_i32 = arith.constant 0 : i32
    %c0_i32_0 = arith.constant 0 : i32
    return %arg0, %c0_i32 : i32, i32
  }
}

</mosaic_0001>

<sc_bundles>
// kernel: kernel.10.cloned.1.call-start
scs
__scs_entry_jumppad:
0x0: {  	(pc) =	sbr.rel $0x88, $3  }
0x1: {  	(tag) =	ssettag $0x0;
	lr =	simm.s32 $0x1  }
0x2: {  	[smem:$0x3F9C] =	sst lr;
	_ =	strace $0xD0000000  }
0x3: {  	_ = 	snop  }
0x4: {  	_ = 	snop  }
0x5: {  	_ = 	snop  }
0x6: {  	_ = 	snop  }
0x7: {  	_ = 	snop  }
__scs_overlays_trampoline_lowered:
0x8: {  	[smem:$0x3FAB] =	sst s0  }
0x9: {  	[smem:$0x3FAC] =	sst s1  }
0xa: {  	[smem:$0x3FAD] =	sst s2  }
0xb: {  	[smem:$0x3FAE] =	sst s3  }
0xc: {  	[smem:$0x3FAF] =	sst s4  }
0xd: {  	[smem:$0x3FB0] =	sst s5  }
0xe: {  	[smem:$0x3FB1] =	sst s6  }
0xf: {  	[smem:$0x3FB2] =	sst s7  }
0x10: {  	[smem:$0x3FB3] =	sst s8  }
0x11: {  	[smem:$0x3FB4] =	sst s9;
	s0 =	simm.s32 @!p0 $0x0  }
0x12: {  	s1 =	sld [smem:$0x3F9A];
	s0 =	simm.s32 @p0 $0x1  }
0x13: {  	[smem:$0x3FB5] =	sst s0;
	s0 =	simm.s32 @!p1 $0x0  }
0x14: {  	s2 =	sld [smem:$0x3F99];
	s0 =	simm.s32 @p1 $0x1  }
0x15: {  	[smem:$0x3FB6] =	sst s0;
	s0 =	simm.s32 @!p2 $0x0  }
0x16: {  	s3 =	sld [smem:$0x3FDB];
	s0 =	simm.s32 @p2 $0x1  }
0x17: {  	s4 =	simm.s32 $0x1BF5;
	[smem:$0x3FB8] =	sst s0  }
0x18: {  	s0 =	sld [smem:$0x3F9B];
	_ =	swait.ge [sflag:s4], $0x0  }
0x19: {  	s7 =	sld [smem:$0x3F9C]  }
0x1a: {  	s8 =	sadd.s32 $0xFFFFE003, lr  }
0x1b: {  	s9 =	sadd.s32 $0xFFFFFEF7, lr;
	s5 =	simm.s32 $0xFFFFFFFF;
	p2 =	slt.u32 s8, $0xFFFFF086  }
0x1c: {  	p1 =	slt.u32 s9, $0xF7A;
	s5 =	simm.s32 @!p2 $0x0  }
0x1d: {  	s5 =	simm.s32 @p1 $0x1;
	p0 =	seq.s32 s7, s2  }
0x1e: {  	s7 =	smul.u32 @!p0 $0xF7A, s2;
	p2 =	seq.s32 @!p0 s5, $0x0  }
0x1f: {  	s9 =	smul.u32 $0xF7A, s1;
	s8 =	simm.s32 @!p0 $0x1BF5;
	p2 =	por !p2, p0  }
0x20: {  	[sflag:s8] =	ssyncset.s32 @!p0 $0xFFFFF086;
	s6 =	sadd.s32 @!p0 s3, s7;
	s7 =	simm.s32 @!p0 $0x108  }
0x21: {  	s3 =	sadd.s32 s3, s9;
	s6 =	sadd.s32 @!p0 $0x88, s6;
	s7 =	simm.s32 @p2 $0x1082  }
0x22: {  	[simem:s7], [sflag:s8] =	dma.local @!p0 [hbm:s6], $0xF7A  }
0x23: {  	s9 =	sor.u32 $0xD0000000, s2;
	s6 =	simm.s32 $0x108;
	_ =	swait.ge @!p0 [sflag:s8], $0x0  }
0x24: {  	s3 =	sadd.s32 $0x88, s3;
	s6 =	simm.s32 @!p1 $0x1082;
	[sflag:s4] =	ssyncset.s32 $0xFFFFF086  }
0x25: {  	[simem:s6], [sflag:s4] =	dma.local [hbm:s3], $0xF7A  }
0x26: {  	[smem:$0x3F9C] =	sst s1;
	(tag) =	ssettag s2;
	_ =	strace s9  }
0x27: {  	s1 =	sld [smem:$0x3FAC]  }
0x28: {  	s2 =	sld [smem:$0x3FAD]  }
0x29: {  	s4 =	sld [smem:$0x3FAF]  }
0x2a: {  	p0 =	seq.s32 s5, $0x0;
	s5 =	sld [smem:$0x3FB0]  }
0x2b: {  	s6 =	sld [smem:$0x3FB1]  }
0x2c: {  	s7 =	sld [smem:$0x3FB2]  }
0x2d: {  	s3 =	simm.s32 $0x108;
	s8 =	sld [smem:$0x3FB3]  }
0x2e: {  	s3 =	simm.s32 @!p0 $0x1082;
	s9 =	sld [smem:$0x3FB4]  }
0x2f: {  	lr =	sadd.s32 s0, s3;
	s0 =	sld [smem:$0x3FAB]  }
0x30: {  	s3 =	sld [smem:$0x3FAE]  }
0x31: {  	[smem:$0x3FB7] =	sst s10  }
0x32: {  	s10 =	sld [smem:$0x3FB5];
	_ =	sdelay $0x3  }
0x33: {  	p0 =	seq.s32 s10, $0x1;
	s10 =	sld [smem:$0x3FB7];
	_ =	sdelay $0x3  }
0x34: {  	[smem:$0x3FB7] =	sst s10  }
0x35: {  	s10 =	sld [smem:$0x3FB6];
	_ =	sdelay $0x3  }
0x36: {  	p1 =	seq.s32 s10, $0x1;
	s10 =	sld [smem:$0x3FB7];
	_ =	sdelay $0x3  }
0x37: {  	[smem:$0x3FB7] =	sst s10  }
0x38: {  	s10 =	sld [smem:$0x3FB8]  }
0x39: {  	_ = 	snop;
	(pc) =	sbr.ind lr, $3  }
0x3a: {  	_ = 	snop  }
0x3b: {  	_ = 	snop  }
0x3c: {  	p2 =	seq.s32 s10, $0x1;
	s10 =	sld [smem:$0x3FB7]  }
0x3d: {  	_ =	shalt  }
0x3e: {  	_ =	shalt  }
0x3f: {  	_ =	shalt  }
0x40: {  	_ =	shalt  }
0x41: {  	_ =	shalt  }
0x42: {  	_ =	shalt  }
0x43: {  	_ =	shalt  }
0x44: {  	_ =	shalt  }
0x45: {  	_ =	shalt  }
0x46: {  	_ =	shalt  }
0x47: {  	_ =	shalt  }
0x48: {  	_ =	shalt  }
0x49: {  	_ =	shalt  }
0x4a: {  	_ =	shalt  }
0x4b: {  	_ =	shalt  }
0x4c: {  	_ =	shalt  }
0x4d: {  	_ =	shalt  }
0x4e: {  	_ =	shalt  }
0x4f: {  	_ =	shalt  }
0x50: {  	_ =	shalt  }
0x51: {  	_ =	shalt  }
0x52: {  	_ =	shalt  }
0x53: {  	_ =	shalt  }
0x54: {  	_ =	shalt  }
0x55: {  	_ =	shalt  }
0x56: {  	_ =	shalt  }
0x57: {  	_ =	shalt  }
0x58: {  	_ =	shalt  }
0x59: {  	_ =	shalt  }
0x5a: {  	_ =	shalt  }
0x5b: {  	_ =	shalt  }
0x5c: {  	_ =	shalt  }
0x5d: {  	_ =	shalt  }
0x5e: {  	_ =	shalt  }
0x5f: {  	_ =	shalt  }
0x60: {  	_ =	shalt  }
0x61: {  	_ =	shalt  }
0x62: {  	_ =	shalt  }
0x63: {  	_ =	shalt  }
0x64: {  	_ =	shalt  }
0x65: {  	_ =	shalt  }
0x66: {  	_ =	shalt  }
0x67: {  	_ =	shalt  }
0x68: {  	_ =	shalt  }
0x69: {  	_ =	shalt  }
0x6a: {  	_ =	shalt  }
0x6b: {  	_ =	shalt  }
0x6c: {  	_ =	shalt  }
0x6d: {  	_ =	shalt  }
0x6e: {  	_ =	shalt  }
0x6f: {  	_ =	shalt  }
0x70: {  	_ =	shalt  }
0x71: {  	_ =	shalt  }
0x72: {  	_ =	shalt  }
0x73: {  	_ =	shalt  }
0x74: {  	_ =	shalt  }
0x75: {  	_ =	shalt  }
0x76: {  	_ =	shalt  }
0x77: {  	_ =	shalt  }
0x78: {  	_ =	shalt  }
0x79: {  	_ =	shalt  }
0x7a: {  	_ =	shalt  }
0x7b: {  	_ =	shalt  }
0x7c: {  	_ =	shalt  }
0x7d: {  	_ =	shalt  }
0x7e: {  	_ =	shalt  }
0x7f: {  	_ =	shalt  }
0x80: {  	_ =	shalt  }
0x81: {  	_ =	shalt  }
0x82: {  	_ =	shalt  }
0x83: {  	_ =	shalt  }
0x84: {  	_ =	shalt  }
0x85: {  	_ =	shalt  }
0x86: {  	_ =	shalt  }
0x87: {  	_ =	shalt  }
.Lfunc_end0:
.L_simem_size_0:
called_computation.1_lowered:
.L_overlay_start_0:
0x88: {  	s2 =	sld [smem:$0x3FD9]  }
0x89: {  	s3 =	sld [smem:$0x3FFE];
	_ =	sdelay $0x1  }
0x8a: {  	s1 =	srdreg.scid  }
0x8b: {  	s0 =	sand.u32 $0x1, s1  }
0x8c: {  	s17 =	sshll.u32 s0, $0xA;
	s2 =	sadd.s32 s3, s2  }
0x8d: {  	s2 =	sadd.s32 s2, s17  }
0x8e: {  	[smem:$0x3FC3] =	sst s2  }
0x8f: {  	_ = 	snop  }
0x90: {  	s2 =	sld [smem:$0x3FD0];
	(tm) =	ssettm $0x1  }
0x91: {  	s18 =	sld [smem:$0x3FFB];
	_ =	sdelay $0x3  }
0x92: {  	_ =	strace s18  }
0x93: {  	s3 =	sld [smem:$0x3FFC];
	_ =	sdelay $0x3  }
0x94: {  	_ =	strace s3  }
0x95: {  	s3 =	sld [smem:$0x3FFD];
	_ =	sdelay $0x3  }
0x96: {  	_ =	strace s3  }
0x97: {  	_ =	strace $0x8FFFFFFF  }
0x98: {  	s19 =	sld [smem:$0x3FDB];
	_ =	sdelay $0x1  }
0x99: {  	s4 =	simm.s32 $_scs_section_size  }
0x9a: {  	s5 =	simm.s32 $_size__tile_overlayer_lowered;
	s6 =	simm.s32 $_tile_overlayer_lowered  }
0x9b: {  	s22 =	simm.s32 $0x1BFF;
	s21 =	sshll.u32 s6, $0x1;
	s3 =	sadd.s32 s4, s19  }
0x9c: {  	s7 =	simm.s32 $0x0;
	s20 =	sshll.u32 s5, $0x1;
	s5 =	sadd.s32 s21, s3  }
0x9d: {  	[timem:s7], [sflag:s22] =	dma.local [hbm:s5], s20  }
0x9e: {  	_ =	swait.ge [sflag:s22], s20  }
0x9f: {  	s4 =	ssub.s32 $0x0, s20;
	[sflag:s22] =	ssyncset.done $0x0  }
0xa0: {  	[sflag:s22] =	ssyncadd.s32 s4;
	_ =	sdelay $0x1  }
0xa1: {  	s23 =	simm.s32 $0x1B8B  }
0xa2: {  	_ =	swait.ge [sflag:s23], $0x1  }
0xa3: {  	[sflag:s23] =	ssyncset.done $0x0  }
0xa4: {  	s25 =	simm.s32 $0x1B8E;
	s24 =	sld [smem:$0x3FFE];
	[sflag:s23] =	ssyncadd.s32 $0xFFFFFFFF  }
0xa5: {  	s26 =	simm.s32 $execute0_lowered;
	[smem:$0x3FD2] =	sst s25  }
0xa6: {  	s5 =	sshll.u32 s26, $0x1;
	_ =	strace $0x80000049;
	[dreg:$0x1] =	wrdreg $0xFFFFFFFF  }
0xa7: {  	s28 =	simm.s32 $_size_execute0_lowered;
	s3 =	sadd.s32 s3, s5;
	[dreg:$0x0] =	wrdreg $0x0  }
0xa8: {  	s5 =	sshll.u32 s28, $0x1;
	[dreg:$0x2] =	wrdreg s3  }
0xa9: {  	[dreg:$0x3] =	wrdreg s5  }
0xaa: {  	[dreg:$0x4] =	wrdreg $0xC0  }
0xab: {  	_ =	task [dreg:s7], $0x5FFFF  }
0xac: {  	[dreg:$0x1] =	wrdreg $0xFFFFFFFF  }
0xad: {  	[dreg:$0x0] =	wrdreg $0x60  }
0xae: {  	[dreg:$0x2] =	wrdreg s24  }
0xaf: {  	[dreg:$0x3] =	wrdreg s2  }
0xb0: {  	[dreg:$0x4] =	wrdreg $0xD9300  }
0xb1: {  	[dreg:$0x5] =	wrdreg $0x9  }
0xb2: {  	_ =	task.clear_ibuf [dreg:s7], $0x6FFFF;
	_ =	strace $0x90000049  }
0xb3: {  	s29 =	simm.s32 $0x9;
	_ =	strace $0x8000004B  }
0xb4: {  	_ =	swait.ge [sflag:s29], $0x1  }
0xb5: {  	[sflag:s29] =	ssyncadd.s32 $0xFFFFFFFF  }
0xb6: {  	_ =	strace $0x9000004B  }
0xb7: {  	_ =	sfence  }
0xb8: {  	s30 =	sld [smem:$0x0];
	_ =	sdelay $0x2  }
0xb9: {  	s31 =	sshll.u32 s1, $0xD;
	s1 =	sshrl.u32 s1, $0x2  }
0xba: {  	s3 =	sand.u32 $0x4000, s31;
	s1 =	sadd.s32 s1, s30  }
0xbb: {  	s0 =	sor.u32 s3, s0;
	s1 =	sshll.u32 s1, $0x11  }
0xbc: {  	s0 =	sor.u32 s1, s0  }
0xbd: {  	s0 =	sadd.s32 $0x8F2B, s0  }
0xbe: {  	[sflag:s0] =	ssyncadd.remote.s32 $0x1  }
0xbf: {  	_ =	sfence.sel $0xFFFF  }
0xc0: {  	[dreg:$0x0] =	wrdreg $0xFFFFFFFF;
	(pc) =	sbr.abs _section_cstart, $3  }
0xc1: {  	[dreg:$0x1] =	wrdreg $0xFFFFFFFF  }
0xc2: {  	_ =	task.clear_ibuf [dreg:s7], $0x2FFFF;
	_ =	strace $0x9FFFFFFF  }
0xc3: {  	(tm) =	ssettm $0x7FFFFFFF  }
tec
execute0_lowered:
.L_overlay_start_1:
0x0: {  	(tag) =	ssettag $0x1  }
0x1: {  	s0 =	srdreg.scid;
	s1 =	rddreg [dreg:$0x0]  }
0x2: {  	s7 =	stileid.u32;
	s2 =	rddreg [dreg:$0x1]  }
0x3: {  	s14 =	simm.s32 $0xC030;
	s15 =	simm.s32 $0x5;
	s17 =	simm.s32 $0x4E20  }
0x4: {  	s18 =	simm.s32 $0xC8;
	s20 =	simm.s32 $0x81B0;
	s21 =	simm.s32 $0x1  }
0x5: {  	s23 =	simm.s32 $0x8E30;
	s28 =	simm.s32 $0xA730;
	s29 =	simm.s32 $0x3  }
0x6: {  	s30 =	simm.s32 $0x4;
	s0 =	sand.u32 $0x1, s0;
	s6 =	smul.u32 $0x9C40, s7  }
0x7: {  	s3 =	sshll.u32 s0, $0x4;
	s24 =	sshll.u32 s0, $0x5;
	s0 =	ssub.s32 $0x2, s0  }
0x8: {  	s4 =	sor.u32 s7, s3;
	s3 =	rddreg [dreg:$0x2];
	s7 =	smul.u32 $0x13880, s7  }
0x9: {  	s8 =	sshrl.u32 s0, $0x1;
	s5 =	smul.u32 $0x2710, s4;
	s4 =	simm.s32 $0x0  }
0xa: {  	s0 =	ssub.s32 s0, s8;
	[smem:$0x7FF] =	sst s4;
	s25 =	sshrl.u32 s7, $0x2  }
0xb: {  	s13 =	smax.u32 s0, $0x1;
	s7 =	simm.s32 $0x7530;
	s5 =	sshrl.u32 s5, $0x3  }
0xc: {  	_ =	strace $0x8000004A;
	s11 =	sadd.s32 s5, s1;
	s5 =	sor.u32 s24, s6  }
.Ltmp0:
0xd: {  	s24 =	simm.s32 $0x2;
	s26 =	sshrl.u32 s5, $0x3;
	(pc) =	sbr.rel .LBB2_1-.Ltmp0, $4  }
0xe: {  	s5 =	sadd.s32 s25, s3;
	s9 =	sadd.s32 $0x1600, s11;
	s10 =	sadd.s32 $0xB240, s11  }
0xf: {  	s11 =	sadd.s32 $0x3C000, s11;
	s1 =	sadd.s32 s26, s1;
	s6 =	sadd.s32 $0x1900, s5  }
0x10: {  	s31 =	sadd.s32 $0x3200, s5;
	s8 =	sadd.s32 $0x3520, s5;
	[dreg:$0x4] =	wrdreg s6  }
0x11: {  	v0 =	vimm.f32 $0.0e+00;
	[dreg:$0x5] =	wrdreg s31;
	s12 =	sadd.s32 $0x59600, s1;
	s6 =	simm.s32 $0x2710  }
.LBB2_14:
0x12: {  	[spmem:s3] =	stream.indirect.scatter.add.f32 [tilespmem:s28], [sflag:$0x4], $0x20, s0, s18, $0xb8;
	[tilespmem:$0x12750] =	vst v63  }
0x13: {  	_ =	swait.ge [sflag:s29], $0x1900  }
0x14: {  	[sflag:s29] =	ssyncset.done $0x0  }
0x15: {  	[sflag:s29] =	ssyncadd.s32 $0xFFFFE700  }
0x16: {  	s31 =	stileid.u32;
	s1 =	sshrl.u32 s5, $0x3;
	_ =	swait.ge [sflag:s30], $0x1900  }
0x17: {  	s6 =	simm.s32 $0x8;
	s4 =	sadd.s32 $0x1, s4;
	[sflag:s30] =	ssyncset.done $0x0  }
0x18: {  	s0 =	sshll.u32 s31, $0x6;
	p0 =	sne.s32 s4, s13;
	[sflag:s30] =	ssyncadd.s32 $0xFFFFE700  }
.Ltmp1:
0x19: {  	s0 =	sor.u32 $0x1C05, s0;
	[bflag:$0x0] =	sbarrier.arrive $0xFFFF;
	(pc) =	sbr.rel @!p0 .LBB2_15-.Ltmp1, $4  }
0x1a: {  	[hbm:s12@s6], [sflag:s0] =	dma.strided [spmem:s1@s30], $0x9C4, s21, $0x4   }
0x1b: {  	_ =	swait.ge [sflag:s15], $0x9C4  }
0x1c: {  	[sflag:s15] =	ssyncset.done $0x0  }
0x1d: {  	s7 =	simm.s32 $0x7530;
	s6 =	simm.s32 $0x2710;
	[sflag:s15] =	ssyncadd.s32 $0xFFFFF63C  }
.LBB2_1:
0x1e: {  	s0 =	simm.s32 $0xC070  }
0x1f: {  	[tilespmem:s0+$0xFFFFFFC0] =	vst v0  }
0x20: {  	[tilespmem:s0+$0x30] =	vst v0  }
0x21: {  	[tilespmem:s0+$0x20] =	vst v0  }
0x22: {  	[tilespmem:s0+$0x10] =	vst v0  }
0x23: {  	[tilespmem:s0+$0x0] =	vst v0  }
0x24: {  	[tilespmem:s0+$0xFFFFFFF0] =	vst v0  }
0x25: {  	s1 =	simm.s32 $0x0;
	[tilespmem:s0+$0xFFFFFFE0] =	vst v0  }
.LBB2_2:
0x26: {  	s1 =	sadd.s32 $0x4, s1;
	[tilespmem:s0+$0xFFFFFFD0] =	vst v0;
	s0 =	sadd.s32 $0x80, s0  }
0x27: {  	[tilespmem:s0+$0xFFFFFFC0] =	vst v0;
	p0 =	slt.u32 s1, $0xC4  }
0x28: {  	[tilespmem:s0+$0x30] =	vst v0  }
.Ltmp2:
0x29: {  	[tilespmem:s0+$0x20] =	vst v0;
	(pc) =	sbr.rel @p0 .LBB2_2-.Ltmp2, $4  }
0x2a: {  	[tilespmem:s0+$0x10] =	vst v0  }
0x2b: {  	[tilespmem:s0+$0x0] =	vst v0  }
0x2c: {  	[tilespmem:s0+$0xFFFFFFF0] =	vst v0  }
0x2d: {  	[tilespmem:s0+$0xFFFFFFE0] =	vst v0  }
0x2e: {  	[tilespmem:s0+$0xFFFFFFD0] =	vst v0  }
0x2f: {  	[spmem:s5] =	stream.linear.scatter [tilespmem:s14], [sflag:$0x5], $0x1900, $0x38;
	[tilespmem:$0x12750] =	vst v63  }
0x30: {  	_ =	swait.ge [sflag:s15], $0x1900  }
0x31: {  	[sflag:s15] =	ssyncset.done $0x0  }
0x32: {  	s25 =	rddreg [dreg:$0x4];
	[sflag:s15] =	ssyncadd.s32 $0xFFFFE700  }
0x33: {  	[spmem:s25] =	stream.linear.scatter [tilespmem:s14], [sflag:$0x5], $0x1900, $0x38;
	[tilespmem:$0x12750] =	vst v63  }
0x34: {  	_ =	swait.ge [sflag:s15], $0x1900  }
0x35: {  	[sflag:s15] =	ssyncset.done $0x0  }
0x36: {  	s26 =	rddreg [dreg:$0x5];
	[sflag:s15] =	ssyncadd.s32 $0xFFFFE700  }
0x37: {  	[spmem:s26] =	stream.linear.scatter [tilespmem:s14], [sflag:$0x5], $0x1900, $0x38;
	[tilespmem:$0x12750] =	vst v63  }
0x38: {  	_ =	swait.ge [sflag:s15], $0x1900  }
0x39: {  	[sflag:s15] =	ssyncset.done $0x0  }
0x3a: {  	[sflag:s15] =	ssyncadd.s32 $0xFFFFE700  }
0x3b: {  	[spmem:s8] =	stream.linear.scatter [tilespmem:s14], [sflag:$0x5], $0x1900, $0x38;
	[tilespmem:$0x12750] =	vst v63  }
0x3c: {  	_ =	swait.ge [sflag:s15], $0x1900  }
0x3d: {  	[sflag:s15] =	ssyncset.done $0x0  }
0x3e: {  	s31 =	simm.s32 $0x0;
	[sflag:s15] =	ssyncadd.s32 $0xFFFFE700  }
0x3f: {  	[tilespmem:s31], [sflag:$0x5] =	stream.linear.gather [hbm4b:s9+s31], $0x2710, $0x38;
	[tilespmem:$0x12750] =	vst v63  }
0x40: {  	_ =	swait.ge [sflag:s15], $0x2710  }
0x41: {  	[sflag:s15] =	ssyncset.done $0x0  }
0x42: {  	[sflag:s15] =	ssyncadd.s32 $0xFFFFD8F0  }
0x43: {  	[tilespmem:s6], [sflag:$0x5] =	stream.linear.gather [hbm4b:s10+s31], $0x2710, $0x38;
	[tilespmem:$0x12750] =	vst v63  }
0x44: {  	_ =	swait.ge [sflag:s15], $0x2710  }
0x45: {  	[sflag:s15] =	ssyncset.done $0x0  }
0x46: {  	[sflag:s15] =	ssyncadd.s32 $0xFFFFD8F0  }
0x47: {  	[tilespmem:s17], [sflag:$0x5] =	stream.linear.gather [hbm4b:s11+s31], $0x2710, $0x38;
	[tilespmem:$0x12750] =	vst v63  }
0x48: {  	_ =	swait.ge [sflag:s15], $0x2710  }
0x49: {  	s1 =	simm.s32 $0x1;
	[sflag:s15] =	ssyncset.done $0x0  }
0x4a: {  	v1 =	vmov s1;
	[sflag:s15] =	ssyncadd.s32 $0xFFFFD8F0  }
0x4b: {  	s16 =	simm.s32 $0x2;
	v1 =	vand.u32 $0xFFFFFFFD, v1;
	[bflag:$0x0] =	sbarrier.arrive $0xFFFF  }
0x4c: {  	v2 =	vmov s16;
	v1 =	vbroadcast v1, $0x0;
	[tilespmem:s7], [sflag:$0x1] =	stream.indirect.gather [hbm4b:s2+s18], $0x10, s31, s18, $0xb8;
	[tilespmem:$0x12750] =	vst v63  }
0x4d: {  	v2 =	vand.u32 $0xFFFFFFFE, v2  }
0x4e: {  	v2 =	vbroadcast v2, $0x0;
	[tilespmem:s20], [sflag:$0x2] =	stream.indirect.gather [hbm4b:s2+s18], $0x10, s18, s18, $0xb8;
	[tilespmem:$0x12750] =	vst v63  }
0x4f: {  	v3 =	vmov s31;
	_ =	swait.ge [sflag:s21], $0xC80  }
0x50: {  	v3 =	vand.u32 $0xFFFFFFFC, v3;
	[sflag:s21] =	ssyncset.done $0x0  }
0x51: {  	s19 =	simm.s32 $0x4;
	v3 =	vbroadcast v3, $0x0;
	[sflag:s21] =	ssyncadd.s32 $0xFFFFF380  }
0x52: {  	s22 =	simm.s32 $0x5;
	s16 =	simm.s32 $0x7550;
	v4 =	vmov s19;
	v15 =	vld.idx.msk [tilespmem:v1+s17+$0x0], $0xffff  }
0x53: {  	v4 =	vand.u32 $0xFFFFFFFC, v4;
	s25 =	simm.s32 $0x3;
	v1 =	vmov s22;
	v5 =	vld [tilespmem:s16+$0x0]  }
0x54: {  	v8 =	vbroadcast v4, $0x0;
	v6 =	vmov s25;
	s26 =	simm.s32 $0x6;
	v9 =	vld.idx.msk [tilespmem:v2+s17+$0x0], $0xffff;
	v1 =	vand.u32 $0xFFFFFFFD, v1  }
0x55: {  	v12 =	vld [tilespmem:s16+$0xFFFFFFE0];
	v11 =	vbroadcast v1, $0x0;
	v1 =	vmov s26  }
0x56: {  	s1 =	simm.s32 $0x8;
	s31 =	simm.s32 $0x9;
	v13 =	vld [tilespmem:s16+$0xFFFFFFF0];
	v1 =	vand.u32 $0xFFFFFFFE, v1  }
0x57: {  	v10 =	vmov s31;
	v2 =	vmov s1;
	s22 =	simm.s32 $0x7;
	v7 =	vld.idx.msk [tilespmem:v3+s17+$0x0], $0xffff;
	v16 =	vbroadcast v1, $0x0  }
0x58: {  	v17 =	vld [tilespmem:s16+$0x10];
	v4 =	vmov s22;
	v1 =	vand.u32 $0xFFFFFFFC, v2;
	v2 =	vand.u32 $0xFFFFFFFD, v10  }
0x59: {  	v6 =	vld.idx.msk [tilespmem:v6+s17+$0x0], $0xffff;
	v14 =	vunpack.i.l.bf16.f32 v5;
	v1 =	vbroadcast v1, $0x0;
	v5 =	vunpack.i.u.bf16.f32 v5  }
0x5a: {  	v3 =	vld.idx.msk [tilespmem:v8+s17+$0x0], $0xffff;
	v2 =	vbroadcast v2, $0x0;
	v10 =	vunpack.i.u.bf16.f32 v12;
	v8 =	vmul.f32 v5, v9  }
0x5b: {  	s0 =	simm.s32 $0x7590;
	s22 =	simm.s32 $0x8E70;
	v12 =	vunpack.i.l.bf16.f32 v12;
	v18 =	vmul.f32 v14, v9;
	v5 =	vld.idx.msk [tilespmem:v11+s17+$0x0], $0xffff;
	v11 =	vunpack.i.l.bf16.f32 v13  }
0x5c: {  	v19 =	vunpack.i.u.bf16.f32 v13;
	v9 =	vld [tilespmem:s0+$0x0];
	v12 =	vmul.f32 v12, v7;
	[tilespmem:s22+$0x10] =	vst v8;
	v14 =	vmul.f32 v11, v15  }
0x5d: {  	s25 =	simm.s32 $0xA;
	s16 =	simm.s32 $0xC;
	v13 =	vunpack.i.l.bf16.f32 v17;
	[tilespmem:s22+$0x0] =	vst v18;
	v11 =	vunpack.i.u.bf16.f32 v17;
	v15 =	vmul.f32 v19, v15;
	v8 =	vld.idx.msk [tilespmem:v16+s17+$0x0], $0xffff  }
.LBB2_4:
0x5e: {  	p0 =	slt.u32 s16, $0xC4;
	v16 =	vmov s25;
	v17 =	vld [tilespmem:s0+$0xFFFFFFE0];
	v10 =	vmul.f32 v10, v7;
	[tilespmem:s22+$0xFFFFFFE0] =	vst v14;
	v13 =	vmul.f32 v13, v6  }
0x5f: {  	v14 =	vmov s16;
	s25 =	sadd.s32 $0x1, s16;
	s26 =	sadd.s32 $0x3, s1;
	v11 =	vmul.f32 v11, v6;
	s1 =	smov.u32 s16;
	v20 =	vand.u32 $0xFFFFFFFE, v16;
	v16 =	vld [tilespmem:s0+$0xFFFFFFF0];
	[tilespmem:s22+$0xFFFFFFF0] =	vst v15  }
0x60: {  	v6 =	vmov s25;
	v7 =	vmovc v3;
	v15 =	vbroadcast v20, $0x0;
	v20 =	vmov s26;
	v19 =	vld [tilespmem:s0+$0x10];
	[tilespmem:s22+$0xFFFFFFC0] =	vst v12  }
0x61: {  	v3 =	vand.u32 $0xFFFFFFFC, v14;
	v12 =	vand.u32 $0xFFFFFFFD, v6;
	v18 =	vmovc v5;
	v14 =	vunpack.i.l.bf16.f32 v9;
	v6 =	vld.idx.msk [tilespmem:v4+s17+$0x0], $0xffff;
	[tilespmem:s22+$0xFFFFFFD0] =	vst v10;
	v4 =	vmovc v20  }
.Ltmp3:
0x62: {  	v20 =	vbroadcast v3, $0x0;
	v12 =	vbroadcast v12, $0x0;
	v5 =	vunpack.i.u.bf16.f32 v9;
	[tilespmem:s22+$0x20] =	vst v13;
	(pc) =	sbr.rel @p0 .LBB2_4-.Ltmp3, $4  }
0x63: {  	v13 =	vmul.f32 v5, v8;
	v3 =	vld.idx.msk [tilespmem:v1+s17+$0x0], $0xffff;
	v10 =	vunpack.i.u.bf16.f32 v17;
	v17 =	vunpack.i.l.bf16.f32 v17;
	[tilespmem:s22+$0x30] =	vst v11  }
0x64: {  	s0 =	sadd.s32 $0x40, s0;
	s22 =	sadd.s32 $0x80, s22;
	v1 =	vmovc v20;
	v5 =	vld.idx.msk [tilespmem:v2+s17+$0x0], $0xffff;
	v21 =	vunpack.i.u.bf16.f32 v16;
	v11 =	vunpack.i.l.bf16.f32 v16;
	v16 =	vmul.f32 v14, v8;
	v2 =	vmovc v12  }
0x65: {  	v9 =	vld [tilespmem:s0+$0x0];
	v14 =	vmul.f32 v11, v18;
	[tilespmem:s22+$0x10] =	vst v13;
	v11 =	vunpack.i.u.bf16.f32 v19;
	v13 =	vunpack.i.l.bf16.f32 v19  }
0x66: {  	s16 =	sadd.s32 $0x4, s16;
	s25 =	sadd.s32 $0x2, s1;
	v12 =	vmul.f32 v17, v7;
	v8 =	vld.idx.msk [tilespmem:v15+s17+$0x0], $0xffff;
	v15 =	vmul.f32 v21, v18;
	[tilespmem:s22+$0x0] =	vst v16  }
0x67: {  	v16 =	vmov s25  }
0x68: {  	[tilespmem:s22+$0xFFFFFFE0] =	vst v14;
	v14 =	vand.u32 $0xFFFFFFFE, v16;
	v16 =	vld [tilespmem:s0+$0xFFFFFFF0]  }
0x69: {  	v7 =	vmul.f32 v10, v7;
	[tilespmem:s22+$0xFFFFFFF0] =	vst v15;
	v10 =	vbroadcast v14, $0x0  }
0x6a: {  	v13 =	vmul.f32 v13, v6;
	[tilespmem:s22+$0xFFFFFFC0] =	vst v12;
	v14 =	vld [tilespmem:s0+$0xFFFFFFE0]  }
0x6b: {  	v6 =	vmul.f32 v11, v6;
	[tilespmem:s22+$0xFFFFFFD0] =	vst v7;
	v7 =	vunpack.i.u.bf16.f32 v9  }
0x6c: {  	v11 =	vld [tilespmem:s0+$0x10];
	[tilespmem:s22+$0x20] =	vst v13;
	v9 =	vunpack.i.l.bf16.f32 v9;
	v7 =	vmul.f32 v7, v8  }
0x6d: {  	v4 =	vld.idx.msk [tilespmem:v4+s17+$0x0], $0xffff;
	s26 =	sadd.s32 $0x40, s0;
	s16 =	sadd.s32 $0x80, s22;
	[tilespmem:s22+$0x30] =	vst v6;
	v8 =	vmul.f32 v9, v8;
	v6 =	vunpack.i.l.bf16.f32 v16  }
0x6e: {  	v12 =	vld [tilespmem:s26+$0x0];
	v9 =	vunpack.i.u.bf16.f32 v16;
	[tilespmem:s16+$0x10] =	vst v7;
	v6 =	vmul.f32 v6, v5  }
0x6f: {  	s1 =	sadd.s32 $0x3, s1;
	[tilespmem:s16+$0x0] =	vst v8;
	v7 =	vunpack.i.l.bf16.f32 v14;
	v5 =	vmul.f32 v9, v5;
	v10 =	vld.idx.msk [tilespmem:v10+s17+$0x0], $0xffff  }
0x70: {  	v8 =	vmov s1;
	v9 =	vunpack.i.u.bf16.f32 v14;
	v7 =	vmul.f32 v7, v3;
	[tilespmem:s16+$0xFFFFFFE0] =	vst v6;
	v6 =	vld [tilespmem:s26+$0xFFFFFFF0]  }
0x71: {  	v2 =	vld.idx.msk [tilespmem:v2+s17+$0x0], $0xffff;
	v13 =	vunpack.i.l.bf16.f32 v11;
	v3 =	vmul.f32 v9, v3;
	[tilespmem:s16+$0xFFFFFFF0] =	vst v5  }
0x72: {  	v9 =	vld [tilespmem:s26+$0xFFFFFFE0];
	v5 =	vunpack.i.u.bf16.f32 v11;
	v11 =	vmul.f32 v13, v4;
	[tilespmem:s16+$0xFFFFFFC0] =	vst v7  }
0x73: {  	v1 =	vld.idx.msk [tilespmem:v1+s17+$0x0], $0xffff;
	v4 =	vmul.f32 v5, v4;
	[tilespmem:s16+$0xFFFFFFD0] =	vst v3;
	v3 =	vunpack.i.u.bf16.f32 v12  }
0x74: {  	v5 =	vld [tilespmem:s26+$0x10];
	v7 =	vunpack.i.l.bf16.f32 v12;
	[tilespmem:s16+$0x20] =	vst v11;
	v3 =	vmul.f32 v3, v10  }
0x75: {  	s31 =	sadd.s32 $0x80, s16;
	v8 =	vld.idx.msk [tilespmem:v8+s17+$0x0], $0xffff;
	[tilespmem:s16+$0x30] =	vst v4;
	v7 =	vmul.f32 v7, v10;
	v4 =	vunpack.i.l.bf16.f32 v6  }
0x76: {  	v6 =	vunpack.i.u.bf16.f32 v6;
	v4 =	vmul.f32 v4, v2;
	[tilespmem:s31+$0x10] =	vst v3  }
0x77: {  	v3 =	vunpack.i.l.bf16.f32 v9;
	v2 =	vmul.f32 v6, v2;
	[tilespmem:s31+$0x0] =	vst v7  }
0x78: {  	v6 =	vunpack.i.u.bf16.f32 v9;
	v3 =	vmul.f32 v3, v1;
	[tilespmem:s31+$0xFFFFFFE0] =	vst v4  }
0x79: {  	v1 =	vmul.f32 v6, v1;
	v4 =	vunpack.i.l.bf16.f32 v5;
	[tilespmem:s31+$0xFFFFFFF0] =	vst v2  }
0x7a: {  	v2 =	vunpack.i.u.bf16.f32 v5;
	v4 =	vmul.f32 v4, v8;
	[tilespmem:s31+$0xFFFFFFC0] =	vst v3  }
0x7b: {  	s16 =	simm.s32 $0xC8;
	v2 =	vmul.f32 v2, v8;
	[tilespmem:s31+$0xFFFFFFD0] =	vst v1  }
0x7c: {  	v1 =	vmov s16;
	[tilespmem:s31+$0x20] =	vst v4  }
0x7d: {  	s19 =	simm.s32 $0xCA;
	s22 =	simm.s32 $0x190;
	v1 =	vand.u32 $0xFFFFFFFC, v1;
	[tilespmem:s31+$0x30] =	vst v2  }
0x7e: {  	v1 =	vbroadcast v1, $0x0;
	[tilespmem:s7], [sflag:$0x1] =	stream.indirect.gather [hbm4b:s2+s18], $0x10, s22, s18, $0xb8;
	[tilespmem:$0x12750] =	vst v63  }
0x7f: {  	v2 =	vmov s19  }
0x80: {  	v2 =	vand.u32 $0xFFFFFFFE, v2;
	[spmem:s3] =	stream.indirect.scatter.add.f32 [tilespmem:s23], [sflag:$0x3], $0x20, s6, s18, $0xb8;
	[tilespmem:$0x12750] =	vst v63  }
0x81: {  	s25 =	simm.s32 $0xC9;
	v2 =	vbroadcast v2, $0x0;
	_ =	swait.ge [sflag:s24], $0xC80  }
0x82: {  	v3 =	vmov s25;
	[sflag:s24] =	ssyncset.done $0x0  }
0x83: {  	s26 =	simm.s32 $0xCC;
	v3 =	vand.u32 $0xFFFFFFFD, v3;
	[sflag:s24] =	ssyncadd.s32 $0xFFFFF380  }
0x84: {  	s31 =	simm.s32 $0x81D0;
	v3 =	vbroadcast v3, $0x0;
	v4 =	vmov s26;
	s6 =	simm.s32 $0xCD;
	v7 =	vld.idx.msk [tilespmem:v1+s17+$0x0], $0xffff  }
0x85: {  	s7 =	simm.s32 $0xCB;
	v4 =	vand.u32 $0xFFFFFFFC, v4;
	v1 =	vmov s6;
	v5 =	vld [tilespmem:s31+$0x0]  }
0x86: {  	s19 =	simm.s32 $0xCE;
	v6 =	vmov s7;
	v4 =	vbroadcast v4, $0x0;
	v10 =	vld [tilespmem:s31+$0xFFFFFFE0];
	v1 =	vand.u32 $0xFFFFFFFD, v1  }
0x87: {  	v11 =	vld.idx.msk [tilespmem:v2+s17+$0x0], $0xffff;
	v9 =	vbroadcast v1, $0x0;
	v1 =	vmov s19  }
0x88: {  	s25 =	simm.s32 $0xD1;
	s22 =	simm.s32 $0xD0;
	v14 =	vld [tilespmem:s31+$0x10];
	v1 =	vand.u32 $0xFFFFFFFE, v1  }
0x89: {  	v8 =	vmov s25;
	v12 =	vld [tilespmem:s31+$0xFFFFFFF0];
	v2 =	vmov s22;
	v13 =	vbroadcast v1, $0x0  }
0x8a: {  	v16 =	vand.u32 $0xFFFFFFFD, v8;
	v15 =	vld.idx.msk [tilespmem:v3+s17+$0x0], $0xffff;
	v1 =	vand.u32 $0xFFFFFFFC, v2;
	v17 =	vunpack.i.l.bf16.f32 v5  }
0x8b: {  	v8 =	vld.idx.msk [tilespmem:v6+s17+$0x0], $0xffff;
	v2 =	vbroadcast v1, $0x0;
	v6 =	vunpack.i.u.bf16.f32 v5;
	v1 =	vbroadcast v16, $0x0  }
0x8c: {  	s0 =	simm.s32 $0x8210;
	s26 =	simm.s32 $0xCF;
	v5 =	vld.idx.msk [tilespmem:v4+s17+$0x0], $0xffff;
	v16 =	vunpack.i.l.bf16.f32 v10;
	v10 =	vunpack.i.u.bf16.f32 v10;
	v18 =	vmul.f32 v6, v11  }
0x8d: {  	s1 =	simm.s32 $0xA770;
	v3 =	vmov s26;
	v63 =	vunpack.i.l.bf16.f32 v14;
	v6 =	vld [tilespmem:s0+$0x0];
	v19 =	vmul.f32 v10, v7  }
0x8e: {  	v4 =	vld.idx.msk [tilespmem:v9+s17+$0x0], $0xffff;
	v9 =	vmul.f32 v16, v7;
	v16 =	vunpack.i.u.bf16.f32 v12;
	v12 =	vunpack.i.l.bf16.f32 v12;
	[tilespmem:s1+$0x10] =	vst v18  }
0x8f: {  	s31 =	simm.s32 $0xD2;
	v10 =	vunpack.i.u.bf16.f32 v14;
	[tilespmem:s1+$0xFFFFFFD0] =	vst v19;
	v14 =	vmul.f32 v12, v15;
	v12 =	vmul.f32 v16, v15;
	v7 =	vld.idx.msk [tilespmem:v13+s17+$0x0], $0xffff  }
0x90: {  	s16 =	simm.s32 $0x8;
	s22 =	simm.s32 $0xD3;
	v15 =	vmov s31;
	[tilespmem:s1+$0xFFFFFFC0] =	vst v9;
	v9 =	vld [tilespmem:s0+$0xFFFFFFE0];
	v13 =	vmul.f32 v17, v11;
	v11 =	vmul.f32 v63, v8  }
.LBB2_6:
0x91: {  	s25 =	sadd.s32 $0xCC, s16;
	s26 =	sadd.s32 $0xCD, s16;
	v15 =	vand.u32 $0xFFFFFFFE, v15;
	v16 =	vmov s22;
	v17 =	vld [tilespmem:s0+$0xFFFFFFF0];
	[tilespmem:s1+$0xFFFFFFE0] =	vst v14;
	v10 =	vmul.f32 v10, v8;
	s22 =	smov.u32 s16  }
0x92: {  	v8 =	vmov s25;
	v14 =	vmov s26;
	v15 =	vbroadcast v15, $0x0;
	v18 =	vld [tilespmem:s0+$0x10];
	[tilespmem:s1+$0xFFFFFFF0] =	vst v12;
	v12 =	vmovc v5  }
0x93: {  	s16 =	sadd.s32 $0x4, s16;
	v5 =	vand.u32 $0xFFFFFFFC, v8;
	v14 =	vand.u32 $0xFFFFFFFD, v14;
	v19 =	vunpack.i.l.bf16.f32 v6;
	v8 =	vld.idx.msk [tilespmem:v3+s17+$0x0], $0xffff;
	[tilespmem:s1+$0x0] =	vst v13;
	v3 =	vmovc v16;
	v13 =	vmovc v4  }
0x94: {  	p0 =	slt.u32 s16, $0xC4;
	v4 =	vunpack.i.u.bf16.f32 v6;
	v16 =	vbroadcast v5, $0x0;
	v14 =	vbroadcast v14, $0x0;
	[tilespmem:s1+$0x20] =	vst v11  }
.Ltmp4:
0x95: {  	v20 =	vmovc v7;
	v5 =	vld.idx.msk [tilespmem:v2+s17+$0x0], $0xffff;
	v11 =	vunpack.i.u.bf16.f32 v9;
	v6 =	vunpack.i.l.bf16.f32 v9;
	v9 =	vmul.f32 v4, v7;
	[tilespmem:s1+$0x30] =	vst v10;
	(pc) =	sbr.rel @p0 .LBB2_6-.Ltmp4, $4  }
0x96: {  	s0 =	sadd.s32 $0x40, s0;
	s1 =	sadd.s32 $0x80, s1;
	v4 =	vld.idx.msk [tilespmem:v1+s17+$0x0], $0xffff;
	v21 =	vmul.f32 v6, v12;
	v22 =	vunpack.i.u.bf16.f32 v17;
	v17 =	vunpack.i.l.bf16.f32 v17;
	v2 =	vmovc v16;
	v1 =	vmovc v14  }
0x97: {  	v11 =	vmul.f32 v11, v12;
	v6 =	vld [tilespmem:s0+$0x0];
	[tilespmem:s1+$0x10] =	vst v9;
	v10 =	vunpack.i.u.bf16.f32 v18;
	v16 =	vunpack.i.l.bf16.f32 v18  }
0x98: {  	s25 =	sadd.s32 $0xCE, s22;
	v14 =	vmul.f32 v17, v13;
	v12 =	vmul.f32 v22, v13;
	v7 =	vld.idx.msk [tilespmem:v15+s17+$0x0], $0xffff;
	[tilespmem:s1+$0xFFFFFFC0] =	vst v21  }
0x99: {  	s22 =	sadd.s32 $0xCF, s22;
	v13 =	vmul.f32 v19, v20;
	v15 =	vmov s25;
	v9 =	vld [tilespmem:s0+$0xFFFFFFE0];
	[tilespmem:s1+$0xFFFFFFD0] =	vst v11;
	v11 =	vmul.f32 v16, v8  }
0x9a: {  	_ = 	snop  }
0x9b: {  	[tilespmem:s1+$0xFFFFFFE0] =	vst v14  }
0x9c: {  	v16 =	vld [tilespmem:s0+$0xFFFFFFF0];
	[tilespmem:s1+$0xFFFFFFF0] =	vst v12  }
0x9d: {  	v8 =	vmul.f32 v10, v8;
	v37 =	vld [tilespmem:s0+$0x10];
	[tilespmem:s1+$0x0] =	vst v13;
	v38 =	vunpack.i.u.bf16.f32 v6  }
0x9e: {  	v15 =	vand.u32 $0xFFFFFFFE, v15;
	v3 =	vld.idx.msk [tilespmem:v3+s17+$0x0], $0xffff;
	[tilespmem:s1+$0x20] =	vst v11;
	v50 =	vunpack.i.l.bf16.f32 v6;
	v12 =	vmul.f32 v38, v7  }
0x9f: {  	s16 =	sadd.s32 $0x40, s0;
	s19 =	sadd.s32 $0x80, s1;
	v49 =	vmov s22;
	v2 =	vld.idx.msk [tilespmem:v2+s17+$0x0], $0xffff;
	[tilespmem:s1+$0x30] =	vst v8;
	v6 =	vmul.f32 v50, v7;
	v39 =	vunpack.i.l.bf16.f32 v9  }
0xa0: {  	v15 =	vbroadcast v15, $0x0;
	v48 =	vld [tilespmem:s16+$0xFFFFFFE0];
	v40 =	vunpack.i.u.bf16.f32 v9;
	v41 =	vmul.f32 v39, v5;
	[tilespmem:s19+$0x10] =	vst v12  }
0xa1: {  	v1 =	vld.idx.msk [tilespmem:v1+s17+$0x0], $0xffff;
	v43 =	vunpack.i.l.bf16.f32 v16;
	v44 =	vmul.f32 v40, v5;
	[tilespmem:s19+$0x0] =	vst v6  }
0xa2: {  	v53 =	vld [tilespmem:s16+$0xFFFFFFF0];
	v46 =	vunpack.i.u.bf16.f32 v16;
	v47 =	vmul.f32 v43, v4;
	[tilespmem:s19+$0xFFFFFFC0] =	vst v41  }
0xa3: {  	v42 =	vld [tilespmem:s16+$0x0];
	v52 =	vunpack.i.l.bf16.f32 v37;
	v54 =	vunpack.i.u.bf16.f32 v37;
	v51 =	vmul.f32 v46, v4;
	[tilespmem:s19+$0xFFFFFFD0] =	vst v44  }
0xa4: {  	v56 =	vld [tilespmem:s16+$0x10];
	v5 =	vmul.f32 v52, v3;
	v3 =	vmul.f32 v54, v3;
	[tilespmem:s19+$0xFFFFFFE0] =	vst v47  }
0xa5: {  	v58 =	vld.idx.msk [tilespmem:v49+s17+$0x0], $0xffff;
	v57 =	vunpack.i.l.bf16.f32 v48;
	[tilespmem:s19+$0xFFFFFFF0] =	vst v51  }
0xa6: {  	v59 =	vunpack.i.u.bf16.f32 v48;
	v45 =	vld.idx.msk [tilespmem:v15+s17+$0x0], $0xffff;
	[tilespmem:s19+$0x30] =	vst v3;
	v3 =	vmul.f32 v57, v2  }
0xa7: {  	s25 =	sadd.s32 $0x80, s19;
	v60 =	vunpack.i.l.bf16.f32 v53;
	[tilespmem:s19+$0x20] =	vst v5;
	v2 =	vmul.f32 v59, v2  }
0xa8: {  	v61 =	vunpack.i.u.bf16.f32 v53;
	[tilespmem:s25+$0xFFFFFFC0] =	vst v3;
	v3 =	vmul.f32 v60, v1  }
0xa9: {  	v1 =	vmul.f32 v61, v1;
	[tilespmem:s25+$0xFFFFFFD0] =	vst v2;
	v2 =	vunpack.i.l.bf16.f32 v56  }
0xaa: {  	v55 =	vunpack.i.u.bf16.f32 v42;
	v2 =	vmul.f32 v2, v58;
	[tilespmem:s25+$0xFFFFFFE0] =	vst v3  }
0xab: {  	v62 =	vunpack.i.l.bf16.f32 v42;
	v4 =	vmul.f32 v55, v45;
	[tilespmem:s25+$0xFFFFFFF0] =	vst v1  }
0xac: {  	v63 =	vmul.f32 v62, v45;
	v3 =	vunpack.i.u.bf16.f32 v56;
	[tilespmem:s25+$0x20] =	vst v2  }
0xad: {  	v1 =	vmul.f32 v3, v58;
	[tilespmem:s25+$0x10] =	vst v4  }
0xae: {  	[tilespmem:s25+$0x0] =	vst v63  }
0xaf: {  	s26 =	simm.s32 $0x258;
	[tilespmem:s25+$0x30] =	vst v1  }
0xb0: {  	[tilespmem:s20], [sflag:$0x2] =	stream.indirect.gather [hbm4b:s2+s18], $0x10, s26, s18, $0xb8;
	[tilespmem:$0x12750] =	vst v63  }
0xb1: {  	s31 =	simm.s32 $0x27D8;
	s22 =	simm.s32 $0x0;
	s1 =	simm.s32 $0x1  }
0xb2: {  	[spmem:s3] =	stream.indirect.scatter.add.f32 [tilespmem:s28], [sflag:$0x4], $0x20, s31, s18, $0xb8;
	[tilespmem:$0x12750] =	vst v63  }
.LBB2_8:
0xb3: {  	_ =	swait.ge [sflag:s21], $0xC80  }
0xb4: {  	[sflag:s21] =	ssyncset.done $0x0  }
0xb5: {  	[sflag:s21] =	ssyncadd.s32 $0xFFFFF380  }
0xb6: {  	s0 =	sadd.s32 $0xFFFFFFFC, s22;
	_ =	swait.ge [sflag:s29], $0x1900  }
0xb7: {  	s16 =	sadd.s32 $0x196, s0;
	s25 =	sadd.s32 $0x194, s0;
	[sflag:s29] =	ssyncset.done $0x0  }
0xb8: {  	v1 =	vmov s16;
	v2 =	vmov s25;
	s25 =	simm.s32 $0x7550;
	[sflag:s29] =	ssyncadd.s32 $0xFFFFE700  }
0xb9: {  	v1 =	vand.u32 $0xFFFFFFFE, v1;
	v4 =	vld [tilespmem:s25+$0x0]  }
0xba: {  	s6 =	sadd.s32 $0x0, s22;
	s26 =	sadd.s32 $0x195, s0;
	v2 =	vand.u32 $0xFFFFFFFC, v2;
	v1 =	vbroadcast v1, $0x0;
	v6 =	vld [tilespmem:s25+$0xFFFFFFE0]  }
0xbb: {  	s19 =	sadd.s32 $0x195, s6;
	s0 =	sadd.s32 $0x197, s0;
	v3 =	vmov s26;
	v2 =	vbroadcast v2, $0x0;
	v8 =	vld [tilespmem:s25+$0xFFFFFFF0]  }
0xbc: {  	s26 =	sadd.s32 $0x196, s6;
	v9 =	vmov s19;
	v11 =	vmov s0;
	s0 =	simm.s32 $0x7590;
	v3 =	vand.u32 $0xFFFFFFFD, v3;
	v10 =	vld [tilespmem:s25+$0x10]  }
0xbd: {  	v5 =	vmov s26;
	v9 =	vand.u32 $0xFFFFFFFD, v9;
	v3 =	vbroadcast v3, $0x0;
	v23 =	vld [tilespmem:s0+$0x0]  }
0xbe: {  	s7 =	sadd.s32 $0x194, s6;
	v5 =	vand.u32 $0xFFFFFFFE, v5;
	v16 =	vbroadcast v9, $0x0;
	v24 =	vld [tilespmem:s0+$0xFFFFFFE0]  }
0xbf: {  	v7 =	vmov s7;
	v5 =	vbroadcast v5, $0x0;
	v25 =	vld [tilespmem:s0+$0xFFFFFFF0]  }
0xc0: {  	s16 =	sadd.s32 $0x4, s22;
	v7 =	vand.u32 $0xFFFFFFFC, v7;
	s26 =	sadd.s32 $0x197, s6;
	v1 =	vld.idx.msk [tilespmem:v1+s17+$0x0], $0xffff  }
0xc1: {  	s7 =	sadd.s32 $0x196, s16;
	v7 =	vbroadcast v7, $0x0;
	v19 =	vmov s26;
	v14 =	vld.idx.msk [tilespmem:v2+s17+$0x0], $0xffff;
	v2 =	vunpack.i.l.bf16.f32 v4  }
0xc2: {  	v13 =	vld.idx.msk [tilespmem:v11+s17+$0x0], $0xffff;
	v22 =	vunpack.i.u.bf16.f32 v8;
	v20 =	vunpack.i.l.bf16.f32 v8;
	v8 =	vmov s7  }
0xc3: {  	v21 =	vld.idx.msk [tilespmem:v3+s17+$0x0], $0xffff;
	v3 =	vunpack.i.u.bf16.f32 v4;
	v18 =	vunpack.i.u.bf16.f32 v6;
	v8 =	vand.u32 $0xFFFFFFFE, v8  }
0xc4: {  	v11 =	vld.idx.msk [tilespmem:v16+s17+$0x0], $0xffff;
	v4 =	vunpack.i.l.bf16.f32 v6;
	v17 =	vunpack.i.l.bf16.f32 v23;
	v15 =	vbroadcast v8, $0x0  }
0xc5: {  	s6 =	sadd.s32 $0x194, s16;
	v5 =	vld.idx.msk [tilespmem:v5+s17+$0x0], $0xffff;
	v16 =	vunpack.i.l.bf16.f32 v24;
	v6 =	vmul.f32 v3, v1;
	v12 =	vmul.f32 v2, v1  }
0xc6: {  	s31 =	simm.s32 $0x8E70;
	s19 =	sadd.s32 $0x195, s16;
	v1 =	vunpack.i.u.bf16.f32 v10;
	v3 =	vunpack.i.l.bf16.f32 v10;
	v2 =	vmov s6  }
0xc7: {  	v8 =	vld [tilespmem:s0+$0x10];
	v10 =	vmul.f32 v4, v14;
	v4 =	vmov s19;
	v2 =	vand.u32 $0xFFFFFFFC, v2;
	[tilespmem:s31+$0x10] =	vst v6  }
0xc8: {  	v9 =	vbroadcast v2, $0x0;
	v2 =	vand.u32 $0xFFFFFFFD, v4;
	[tilespmem:s31+$0x0] =	vst v12;
	v6 =	vunpack.i.u.bf16.f32 v23  }
0xc9: {  	v12 =	vld.idx.msk [tilespmem:v7+s17+$0x0], $0xffff;
	v23 =	vmul.f32 v18, v14;
	v18 =	vmul.f32 v20, v21;
	[tilespmem:s31+$0xFFFFFFC0] =	vst v10;
	v10 =	vunpack.i.u.bf16.f32 v24  }
0xca: {  	s16 =	sadd.s32 $0x197, s16;
	s26 =	simm.s32 $0x8EF0;
	v7 =	vld.idx.msk [tilespmem:v19+s17+$0x0], $0xffff;
	v14 =	vunpack.i.l.bf16.f32 v25;
	v19 =	vmul.f32 v22, v21;
	v20 =	vmul.f32 v6, v5  }
0xcb: {  	s25 =	smul.u32 $0x190, s1;
	s0 =	simm.s32 $0x75D0;
	v4 =	vbroadcast v2, $0x0;
	v2 =	vmov s16;
	s16 =	simm.s32 $0x8;
	v6 =	vunpack.i.u.bf16.f32 v25;
	[tilespmem:s31+$0xFFFFFFD0] =	vst v23  }
.LBB2_9:
0xcc: {  	s19 =	sadd.s32 s16, s22;
	s16 =	sadd.s32 $0x4, s16;
	v21 =	vld [tilespmem:s0+$0x0];
	v17 =	vmul.f32 v17, v5;
	[tilespmem:s26+$0x10] =	vst v20;
	v20 =	vunpack.i.u.bf16.f32 v8;
	v8 =	vunpack.i.l.bf16.f32 v8  }
0xcd: {  	v22 =	vmul.f32 v1, v13;
	s6 =	sadd.s32 $0x194, s19;
	s7 =	sadd.s32 $0x196, s19;
	p0 =	slt.u32 s16, $0xC4;
	v5 =	vld.idx.msk [tilespmem:v15+s17+$0x0], $0xffff;
	[tilespmem:s31+$0xFFFFFFE0] =	vst v18;
	v18 =	vmul.f32 v3, v13;
	v1 =	vmov v20  }
0xce: {  	v16 =	vmul.f32 v16, v12;
	v3 =	vmovc v8;
	v27 =	vmov s6;
	s6 =	sadd.s32 $0x195, s19;
	v15 =	vmov s7;
	s7 =	sadd.s32 $0x197, s19;
	v20 =	vld [tilespmem:s0+$0xFFFFFFE0];
	[tilespmem:s31+$0xFFFFFFF0] =	vst v19;
	v19 =	vmovc v12  }
0xcf: {  	v24 =	vmovc v11;
	v8 =	vand.u32 $0xFFFFFFFC, v27;
	v12 =	vmov s6;
	v26 =	vand.u32 $0xFFFFFFFE, v15;
	v23 =	vld [tilespmem:s0+$0xFFFFFFF0];
	[tilespmem:s26+$0x0] =	vst v17  }
.Ltmp5:
0xd0: {  	v13 =	vmovc v7;
	v25 =	vbroadcast v8, $0x0;
	v11 =	vand.u32 $0xFFFFFFFD, v12;
	v15 =	vbroadcast v26, $0x0;
	v8 =	vld [tilespmem:s0+$0x10];
	[tilespmem:s26+$0xFFFFFFC0] =	vst v16;
	(pc) =	sbr.rel @p0 .LBB2_9-.Ltmp5, $4  }
0xd1: {  	v27 =	vmov s7;
	v26 =	vbroadcast v11, $0x0;
	v12 =	vld.idx.msk [tilespmem:v9+s17+$0x0], $0xffff;
	v17 =	vunpack.i.l.bf16.f32 v21;
	[tilespmem:s31+$0x20] =	vst v18  }
0xd2: {  	v19 =	vmul.f32 v10, v19;
	v21 =	vunpack.i.u.bf16.f32 v21;
	v18 =	vmul.f32 v14, v24;
	v11 =	vld.idx.msk [tilespmem:v4+s17+$0x0], $0xffff;
	[tilespmem:s31+$0x30] =	vst v22;
	s31 =	smov.u32 s26  }
0xd3: {  	v9 =	vmovc v25;
	v10 =	vunpack.i.u.bf16.f32 v20;
	v16 =	vunpack.i.l.bf16.f32 v20;
	v20 =	vmul.f32 v21, v5;
	v7 =	vld.idx.msk [tilespmem:v2+s17+$0x0], $0xffff;
	v4 =	vmovc v26  }
0xd4: {  	s0 =	sadd.s32 $0x40, s0;
	s26 =	sadd.s32 $0x80, s26;
	v2 =	vmovc v27;
	v14 =	vunpack.i.l.bf16.f32 v23;
	[tilespmem:s31+$0xFFFFFFD0] =	vst v19;
	v19 =	vmul.f32 v6, v24;
	v6 =	vunpack.i.u.bf16.f32 v23  }
0xd5: {  	_ =	sdelay $0x1  }
0xd6: {  	[tilespmem:s26+$0x10] =	vst v20  }
0xd7: {  	v21 =	vld [tilespmem:s0+$0x0];
	v5 =	vmul.f32 v17, v5;
	[tilespmem:s31+$0xFFFFFFE0] =	vst v18  }
0xd8: {  	v15 =	vld.idx.msk [tilespmem:v15+s17+$0x0], $0xffff;
	v3 =	vmul.f32 v3, v13;
	[tilespmem:s31+$0xFFFFFFF0] =	vst v19  }
0xd9: {  	v1 =	vmul.f32 v1, v13;
	[tilespmem:s26+$0x0] =	vst v5  }
0xda: {  	v16 =	vmul.f32 v16, v12;
	v5 =	vld [tilespmem:s0+$0xFFFFFFE0];
	[tilespmem:s31+$0x20] =	vst v3  }
0xdb: {  	v9 =	vld.idx.msk [tilespmem:v9+s17+$0x0], $0xffff;
	v10 =	vmul.f32 v10, v12;
	[tilespmem:s31+$0x30] =	vst v1  }
0xdc: {  	v6 =	vmul.f32 v6, v11;
	[tilespmem:s26+$0xFFFFFFC0] =	vst v16;
	v3 =	vunpack.i.u.bf16.f32 v21  }
0xdd: {  	[tilespmem:s26+$0xFFFFFFD0] =	vst v10;
	v1 =	vmul.f32 v3, v15  }
0xde: {  	s6 =	sadd.s32 $0x80, s26;
	v10 =	vld [tilespmem:s0+$0xFFFFFFF0];
	[tilespmem:s26+$0xFFFFFFF0] =	vst v6;
	v6 =	vunpack.i.u.bf16.f32 v8;
	v3 =	vmul.f32 v14, v11  }
0xdf: {  	v12 =	vunpack.i.l.bf16.f32 v21;
	v6 =	vmul.f32 v6, v7;
	[tilespmem:s6+$0x10] =	vst v1;
	v1 =	vld.idx.msk [tilespmem:v4+s17+$0x0], $0xffff;
	v4 =	vunpack.i.l.bf16.f32 v5  }
0xe0: {  	v11 =	vmul.f32 v12, v15;
	v12 =	vld [tilespmem:s0+$0x10];
	[tilespmem:s26+$0xFFFFFFE0] =	vst v3;
	v3 =	vunpack.i.l.bf16.f32 v8;
	v4 =	vmul.f32 v4, v9  }
0xe1: {  	v2 =	vld.idx.msk [tilespmem:v2+s17+$0x0], $0xffff;
	[tilespmem:s26+$0x30] =	vst v6;
	v3 =	vmul.f32 v3, v7  }
0xe2: {  	v5 =	vunpack.i.u.bf16.f32 v5;
	[tilespmem:s6+$0xFFFFFFC0] =	vst v4  }
0xe3: {  	v4 =	vunpack.i.l.bf16.f32 v10;
	[tilespmem:s26+$0x20] =	vst v3;
	v3 =	vmul.f32 v5, v9  }
0xe4: {  	[tilespmem:s6+$0x0] =	vst v11;
	v5 =	vunpack.i.u.bf16.f32 v10;
	v4 =	vmul.f32 v4, v1  }
0xe5: {  	p0 =	seq.s32 s1, $0x18;
	v6 =	vunpack.i.l.bf16.f32 v12;
	[tilespmem:s6+$0xFFFFFFD0] =	vst v3;
	v1 =	vmul.f32 v5, v1  }
0xe6: {  	s0 =	smul.u32 @!p0 $0x640, s1;
	v3 =	vunpack.i.u.bf16.f32 v12;
	[tilespmem:s6+$0xFFFFFFE0] =	vst v4;
	v4 =	vmul.f32 v6, v2  }
0xe7: {  	v2 =	vmul.f32 v3, v2;
	[tilespmem:s6+$0xFFFFFFF0] =	vst v1  }
0xe8: {  	s0 =	sshra.s32 @!p0 s0, $0x2;
	[tilespmem:s6+$0x20] =	vst v4  }
0xe9: {  	s7 =	simm.s32 @!p0 $0x7530;
	s0 =	sadd.s32 @!p0 $0x190, s0;
	[tilespmem:s6+$0x30] =	vst v2;
	s6 =	simm.s32 @!p0 $0xC8  }
0xea: {  	[tilespmem:s7], [sflag:$0x1] =	stream.indirect.gather @!p0 [hbm4b:s2+s6], $0x10, s0, s6, $0xb8;
	[tilespmem:$0x12750] =	vst v63  }
0xeb: {  	s19 =	sadd.s32 $0x2710, s25  }
0xec: {  	[spmem:s3] =	stream.indirect.scatter.add.f32 [tilespmem:s23], [sflag:$0x3], $0x20, s19, s18, $0xb8;
	[tilespmem:$0x12750] =	vst v63  }
0xed: {  	_ =	swait.ge [sflag:s24], $0xC80  }
0xee: {  	[sflag:s24] =	ssyncset.done $0x0  }
0xef: {  	s0 =	sadd.s32 $0xFFFFFFFC, s22;
	[sflag:s24] =	ssyncadd.s32 $0xFFFFF380  }
0xf0: {  	s26 =	sadd.s32 $0x25E, s0;
	_ =	swait.ge [sflag:s30], $0x1900  }
0xf1: {  	s7 =	sadd.s32 $0x25C, s0;
	v1 =	vmov s26;
	[sflag:s30] =	ssyncset.done $0x0  }
0xf2: {  	v2 =	vmov s7;
	s7 =	simm.s32 $0x81D0;
	v1 =	vand.u32 $0xFFFFFFFE, v1;
	[sflag:s30] =	ssyncadd.s32 $0xFFFFE700  }
0xf3: {  	s16 =	sadd.s32 $0x25D, s0;
	v1 =	vbroadcast v1, $0x0;
	v4 =	vld [tilespmem:s7+$0x0]  }
0xf4: {  	s6 =	sadd.s32 $0x0, s22;
	v3 =	vmov s16;
	v2 =	vand.u32 $0xFFFFFFFC, v2;
	v6 =	vld [tilespmem:s7+$0xFFFFFFE0]  }
0xf5: {  	s0 =	sadd.s32 $0x25F, s0;
	s26 =	sadd.s32 $0x25D, s6;
	v3 =	vand.u32 $0xFFFFFFFD, v3;
	v2 =	vbroadcast v2, $0x0;
	v8 =	vld [tilespmem:s7+$0xFFFFFFF0]  }
0xf6: {  	s16 =	sadd.s32 $0x25E, s6;
	v11 =	vmov s0;
	s0 =	simm.s32 $0x8210;
	v9 =	vmov s26;
	v3 =	vbroadcast v3, $0x0;
	v10 =	vld [tilespmem:s7+$0x10]  }
0xf7: {  	v5 =	vmov s16;
	v9 =	vand.u32 $0xFFFFFFFD, v9;
	v23 =	vld [tilespmem:s0+$0x0]  }
0xf8: {  	s19 =	sadd.s32 $0x25C, s6;
	v5 =	vand.u32 $0xFFFFFFFE, v5;
	v16 =	vbroadcast v9, $0x0;
	v24 =	vld [tilespmem:s0+$0xFFFFFFE0]  }
0xf9: {  	v7 =	vmov s19;
	v5 =	vbroadcast v5, $0x0;
	v1 =	vld.idx.msk [tilespmem:v1+s17+$0x0], $0xffff  }
0xfa: {  	v7 =	vand.u32 $0xFFFFFFFC, v7;
	s7 =	sadd.s32 $0x25F, s6;
	v25 =	vld [tilespmem:s0+$0xFFFFFFF0]  }
0xfb: {  	v7 =	vbroadcast v7, $0x0;
	s6 =	sadd.s32 $0x4, s22;
	v14 =	vld.idx.msk [tilespmem:v2+s17+$0x0], $0xffff;
	v19 =	vmov s7;
	v2 =	vunpack.i.l.bf16.f32 v4  }
0xfc: {  	v21 =	vld.idx.msk [tilespmem:v3+s17+$0x0], $0xffff;
	s19 =	sadd.s32 $0x25E, s6;
	v3 =	vunpack.i.u.bf16.f32 v4;
	v18 =	vunpack.i.u.bf16.f32 v6;
	v4 =	vunpack.i.l.bf16.f32 v6  }
0xfd: {  	v13 =	vld.idx.msk [tilespmem:v11+s17+$0x0], $0xffff;
	v22 =	vunpack.i.u.bf16.f32 v8;
	v20 =	vunpack.i.l.bf16.f32 v8;
	v8 =	vmov s19  }
0xfe: {  	v11 =	vld.idx.msk [tilespmem:v16+s17+$0x0], $0xffff;
	v17 =	vunpack.i.l.bf16.f32 v23;
	v16 =	vunpack.i.l.bf16.f32 v24;
	v6 =	vmul.f32 v3, v1  }
0xff: {  	s16 =	sadd.s32 $0x25C, s6;
	v5 =	vld.idx.msk [tilespmem:v5+s17+$0x0], $0xffff;
	v12 =	vmul.f32 v2, v1;
	v1 =	vunpack.i.u.bf16.f32 v10;
	v3 =	vunpack.i.l.bf16.f32 v10  }
0x100: {  	s31 =	simm.s32 $0xA770;
	s26 =	sadd.s32 $0x25D, s6;
	v2 =	vmov s16;
	v10 =	vmul.f32 v4, v14;
	v8 =	vand.u32 $0xFFFFFFFE, v8  }
0x101: {  	v4 =	vmov s26;
	v2 =	vand.u32 $0xFFFFFFFC, v2;
	v15 =	vbroadcast v8, $0x0;
	v8 =	vld [tilespmem:s0+$0x10];
	[tilespmem:s31+$0x10] =	vst v6  }
0x102: {  	v9 =	vbroadcast v2, $0x0;
	v2 =	vand.u32 $0xFFFFFFFD, v4;
	[tilespmem:s31+$0x0] =	vst v12;
	v6 =	vunpack.i.u.bf16.f32 v23  }
0x103: {  	v12 =	vld.idx.msk [tilespmem:v7+s17+$0x0], $0xffff;
	v23 =	vmul.f32 v18, v14;
	v18 =	vmul.f32 v20, v21;
	[tilespmem:s31+$0xFFFFFFC0] =	vst v10;
	v10 =	vunpack.i.u.bf16.f32 v24  }
0x104: {  	s25 =	sadd.s32 $0xC8, s25;
	s6 =	sadd.s32 $0x25F, s6;
	v7 =	vld.idx.msk [tilespmem:v19+s17+$0x0], $0xffff;
	v14 =	vunpack.i.l.bf16.f32 v25;
	v19 =	vmul.f32 v22, v21;
	v20 =	vmul.f32 v6, v5  }
0x105: {  	s16 =	simm.s32 $0x8;
	s26 =	simm.s32 $0xA7F0;
	s0 =	simm.s32 $0x8250;
	v4 =	vbroadcast v2, $0x0;
	v2 =	vmov s6;
	v6 =	vunpack.i.u.bf16.f32 v25;
	[tilespmem:s31+$0xFFFFFFD0] =	vst v23  }
.LBB2_11:
0x106: {  	s6 =	sadd.s32 s16, s22;
	s16 =	sadd.s32 $0x4, s16;
	v21 =	vld [tilespmem:s0+$0x0];
	v17 =	vmul.f32 v17, v5;
	[tilespmem:s26+$0x10] =	vst v20;
	v20 =	vunpack.i.u.bf16.f32 v8;
	v8 =	vunpack.i.l.bf16.f32 v8  }
0x107: {  	v22 =	vmul.f32 v1, v13;
	s7 =	sadd.s32 $0x25C, s6;
	s19 =	sadd.s32 $0x25E, s6;
	p1 =	slt.u32 s16, $0xC4;
	v5 =	vld.idx.msk [tilespmem:v15+s17+$0x0], $0xffff;
	[tilespmem:s31+$0xFFFFFFE0] =	vst v18;
	v18 =	vmul.f32 v3, v13;
	v1 =	vmov v20  }
0x108: {  	v16 =	vmul.f32 v16, v12;
	v3 =	vmovc v8;
	v27 =	vmov s7;
	s7 =	sadd.s32 $0x25D, s6;
	v15 =	vmov s19;
	s6 =	sadd.s32 $0x25F, s6;
	v20 =	vld [tilespmem:s0+$0xFFFFFFE0];
	[tilespmem:s31+$0xFFFFFFF0] =	vst v19;
	v19 =	vmovc v12  }
0x109: {  	v24 =	vmovc v11;
	v8 =	vand.u32 $0xFFFFFFFC, v27;
	v12 =	vmov s7;
	v26 =	vand.u32 $0xFFFFFFFE, v15;
	v23 =	vld [tilespmem:s0+$0xFFFFFFF0];
	[tilespmem:s26+$0x0] =	vst v17  }
.Ltmp6:
0x10a: {  	v13 =	vmovc v7;
	v25 =	vbroadcast v8, $0x0;
	v11 =	vand.u32 $0xFFFFFFFD, v12;
	v15 =	vbroadcast v26, $0x0;
	v8 =	vld [tilespmem:s0+$0x10];
	[tilespmem:s26+$0xFFFFFFC0] =	vst v16;
	(pc) =	sbr.rel @p1 .LBB2_11-.Ltmp6, $4  }
0x10b: {  	v27 =	vmov s6;
	v26 =	vbroadcast v11, $0x0;
	v12 =	vld.idx.msk [tilespmem:v9+s17+$0x0], $0xffff;
	v17 =	vunpack.i.l.bf16.f32 v21;
	[tilespmem:s31+$0x20] =	vst v18  }
0x10c: {  	v19 =	vmul.f32 v10, v19;
	v21 =	vunpack.i.u.bf16.f32 v21;
	v18 =	vmul.f32 v14, v24;
	v11 =	vld.idx.msk [tilespmem:v4+s17+$0x0], $0xffff;
	[tilespmem:s31+$0x30] =	vst v22;
	s31 =	smov.u32 s26  }
0x10d: {  	v9 =	vmovc v25;
	v10 =	vunpack.i.u.bf16.f32 v20;
	v16 =	vunpack.i.l.bf16.f32 v20;
	v20 =	vmul.f32 v21, v5;
	v7 =	vld.idx.msk [tilespmem:v2+s17+$0x0], $0xffff;
	v4 =	vmovc v26  }
0x10e: {  	s0 =	sadd.s32 $0x40, s0;
	s26 =	sadd.s32 $0x80, s26;
	v2 =	vmovc v27;
	v14 =	vunpack.i.l.bf16.f32 v23;
	[tilespmem:s31+$0xFFFFFFD0] =	vst v19;
	v19 =	vmul.f32 v6, v24;
	v6 =	vunpack.i.u.bf16.f32 v23  }
0x10f: {  	_ = 	snop  }
0x110: {  	[tilespmem:s26+$0x10] =	vst v20  }
0x111: {  	v5 =	vmul.f32 v17, v5;
	[tilespmem:s31+$0xFFFFFFE0] =	vst v18  }
0x112: {  	v21 =	vld [tilespmem:s0+$0x0];
	v3 =	vmul.f32 v3, v13;
	[tilespmem:s31+$0xFFFFFFF0] =	vst v19  }
0x113: {  	v15 =	vld.idx.msk [tilespmem:v15+s17+$0x0], $0xffff;
	v1 =	vmul.f32 v1, v13;
	[tilespmem:s26+$0x0] =	vst v5  }
0x114: {  	v16 =	vmul.f32 v16, v12;
	[tilespmem:s31+$0x20] =	vst v3  }
0x115: {  	v58 =	vld [tilespmem:s0+$0x10];
	[tilespmem:s31+$0x30] =	vst v1;
	v6 =	vmul.f32 v6, v11  }
0x116: {  	v59 =	vunpack.i.u.bf16.f32 v8;
	v2 =	vld.idx.msk [tilespmem:v2+s17+$0x0], $0xffff;
	v10 =	vmul.f32 v10, v12;
	[tilespmem:s26+$0xFFFFFFC0] =	vst v16  }
0x117: {  	v53 =	vld [tilespmem:s0+$0xFFFFFFE0];
	[tilespmem:s26+$0xFFFFFFF0] =	vst v6;
	v6 =	vmul.f32 v59, v7;
	v3 =	vunpack.i.u.bf16.f32 v21  }
0x118: {  	v9 =	vld.idx.msk [tilespmem:v9+s17+$0x0], $0xffff;
	[tilespmem:s26+$0xFFFFFFD0] =	vst v10;
	v1 =	vmul.f32 v3, v15  }
0x119: {  	s6 =	sadd.s32 $0x80, s26;
	v54 =	vld [tilespmem:s0+$0xFFFFFFF0];
	v55 =	vunpack.i.l.bf16.f32 v21;
	v3 =	vmul.f32 v14, v11;
	[tilespmem:s26+$0x30] =	vst v6  }
0x11a: {  	v62 =	vunpack.i.l.bf16.f32 v58;
	v57 =	vmul.f32 v55, v15;
	[tilespmem:s6+$0x10] =	vst v1;
	v1 =	vld.idx.msk [tilespmem:v4+s17+$0x0], $0xffff  }
0x11b: {  	v63 =	vmul.f32 v62, v2;
	[tilespmem:s26+$0xFFFFFFE0] =	vst v3;
	v3 =	vunpack.i.l.bf16.f32 v8  }
0x11c: {  	v56 =	vunpack.i.l.bf16.f32 v53;
	[tilespmem:s6+$0x0] =	vst v57;
	v3 =	vmul.f32 v3, v7  }
0x11d: {  	v5 =	vunpack.i.u.bf16.f32 v53;
	v4 =	vmul.f32 v56, v9;
	[tilespmem:s6+$0x20] =	vst v63  }
0x11e: {  	v60 =	vunpack.i.l.bf16.f32 v54;
	[tilespmem:s26+$0x20] =	vst v3;
	v3 =	vmul.f32 v5, v9  }
.Ltmp7:
0x11f: {  	v61 =	vunpack.i.u.bf16.f32 v54;
	[tilespmem:s6+$0xFFFFFFC0] =	vst v4;
	v4 =	vmul.f32 v60, v1;
	(pc) =	sbr.rel @p0 .LBB2_14-.Ltmp7, $4  }
0x120: {  	[tilespmem:s6+$0xFFFFFFD0] =	vst v3;
	v1 =	vmul.f32 v61, v1;
	v3 =	vunpack.i.u.bf16.f32 v58  }
0x121: {  	v2 =	vmul.f32 v3, v2;
	[tilespmem:s6+$0xFFFFFFE0] =	vst v4  }
0x122: {  	[tilespmem:s6+$0xFFFFFFF0] =	vst v1  }
0x123: {  	s0 =	sadd.s32 $0x2710, s25;
	[tilespmem:s6+$0x30] =	vst v2  }
0x124: {  	s6 =	smul.u32 $0x640, s1;
	_ =	sdelay $0x1  }
.Ltmp8:
0x125: {  	s6 =	sshra.s32 s6, $0x2;
	(pc) =	sbr.rel .LBB2_8-.Ltmp8, $4  }
0x126: {  	s6 =	sadd.s32 $0x258, s6  }
0x127: {  	[tilespmem:s20], [sflag:$0x2] =	stream.indirect.gather [hbm4b:s2+s18], $0x10, s6, s18, $0xb8;
	[tilespmem:$0x12750] =	vst v63  }
0x128: {  	s1 =	sadd.s32 $0x1, s1;
	s22 =	sadd.s32 $0x190, s22  }
0x129: {  	[spmem:s3] =	stream.indirect.scatter.add.f32 [tilespmem:s28], [sflag:$0x4], $0x20, s0, s18, $0xb8;
	[tilespmem:$0x12750] =	vst v63  }
.LBB2_15:
0x12a: {  	_ =	sfence.sel $0x180000  }
0x12b: {  	[bflag:$0x0] =	sbarrier.arrive $0xFFFF  }
0x12c: {  	_ =	strace $0x9000004A  }
0x12d: {  	s0 =	stileid.u32;
	[bflag:$0x2] =	sbarrier.arrive $0xFFFF  }
0x12e: {  	p0 =	sne.s32 s0, $0x0;
	s0 =	rddreg [dreg:$0x3]  }
0x12f: {  	s0 =	sadd.s32 @!p0 $0x100000, s0  }
0x130: {  	[sflag:s0] =	ssyncadd.tile.s32 @!p0 $0x1;
	_ =	shalt  }
.Lfunc_end2:
_tile_overlayer_lowered:
.L_overlay_start_2:
0x131: {  	(tag) =	ssettag $0x2  }
0x132: {  	s0 =	rddreg [dreg:$0x0];
	s2 =	stileid.u32  }
0x133: {  	s1 =	rddreg [dreg:$0x1];
	p0 =	sne.s32 s2, $0x0  }
0x134: {  	s3 =	rddreg [dreg:$0x2];
	[bflag:$0x3] =	sbarrier.arrive $0xFFFF;
	s2 =	simm.s32 @!p0 $0x1C05  }
0x135: {  	[timem:s3], [sflag:s2] =	dma.local @!p0 [hbm:s0], s1  }
0x136: {  	s0 =	simm.s32 @!p0 $0x5  }
0x137: {  	_ =	swait.ge @!p0 [sflag:s0], s1  }
0x138: {  	s1 =	ssub.s32 @!p0 $0x0, s1;
	[sflag:s0] =	ssyncset.done @!p0 $0x0  }
0x139: {  	[sflag:s0] =	ssyncadd.s32 @!p0 s1  }
0x13a: {  	[bflag:$0x3] =	sbarrier.arrive $0xFFFF  }
0x13b: {  	_ =	shalt  }

// kernel: kernel.7.cloned.1.call-start
scs
__scs_entry_jumppad:
0x0: {  	(pc) =	sbr.rel $0x88, $3  }
0x1: {  	(tag) =	ssettag $0x0;
	lr =	simm.s32 $0x1  }
0x2: {  	[smem:$0x3F9C] =	sst lr;
	_ =	strace $0xD0000000  }
0x3: {  	_ = 	snop  }
0x4: {  	_ = 	snop  }
0x5: {  	_ = 	snop  }
0x6: {  	_ = 	snop  }
0x7: {  	_ = 	snop  }
__scs_overlays_trampoline_lowered:
0x8: {  	[smem:$0x3FAB] =	sst s0  }
0x9: {  	[smem:$0x3FAC] =	sst s1  }
0xa: {  	[smem:$0x3FAD] =	sst s2  }
0xb: {  	[smem:$0x3FAE] =	sst s3  }
0xc: {  	[smem:$0x3FAF] =	sst s4  }
0xd: {  	[smem:$0x3FB0] =	sst s5  }
0xe: {  	[smem:$0x3FB1] =	sst s6  }
0xf: {  	[smem:$0x3FB2] =	sst s7  }
0x10: {  	[smem:$0x3FB3] =	sst s8  }
0x11: {  	[smem:$0x3FB4] =	sst s9;
	s0 =	simm.s32 @!p0 $0x0  }
0x12: {  	s1 =	sld [smem:$0x3F9A];
	s0 =	simm.s32 @p0 $0x1  }
0x13: {  	[smem:$0x3FB5] =	sst s0;
	s0 =	simm.s32 @!p1 $0x0  }
0x14: {  	s2 =	sld [smem:$0x3F99];
	s0 =	simm.s32 @p1 $0x1  }
0x15: {  	[smem:$0x3FB6] =	sst s0;
	s0 =	simm.s32 @!p2 $0x0  }
0x16: {  	s3 =	sld [smem:$0x3FDB];
	s0 =	simm.s32 @p2 $0x1  }
0x17: {  	s4 =	simm.s32 $0x1BF5;
	[smem:$0x3FB8] =	sst s0  }
0x18: {  	s0 =	sld [smem:$0x3F9B];
	_ =	swait.ge [sflag:s4], $0x0  }
0x19: {  	s7 =	sld [smem:$0x3F9C]  }
0x1a: {  	s8 =	sadd.s32 $0xFFFFE003, lr  }
0x1b: {  	s9 =	sadd.s32 $0xFFFFFEF7, lr;
	s5 =	simm.s32 $0xFFFFFFFF;
	p2 =	slt.u32 s8, $0xFFFFF086  }
0x1c: {  	p1 =	slt.u32 s9, $0xF7A;
	s5 =	simm.s32 @!p2 $0x0  }
0x1d: {  	s5 =	simm.s32 @p1 $0x1;
	p0 =	seq.s32 s7, s2  }
0x1e: {  	s7 =	smul.u32 @!p0 $0xF7A, s2;
	p2 =	seq.s32 @!p0 s5, $0x0  }
0x1f: {  	s9 =	smul.u32 $0xF7A, s1;
	s8 =	simm.s32 @!p0 $0x1BF5;
	p2 =	por !p2, p0  }
0x20: {  	[sflag:s8] =	ssyncset.s32 @!p0 $0xFFFFF086;
	s6 =	sadd.s32 @!p0 s3, s7;
	s7 =	simm.s32 @!p0 $0x108  }
0x21: {  	s3 =	sadd.s32 s3, s9;
	s6 =	sadd.s32 @!p0 $0x88, s6;
	s7 =	simm.s32 @p2 $0x1082  }
0x22: {  	[simem:s7], [sflag:s8] =	dma.local @!p0 [hbm:s6], $0xF7A  }
0x23: {  	s9 =	sor.u32 $0xD0000000, s2;
	s6 =	simm.s32 $0x108;
	_ =	swait.ge @!p0 [sflag:s8], $0x0  }
0x24: {  	s3 =	sadd.s32 $0x88, s3;
	s6 =	simm.s32 @!p1 $0x1082;
	[sflag:s4] =	ssyncset.s32 $0xFFFFF086  }
0x25: {  	[simem:s6], [sflag:s4] =	dma.local [hbm:s3], $0xF7A  }
0x26: {  	[smem:$0x3F9C] =	sst s1;
	(tag) =	ssettag s2;
	_ =	strace s9  }
0x27: {  	s1 =	sld [smem:$0x3FAC]  }
0x28: {  	s2 =	sld [smem:$0x3FAD]  }
0x29: {  	s4 =	sld [smem:$0x3FAF]  }
0x2a: {  	p0 =	seq.s32 s5, $0x0;
	s5 =	sld [smem:$0x3FB0]  }
0x2b: {  	s6 =	sld [smem:$0x3FB1]  }
0x2c: {  	s7 =	sld [smem:$0x3FB2]  }
0x2d: {  	s3 =	simm.s32 $0x108;
	s8 =	sld [smem:$0x3FB3]  }
0x2e: {  	s3 =	simm.s32 @!p0 $0x1082;
	s9 =	sld [smem:$0x3FB4]  }
0x2f: {  	lr =	sadd.s32 s0, s3;
	s0 =	sld [smem:$0x3FAB]  }
0x30: {  	s3 =	sld [smem:$0x3FAE]  }
0x31: {  	[smem:$0x3FB7] =	sst s10  }
0x32: {  	s10 =	sld [smem:$0x3FB5];
	_ =	sdelay $0x3  }
0x33: {  	p0 =	seq.s32 s10, $0x1;
	s10 =	sld [smem:$0x3FB7];
	_ =	sdelay $0x3  }
0x34: {  	[smem:$0x3FB7] =	sst s10  }
0x35: {  	s10 =	sld [smem:$0x3FB6];
	_ =	sdelay $0x3  }
0x36: {  	p1 =	seq.s32 s10, $0x1;
	s10 =	sld [smem:$0x3FB7];
	_ =	sdelay $0x3  }
0x37: {  	[smem:$0x3FB7] =	sst s10  }
0x38: {  	s10 =	sld [smem:$0x3FB8]  }
0x39: {  	_ = 	snop;
	(pc) =	sbr.ind lr, $3  }
0x3a: {  	_ = 	snop  }
0x3b: {  	_ = 	snop  }
0x3c: {  	p2 =	seq.s32 s10, $0x1;
	s10 =	sld [smem:$0x3FB7]  }
0x3d: {  	_ =	shalt  }
0x3e: {  	_ =	shalt  }
0x3f: {  	_ =	shalt  }
0x40: {  	_ =	shalt  }
0x41: {  	_ =	shalt  }
0x42: {  	_ =	shalt  }
0x43: {  	_ =	shalt  }
0x44: {  	_ =	shalt  }
0x45: {  	_ =	shalt  }
0x46: {  	_ =	shalt  }
0x47: {  	_ =	shalt  }
0x48: {  	_ =	shalt  }
0x49: {  	_ =	shalt  }
0x4a: {  	_ =	shalt  }
0x4b: {  	_ =	shalt  }
0x4c: {  	_ =	shalt  }
0x4d: {  	_ =	shalt  }
0x4e: {  	_ =	shalt  }
0x4f: {  	_ =	shalt  }
0x50: {  	_ =	shalt  }
0x51: {  	_ =	shalt  }
0x52: {  	_ =	shalt  }
0x53: {  	_ =	shalt  }
0x54: {  	_ =	shalt  }
0x55: {  	_ =	shalt  }
0x56: {  	_ =	shalt  }
0x57: {  	_ =	shalt  }
0x58: {  	_ =	shalt  }
0x59: {  	_ =	shalt  }
0x5a: {  	_ =	shalt  }
0x5b: {  	_ =	shalt  }
0x5c: {  	_ =	shalt  }
0x5d: {  	_ =	shalt  }
0x5e: {  	_ =	shalt  }
0x5f: {  	_ =	shalt  }
0x60: {  	_ =	shalt  }
0x61: {  	_ =	shalt  }
0x62: {  	_ =	shalt  }
0x63: {  	_ =	shalt  }
0x64: {  	_ =	shalt  }
0x65: {  	_ =	shalt  }
0x66: {  	_ =	shalt  }
0x67: {  	_ =	shalt  }
0x68: {  	_ =	shalt  }
0x69: {  	_ =	shalt  }
0x6a: {  	_ =	shalt  }
0x6b: {  	_ =	shalt  }
0x6c: {  	_ =	shalt  }
0x6d: {  	_ =	shalt  }
0x6e: {  	_ =	shalt  }
0x6f: {  	_ =	shalt  }
0x70: {  	_ =	shalt  }
0x71: {  	_ =	shalt  }
0x72: {  	_ =	shalt  }
0x73: {  	_ =	shalt  }
0x74: {  	_ =	shalt  }
0x75: {  	_ =	shalt  }
0x76: {  	_ =	shalt  }
0x77: {  	_ =	shalt  }
0x78: {  	_ =	shalt  }
0x79: {  	_ =	shalt  }
0x7a: {  	_ =	shalt  }
0x7b: {  	_ =	shalt  }
0x7c: {  	_ =	shalt  }
0x7d: {  	_ =	shalt  }
0x7e: {  	_ =	shalt  }
0x7f: {  	_ =	shalt  }
0x80: {  	_ =	shalt  }
0x81: {  	_ =	shalt  }
0x82: {  	_ =	shalt  }
0x83: {  	_ =	shalt  }
0x84: {  	_ =	shalt  }
0x85: {  	_ =	shalt  }
0x86: {  	_ =	shalt  }
0x87: {  	_ =	shalt  }
.Lfunc_end0:
.L_simem_size_0:
called_computation_lowered:
.L_overlay_start_0:
0x88: {  	s2 =	sld [smem:$0x3FD9]  }
0x89: {  	s3 =	sld [smem:$0x3FFE];
	_ =	sdelay $0x1  }
0x8a: {  	s1 =	srdreg.scid  }
0x8b: {  	s0 =	sand.u32 $0x1, s1  }
0x8c: {  	s16 =	sshll.u32 s0, $0xA;
	s2 =	sadd.s32 s3, s2  }
0x8d: {  	s2 =	sadd.s32 s2, s16  }
0x8e: {  	[smem:$0x3FC3] =	sst s2  }
0x8f: {  	_ = 	snop  }
0x90: {  	(tm) =	ssettm $0x1  }
0x91: {  	s17 =	sld [smem:$0x3FFB];
	_ =	sdelay $0x3  }
0x92: {  	_ =	strace s17  }
0x93: {  	s2 =	sld [smem:$0x3FFC];
	_ =	sdelay $0x3  }
0x94: {  	_ =	strace s2  }
0x95: {  	s2 =	sld [smem:$0x3FFD];
	_ =	sdelay $0x3  }
0x96: {  	_ =	strace s2  }
0x97: {  	_ =	strace $0x8FFFFFFF  }
0x98: {  	s18 =	sld [smem:$0x3FDB];
	_ =	sdelay $0x1  }
0x99: {  	s19 =	simm.s32 $_scs_section_size  }
0x9a: {  	s4 =	simm.s32 $_size__tile_overlayer_lowered;
	s5 =	simm.s32 $_tile_overlayer_lowered  }
0x9b: {  	s22 =	simm.s32 $0x1BFF;
	s21 =	sshll.u32 s5, $0x1;
	s2 =	sadd.s32 s19, s18  }
0x9c: {  	s6 =	simm.s32 $0x0;
	s20 =	sshll.u32 s4, $0x1;
	s4 =	sadd.s32 s21, s2  }
0x9d: {  	[timem:s6], [sflag:s22] =	dma.local [hbm:s4], s20  }
0x9e: {  	_ =	swait.ge [sflag:s22], s20  }
0x9f: {  	s3 =	ssub.s32 $0x0, s20;
	[sflag:s22] =	ssyncset.done $0x0  }
0xa0: {  	[sflag:s22] =	ssyncadd.s32 s3;
	_ =	sdelay $0x1  }
0xa1: {  	s23 =	simm.s32 $0x1B8B  }
0xa2: {  	_ =	swait.ge [sflag:s23], $0x1  }
0xa3: {  	[sflag:s23] =	ssyncset.done $0x0  }
0xa4: {  	s25 =	simm.s32 $0x1B8E;
	s24 =	sld [smem:$0x3FFE];
	[sflag:s23] =	ssyncadd.s32 $0xFFFFFFFF  }
0xa5: {  	s26 =	simm.s32 $execute0_lowered;
	[smem:$0x3FD2] =	sst s25  }
0xa6: {  	s4 =	sshll.u32 s26, $0x1;
	_ =	strace $0x80000046;
	[dreg:$0x1] =	wrdreg $0xFFFFFFFF  }
0xa7: {  	s28 =	simm.s32 $_size_execute0_lowered;
	s2 =	sadd.s32 s2, s4;
	[dreg:$0x0] =	wrdreg $0x0  }
0xa8: {  	s4 =	sshll.u32 s28, $0x1;
	[dreg:$0x2] =	wrdreg s2  }
0xa9: {  	[dreg:$0x3] =	wrdreg s4  }
0xaa: {  	[dreg:$0x4] =	wrdreg $0xC0  }
0xab: {  	_ =	task [dreg:s6], $0x5FFFF  }
0xac: {  	[dreg:$0x1] =	wrdreg $0xFFFFFFFF  }
0xad: {  	[dreg:$0x0] =	wrdreg $0x60  }
0xae: {  	[dreg:$0x2] =	wrdreg s24  }
0xaf: {  	[dreg:$0x3] =	wrdreg $0x13D300  }
0xb0: {  	[dreg:$0x4] =	wrdreg $0x9  }
0xb1: {  	_ =	task.clear_ibuf [dreg:s6], $0x5FFFF;
	_ =	strace $0x90000046  }
0xb2: {  	s29 =	simm.s32 $0x9;
	_ =	strace $0x80000048  }
0xb3: {  	_ =	swait.ge [sflag:s29], $0x1  }
0xb4: {  	[sflag:s29] =	ssyncadd.s32 $0xFFFFFFFF  }
0xb5: {  	_ =	strace $0x90000048  }
0xb6: {  	_ =	sfence  }
0xb7: {  	s30 =	sld [smem:$0x0];
	_ =	sdelay $0x2  }
0xb8: {  	s31 =	sshll.u32 s1, $0xD;
	s1 =	sshrl.u32 s1, $0x2  }
0xb9: {  	s3 =	sand.u32 $0x4000, s31;
	s1 =	sadd.s32 s1, s30  }
0xba: {  	s0 =	sor.u32 s3, s0;
	s1 =	sshll.u32 s1, $0x11  }
0xbb: {  	s0 =	sor.u32 s1, s0  }
0xbc: {  	s0 =	sadd.s32 $0x8F2B, s0  }
0xbd: {  	[sflag:s0] =	ssyncadd.remote.s32 $0x1  }
0xbe: {  	_ =	sfence.sel $0xFFFF  }
0xbf: {  	[dreg:$0x0] =	wrdreg $0xFFFFFFFF;
	(pc) =	sbr.abs _section_cstart, $3  }
0xc0: {  	[dreg:$0x1] =	wrdreg $0xFFFFFFFF  }
0xc1: {  	_ =	task.clear_ibuf [dreg:s6], $0x2FFFF;
	_ =	strace $0x9FFFFFFF  }
0xc2: {  	(tm) =	ssettm $0x7FFFFFFF  }
0xc3: {  	_ =	shalt  }
tec
execute0_lowered:
.L_overlay_start_1:
0x0: {  	(tag) =	ssettag $0x1  }
0x1: {  	s0 =	rddreg [dreg:$0x0]  }
0x2: {  	s1 =	rddreg [dreg:$0x1]  }
0x3: {  	s3 =	simm.s32 $0x0;
	s2 =	srdreg.scid;
	s11 =	stileid.u32  }
0x4: {  	s28 =	simm.s32 $0x4E20;
	s29 =	simm.s32 $0xC8;
	s31 =	simm.s32 $0x8E30  }
0x5: {  	[smem:$0x7FF] =	sst s3;
	s2 =	sand.u32 $0x1, s2;
	s4 =	smul.u32 $0x13880, s11  }
0x6: {  	s6 =	sadd.s32 $0x1600, s0;
	s9 =	sadd.s32 $0x3C000, s0;
	s8 =	smul.u32 $0x27100, s11  }
0x7: {  	_ =	strace $0x80000047;
	s5 =	sshll.u32 s2, $0x6;
	s7 =	sshll.u32 s2, $0x4  }
0x8: {  	s2 =	ssub.s32 $0x2, s2;
	s5 =	sor.u32 s5, s4;
	s25 =	sshrl.u32 s8, $0x2  }
0x9: {  	s24 =	sor.u32 s11, s7;
	s12 =	sshrl.u32 s2, $0x1;
	s15 =	sadd.s32 s25, s1  }
0xa: {  	s10 =	sshrl.u32 s5, $0x3;
	s7 =	sadd.s32 $0x3200, s15;
	[dreg:$0x3] =	wrdreg s15  }
0xb: {  	s26 =	smul.u32 $0x2710, s24;
	s17 =	sadd.s32 $0x6400, s15;
	[dreg:$0x4] =	wrdreg s7  }
0xc: {  	s2 =	ssub.s32 s2, s12;
	s5 =	sadd.s32 $0x6A40, s15;
	[dreg:$0x5] =	wrdreg s17  }
0xd: {  	s30 =	sadd.s32 s10, s0;
	s2 =	smax.u32 s2, $0x1;
	[dreg:$0x6] =	wrdreg s5  }
0xe: {  	s24 =	sadd.s32 $0x9DD00, s0;
	s21 =	sadd.s32 $0x76C00, s30;
	[dreg:$0x11] =	wrdreg s2  }
0xf: {  	s16 =	sshrl.u32 s26, $0x3;
	s30 =	sadd.s32 s10, s24;
	[dreg:$0xa] =	wrdreg s21  }
0x10: {  	s4 =	sadd.s32 $0x59600, s0;
	s20 =	sadd.s32 s9, s16;
	[dreg:$0x12] =	wrdreg s30  }
0x11: {  	s13 =	sadd.s32 $0x9C40, s16;
	s18 =	sadd.s32 s6, s16;
	[dreg:$0x9] =	wrdreg s20  }
0x12: {  	s14 =	sadd.s32 $0x13880, s16;
	s19 =	sadd.s32 s6, s13;
	[dreg:$0x7] =	wrdreg s18  }
0x13: {  	s11 =	simm.s32 $0x2;
	s6 =	sadd.s32 s6, s14;
	[dreg:$0x8] =	wrdreg s19  }
0x14: {  	s15 =	simm.s32 $0x3;
	s22 =	sadd.s32 $0x1D4C0, s18;
	[dreg:$0xb] =	wrdreg s6  }
0x15: {  	s17 =	simm.s32 $0x4;
	s23 =	sadd.s32 s9, s13;
	[dreg:$0xc] =	wrdreg s22  }
0x16: {  	s16 =	sadd.s32 $0x63240, s0;
	s25 =	sadd.s32 $0x27100, s18;
	[dreg:$0xd] =	wrdreg s23  }
.Ltmp0:
0x17: {  	s5 =	sadd.s32 $0x30D40, s18;
	[dreg:$0xe] =	wrdreg s25;
	(pc) =	sbr.rel .LBB2_1-.Ltmp0, $4  }
0x18: {  	s26 =	sadd.s32 s9, s14;
	s20 =	sadd.s32 $0x6CE80, s0;
	[dreg:$0xf] =	wrdreg s5  }
0x19: {  	s0 =	sadd.s32 $0xC4E00, s0;
	s14 =	simm.s32 $0xD930;
	[dreg:$0x10] =	wrdreg s26  }
0x1a: {  	s22 =	simm.s32 $0x10B30;
	s0 =	sadd.s32 s10, s0;
	s25 =	simm.s32 $0x5  }
0x1b: {  	v0 =	vimm.f32 $0.0e+00;
	s10 =	simm.s32 $0xA730;
	[dreg:$0x13] =	wrdreg s0;
	s0 =	simm.s32 $0x1  }
.LBB2_36:
0x1c: {  	[spmem:s1] =	stream.indirect.scatter.add.f32 [tilespmem:s14], [sflag:$0x4], $0x40, s2, s29, $0xb8;
	[tilespmem:$0x1D970] =	vst v63  }
0x1d: {  	_ =	swait.ge [sflag:s15], $0x3200  }
0x1e: {  	[sflag:s15] =	ssyncset.done $0x0  }
0x1f: {  	[sflag:s15] =	ssyncadd.s32 $0xFFFFCE00  }
0x20: {  	_ =	swait.ge [sflag:s17], $0x3200  }
0x21: {  	[sflag:s17] =	ssyncset.done $0x0  }
0x22: {  	[sflag:s17] =	ssyncadd.s32 $0xFFFFCE00  }
0x23: {  	[bflag:$0x0] =	sbarrier.arrive $0xFFFF  }
0x24: {  	s5 =	simm.s32 $0x10;
	s6 =	simm.s32 $0x8;
	s26 =	rddreg [dreg:$0x13]  }
0x25: {  	[hbm:s26@s5], [sflag:s21] =	dma.strided [spmem:s23@s6], $0x1388, s0, $0x8   }
0x26: {  	_ =	swait.ge [sflag:s25], $0x1388  }
0x27: {  	s3 =	sadd.s32 $0x1, s3;
	s30 =	rddreg [dreg:$0x11]  }
0x28: {  	p0 =	sne.s32 s3, s30  }
.Ltmp1:
0x29: {  	_ = 	snop;
	(pc) =	sbr.rel @!p0 .LBB2_37-.Ltmp1, $3  }
0x2a: {  	_ =	sdelay $0x1  }
0x2b: {  	[sflag:s25] =	ssyncset.done $0x0  }
0x2c: {  	[sflag:s25] =	ssyncadd.s32 $0xFFFFEC78  }
.LBB2_1:
0x2d: {  	s2 =	simm.s32 $0x10BB0  }
0x2e: {  	[tilespmem:s2+$0xFFFFFF80] =	vst v0  }
0x2f: {  	[tilespmem:s2+$0x70] =	vst v0  }
0x30: {  	[tilespmem:s2+$0x60] =	vst v0  }
0x31: {  	[tilespmem:s2+$0x50] =	vst v0  }
0x32: {  	[tilespmem:s2+$0x40] =	vst v0  }
0x33: {  	[tilespmem:s2+$0x30] =	vst v0  }
0x34: {  	[tilespmem:s2+$0x20] =	vst v0  }
0x35: {  	[tilespmem:s2+$0x10] =	vst v0  }
0x36: {  	[tilespmem:s2+$0x0] =	vst v0  }
0x37: {  	[tilespmem:s2+$0xFFFFFFF0] =	vst v0  }
0x38: {  	[tilespmem:s2+$0xFFFFFFE0] =	vst v0  }
0x39: {  	[tilespmem:s2+$0xFFFFFFD0] =	vst v0  }
0x3a: {  	[tilespmem:s2+$0xFFFFFFC0] =	vst v0  }
0x3b: {  	[tilespmem:s2+$0xFFFFFFB0] =	vst v0  }
0x3c: {  	s6 =	simm.s32 $0x0;
	[tilespmem:s2+$0xFFFFFFA0] =	vst v0  }
.LBB2_2:
0x3d: {  	s6 =	sadd.s32 $0x4, s6;
	[tilespmem:s2+$0xFFFFFF90] =	vst v0;
	s2 =	sadd.s32 $0x100, s2  }
0x3e: {  	[tilespmem:s2+$0xFFFFFF80] =	vst v0;
	p0 =	slt.u32 s6, $0xC4  }
0x3f: {  	[tilespmem:s2+$0x70] =	vst v0  }
0x40: {  	[tilespmem:s2+$0x60] =	vst v0  }
0x41: {  	[tilespmem:s2+$0x50] =	vst v0  }
0x42: {  	[tilespmem:s2+$0x40] =	vst v0  }
0x43: {  	[tilespmem:s2+$0x30] =	vst v0  }
0x44: {  	[tilespmem:s2+$0x20] =	vst v0  }
0x45: {  	[tilespmem:s2+$0x10] =	vst v0  }
0x46: {  	[tilespmem:s2+$0x0] =	vst v0  }
0x47: {  	[tilespmem:s2+$0xFFFFFFF0] =	vst v0  }
.Ltmp2:
0x48: {  	[tilespmem:s2+$0xFFFFFFE0] =	vst v0;
	(pc) =	sbr.rel @p0 .LBB2_2-.Ltmp2, $4  }
0x49: {  	[tilespmem:s2+$0xFFFFFFD0] =	vst v0  }
0x4a: {  	[tilespmem:s2+$0xFFFFFFC0] =	vst v0  }
0x4b: {  	[tilespmem:s2+$0xFFFFFFB0] =	vst v0  }
0x4c: {  	[tilespmem:s2+$0xFFFFFFA0] =	vst v0  }
0x4d: {  	[tilespmem:s2+$0xFFFFFF90] =	vst v0  }
0x4e: {  	s2 =	rddreg [dreg:$0x3]  }
0x4f: {  	[spmem:s2] =	stream.linear.scatter [tilespmem:s22], [sflag:$0x5], $0x3200, $0x38;
	[tilespmem:$0x1D970] =	vst v63  }
0x50: {  	_ =	swait.ge [sflag:s25], $0x3200  }
0x51: {  	[sflag:s25] =	ssyncset.done $0x0  }
0x52: {  	s9 =	rddreg [dreg:$0x4];
	[sflag:s25] =	ssyncadd.s32 $0xFFFFCE00  }
0x53: {  	[spmem:s9] =	stream.linear.scatter [tilespmem:s22], [sflag:$0x5], $0x3200, $0x38;
	[tilespmem:$0x1D970] =	vst v63  }
0x54: {  	_ =	swait.ge [sflag:s25], $0x3200  }
0x55: {  	[sflag:s25] =	ssyncset.done $0x0  }
0x56: {  	s12 =	rddreg [dreg:$0x5];
	[sflag:s25] =	ssyncadd.s32 $0xFFFFCE00  }
0x57: {  	[spmem:s12] =	stream.linear.scatter [tilespmem:s22], [sflag:$0x5], $0x3200, $0x38;
	[tilespmem:$0x1D970] =	vst v63  }
0x58: {  	_ =	swait.ge [sflag:s25], $0x3200  }
0x59: {  	[sflag:s25] =	ssyncset.done $0x0  }
0x5a: {  	s13 =	rddreg [dreg:$0x6];
	[sflag:s25] =	ssyncadd.s32 $0xFFFFCE00  }
0x5b: {  	[spmem:s13] =	stream.linear.scatter [tilespmem:s22], [sflag:$0x5], $0x3200, $0x38;
	[tilespmem:$0x1D970] =	vst v63  }
0x5c: {  	_ =	swait.ge [sflag:s25], $0x3200  }
0x5d: {  	[sflag:s25] =	ssyncset.done $0x0  }
0x5e: {  	s18 =	simm.s32 $0x0;
	s5 =	rddreg [dreg:$0x7];
	[sflag:s25] =	ssyncadd.s32 $0xFFFFCE00  }
0x5f: {  	[tilespmem:s18], [sflag:$0x5] =	stream.linear.gather [hbm4b:s5+s18], $0x2710, $0x38;
	[tilespmem:$0x1D970] =	vst v63  }
0x60: {  	_ =	swait.ge [sflag:s25], $0x2710  }
0x61: {  	[sflag:s25] =	ssyncset.done $0x0  }
0x62: {  	s6 =	simm.s32 $0x2710;
	s19 =	rddreg [dreg:$0x8];
	[sflag:s25] =	ssyncadd.s32 $0xFFFFD8F0  }
0x63: {  	[tilespmem:s6], [sflag:$0x5] =	stream.linear.gather [hbm4b:s19+s18], $0x2710, $0x38;
	[tilespmem:$0x1D970] =	vst v63  }
0x64: {  	_ =	swait.ge [sflag:s25], $0x2710  }
0x65: {  	[sflag:s25] =	ssyncset.done $0x0  }
0x66: {  	s21 =	rddreg [dreg:$0x9];
	[sflag:s25] =	ssyncadd.s32 $0xFFFFD8F0  }
0x67: {  	[tilespmem:s28], [sflag:$0x5] =	stream.linear.gather [hbm4b:s21+s18], $0x2710, $0x38;
	[tilespmem:$0x1D970] =	vst v63  }
0x68: {  	_ =	swait.ge [sflag:s25], $0x2710  }
0x69: {  	[sflag:s25] =	ssyncset.done $0x0  }
0x6a: {  	s23 =	simm.s32 $0x2;
	[sflag:s25] =	ssyncadd.s32 $0xFFFFD8F0  }
0x6b: {  	s24 =	simm.s32 $0x7530;
	s26 =	simm.s32 $0x1;
	v1 =	vmov s23;
	[bflag:$0x0] =	sbarrier.arrive $0xFFFF  }
0x6c: {  	v1 =	vand.u32 $0xFFFFFFFE, v1;
	[tilespmem:s24], [sflag:$0x1] =	stream.indirect.gather [hbm4b:s4+s29], $0x20, s18, s29, $0xb8;
	[tilespmem:$0x1D970] =	vst v63  }
0x6d: {  	v2 =	vmov s26;
	v1 =	vbroadcast v1, $0x0  }
0x6e: {  	v2 =	vand.u32 $0xFFFFFFFD, v2;
	[tilespmem:s31], [sflag:$0x2] =	stream.indirect.gather [hbm4b:s4+s29], $0x20, s29, s29, $0xb8;
	[tilespmem:$0x1D970] =	vst v63  }
0x6f: {  	v2 =	vbroadcast v2, $0x0;
	_ =	swait.ge [sflag:s0], $0x1900  }
0x70: {  	[sflag:s0] =	ssyncset.done $0x0  }
0x71: {  	s12 =	simm.s32 $0x7570;
	[sflag:s0] =	ssyncadd.s32 $0xFFFFE700  }
0x72: {  	v3 =	vmov s18;
	s5 =	simm.s32 $0x3;
	v4 =	vld [tilespmem:s12+$0x0]  }
0x73: {  	v3 =	vand.u32 $0xFFFFFFFC, v3;
	v6 =	vmov s5;
	v5 =	vld.idx.msk [tilespmem:v1+s28+$0x0], $0xffff  }
0x74: {  	v3 =	vbroadcast v3, $0x0;
	v1 =	vld [tilespmem:s12+$0xFFFFFFE0]  }
0x75: {  	s30 =	simm.s32 $0x4;
	v2 =	vld.idx.msk [tilespmem:v2+s28+$0x0], $0xffff  }
0x76: {  	v7 =	vmov s30  }
0x77: {  	v7 =	vand.u32 $0xFFFFFFFC, v7;
	s6 =	simm.s32 $0x6;
	v12 =	vld [tilespmem:s12+$0x20];
	v8 =	vunpack.i.l.bf16.f32 v4  }
0x78: {  	v10 =	vmov s6;
	v6 =	vld.idx.msk [tilespmem:v6+s28+$0x0], $0xffff;
	v4 =	vunpack.i.u.bf16.f32 v4;
	v8 =	vmul.f32 v8, v5  }
0x79: {  	s2 =	simm.s32 $0xA7B0;
	v9 =	vld [tilespmem:s12+$0xFFFFFFC0];
	v11 =	vunpack.i.l.bf16.f32 v1;
	v1 =	vunpack.i.u.bf16.f32 v1;
	v4 =	vmul.f32 v4, v5  }
0x7a: {  	s7 =	simm.s32 $0x5;
	v7 =	vbroadcast v7, $0x0;
	v10 =	vand.u32 $0xFFFFFFFE, v10;
	v3 =	vld.idx.msk [tilespmem:v3+s28+$0x0], $0xffff;
	v1 =	vmul.f32 v1, v2;
	[tilespmem:s2+$0x0] =	vst v8  }
0x7b: {  	v10 =	vbroadcast v10, $0x0;
	v8 =	vmul.f32 v11, v2;
	v11 =	vmov s7;
	[tilespmem:s2+$0x10] =	vst v4  }
0x7c: {  	v13 =	vunpack.i.l.bf16.f32 v12;
	[tilespmem:s2+$0xFFFFFFD0] =	vst v1;
	v4 =	vand.u32 $0xFFFFFFFD, v11;
	v11 =	vld [tilespmem:s12+$0x10]  }
0x7d: {  	v13 =	vmul.f32 v13, v6;
	[tilespmem:s2+$0xFFFFFFC0] =	vst v8  }
0x7e: {  	s8 =	simm.s32 $0x75F0;
	v1 =	vunpack.i.u.bf16.f32 v9;
	v4 =	vbroadcast v4, $0x0;
	v8 =	vunpack.i.l.bf16.f32 v9;
	v9 =	vld [tilespmem:s12+$0xFFFFFFF0]  }
0x7f: {  	v15 =	vld [tilespmem:s8+$0x0];
	v8 =	vmul.f32 v8, v3  }
0x80: {  	v12 =	vunpack.i.u.bf16.f32 v12;
	[tilespmem:s2+$0x40] =	vst v13;
	v14 =	vmul.f32 v1, v3;
	v1 =	vld.idx.msk [tilespmem:v7+s28+$0x0], $0xffff  }
0x81: {  	v7 =	vmul.f32 v12, v6;
	[tilespmem:s2+$0xFFFFFF80] =	vst v8;
	v8 =	vld.idx.msk [tilespmem:v10+s28+$0x0], $0xffff;
	v10 =	vunpack.i.u.bf16.f32 v11;
	v11 =	vunpack.i.l.bf16.f32 v11  }
0x82: {  	s9 =	simm.s32 $0x7;
	v12 =	vld [tilespmem:s8+$0xFFFFFFE0];
	[tilespmem:s2+$0xFFFFFF90] =	vst v14;
	v11 =	vmul.f32 v11, v5;
	v5 =	vmul.f32 v10, v5  }
0x83: {  	s13 =	simm.s32 $0x8;
	[tilespmem:s2+$0x50] =	vst v7;
	v14 =	vld [tilespmem:s8+$0xFFFFFFC0];
	v10 =	vmov s9;
	v7 =	vunpack.i.u.bf16.f32 v9;
	v9 =	vunpack.i.l.bf16.f32 v9  }
0x84: {  	s21 =	simm.s32 $0x9;
	v16 =	vunpack.i.l.bf16.f32 v15;
	v13 =	vld.idx.msk [tilespmem:v4+s28+$0x0], $0xffff;
	v4 =	vmov s13;
	[tilespmem:s2+$0x30] =	vst v5;
	v9 =	vmul.f32 v9, v2  }
0x85: {  	v5 =	vmov s21;
	v7 =	vmul.f32 v7, v2;
	[tilespmem:s2+$0x20] =	vst v11;
	v2 =	vunpack.i.u.bf16.f32 v15  }
0x86: {  	s23 =	simm.s32 $0xA;
	v17 =	vld [tilespmem:s8+$0x20];
	v4 =	vand.u32 $0xFFFFFFFC, v4;
	v11 =	vmul.f32 v16, v8;
	v5 =	vand.u32 $0xFFFFFFFD, v5;
	[tilespmem:s2+$0xFFFFFFE0] =	vst v9  }
0x87: {  	s9 =	simm.s32 $0xA8B0;
	v15 =	vld [tilespmem:s12+$0xFFFFFFD0];
	v16 =	vbroadcast v4, $0x0;
	v4 =	vmov s23;
	v9 =	vmul.f32 v2, v8;
	[tilespmem:s2+$0xFFFFFFF0] =	vst v7  }
0x88: {  	v4 =	vand.u32 $0xFFFFFFFE, v4;
	v7 =	vunpack.i.l.bf16.f32 v14;
	v2 =	vld.idx.msk [tilespmem:v10+s28+$0x0], $0xffff;
	v10 =	vunpack.i.l.bf16.f32 v12;
	[tilespmem:s9+$0x0] =	vst v11  }
0x89: {  	v5 =	vbroadcast v5, $0x0;
	v11 =	vld [tilespmem:s12+$0x30];
	v12 =	vunpack.i.u.bf16.f32 v12;
	v10 =	vmul.f32 v10, v13;
	[tilespmem:s9+$0x10] =	vst v9  }
0x8a: {  	v14 =	vunpack.i.u.bf16.f32 v14;
	v4 =	vbroadcast v4, $0x0;
	v9 =	vmul.f32 v12, v13;
	v12 =	vld [tilespmem:s8+$0x10]  }
0x8b: {  	v7 =	vmul.f32 v7, v1;
	v14 =	vmul.f32 v14, v1;
	[tilespmem:s9+$0xFFFFFFC0] =	vst v10  }
0x8c: {  	v10 =	vunpack.i.u.bf16.f32 v17;
	[tilespmem:s9+$0xFFFFFFD0] =	vst v9;
	v9 =	vunpack.i.u.bf16.f32 v15;
	v15 =	vunpack.i.l.bf16.f32 v15  }
0x8d: {  	s18 =	simm.s32 $0x7670;
	[tilespmem:s9+$0xFFFFFF80] =	vst v7;
	v17 =	vunpack.i.l.bf16.f32 v17;
	v18 =	vld [tilespmem:s8+$0xFFFFFFF0];
	v15 =	vmul.f32 v15, v3;
	v9 =	vmul.f32 v9, v3  }
0x8e: {  	v20 =	vld [tilespmem:s18+$0xFFFFFFE0];
	[tilespmem:s9+$0xFFFFFF90] =	vst v14;
	v17 =	vmul.f32 v17, v2;
	v7 =	vmul.f32 v10, v2  }
0x8f: {  	v14 =	vld [tilespmem:s18+$0x0];
	v10 =	vunpack.i.u.bf16.f32 v11;
	v3 =	vunpack.i.l.bf16.f32 v11;
	[tilespmem:s2+$0xFFFFFFA0] =	vst v15;
	v11 =	vunpack.i.u.bf16.f32 v12  }
0x90: {  	s24 =	simm.s32 $0xB;
	v19 =	vmul.f32 v3, v6;
	v4 =	vld.idx.msk [tilespmem:v4+s28+$0x0], $0xffff;
	[tilespmem:s9+$0x40] =	vst v17;
	v3 =	vunpack.i.l.bf16.f32 v12;
	v11 =	vmul.f32 v11, v8  }
0x91: {  	s19 =	simm.s32 $0xC;
	v15 =	vmov s24;
	[tilespmem:s9+$0x50] =	vst v7;
	v17 =	vld [tilespmem:s18+$0xFFFFFFC0];
	v3 =	vmul.f32 v3, v8  }
0x92: {  	s26 =	simm.s32 $0xD;
	v7 =	vmul.f32 v10, v6;
	v6 =	vmov s19;
	v12 =	vld [tilespmem:s18+$0x20];
	v8 =	vunpack.i.l.bf16.f32 v18;
	[tilespmem:s9+$0x30] =	vst v11  }
0x93: {  	v10 =	vunpack.i.u.bf16.f32 v18;
	v11 =	vmov s26;
	v18 =	vmul.f32 v8, v13;
	[tilespmem:s9+$0x20] =	vst v3;
	v3 =	vld.idx.msk [tilespmem:v16+s28+$0x0], $0xffff  }
0x94: {  	[tilespmem:s2+$0xFFFFFFB0] =	vst v9;
	v16 =	vmul.f32 v10, v13;
	v8 =	vand.u32 $0xFFFFFFFC, v6;
	v6 =	vld.idx.msk [tilespmem:v5+s28+$0x0], $0xffff;
	v11 =	vand.u32 $0xFFFFFFFD, v11  }
0x95: {  	[tilespmem:s2+$0x60] =	vst v19;
	v5 =	vunpack.i.l.bf16.f32 v14;
	v10 =	vbroadcast v8, $0x0;
	v8 =	vbroadcast v11, $0x0;
	v11 =	vld [tilespmem:s8+$0xFFFFFFD0]  }
0x96: {  	v9 =	vld [tilespmem:s8+$0x30];
	v19 =	vunpack.i.l.bf16.f32 v20;
	v21 =	vmul.f32 v5, v4;
	[tilespmem:s9+$0xFFFFFFE0] =	vst v18;
	v18 =	vunpack.i.u.bf16.f32 v14  }
0x97: {  	s30 =	simm.s32 $0xE;
	s12 =	simm.s32 $0xA9B0;
	v5 =	vld.idx.msk [tilespmem:v15+s28+$0x0], $0xffff;
	v13 =	vunpack.i.u.bf16.f32 v17;
	[tilespmem:s9+$0xFFFFFFF0] =	vst v16;
	v14 =	vunpack.i.l.bf16.f32 v17;
	v17 =	vmul.f32 v18, v4  }
0x98: {  	s6 =	simm.s32 $0x10;
	s13 =	simm.s32 $0x7670;
	v16 =	vunpack.i.u.bf16.f32 v20;
	v15 =	vunpack.i.u.bf16.f32 v12;
	v18 =	vmov s30;
	[tilespmem:s12+$0x0] =	vst v21  }
.LBB2_4:
0x99: {  	p0 =	slt.u32 s6, $0xC4;
	v18 =	vand.u32 $0xFFFFFFFE, v18;
	v19 =	vmul.f32 v19, v6;
	[tilespmem:s12+$0x10] =	vst v17;
	v12 =	vunpack.i.l.bf16.f32 v12  }
0x9a: {  	v16 =	vmul.f32 v16, v6;
	v20 =	vunpack.i.u.bf16.f32 v11;
	v17 =	vbroadcast v18, $0x0;
	v18 =	vld [tilespmem:s18+$0x10];
	[tilespmem:s2+$0x70] =	vst v7;
	s2 =	smov.u32 s9;
	s9 =	smov.u32 s12  }
0x9b: {  	v13 =	vmul.f32 v13, v3;
	v11 =	vunpack.i.l.bf16.f32 v11;
	v7 =	vmul.f32 v14, v3;
	[tilespmem:s12+$0xFFFFFFC0] =	vst v19  }
0x9c: {  	v12 =	vmul.f32 v12, v5;
	v14 =	vmul.f32 v15, v5;
	v15 =	vunpack.i.u.bf16.f32 v9;
	v10 =	vld.idx.msk [tilespmem:v10+s28+$0x0], $0xffff;
	[tilespmem:s12+$0xFFFFFFD0] =	vst v16  }
0x9d: {  	v11 =	vmul.f32 v11, v1;
	v19 =	vmul.f32 v20, v1;
	v1 =	vmovc v3;
	[tilespmem:s12+$0xFFFFFF80] =	vst v7;
	v16 =	vld [tilespmem:s18+$0xFFFFFFF0];
	v7 =	vunpack.i.l.bf16.f32 v9  }
0x9e: {  	s18 =	sadd.s32 $0x80, s18;
	v8 =	vld.idx.msk [tilespmem:v8+s28+$0x0], $0xffff;
	[tilespmem:s12+$0xFFFFFF90] =	vst v13;
	v20 =	vmul.f32 v7, v2;
	v7 =	vmul.f32 v15, v2;
	v2 =	vmov v5  }
0x9f: {  	v5 =	vld [tilespmem:s18+$0x0];
	v3 =	vunpack.i.u.bf16.f32 v18;
	v9 =	vunpack.i.l.bf16.f32 v18;
	[tilespmem:s12+$0x40] =	vst v12  }
0xa0: {  	s21 =	sadd.s32 $0x3, s19;
	s19 =	smov.u32 s6;
	v9 =	vmul.f32 v9, v4;
	v12 =	vmul.f32 v3, v4;
	v4 =	vld.idx.msk [tilespmem:v17+s28+$0x0], $0xffff;
	[tilespmem:s12+$0x50] =	vst v14  }
0xa1: {  	v15 =	vmov s21;
	v14 =	vld [tilespmem:s18+$0xFFFFFFC0];
	[tilespmem:s2+$0xFFFFFFA0] =	vst v11  }
0xa2: {  	s21 =	sadd.s32 $0x1, s6;
	v11 =	vmov s6;
	v21 =	vld [tilespmem:s18+$0xFFFFFFE0];
	v13 =	vunpack.i.u.bf16.f32 v16;
	v16 =	vunpack.i.l.bf16.f32 v16;
	[tilespmem:s12+$0x30] =	vst v12;
	v3 =	vmovc v10  }
0xa3: {  	v10 =	vmov s21;
	v12 =	vld [tilespmem:s18+$0x20];
	v16 =	vmul.f32 v16, v6;
	v17 =	vmul.f32 v13, v6;
	[tilespmem:s12+$0x20] =	vst v9  }
.Ltmp3:
0xa4: {  	v9 =	vand.u32 $0xFFFFFFFC, v11;
	v13 =	vand.u32 $0xFFFFFFFD, v10;
	v6 =	vmov v8;
	v11 =	vld [tilespmem:s13+$0xFFFFFFD0];
	[tilespmem:s2+$0xFFFFFFB0] =	vst v19;
	(pc) =	sbr.rel @p0 .LBB2_4-.Ltmp3, $4  }
0xa5: {  	v10 =	vbroadcast v9, $0x0;
	v8 =	vbroadcast v13, $0x0;
	v18 =	vunpack.i.l.bf16.f32 v5;
	[tilespmem:s12+$0xFFFFFFE0] =	vst v16;
	v9 =	vld [tilespmem:s13+$0x30];
	s13 =	smov.u32 s18  }
0xa6: {  	v19 =	vunpack.i.u.bf16.f32 v5;
	v22 =	vmul.f32 v18, v4;
	v13 =	vunpack.i.u.bf16.f32 v14;
	v5 =	vld.idx.msk [tilespmem:v15+s28+$0x0], $0xffff;
	[tilespmem:s12+$0xFFFFFFF0] =	vst v17  }
0xa7: {  	s21 =	sadd.s32 $0x2, s6;
	v14 =	vunpack.i.l.bf16.f32 v14;
	v17 =	vmul.f32 v19, v4;
	s12 =	sadd.s32 $0x100, s12;
	v16 =	vunpack.i.u.bf16.f32 v21;
	[tilespmem:s2+$0x60] =	vst v20  }
0xa8: {  	s6 =	sadd.s32 $0x4, s6;
	v18 =	vmov s21;
	v19 =	vunpack.i.l.bf16.f32 v21;
	[tilespmem:s12+$0x0] =	vst v22;
	v15 =	vunpack.i.u.bf16.f32 v12  }
0xa9: {  	v19 =	vmul.f32 v19, v6;
	[tilespmem:s12+$0x10] =	vst v17  }
0xaa: {  	v52 =	vand.u32 $0xFFFFFFFE, v18;
	v16 =	vmul.f32 v16, v6;
	[tilespmem:s2+$0x70] =	vst v7  }
0xab: {  	v14 =	vmul.f32 v14, v3;
	v53 =	vld [tilespmem:s18+$0x10];
	v7 =	vbroadcast v52, $0x0;
	[tilespmem:s12+$0xFFFFFFC0] =	vst v19  }
0xac: {  	v12 =	vunpack.i.l.bf16.f32 v12;
	v13 =	vmul.f32 v13, v3;
	[tilespmem:s12+$0xFFFFFFD0] =	vst v16  }
0xad: {  	v12 =	vmul.f32 v12, v5;
	[tilespmem:s12+$0xFFFFFF80] =	vst v14;
	v14 =	vld [tilespmem:s18+$0xFFFFFFF0]  }
0xae: {  	v54 =	vunpack.i.l.bf16.f32 v11;
	v15 =	vmul.f32 v15, v5;
	[tilespmem:s12+$0xFFFFFF90] =	vst v13  }
0xaf: {  	s23 =	sadd.s32 $0x80, s18;
	v11 =	vunpack.i.u.bf16.f32 v11;
	v13 =	vmul.f32 v54, v1;
	[tilespmem:s12+$0x40] =	vst v12  }
0xb0: {  	v1 =	vmul.f32 v11, v1;
	v12 =	vld [tilespmem:s23+$0x0];
	[tilespmem:s12+$0x50] =	vst v15;
	v55 =	vunpack.i.u.bf16.f32 v53  }
0xb1: {  	[tilespmem:s9+$0xFFFFFFA0] =	vst v13;
	v56 =	vunpack.i.l.bf16.f32 v53;
	v16 =	vmul.f32 v55, v4;
	v7 =	vld.idx.msk [tilespmem:v7+s28+$0x0], $0xffff  }
0xb2: {  	s6 =	sadd.s32 $0x3, s19;
	[tilespmem:s9+$0xFFFFFFB0] =	vst v1;
	v4 =	vmul.f32 v56, v4;
	v11 =	vunpack.i.l.bf16.f32 v14  }
0xb3: {  	v13 =	vmov s6;
	v15 =	vld [tilespmem:s23+$0xFFFFFFE0];
	v14 =	vunpack.i.u.bf16.f32 v14;
	[tilespmem:s12+$0x30] =	vst v16;
	v11 =	vmul.f32 v11, v6  }
0xb4: {  	v8 =	vld.idx.msk [tilespmem:v8+s28+$0x0], $0xffff;
	[tilespmem:s12+$0x20] =	vst v4;
	v4 =	vunpack.i.l.bf16.f32 v9;
	v6 =	vmul.f32 v14, v6  }
0xb5: {  	v14 =	vunpack.i.l.bf16.f32 v12;
	v1 =	vmul.f32 v4, v2;
	v4 =	vld [tilespmem:s23+$0xFFFFFFC0];
	[tilespmem:s12+$0xFFFFFFE0] =	vst v11  }
0xb6: {  	v10 =	vld.idx.msk [tilespmem:v10+s28+$0x0], $0xffff;
	v11 =	vunpack.i.u.bf16.f32 v12;
	[tilespmem:s12+$0xFFFFFFF0] =	vst v6;
	v12 =	vmul.f32 v14, v7  }
0xb7: {  	s24 =	sadd.s32 $0x100, s12;
	v6 =	vunpack.i.u.bf16.f32 v9;
	v9 =	vld [tilespmem:s23+$0x20];
	v11 =	vmul.f32 v11, v7;
	[tilespmem:s9+$0x60] =	vst v1  }
0xb8: {  	v1 =	vmul.f32 v6, v2;
	v2 =	vld.idx.msk [tilespmem:v13+s28+$0x0], $0xffff;
	v6 =	vunpack.i.l.bf16.f32 v15;
	[tilespmem:s24+$0x0] =	vst v12  }
0xb9: {  	v13 =	vunpack.i.u.bf16.f32 v15;
	v6 =	vmul.f32 v6, v8;
	v12 =	vld [tilespmem:s13+$0xFFFFFFD0];
	[tilespmem:s24+$0x10] =	vst v11  }
0xba: {  	v13 =	vmul.f32 v13, v8;
	[tilespmem:s9+$0x70] =	vst v1;
	v11 =	vunpack.i.l.bf16.f32 v4  }
0xbb: {  	v14 =	vld [tilespmem:s23+$0x10];
	v1 =	vunpack.i.u.bf16.f32 v4;
	[tilespmem:s24+$0xFFFFFFC0] =	vst v6;
	v4 =	vmul.f32 v11, v10  }
0xbc: {  	[tilespmem:s24+$0xFFFFFFD0] =	vst v13;
	v6 =	vunpack.i.l.bf16.f32 v9;
	v1 =	vmul.f32 v1, v10;
	v9 =	vunpack.i.u.bf16.f32 v9  }
0xbd: {  	v9 =	vmul.f32 v9, v2;
	[tilespmem:s24+$0xFFFFFF80] =	vst v4;
	v4 =	vld [tilespmem:s23+$0xFFFFFFF0]  }
0xbe: {  	v6 =	vmul.f32 v6, v2;
	[tilespmem:s24+$0xFFFFFF90] =	vst v1;
	v11 =	vunpack.i.l.bf16.f32 v12  }
0xbf: {  	v1 =	vld [tilespmem:s13+$0x30];
	[tilespmem:s24+$0x50] =	vst v9;
	v9 =	vunpack.i.u.bf16.f32 v12;
	v11 =	vmul.f32 v11, v3  }
0xc0: {  	[tilespmem:s24+$0x40] =	vst v6;
	v13 =	vunpack.i.u.bf16.f32 v14;
	v6 =	vunpack.i.l.bf16.f32 v14;
	v3 =	vmul.f32 v9, v3  }
0xc1: {  	v13 =	vmul.f32 v13, v7;
	v6 =	vmul.f32 v6, v7;
	v7 =	vld [tilespmem:s23+$0xFFFFFFD0];
	[tilespmem:s12+$0xFFFFFFA0] =	vst v11  }
0xc2: {  	[tilespmem:s12+$0xFFFFFFB0] =	vst v3;
	v9 =	vunpack.i.l.bf16.f32 v4  }
0xc3: {  	v4 =	vunpack.i.u.bf16.f32 v4;
	[tilespmem:s24+$0x20] =	vst v6;
	v6 =	vld [tilespmem:s23+$0x30];
	v9 =	vmul.f32 v9, v8  }
0xc4: {  	[tilespmem:s24+$0x30] =	vst v13;
	v11 =	vunpack.i.l.bf16.f32 v1;
	v4 =	vmul.f32 v4, v8  }
0xc5: {  	v1 =	vunpack.i.u.bf16.f32 v1;
	v3 =	vmul.f32 v11, v5;
	[tilespmem:s24+$0xFFFFFFE0] =	vst v9  }
0xc6: {  	v1 =	vmul.f32 v1, v5;
	[tilespmem:s24+$0xFFFFFFF0] =	vst v4;
	v4 =	vunpack.i.l.bf16.f32 v7  }
0xc7: {  	[tilespmem:s12+$0x60] =	vst v3;
	v3 =	vunpack.i.u.bf16.f32 v7;
	v4 =	vmul.f32 v4, v10  }
0xc8: {  	[tilespmem:s12+$0x70] =	vst v1;
	v1 =	vmul.f32 v3, v10;
	v3 =	vunpack.i.l.bf16.f32 v6  }
0xc9: {  	v5 =	vunpack.i.u.bf16.f32 v6;
	v3 =	vmul.f32 v3, v2;
	[tilespmem:s24+$0xFFFFFFA0] =	vst v4  }
0xca: {  	v2 =	vmul.f32 v5, v2;
	[tilespmem:s24+$0xFFFFFFB0] =	vst v1  }
0xcb: {  	[tilespmem:s24+$0x60] =	vst v3  }
0xcc: {  	s26 =	simm.s32 $0xCA;
	s5 =	simm.s32 $0x7530;
	s30 =	simm.s32 $0x190;
	[tilespmem:s24+$0x70] =	vst v2  }
0xcd: {  	v1 =	vmov s26;
	[tilespmem:s5], [sflag:$0x1] =	stream.indirect.gather [hbm4b:s4+s29], $0x20, s30, s29, $0xb8;
	[tilespmem:$0x1D970] =	vst v63  }
0xce: {  	v1 =	vand.u32 $0xFFFFFFFE, v1;
	s5 =	simm.s32 $0xC8  }
0xcf: {  	s6 =	simm.s32 $0x2710;
	v1 =	vbroadcast v1, $0x0;
	v2 =	vmov s5  }
0xd0: {  	[spmem:s1] =	stream.indirect.scatter.add.f32 [tilespmem:s10], [sflag:$0x3], $0x40, s6, s29, $0xb8;
	v2 =	vand.u32 $0xFFFFFFFC, v2;
	[tilespmem:$0x1D970] =	vst v63  }
0xd1: {  	s7 =	simm.s32 $0xC9;
	_ =	swait.ge [sflag:s11], $0x1900;
	v2 =	vbroadcast v2, $0x0  }
0xd2: {  	v3 =	vmov s7;
	[sflag:s11] =	ssyncset.done $0x0  }
0xd3: {  	s8 =	simm.s32 $0x8E70;
	v3 =	vand.u32 $0xFFFFFFFD, v3;
	[sflag:s11] =	ssyncadd.s32 $0xFFFFE700  }
0xd4: {  	v3 =	vbroadcast v3, $0x0;
	v4 =	vld [tilespmem:s8+$0x0]  }
0xd5: {  	v1 =	vld.idx.msk [tilespmem:v1+s28+$0x0], $0xffff  }
0xd6: {  	v5 =	vld [tilespmem:s8+$0xFFFFFFC0]  }
0xd7: {  	s18 =	simm.s32 $0xCC;
	s13 =	simm.s32 $0xCB;
	v2 =	vld.idx.msk [tilespmem:v2+s28+$0x0], $0xffff  }
0xd8: {  	v7 =	vmov s18;
	v6 =	vmov s13  }
0xd9: {  	v7 =	vand.u32 $0xFFFFFFFC, v7;
	v8 =	vunpack.i.l.bf16.f32 v4  }
0xda: {  	s19 =	simm.s32 $0xCE;
	v9 =	vld.idx.msk [tilespmem:v3+s28+$0x0], $0xffff;
	v3 =	vbroadcast v7, $0x0;
	v4 =	vunpack.i.u.bf16.f32 v4;
	v7 =	vmul.f32 v8, v1  }
0xdb: {  	s2 =	simm.s32 $0xD9B0;
	v11 =	vmov s19;
	v10 =	vunpack.i.l.bf16.f32 v5;
	v8 =	vld [tilespmem:s8+$0xFFFFFFE0];
	v4 =	vmul.f32 v4, v1  }
0xdc: {  	v12 =	vld [tilespmem:s8+$0x20];
	v5 =	vunpack.i.u.bf16.f32 v5;
	[tilespmem:s2+$0x0] =	vst v7;
	v7 =	vand.u32 $0xFFFFFFFE, v11;
	v10 =	vmul.f32 v10, v2  }
0xdd: {  	s21 =	simm.s32 $0xCD;
	v13 =	vld.idx.msk [tilespmem:v6+s28+$0x0], $0xffff;
	[tilespmem:s2+$0x10] =	vst v4;
	v5 =	vmul.f32 v5, v2;
	v4 =	vbroadcast v7, $0x0  }
0xde: {  	v6 =	vmov s21;
	v7 =	vld [tilespmem:s8+$0x10];
	[tilespmem:s2+$0xFFFFFF80] =	vst v10  }
0xdf: {  	v6 =	vand.u32 $0xFFFFFFFD, v6;
	[tilespmem:s2+$0xFFFFFF90] =	vst v5  }
0xe0: {  	s9 =	simm.s32 $0x8EF0;
	s30 =	simm.s32 $0xD2;
	v5 =	vbroadcast v6, $0x0;
	v6 =	vunpack.i.l.bf16.f32 v8;
	v10 =	vld [tilespmem:s8+$0xFFFFFFD0]  }
0xe1: {  	v61 =	vmov s30;
	v14 =	vld [tilespmem:s9+$0x0];
	v8 =	vunpack.i.u.bf16.f32 v8;
	v6 =	vmul.f32 v6, v9  }
0xe2: {  	v57 =	vld [tilespmem:s9+$0xFFFFFFE0];
	v11 =	vunpack.i.l.bf16.f32 v12;
	v12 =	vunpack.i.u.bf16.f32 v12;
	v8 =	vmul.f32 v8, v9  }
0xe3: {  	s23 =	simm.s32 $0xCF;
	v11 =	vmul.f32 v11, v13;
	[tilespmem:s2+$0xFFFFFFC0] =	vst v6;
	v6 =	vunpack.i.u.bf16.f32 v7;
	v7 =	vunpack.i.l.bf16.f32 v7;
	v15 =	vld.idx.msk [tilespmem:v4+s28+$0x0], $0xffff  }
0xe4: {  	v3 =	vld.idx.msk [tilespmem:v3+s28+$0x0], $0xffff;
	v12 =	vmul.f32 v12, v13;
	[tilespmem:s2+$0xFFFFFFD0] =	vst v8;
	v8 =	vmov s23;
	v4 =	vmul.f32 v7, v1  }
0xe5: {  	s26 =	simm.s32 $0xD1;
	s24 =	simm.s32 $0xD0;
	[tilespmem:s2+$0x40] =	vst v11;
	v6 =	vmul.f32 v6, v1;
	v7 =	vld [tilespmem:s9+$0xFFFFFFC0];
	v58 =	vunpack.i.u.bf16.f32 v10;
	v10 =	vunpack.i.l.bf16.f32 v10  }
0xe6: {  	v11 =	vmov s24;
	[tilespmem:s2+$0x50] =	vst v12;
	v1 =	vld.idx.msk [tilespmem:v5+s28+$0x0], $0xffff;
	v5 =	vmov s26;
	v10 =	vmul.f32 v10, v2  }
0xe7: {  	v59 =	vld [tilespmem:s8+$0xFFFFFFF0];
	v12 =	vmul.f32 v58, v2;
	[tilespmem:s2+$0x30] =	vst v6;
	v2 =	vand.u32 $0xFFFFFFFC, v11;
	v11 =	vunpack.i.l.bf16.f32 v14  }
0xe8: {  	v6 =	vld [tilespmem:s9+$0x20];
	[tilespmem:s2+$0x20] =	vst v4;
	v14 =	vunpack.i.u.bf16.f32 v14;
	v4 =	vbroadcast v2, $0x0;
	v11 =	vmul.f32 v11, v15  }
0xe9: {  	s6 =	simm.s32 $0xDAB0;
	v62 =	vand.u32 $0xFFFFFFFE, v61;
	v5 =	vand.u32 $0xFFFFFFFD, v5;
	[tilespmem:s2+$0xFFFFFFA0] =	vst v10;
	v2 =	vld.idx.msk [tilespmem:v8+s28+$0x0], $0xffff;
	v8 =	vmul.f32 v14, v15  }
0xea: {  	v5 =	vbroadcast v5, $0x0;
	v10 =	vunpack.i.u.bf16.f32 v7;
	v14 =	vld [tilespmem:s8+$0x30];
	v7 =	vunpack.i.l.bf16.f32 v7;
	[tilespmem:s6+$0x0] =	vst v11  }
0xeb: {  	v16 =	vbroadcast v62, $0x0;
	v60 =	vunpack.i.u.bf16.f32 v57;
	v7 =	vmul.f32 v7, v3;
	[tilespmem:s6+$0x10] =	vst v8  }
0xec: {  	[tilespmem:s2+$0xFFFFFFB0] =	vst v12;
	v20 =	vunpack.i.u.bf16.f32 v59;
	v10 =	vmul.f32 v10, v3;
	v11 =	vunpack.i.l.bf16.f32 v57;
	v63 =	vld [tilespmem:s9+$0x10]  }
0xed: {  	v17 =	vunpack.i.l.bf16.f32 v59;
	v18 =	vmul.f32 v60, v1;
	[tilespmem:s6+$0xFFFFFF80] =	vst v7;
	v7 =	vmul.f32 v11, v1  }
0xee: {  	v8 =	vunpack.i.u.bf16.f32 v6;
	v12 =	vunpack.i.l.bf16.f32 v6;
	[tilespmem:s6+$0xFFFFFF90] =	vst v10;
	v10 =	vmul.f32 v20, v9;
	v6 =	vld.idx.msk [tilespmem:v4+s28+$0x0], $0xffff  }
0xef: {  	v21 =	vmul.f32 v12, v2;
	v22 =	vmul.f32 v8, v2;
	v11 =	vld [tilespmem:s9+$0xFFFFFFD0];
	[tilespmem:s6+$0xFFFFFFC0] =	vst v7;
	v7 =	vunpack.i.l.bf16.f32 v14  }
0xf0: {  	s12 =	simm.s32 $0x8F70;
	[tilespmem:s6+$0xFFFFFFD0] =	vst v18;
	v12 =	vmul.f32 v17, v9;
	v4 =	vld.idx.msk [tilespmem:v5+s28+$0x0], $0xffff;
	v14 =	vunpack.i.u.bf16.f32 v14;
	v8 =	vmul.f32 v7, v13  }
0xf1: {  	v9 =	vld [tilespmem:s12+$0x0];
	v7 =	vmul.f32 v14, v13;
	[tilespmem:s6+$0x40] =	vst v21;
	v14 =	vunpack.i.u.bf16.f32 v63;
	v13 =	vunpack.i.l.bf16.f32 v63  }
0xf2: {  	s19 =	simm.s32 $0xD3;
	s18 =	simm.s32 $0x8;
	s13 =	simm.s32 $0xDAB0;
	v5 =	vld.idx.msk [tilespmem:v16+s28+$0x0], $0xffff;
	[tilespmem:s6+$0x50] =	vst v22;
	v13 =	vmul.f32 v13, v15;
	v14 =	vmul.f32 v14, v15  }
.LBB2_6:
0xf3: {  	s21 =	sadd.s32 $0xCC, s18;
	v15 =	vld [tilespmem:s12+$0xFFFFFFC0];
	v16 =	vmov s19;
	[tilespmem:s2+$0xFFFFFFE0] =	vst v12;
	s19 =	smov.u32 s18  }
0xf4: {  	v12 =	vmov s21;
	s21 =	sadd.s32 $0xCD, s18;
	v17 =	vld [tilespmem:s12+$0xFFFFFFE0];
	v18 =	vunpack.i.u.bf16.f32 v11;
	v11 =	vunpack.i.l.bf16.f32 v11;
	[tilespmem:s6+$0x30] =	vst v14  }
0xf5: {  	v14 =	vmov s21;
	v19 =	vld [tilespmem:s12+$0x20];
	v11 =	vmul.f32 v11, v3;
	v18 =	vmul.f32 v18, v3;
	[tilespmem:s2+$0xFFFFFFF0] =	vst v10;
	v3 =	vmovc v6  }
0xf6: {  	v6 =	vand.u32 $0xFFFFFFFC, v12;
	v10 =	vand.u32 $0xFFFFFFFD, v14;
	v12 =	vld [tilespmem:s9+$0xFFFFFFF0];
	[tilespmem:s6+$0x20] =	vst v13  }
0xf7: {  	v6 =	vbroadcast v6, $0x0;
	v13 =	vbroadcast v10, $0x0;
	v10 =	vunpack.i.l.bf16.f32 v9;
	[tilespmem:s6+$0xFFFFFFA0] =	vst v11;
	v14 =	vld [tilespmem:s9+$0x30];
	s9 =	smov.u32 s12  }
0xf8: {  	v9 =	vunpack.i.u.bf16.f32 v9;
	v11 =	vunpack.i.u.bf16.f32 v15;
	v10 =	vmul.f32 v10, v5;
	v16 =	vld.idx.msk [tilespmem:v16+s28+$0x0], $0xffff;
	[tilespmem:s6+$0xFFFFFFB0] =	vst v18  }
0xf9: {  	s21 =	sadd.s32 $0xCE, s18;
	v15 =	vunpack.i.l.bf16.f32 v15;
	v9 =	vmul.f32 v9, v5;
	s6 =	sadd.s32 $0x100, s6;
	v18 =	vunpack.i.u.bf16.f32 v17;
	[tilespmem:s2+$0x60] =	vst v8  }
0xfa: {  	s18 =	sadd.s32 $0x4, s18;
	v8 =	vmov s21;
	v17 =	vunpack.i.l.bf16.f32 v17;
	[tilespmem:s6+$0x0] =	vst v10;
	v10 =	vunpack.i.u.bf16.f32 v19  }
0xfb: {  	p0 =	slt.u32 s18, $0xC4;
	v15 =	vmul.f32 v15, v3;
	v8 =	vand.u32 $0xFFFFFFFE, v8;
	[tilespmem:s6+$0x10] =	vst v9;
	v9 =	vunpack.i.l.bf16.f32 v19  }
0xfc: {  	v19 =	vbroadcast v8, $0x0;
	v8 =	vmul.f32 v11, v3;
	v21 =	vunpack.i.u.bf16.f32 v12;
	v20 =	vld [tilespmem:s12+$0x10];
	[tilespmem:s2+$0x70] =	vst v7;
	s2 =	smov.u32 s13;
	s13 =	smov.u32 s6  }
0xfd: {  	v12 =	vunpack.i.l.bf16.f32 v12;
	v7 =	vmul.f32 v17, v4;
	[tilespmem:s6+$0xFFFFFF80] =	vst v15;
	v15 =	vmul.f32 v18, v4  }
.Ltmp4:
0xfe: {  	v17 =	vmul.f32 v9, v16;
	v18 =	vmul.f32 v10, v16;
	v9 =	vunpack.i.u.bf16.f32 v14;
	v6 =	vld.idx.msk [tilespmem:v6+s28+$0x0], $0xffff;
	[tilespmem:s6+$0xFFFFFF90] =	vst v8;
	(pc) =	sbr.rel @p0 .LBB2_6-.Ltmp4, $4  }
0xff: {  	v12 =	vmul.f32 v12, v1;
	v10 =	vmul.f32 v21, v1;
	v1 =	vmovc v4;
	v11 =	vld [tilespmem:s12+$0xFFFFFFD0];
	[tilespmem:s6+$0xFFFFFFC0] =	vst v7;
	v7 =	vunpack.i.l.bf16.f32 v14  }
0x100: {  	s12 =	sadd.s32 $0x80, s12;
	v4 =	vld.idx.msk [tilespmem:v13+s28+$0x0], $0xffff;
	[tilespmem:s6+$0xFFFFFFD0] =	vst v15;
	v8 =	vmul.f32 v7, v2;
	v7 =	vmul.f32 v9, v2;
	v2 =	vmov v16  }
0x101: {  	v9 =	vld [tilespmem:s12+$0x0];
	v14 =	vunpack.i.u.bf16.f32 v20;
	v13 =	vunpack.i.l.bf16.f32 v20;
	[tilespmem:s6+$0x40] =	vst v17  }
0x102: {  	s19 =	sadd.s32 $0xCF, s19;
	v13 =	vmul.f32 v13, v5;
	v14 =	vmul.f32 v14, v5;
	v5 =	vld.idx.msk [tilespmem:v19+s28+$0x0], $0xffff;
	[tilespmem:s6+$0x50] =	vst v18  }
0x103: {  	[tilespmem:s2+$0xFFFFFFE0] =	vst v12  }
0x104: {  	[tilespmem:s2+$0xFFFFFFF0] =	vst v10  }
0x105: {  	v38 =	vld [tilespmem:s12+$0xFFFFFFC0];
	[tilespmem:s2+$0x60] =	vst v8  }
0x106: {  	[tilespmem:s2+$0x70] =	vst v7;
	v37 =	vunpack.i.l.bf16.f32 v11  }
0x107: {  	v15 =	vmov s19;
	v40 =	vld [tilespmem:s12+$0xFFFFFFE0];
	[tilespmem:s6+$0x30] =	vst v14;
	v39 =	vunpack.i.u.bf16.f32 v11;
	v12 =	vmul.f32 v37, v3  }
0x108: {  	[tilespmem:s6+$0x20] =	vst v13;
	v3 =	vmul.f32 v39, v3;
	v41 =	vunpack.i.l.bf16.f32 v9  }
0x109: {  	v52 =	vld [tilespmem:s9+$0x30];
	v42 =	vunpack.i.u.bf16.f32 v9;
	[tilespmem:s6+$0xFFFFFFA0] =	vst v12;
	v11 =	vmul.f32 v41, v5  }
0x10a: {  	s24 =	sadd.s32 $0x100, s6;
	v45 =	vld [tilespmem:s9+$0xFFFFFFF0];
	[tilespmem:s6+$0xFFFFFFB0] =	vst v3;
	v9 =	vmul.f32 v42, v5;
	v44 =	vunpack.i.l.bf16.f32 v38  }
0x10b: {  	v3 =	vld [tilespmem:s12+$0x20];
	v46 =	vunpack.i.u.bf16.f32 v38;
	[tilespmem:s24+$0x0] =	vst v11;
	v12 =	vmul.f32 v44, v6  }
0x10c: {  	v43 =	vld.idx.msk [tilespmem:v15+s28+$0x0], $0xffff;
	v47 =	vunpack.i.l.bf16.f32 v40;
	[tilespmem:s24+$0x10] =	vst v9;
	v13 =	vmul.f32 v46, v6  }
0x10d: {  	v49 =	vunpack.i.u.bf16.f32 v40;
	v9 =	vmul.f32 v47, v4;
	[tilespmem:s24+$0xFFFFFF80] =	vst v12  }
0x10e: {  	v59 =	vunpack.i.l.bf16.f32 v52;
	v7 =	vmul.f32 v49, v4;
	v48 =	vld [tilespmem:s12+$0x10];
	[tilespmem:s24+$0xFFFFFF90] =	vst v13  }
0x10f: {  	v51 =	vunpack.i.l.bf16.f32 v45;
	v61 =	vmul.f32 v59, v2;
	[tilespmem:s24+$0xFFFFFFC0] =	vst v9  }
0x110: {  	[tilespmem:s24+$0xFFFFFFD0] =	vst v7;
	v9 =	vmul.f32 v51, v1;
	v50 =	vunpack.i.l.bf16.f32 v3;
	v12 =	vld [tilespmem:s12+$0xFFFFFFD0]  }
0x111: {  	[tilespmem:s13+$0x60] =	vst v61;
	v3 =	vunpack.i.u.bf16.f32 v3;
	v10 =	vmul.f32 v50, v43  }
0x112: {  	v54 =	vunpack.i.u.bf16.f32 v45;
	v3 =	vmul.f32 v3, v43;
	[tilespmem:s13+$0xFFFFFFE0] =	vst v9  }
0x113: {  	v1 =	vmul.f32 v54, v1;
	v56 =	vld [tilespmem:s12+$0xFFFFFFF0];
	v53 =	vunpack.i.u.bf16.f32 v48;
	[tilespmem:s24+$0x40] =	vst v10  }
0x114: {  	[tilespmem:s24+$0x50] =	vst v3;
	v3 =	vunpack.i.l.bf16.f32 v48;
	v55 =	vmul.f32 v53, v5  }
0x115: {  	[tilespmem:s13+$0xFFFFFFF0] =	vst v1;
	v3 =	vmul.f32 v3, v5;
	v1 =	vld [tilespmem:s12+$0x30];
	v57 =	vunpack.i.l.bf16.f32 v12  }
0x116: {  	v58 =	vunpack.i.u.bf16.f32 v12;
	[tilespmem:s24+$0x30] =	vst v55;
	v5 =	vmul.f32 v57, v6  }
0x117: {  	v60 =	vmul.f32 v58, v6;
	[tilespmem:s24+$0x20] =	vst v3;
	v3 =	vunpack.i.u.bf16.f32 v52  }
0x118: {  	v2 =	vmul.f32 v3, v2;
	v3 =	vunpack.i.l.bf16.f32 v56;
	[tilespmem:s24+$0xFFFFFFA0] =	vst v5  }
0x119: {  	v62 =	vunpack.i.u.bf16.f32 v56;
	[tilespmem:s24+$0xFFFFFFB0] =	vst v60;
	v3 =	vmul.f32 v3, v4  }
0x11a: {  	[tilespmem:s13+$0x70] =	vst v2;
	v2 =	vmul.f32 v62, v4;
	v63 =	vunpack.i.l.bf16.f32 v1  }
0x11b: {  	v1 =	vunpack.i.u.bf16.f32 v1;
	v4 =	vmul.f32 v63, v43;
	[tilespmem:s24+$0xFFFFFFE0] =	vst v3  }
0x11c: {  	v1 =	vmul.f32 v1, v43;
	[tilespmem:s24+$0xFFFFFFF0] =	vst v2  }
0x11d: {  	[tilespmem:s24+$0x60] =	vst v4  }
0x11e: {  	s26 =	simm.s32 $0x258;
	[tilespmem:s24+$0x70] =	vst v1  }
0x11f: {  	[tilespmem:s31], [sflag:$0x2] =	stream.indirect.gather [hbm4b:s4+s29], $0x20, s26, s29, $0xb8;
	[tilespmem:$0x1D970] =	vst v63  }
0x120: {  	s30 =	simm.s32 $0x27D8;
	s21 =	simm.s32 $0x1;
	s23 =	simm.s32 $0x0  }
0x121: {  	[spmem:s1] =	stream.indirect.scatter.add.f32 [tilespmem:s14], [sflag:$0x4], $0x40, s30, s29, $0xb8;
	[tilespmem:$0x1D970] =	vst v63  }
.LBB2_8:
0x122: {  	s2 =	sadd.s32 $0xFFFFFFFC, s23  }
0x123: {  	s6 =	sadd.s32 $0x196, s2  }
0x124: {  	v1 =	vmov s6  }
0x125: {  	_ =	swait.ge [sflag:s0], $0x1900;
	v1 =	vand.u32 $0xFFFFFFFE, v1  }
0x126: {  	[sflag:s0] =	ssyncset.done $0x0;
	s7 =	sadd.s32 $0x194, s2;
	v1 =	vbroadcast v1, $0x0  }
0x127: {  	s9 =	sadd.s32 $0x195, s2;
	[sflag:s0] =	ssyncadd.s32 $0xFFFFE700;
	v2 =	vmov s7  }
0x128: {  	v3 =	vmov s9;
	_ =	swait.ge [sflag:s15], $0x3200;
	v2 =	vand.u32 $0xFFFFFFFC, v2  }
0x129: {  	v3 =	vand.u32 $0xFFFFFFFD, v3;
	[sflag:s15] =	ssyncset.done $0x0;
	v2 =	vbroadcast v2, $0x0  }
0x12a: {  	s8 =	simm.s32 $0x7570;
	s18 =	sadd.s32 $0x0, s23;
	v3 =	vbroadcast v3, $0x0;
	[sflag:s15] =	ssyncadd.s32 $0xFFFFCE00  }
0x12b: {  	s12 =	sadd.s32 $0x196, s18;
	v4 =	vld [tilespmem:s8+$0x0]  }
0x12c: {  	s2 =	sadd.s32 $0x197, s2;
	v5 =	vmov s12;
	v1 =	vld.idx.msk [tilespmem:v1+s28+$0x0], $0xffff  }
0x12d: {  	v6 =	vmov s2;
	v5 =	vand.u32 $0xFFFFFFFE, v5;
	v7 =	vld [tilespmem:s8+$0xFFFFFFC0]  }
0x12e: {  	v5 =	vbroadcast v5, $0x0;
	v8 =	vld [tilespmem:s8+$0xFFFFFFE0]  }
0x12f: {  	v11 =	vld.idx.msk [tilespmem:v2+s28+$0x0], $0xffff  }
0x130: {  	v12 =	vld.idx.msk [tilespmem:v3+s28+$0x0], $0xffff;
	v2 =	vunpack.i.l.bf16.f32 v4  }
0x131: {  	s19 =	sadd.s32 $0x194, s18;
	s9 =	sadd.s32 $0x197, s18;
	v9 =	vld [tilespmem:s8+$0x20];
	v3 =	vunpack.i.u.bf16.f32 v4;
	v2 =	vmul.f32 v2, v1  }
0x132: {  	s12 =	simm.s32 $0xA7B0;
	s2 =	simm.s32 $0x75F0;
	v15 =	vmov s9;
	v18 =	vld.idx.msk [tilespmem:v6+s28+$0x0], $0xffff;
	v4 =	vmov s19;
	v3 =	vmul.f32 v3, v1  }
0x133: {  	v6 =	vld [tilespmem:s2+$0x0];
	v10 =	vunpack.i.l.bf16.f32 v7;
	v13 =	vunpack.i.u.bf16.f32 v8;
	v4 =	vand.u32 $0xFFFFFFFC, v4;
	[tilespmem:s12+$0x0] =	vst v2  }
0x134: {  	s13 =	sadd.s32 $0x195, s18;
	v8 =	vunpack.i.l.bf16.f32 v8;
	v10 =	vmul.f32 v10, v11;
	[tilespmem:s12+$0x10] =	vst v3;
	v3 =	vbroadcast v4, $0x0;
	v4 =	vld.idx.msk [tilespmem:v5+s28+$0x0], $0xffff  }
0x135: {  	v8 =	vmul.f32 v8, v12;
	v2 =	vmov s13;
	v5 =	vunpack.i.u.bf16.f32 v7;
	v7 =	vld [tilespmem:s8+$0x10]  }
0x136: {  	v14 =	vunpack.i.u.bf16.f32 v9;
	v13 =	vmul.f32 v13, v12;
	[tilespmem:s12+$0xFFFFFF80] =	vst v10;
	v2 =	vand.u32 $0xFFFFFFFD, v2  }
0x137: {  	s24 =	sadd.s32 $0x4, s23;
	v9 =	vunpack.i.l.bf16.f32 v9;
	v14 =	vmul.f32 v14, v18;
	v10 =	vld [tilespmem:s2+$0xFFFFFFC0];
	[tilespmem:s12+$0xFFFFFFC0] =	vst v8;
	v2 =	vbroadcast v2, $0x0  }
0x138: {  	s19 =	sadd.s32 $0x195, s24;
	v16 =	vunpack.i.l.bf16.f32 v6;
	v9 =	vmul.f32 v9, v18;
	v8 =	vld [tilespmem:s2+$0x20];
	[tilespmem:s12+$0xFFFFFFD0] =	vst v13  }
0x139: {  	v6 =	vunpack.i.u.bf16.f32 v6;
	v20 =	vmov s19;
	[tilespmem:s12+$0x50] =	vst v14;
	v5 =	vmul.f32 v5, v11;
	v14 =	vld [tilespmem:s8+$0xFFFFFFF0]  }
0x13a: {  	s26 =	sadd.s32 $0x196, s24;
	v16 =	vmul.f32 v16, v4;
	v6 =	vmul.f32 v6, v4;
	v17 =	vunpack.i.u.bf16.f32 v7;
	v3 =	vld.idx.msk [tilespmem:v3+s28+$0x0], $0xffff  }
0x13b: {  	s18 =	simm.s32 $0xA8B0;
	[tilespmem:s12+$0xFFFFFF90] =	vst v5;
	v5 =	vld [tilespmem:s2+$0xFFFFFFE0];
	v7 =	vunpack.i.l.bf16.f32 v7;
	v13 =	vmul.f32 v17, v1;
	v17 =	vmov s26  }
0x13c: {  	v20 =	vand.u32 $0xFFFFFFFD, v20;
	[tilespmem:s18+$0x0] =	vst v16;
	v7 =	vmul.f32 v7, v1;
	v1 =	vld.idx.msk [tilespmem:v15+s28+$0x0], $0xffff;
	v15 =	vand.u32 $0xFFFFFFFE, v17  }
0x13d: {  	v20 =	vbroadcast v20, $0x0;
	[tilespmem:s18+$0x10] =	vst v6;
	v2 =	vld.idx.msk [tilespmem:v2+s28+$0x0], $0xffff;
	v15 =	vbroadcast v15, $0x0  }
0x13e: {  	s30 =	sadd.s32 $0x194, s24;
	[tilespmem:s12+$0x40] =	vst v9;
	v19 =	vunpack.i.u.bf16.f32 v8;
	v24 =	vunpack.i.u.bf16.f32 v14;
	v6 =	vunpack.i.l.bf16.f32 v10;
	v17 =	vld [tilespmem:s2+$0x10]  }
0x13f: {  	v9 =	vld [tilespmem:s8+$0xFFFFFFD0];
	v16 =	vunpack.i.u.bf16.f32 v10;
	[tilespmem:s12+$0x30] =	vst v13;
	v13 =	vmov s30;
	v6 =	vmul.f32 v6, v3  }
0x140: {  	v10 =	vunpack.i.u.bf16.f32 v5;
	[tilespmem:s12+$0x20] =	vst v7;
	v13 =	vand.u32 $0xFFFFFFFC, v13;
	v16 =	vmul.f32 v16, v3  }
0x141: {  	s9 =	sadd.s32 $0x197, s24;
	v22 =	vld [tilespmem:s8+$0x30];
	s13 =	simm.s32 $0x7670;
	v5 =	vunpack.i.l.bf16.f32 v5;
	v21 =	vbroadcast v13, $0x0;
	v19 =	vmul.f32 v19, v1;
	[tilespmem:s18+$0xFFFFFF80] =	vst v6  }
0x142: {  	v7 =	vmov s9;
	v13 =	vld [tilespmem:s13+$0x0];
	v5 =	vmul.f32 v5, v2;
	v6 =	vunpack.i.l.bf16.f32 v8;
	[tilespmem:s18+$0xFFFFFF90] =	vst v16  }
0x143: {  	v8 =	vmul.f32 v10, v2;
	v10 =	vunpack.i.u.bf16.f32 v17;
	v23 =	vmul.f32 v6, v1;
	[tilespmem:s18+$0x50] =	vst v19;
	v6 =	vld.idx.msk [tilespmem:v15+s28+$0x0], $0xffff  }
0x144: {  	v16 =	vunpack.i.u.bf16.f32 v9;
	v9 =	vunpack.i.l.bf16.f32 v9;
	v25 =	vunpack.i.l.bf16.f32 v17;
	[tilespmem:s18+$0xFFFFFFC0] =	vst v5;
	v15 =	vld [tilespmem:s13+$0xFFFFFFC0]  }
0x145: {  	v26 =	vmul.f32 v9, v11;
	v5 =	vmul.f32 v10, v4;
	[tilespmem:s18+$0xFFFFFFD0] =	vst v8;
	v8 =	vunpack.i.l.bf16.f32 v14;
	v10 =	vld [tilespmem:s13+$0xFFFFFFE0]  }
0x146: {  	v17 =	vmul.f32 v16, v11;
	v9 =	vunpack.i.l.bf16.f32 v22;
	v16 =	vmul.f32 v8, v12;
	v8 =	vld [tilespmem:s13+$0x20];
	[tilespmem:s18+$0x40] =	vst v23  }
0x147: {  	v14 =	vmul.f32 v24, v12;
	v12 =	vmul.f32 v25, v4;
	[tilespmem:s18+$0x30] =	vst v5;
	v5 =	vunpack.i.u.bf16.f32 v22;
	v4 =	vld.idx.msk [tilespmem:v21+s28+$0x0], $0xffff  }
0x148: {  	s6 =	simm.s32 $0x8;
	s19 =	simm.s32 $0xA8B0;
	s9 =	smul.u32 $0x190, s21;
	v11 =	vmul.f32 v9, v18;
	[tilespmem:s12+$0xFFFFFFA0] =	vst v26;
	v9 =	vmul.f32 v5, v18;
	v5 =	vld.idx.msk [tilespmem:v20+s28+$0x0], $0xffff;
	v18 =	vunpack.i.l.bf16.f32 v13  }
.LBB2_9:
0x149: {  	s24 =	sadd.s32 s6, s23;
	v19 =	vunpack.i.u.bf16.f32 v15;
	v13 =	vunpack.i.u.bf16.f32 v13;
	v18 =	vmul.f32 v18, v6;
	v20 =	vld.idx.msk [tilespmem:v7+s28+$0x0], $0xffff;
	[tilespmem:s12+$0xFFFFFFB0] =	vst v17;
	v21 =	vmovc v6  }
0x14a: {  	s6 =	sadd.s32 $0x4, s6;
	v6 =	vunpack.i.l.bf16.f32 v15;
	s18 =	sadd.s32 $0x100, s18;
	s26 =	sadd.s32 $0x196, s24;
	v15 =	vunpack.i.u.bf16.f32 v10;
	v7 =	vmul.f32 v13, v21;
	v13 =	vld [tilespmem:s2+$0xFFFFFFD0];
	[tilespmem:s12+$0xFFFFFFE0] =	vst v16  }
0x14b: {  	s7 =	sadd.s32 $0x194, s24;
	s8 =	sadd.s32 $0x195, s24;
	p0 =	slt.u32 s6, $0xC4;
	v10 =	vunpack.i.l.bf16.f32 v10;
	v16 =	vmov s26;
	[tilespmem:s18+$0x0] =	vst v18;
	v17 =	vunpack.i.u.bf16.f32 v8;
	v18 =	vld [tilespmem:s2+$0xFFFFFFF0]  }
0x14c: {  	v22 =	vmov s7;
	v23 =	vmov s8;
	s7 =	sadd.s32 $0x197, s24;
	v16 =	vand.u32 $0xFFFFFFFE, v16;
	[tilespmem:s18+$0x10] =	vst v7;
	v24 =	vld [tilespmem:s2+$0x30];
	s2 =	smov.u32 s13  }
0x14d: {  	v7 =	vand.u32 $0xFFFFFFFC, v22;
	v22 =	vand.u32 $0xFFFFFFFD, v23;
	v16 =	vbroadcast v16, $0x0;
	v23 =	vld [tilespmem:s13+$0x10];
	[tilespmem:s12+$0xFFFFFFF0] =	vst v14  }
0x14e: {  	v25 =	vbroadcast v7, $0x0;
	v22 =	vbroadcast v22, $0x0;
	v7 =	vmov s7;
	[tilespmem:s19+$0x20] =	vst v12  }
0x14f: {  	v8 =	vunpack.i.l.bf16.f32 v8;
	v6 =	vmul.f32 v6, v4;
	v12 =	vmul.f32 v19, v4;
	[tilespmem:s12+$0x60] =	vst v11  }
0x150: {  	v10 =	vmul.f32 v10, v5;
	v11 =	vmul.f32 v15, v5;
	v14 =	vunpack.i.u.bf16.f32 v13;
	[tilespmem:s12+$0x70] =	vst v9;
	s12 =	smov.u32 s19;
	s19 =	smov.u32 s18  }
0x151: {  	s13 =	sadd.s32 $0x80, s13;
	v19 =	vmul.f32 v17, v20;
	v9 =	vmul.f32 v8, v20;
	v8 =	vunpack.i.l.bf16.f32 v13;
	[tilespmem:s18+$0xFFFFFF80] =	vst v6  }
0x152: {  	v26 =	vunpack.i.u.bf16.f32 v18;
	v18 =	vunpack.i.l.bf16.f32 v18;
	v13 =	vld [tilespmem:s13+$0x0];
	[tilespmem:s18+$0xFFFFFF90] =	vst v12;
	v12 =	vunpack.i.u.bf16.f32 v23  }
0x153: {  	v27 =	vunpack.i.u.bf16.f32 v24;
	v23 =	vunpack.i.l.bf16.f32 v23;
	v6 =	vld.idx.msk [tilespmem:v16+s28+$0x0], $0xffff;
	[tilespmem:s18+$0xFFFFFFC0] =	vst v10;
	v12 =	vmul.f32 v12, v21  }
.Ltmp5:
0x154: {  	v17 =	vmul.f32 v14, v3;
	v28 =	vmul.f32 v8, v3;
	v3 =	vmovc v4;
	v15 =	vld [tilespmem:s13+$0xFFFFFFC0];
	[tilespmem:s18+$0xFFFFFFD0] =	vst v11;
	v11 =	vunpack.i.l.bf16.f32 v24;
	(pc) =	sbr.rel @p0 .LBB2_9-.Ltmp5, $4  }
0x155: {  	v14 =	vmul.f32 v26, v2;
	v16 =	vmul.f32 v18, v2;
	v2 =	vmov v5;
	v10 =	vld [tilespmem:s13+$0xFFFFFFE0];
	[tilespmem:s18+$0x30] =	vst v12  }
0x156: {  	v12 =	vmul.f32 v23, v21;
	v11 =	vmul.f32 v11, v1;
	v8 =	vld [tilespmem:s13+$0x20];
	[tilespmem:s18+$0x40] =	vst v9  }
0x157: {  	v9 =	vmul.f32 v27, v1;
	v1 =	vmov v20;
	v4 =	vld.idx.msk [tilespmem:v25+s28+$0x0], $0xffff;
	[tilespmem:s18+$0x50] =	vst v19  }
0x158: {  	v18 =	vunpack.i.l.bf16.f32 v13;
	v5 =	vld.idx.msk [tilespmem:v22+s28+$0x0], $0xffff;
	[tilespmem:s12+$0xFFFFFFA0] =	vst v28  }
0x159: {  	[tilespmem:s12+$0xFFFFFFB0] =	vst v17  }
0x15a: {  	v13 =	vunpack.i.u.bf16.f32 v13;
	v18 =	vmul.f32 v18, v6;
	[tilespmem:s12+$0xFFFFFFE0] =	vst v16  }
0x15b: {  	s6 =	sadd.s32 $0x100, s18;
	[tilespmem:s12+$0xFFFFFFF0] =	vst v14;
	v13 =	vmul.f32 v13, v6  }
0x15c: {  	[tilespmem:s6+$0x0] =	vst v18  }
0x15d: {  	v7 =	vld.idx.msk [tilespmem:v7+s28+$0x0], $0xffff;
	[tilespmem:s6+$0x10] =	vst v13  }
0x15e: {  	v14 =	vunpack.i.l.bf16.f32 v15;
	[tilespmem:s19+$0x20] =	vst v12;
	v13 =	vld [tilespmem:s13+$0x10]  }
0x15f: {  	v12 =	vunpack.i.u.bf16.f32 v15;
	[tilespmem:s12+$0x60] =	vst v11;
	v14 =	vmul.f32 v14, v4  }
0x160: {  	v11 =	vld [tilespmem:s2+$0xFFFFFFD0];
	[tilespmem:s12+$0x70] =	vst v9;
	v15 =	vunpack.i.l.bf16.f32 v10;
	v12 =	vmul.f32 v12, v4  }
0x161: {  	v9 =	vunpack.i.u.bf16.f32 v10;
	v10 =	vmul.f32 v15, v5;
	[tilespmem:s6+$0xFFFFFF80] =	vst v14  }
0x162: {  	v9 =	vmul.f32 v9, v5;
	v15 =	vunpack.i.l.bf16.f32 v8;
	v8 =	vunpack.i.u.bf16.f32 v8;
	v14 =	vld [tilespmem:s2+$0xFFFFFFF0];
	[tilespmem:s6+$0xFFFFFF90] =	vst v12  }
0x163: {  	v8 =	vmul.f32 v8, v7;
	[tilespmem:s6+$0xFFFFFFC0] =	vst v10;
	v12 =	vunpack.i.u.bf16.f32 v13  }
0x164: {  	[tilespmem:s6+$0xFFFFFFD0] =	vst v9;
	v10 =	vmul.f32 v12, v6  }
0x165: {  	v9 =	vld [tilespmem:s2+$0x30];
	[tilespmem:s6+$0x50] =	vst v8;
	v12 =	vmul.f32 v15, v7;
	v15 =	vunpack.i.l.bf16.f32 v11  }
0x166: {  	[tilespmem:s6+$0x30] =	vst v10;
	v10 =	vunpack.i.u.bf16.f32 v11;
	v11 =	vmul.f32 v15, v3  }
0x167: {  	v8 =	vld [tilespmem:s13+$0xFFFFFFD0];
	[tilespmem:s6+$0x40] =	vst v12;
	v12 =	vunpack.i.l.bf16.f32 v14;
	v3 =	vmul.f32 v10, v3  }
0x168: {  	v10 =	vunpack.i.u.bf16.f32 v14;
	v12 =	vmul.f32 v12, v2;
	[tilespmem:s19+$0xFFFFFFA0] =	vst v11  }
0x169: {  	v11 =	vunpack.i.l.bf16.f32 v13;
	v2 =	vmul.f32 v10, v2;
	[tilespmem:s19+$0xFFFFFFB0] =	vst v3;
	v3 =	vld [tilespmem:s13+$0xFFFFFFF0]  }
0x16a: {  	v10 =	vunpack.i.l.bf16.f32 v9;
	v6 =	vmul.f32 v11, v6;
	[tilespmem:s19+$0xFFFFFFE0] =	vst v12  }
0x16b: {  	v9 =	vunpack.i.u.bf16.f32 v9;
	v10 =	vmul.f32 v10, v1;
	v11 =	vld [tilespmem:s13+$0x30];
	[tilespmem:s19+$0xFFFFFFF0] =	vst v2  }
0x16c: {  	v1 =	vmul.f32 v9, v1;
	v2 =	vunpack.i.l.bf16.f32 v8;
	[tilespmem:s6+$0x20] =	vst v6  }
0x16d: {  	[tilespmem:s19+$0x60] =	vst v10;
	v6 =	vunpack.i.u.bf16.f32 v8;
	v2 =	vmul.f32 v2, v4  }
0x16e: {  	[tilespmem:s19+$0x70] =	vst v1;
	v4 =	vmul.f32 v6, v4;
	v1 =	vunpack.i.l.bf16.f32 v3  }
0x16f: {  	[tilespmem:s6+$0xFFFFFFA0] =	vst v2;
	v3 =	vunpack.i.u.bf16.f32 v3;
	v1 =	vmul.f32 v1, v5  }
0x170: {  	p0 =	seq.s32 s21, $0x18;
	v2 =	vunpack.i.l.bf16.f32 v11;
	[tilespmem:s6+$0xFFFFFFB0] =	vst v4;
	v3 =	vmul.f32 v3, v5  }
0x171: {  	s2 =	smul.u32 @!p0 $0x640, s21;
	v4 =	vunpack.i.u.bf16.f32 v11;
	v2 =	vmul.f32 v2, v7;
	[tilespmem:s6+$0xFFFFFFE0] =	vst v1  }
0x172: {  	v1 =	vmul.f32 v4, v7;
	[tilespmem:s6+$0xFFFFFFF0] =	vst v3  }
0x173: {  	s18 =	sadd.s32 $0xFFFFFFFC, s23;
	s2 =	sshra.s32 @!p0 s2, $0x2;
	[tilespmem:s6+$0x60] =	vst v2  }
0x174: {  	s7 =	simm.s32 @!p0 $0x7530;
	s2 =	sadd.s32 @!p0 $0x190, s2;
	[tilespmem:s6+$0x70] =	vst v1;
	s6 =	simm.s32 @!p0 $0xC8  }
0x175: {  	[tilespmem:s7], [sflag:$0x1] =	stream.indirect.gather @!p0 [hbm4b:s4+s6], $0x20, s2, s6, $0xb8;
	[tilespmem:$0x1D970] =	vst v63  }
0x176: {  	s24 =	sadd.s32 $0x25E, s18;
	s19 =	sadd.s32 $0x2710, s9  }
0x177: {  	v1 =	vmov s24;
	[spmem:s1] =	stream.indirect.scatter.add.f32 [tilespmem:s10], [sflag:$0x3], $0x40, s19, s29, $0xb8;
	[tilespmem:$0x1D970] =	vst v63  }
0x178: {  	v1 =	vand.u32 $0xFFFFFFFE, v1;
	_ =	swait.ge [sflag:s11], $0x1900  }
0x179: {  	s26 =	sadd.s32 $0x25C, s18;
	v1 =	vbroadcast v1, $0x0;
	[sflag:s11] =	ssyncset.done $0x0  }
0x17a: {  	s30 =	sadd.s32 $0x25D, s18;
	v2 =	vmov s26;
	[sflag:s11] =	ssyncadd.s32 $0xFFFFE700  }
0x17b: {  	v3 =	vmov s30;
	v2 =	vand.u32 $0xFFFFFFFC, v2;
	_ =	swait.ge [sflag:s17], $0x3200  }
0x17c: {  	v3 =	vand.u32 $0xFFFFFFFD, v3;
	v2 =	vbroadcast v2, $0x0;
	[sflag:s17] =	ssyncset.done $0x0  }
0x17d: {  	s5 =	sadd.s32 $0x0, s23;
	v3 =	vbroadcast v3, $0x0;
	s6 =	simm.s32 $0x8E70;
	[sflag:s17] =	ssyncadd.s32 $0xFFFFCE00  }
0x17e: {  	s8 =	sadd.s32 $0x25E, s5;
	v4 =	vld [tilespmem:s6+$0x0]  }
0x17f: {  	v5 =	vmov s8;
	s2 =	sadd.s32 $0x25F, s18;
	v1 =	vld.idx.msk [tilespmem:v1+s28+$0x0], $0xffff  }
0x180: {  	v5 =	vand.u32 $0xFFFFFFFE, v5;
	v6 =	vmov s2;
	v7 =	vld [tilespmem:s6+$0xFFFFFFC0]  }
0x181: {  	v5 =	vbroadcast v5, $0x0;
	v8 =	vld [tilespmem:s6+$0xFFFFFFE0]  }
0x182: {  	v11 =	vld.idx.msk [tilespmem:v2+s28+$0x0], $0xffff  }
0x183: {  	v12 =	vld.idx.msk [tilespmem:v3+s28+$0x0], $0xffff;
	v2 =	vunpack.i.l.bf16.f32 v4  }
0x184: {  	s13 =	sadd.s32 $0x25C, s5;
	s7 =	sadd.s32 $0x25F, s5;
	v9 =	vld [tilespmem:s6+$0x20];
	v3 =	vunpack.i.u.bf16.f32 v4;
	v2 =	vmul.f32 v2, v1  }
0x185: {  	s12 =	simm.s32 $0xD9B0;
	s2 =	simm.s32 $0x8EF0;
	v15 =	vmov s7;
	v18 =	vld.idx.msk [tilespmem:v6+s28+$0x0], $0xffff;
	v4 =	vmov s13;
	v3 =	vmul.f32 v3, v1  }
0x186: {  	v6 =	vld [tilespmem:s2+$0x0];
	v10 =	vunpack.i.l.bf16.f32 v7;
	v13 =	vunpack.i.u.bf16.f32 v8;
	v4 =	vand.u32 $0xFFFFFFFC, v4;
	[tilespmem:s12+$0x0] =	vst v2  }
0x187: {  	s18 =	sadd.s32 $0x25D, s5;
	v8 =	vunpack.i.l.bf16.f32 v8;
	v10 =	vmul.f32 v10, v11;
	[tilespmem:s12+$0x10] =	vst v3;
	v3 =	vbroadcast v4, $0x0;
	v4 =	vld.idx.msk [tilespmem:v5+s28+$0x0], $0xffff  }
0x188: {  	s19 =	sadd.s32 $0x4, s23;
	v8 =	vmul.f32 v8, v12;
	v2 =	vmov s18;
	v5 =	vunpack.i.u.bf16.f32 v7;
	v7 =	vld [tilespmem:s6+$0x10]  }
0x189: {  	s30 =	sadd.s32 $0x25D, s19;
	v14 =	vunpack.i.u.bf16.f32 v9;
	v13 =	vmul.f32 v13, v12;
	[tilespmem:s12+$0xFFFFFF80] =	vst v10;
	v2 =	vand.u32 $0xFFFFFFFD, v2  }
0x18a: {  	v20 =	vmov s30;
	v14 =	vmul.f32 v14, v18;
	v10 =	vld [tilespmem:s2+$0xFFFFFFC0];
	[tilespmem:s12+$0xFFFFFFC0] =	vst v8;
	v2 =	vbroadcast v2, $0x0  }
0x18b: {  	v20 =	vand.u32 $0xFFFFFFFD, v20;
	v9 =	vunpack.i.l.bf16.f32 v9;
	v8 =	vld [tilespmem:s2+$0x20];
	[tilespmem:s12+$0xFFFFFFD0] =	vst v13  }
0x18c: {  	v16 =	vunpack.i.l.bf16.f32 v6;
	v6 =	vunpack.i.u.bf16.f32 v6;
	[tilespmem:s12+$0x50] =	vst v14;
	v5 =	vmul.f32 v5, v11;
	v14 =	vld [tilespmem:s6+$0xFFFFFFF0]  }
0x18d: {  	s24 =	sadd.s32 $0x25E, s19;
	v16 =	vmul.f32 v16, v4;
	v6 =	vmul.f32 v6, v4;
	v17 =	vunpack.i.u.bf16.f32 v7;
	v3 =	vld.idx.msk [tilespmem:v3+s28+$0x0], $0xffff  }
0x18e: {  	s18 =	simm.s32 $0xDAB0;
	[tilespmem:s12+$0xFFFFFF90] =	vst v5;
	v5 =	vld [tilespmem:s2+$0xFFFFFFE0];
	v7 =	vunpack.i.l.bf16.f32 v7;
	v13 =	vmul.f32 v17, v1;
	v17 =	vmov s24  }
0x18f: {  	v9 =	vmul.f32 v9, v18;
	[tilespmem:s18+$0x0] =	vst v16;
	v7 =	vmul.f32 v7, v1;
	v1 =	vld.idx.msk [tilespmem:v15+s28+$0x0], $0xffff;
	v15 =	vand.u32 $0xFFFFFFFE, v17  }
0x190: {  	v20 =	vbroadcast v20, $0x0;
	[tilespmem:s18+$0x10] =	vst v6;
	v2 =	vld.idx.msk [tilespmem:v2+s28+$0x0], $0xffff;
	v15 =	vbroadcast v15, $0x0  }
0x191: {  	s26 =	sadd.s32 $0x25C, s19;
	[tilespmem:s12+$0x40] =	vst v9;
	v19 =	vunpack.i.u.bf16.f32 v8;
	v24 =	vunpack.i.u.bf16.f32 v14;
	v6 =	vunpack.i.l.bf16.f32 v10;
	v17 =	vld [tilespmem:s2+$0x10]  }
0x192: {  	v9 =	vld [tilespmem:s6+$0xFFFFFFD0];
	v16 =	vunpack.i.u.bf16.f32 v10;
	[tilespmem:s12+$0x30] =	vst v13;
	v13 =	vmov s26;
	v6 =	vmul.f32 v6, v3  }
0x193: {  	v10 =	vunpack.i.u.bf16.f32 v5;
	[tilespmem:s12+$0x20] =	vst v7;
	v13 =	vand.u32 $0xFFFFFFFC, v13;
	v16 =	vmul.f32 v16, v3  }
0x194: {  	s7 =	sadd.s32 $0x25F, s19;
	s13 =	simm.s32 $0x8F70;
	v22 =	vld [tilespmem:s6+$0x30];
	v5 =	vunpack.i.l.bf16.f32 v5;
	v21 =	vbroadcast v13, $0x0;
	v19 =	vmul.f32 v19, v1;
	[tilespmem:s18+$0xFFFFFF80] =	vst v6  }
0x195: {  	v7 =	vmov s7;
	v13 =	vld [tilespmem:s13+$0x0];
	v5 =	vmul.f32 v5, v2;
	v6 =	vunpack.i.l.bf16.f32 v8;
	[tilespmem:s18+$0xFFFFFF90] =	vst v16  }
0x196: {  	v8 =	vmul.f32 v10, v2;
	v10 =	vunpack.i.u.bf16.f32 v17;
	v23 =	vmul.f32 v6, v1;
	[tilespmem:s18+$0x50] =	vst v19;
	v6 =	vld.idx.msk [tilespmem:v15+s28+$0x0], $0xffff  }
0x197: {  	v16 =	vunpack.i.u.bf16.f32 v9;
	v9 =	vunpack.i.l.bf16.f32 v9;
	v25 =	vunpack.i.l.bf16.f32 v17;
	[tilespmem:s18+$0xFFFFFFC0] =	vst v5;
	v15 =	vld [tilespmem:s13+$0xFFFFFFC0]  }
0x198: {  	v26 =	vmul.f32 v9, v11;
	v5 =	vmul.f32 v10, v4;
	[tilespmem:s18+$0xFFFFFFD0] =	vst v8;
	v8 =	vunpack.i.l.bf16.f32 v14;
	v10 =	vld [tilespmem:s13+$0xFFFFFFE0]  }
0x199: {  	v17 =	vmul.f32 v16, v11;
	v9 =	vunpack.i.l.bf16.f32 v22;
	v16 =	vmul.f32 v8, v12;
	v8 =	vld [tilespmem:s13+$0x20];
	[tilespmem:s18+$0x40] =	vst v23  }
0x19a: {  	v14 =	vmul.f32 v24, v12;
	v12 =	vmul.f32 v25, v4;
	[tilespmem:s18+$0x30] =	vst v5;
	v5 =	vunpack.i.u.bf16.f32 v22;
	v4 =	vld.idx.msk [tilespmem:v21+s28+$0x0], $0xffff  }
0x19b: {  	s9 =	sadd.s32 $0xC8, s9;
	s19 =	simm.s32 $0xDAB0;
	s6 =	simm.s32 $0x8;
	v11 =	vmul.f32 v9, v18;
	[tilespmem:s12+$0xFFFFFFA0] =	vst v26;
	v9 =	vmul.f32 v5, v18;
	v5 =	vld.idx.msk [tilespmem:v20+s28+$0x0], $0xffff;
	v18 =	vunpack.i.l.bf16.f32 v13  }
.LBB2_11:
0x19c: {  	s7 =	sadd.s32 s6, s23;
	v19 =	vunpack.i.u.bf16.f32 v15;
	v13 =	vunpack.i.u.bf16.f32 v13;
	v18 =	vmul.f32 v18, v6;
	v20 =	vld.idx.msk [tilespmem:v7+s28+$0x0], $0xffff;
	[tilespmem:s12+$0xFFFFFFB0] =	vst v17;
	v21 =	vmovc v6  }
0x19d: {  	s6 =	sadd.s32 $0x4, s6;
	v6 =	vunpack.i.l.bf16.f32 v15;
	s18 =	sadd.s32 $0x100, s18;
	s8 =	sadd.s32 $0x25E, s7;
	v15 =	vunpack.i.u.bf16.f32 v10;
	v7 =	vmul.f32 v13, v21;
	v13 =	vld [tilespmem:s2+$0xFFFFFFD0];
	[tilespmem:s12+$0xFFFFFFE0] =	vst v16  }
0x19e: {  	s24 =	sadd.s32 $0x25C, s7;
	s26 =	sadd.s32 $0x25D, s7;
	p1 =	slt.u32 s6, $0xC4;
	v10 =	vunpack.i.l.bf16.f32 v10;
	v16 =	vmov s8;
	[tilespmem:s18+$0x0] =	vst v18;
	v17 =	vunpack.i.u.bf16.f32 v8;
	v18 =	vld [tilespmem:s2+$0xFFFFFFF0]  }
0x19f: {  	s7 =	sadd.s32 $0x25F, s7;
	v22 =	vmov s24;
	v23 =	vmov s26;
	v16 =	vand.u32 $0xFFFFFFFE, v16;
	[tilespmem:s18+$0x10] =	vst v7;
	v24 =	vld [tilespmem:s2+$0x30];
	s2 =	smov.u32 s13  }
0x1a0: {  	v7 =	vand.u32 $0xFFFFFFFC, v22;
	v22 =	vand.u32 $0xFFFFFFFD, v23;
	v16 =	vbroadcast v16, $0x0;
	v23 =	vld [tilespmem:s13+$0x10];
	[tilespmem:s12+$0xFFFFFFF0] =	vst v14  }
0x1a1: {  	v25 =	vbroadcast v7, $0x0;
	v22 =	vbroadcast v22, $0x0;
	v7 =	vmov s7;
	[tilespmem:s19+$0x20] =	vst v12  }
0x1a2: {  	v8 =	vunpack.i.l.bf16.f32 v8;
	v6 =	vmul.f32 v6, v4;
	v12 =	vmul.f32 v19, v4;
	[tilespmem:s12+$0x60] =	vst v11  }
0x1a3: {  	v10 =	vmul.f32 v10, v5;
	v11 =	vmul.f32 v15, v5;
	v14 =	vunpack.i.u.bf16.f32 v13;
	[tilespmem:s12+$0x70] =	vst v9;
	s12 =	smov.u32 s19;
	s19 =	smov.u32 s18  }
0x1a4: {  	s13 =	sadd.s32 $0x80, s13;
	v19 =	vmul.f32 v17, v20;
	v9 =	vmul.f32 v8, v20;
	v8 =	vunpack.i.l.bf16.f32 v13;
	[tilespmem:s18+$0xFFFFFF80] =	vst v6  }
0x1a5: {  	v26 =	vunpack.i.u.bf16.f32 v18;
	v18 =	vunpack.i.l.bf16.f32 v18;
	v13 =	vld [tilespmem:s13+$0x0];
	[tilespmem:s18+$0xFFFFFF90] =	vst v12;
	v12 =	vunpack.i.u.bf16.f32 v23  }
0x1a6: {  	v27 =	vunpack.i.u.bf16.f32 v24;
	v23 =	vunpack.i.l.bf16.f32 v23;
	v6 =	vld.idx.msk [tilespmem:v16+s28+$0x0], $0xffff;
	[tilespmem:s18+$0xFFFFFFC0] =	vst v10;
	v12 =	vmul.f32 v12, v21  }
.Ltmp6:
0x1a7: {  	v17 =	vmul.f32 v14, v3;
	v28 =	vmul.f32 v8, v3;
	v3 =	vmovc v4;
	v15 =	vld [tilespmem:s13+$0xFFFFFFC0];
	[tilespmem:s18+$0xFFFFFFD0] =	vst v11;
	v11 =	vunpack.i.l.bf16.f32 v24;
	(pc) =	sbr.rel @p1 .LBB2_11-.Ltmp6, $4  }
0x1a8: {  	v14 =	vmul.f32 v26, v2;
	v16 =	vmul.f32 v18, v2;
	v2 =	vmov v5;
	v10 =	vld [tilespmem:s13+$0xFFFFFFE0];
	[tilespmem:s18+$0x30] =	vst v12  }
0x1a9: {  	v12 =	vmul.f32 v23, v21;
	v11 =	vmul.f32 v11, v1;
	v8 =	vld [tilespmem:s13+$0x20];
	[tilespmem:s18+$0x40] =	vst v9  }
0x1aa: {  	v9 =	vmul.f32 v27, v1;
	v1 =	vmov v20;
	v4 =	vld.idx.msk [tilespmem:v25+s28+$0x0], $0xffff;
	[tilespmem:s18+$0x50] =	vst v19  }
0x1ab: {  	v18 =	vunpack.i.l.bf16.f32 v13;
	v5 =	vld.idx.msk [tilespmem:v22+s28+$0x0], $0xffff;
	[tilespmem:s12+$0xFFFFFFA0] =	vst v28  }
0x1ac: {  	[tilespmem:s12+$0xFFFFFFB0] =	vst v17  }
0x1ad: {  	[tilespmem:s12+$0xFFFFFFE0] =	vst v16  }
0x1ae: {  	[tilespmem:s12+$0xFFFFFFF0] =	vst v14  }
0x1af: {  	[tilespmem:s19+$0x20] =	vst v12  }
0x1b0: {  	v13 =	vunpack.i.u.bf16.f32 v13;
	v18 =	vmul.f32 v18, v6;
	[tilespmem:s12+$0x60] =	vst v11  }
0x1b1: {  	s6 =	sadd.s32 $0x100, s18;
	v38 =	vunpack.i.l.bf16.f32 v15;
	v7 =	vld.idx.msk [tilespmem:v7+s28+$0x0], $0xffff;
	[tilespmem:s12+$0x70] =	vst v9;
	v13 =	vmul.f32 v13, v6  }
0x1b2: {  	v39 =	vunpack.i.u.bf16.f32 v15;
	v40 =	vld [tilespmem:s2+$0xFFFFFFD0];
	[tilespmem:s6+$0x0] =	vst v18;
	v14 =	vmul.f32 v38, v4  }
0x1b3: {  	v41 =	vunpack.i.l.bf16.f32 v10;
	[tilespmem:s6+$0x10] =	vst v13;
	v12 =	vmul.f32 v39, v4  }
0x1b4: {  	v44 =	vld [tilespmem:s2+$0xFFFFFFF0];
	v42 =	vunpack.i.u.bf16.f32 v10;
	v43 =	vmul.f32 v41, v5;
	[tilespmem:s6+$0xFFFFFF80] =	vst v14  }
0x1b5: {  	v46 =	vunpack.i.l.bf16.f32 v8;
	v9 =	vmul.f32 v42, v5;
	[tilespmem:s6+$0xFFFFFF90] =	vst v12  }
0x1b6: {  	v50 =	vld [tilespmem:s2+$0x30];
	v48 =	vunpack.i.u.bf16.f32 v8;
	v49 =	vmul.f32 v46, v7;
	[tilespmem:s6+$0xFFFFFFC0] =	vst v43  }
0x1b7: {  	v8 =	vmul.f32 v48, v7;
	v51 =	vunpack.i.l.bf16.f32 v40;
	[tilespmem:s6+$0xFFFFFFD0] =	vst v9  }
0x1b8: {  	v13 =	vld [tilespmem:s13+$0x10];
	v52 =	vunpack.i.u.bf16.f32 v40;
	v53 =	vmul.f32 v51, v3;
	[tilespmem:s6+$0x40] =	vst v49  }
0x1b9: {  	v54 =	vunpack.i.l.bf16.f32 v44;
	v3 =	vmul.f32 v52, v3;
	[tilespmem:s6+$0x50] =	vst v8  }
0x1ba: {  	v56 =	vunpack.i.u.bf16.f32 v44;
	v55 =	vld [tilespmem:s13+$0xFFFFFFD0];
	v12 =	vmul.f32 v54, v2;
	[tilespmem:s19+$0xFFFFFFA0] =	vst v53  }
0x1bb: {  	v58 =	vunpack.i.l.bf16.f32 v50;
	v2 =	vmul.f32 v56, v2;
	[tilespmem:s19+$0xFFFFFFB0] =	vst v3  }
0x1bc: {  	v9 =	vunpack.i.u.bf16.f32 v50;
	v10 =	vmul.f32 v58, v1;
	v3 =	vld [tilespmem:s13+$0xFFFFFFF0];
	[tilespmem:s19+$0xFFFFFFE0] =	vst v12  }
0x1bd: {  	v1 =	vmul.f32 v9, v1;
	[tilespmem:s19+$0xFFFFFFF0] =	vst v2;
	v45 =	vunpack.i.u.bf16.f32 v13  }
0x1be: {  	v60 =	vld [tilespmem:s13+$0x30];
	[tilespmem:s19+$0x60] =	vst v10;
	v57 =	vunpack.i.l.bf16.f32 v13;
	v47 =	vmul.f32 v45, v6  }
0x1bf: {  	[tilespmem:s19+$0x70] =	vst v1;
	v59 =	vmul.f32 v57, v6;
	v2 =	vunpack.i.l.bf16.f32 v55  }
0x1c0: {  	v61 =	vunpack.i.u.bf16.f32 v55;
	[tilespmem:s6+$0x30] =	vst v47;
	v2 =	vmul.f32 v2, v4  }
0x1c1: {  	[tilespmem:s6+$0x20] =	vst v59;
	v62 =	vmul.f32 v61, v4;
	v1 =	vunpack.i.l.bf16.f32 v3  }
0x1c2: {  	v3 =	vunpack.i.u.bf16.f32 v3;
	v1 =	vmul.f32 v1, v5;
	[tilespmem:s6+$0xFFFFFFA0] =	vst v2  }
.Ltmp7:
0x1c3: {  	v2 =	vunpack.i.l.bf16.f32 v60;
	v3 =	vmul.f32 v3, v5;
	[tilespmem:s6+$0xFFFFFFB0] =	vst v62;
	(pc) =	sbr.rel @p0 .LBB2_14-.Ltmp7, $4  }
0x1c4: {  	v63 =	vunpack.i.u.bf16.f32 v60;
	v2 =	vmul.f32 v2, v7;
	[tilespmem:s6+$0xFFFFFFE0] =	vst v1  }
0x1c5: {  	v1 =	vmul.f32 v63, v7;
	[tilespmem:s6+$0xFFFFFFF0] =	vst v3  }
0x1c6: {  	[tilespmem:s6+$0x60] =	vst v2  }
0x1c7: {  	s2 =	sadd.s32 $0x2710, s9;
	[tilespmem:s6+$0x70] =	vst v1  }
0x1c8: {  	s6 =	smul.u32 $0x640, s21;
	_ =	sdelay $0x1  }
.Ltmp8:
0x1c9: {  	s6 =	sshra.s32 s6, $0x2;
	(pc) =	sbr.rel .LBB2_8-.Ltmp8, $4  }
0x1ca: {  	s6 =	sadd.s32 $0x258, s6  }
0x1cb: {  	[tilespmem:s31], [sflag:$0x2] =	stream.indirect.gather [hbm4b:s4+s29], $0x20, s6, s29, $0xb8;
	[tilespmem:$0x1D970] =	vst v63  }
0x1cc: {  	s21 =	sadd.s32 $0x1, s21;
	s23 =	sadd.s32 $0x190, s23  }
0x1cd: {  	[spmem:s1] =	stream.indirect.scatter.add.f32 [tilespmem:s14], [sflag:$0x4], $0x40, s2, s29, $0xb8;
	[tilespmem:$0x1D970] =	vst v63  }
.LBB2_14:
0x1ce: {  	[spmem:s1] =	stream.indirect.scatter.add.f32 [tilespmem:s14], [sflag:$0x4], $0x40, s2, s29, $0xb8;
	[tilespmem:$0x1D970] =	vst v63  }
0x1cf: {  	_ =	swait.ge [sflag:s15], $0x3200  }
0x1d0: {  	[sflag:s15] =	ssyncset.done $0x0  }
0x1d1: {  	[sflag:s15] =	ssyncadd.s32 $0xFFFFCE00  }
0x1d2: {  	_ =	swait.ge [sflag:s17], $0x3200  }
0x1d3: {  	[sflag:s17] =	ssyncset.done $0x0  }
0x1d4: {  	[sflag:s17] =	ssyncadd.s32 $0xFFFFCE00  }
0x1d5: {  	s13 =	stileid.u32;
	s6 =	simm.s32 $0x10;
	[bflag:$0x0] =	sbarrier.arrive $0xFFFF  }
0x1d6: {  	s7 =	simm.s32 $0x8;
	s2 =	sshll.u32 s13, $0x6;
	s18 =	rddreg [dreg:$0x3]  }
0x1d7: {  	s21 =	sor.u32 $0x1C05, s2;
	s5 =	rddreg [dreg:$0xa];
	s23 =	sshrl.u32 s18, $0x3  }
0x1d8: {  	[hbm:s5@s6], [sflag:s21] =	dma.strided [spmem:s23@s7], $0x1388, s0, $0x8   }
0x1d9: {  	_ =	swait.ge [sflag:s25], $0x1388  }
0x1da: {  	[sflag:s25] =	ssyncset.done $0x0  }
0x1db: {  	[sflag:s25] =	ssyncadd.s32 $0xFFFFEC78  }
0x1dc: {  	[spmem:s18] =	stream.linear.scatter [tilespmem:s22], [sflag:$0x5], $0x3200, $0x38;
	[tilespmem:$0x1D970] =	vst v63  }
0x1dd: {  	_ =	swait.ge [sflag:s25], $0x3200  }
0x1de: {  	[sflag:s25] =	ssyncset.done $0x0  }
0x1df: {  	s19 =	rddreg [dreg:$0x4];
	[sflag:s25] =	ssyncadd.s32 $0xFFFFCE00  }
0x1e0: {  	[spmem:s19] =	stream.linear.scatter [tilespmem:s22], [sflag:$0x5], $0x3200, $0x38;
	[tilespmem:$0x1D970] =	vst v63  }
0x1e1: {  	_ =	swait.ge [sflag:s25], $0x3200  }
0x1e2: {  	[sflag:s25] =	ssyncset.done $0x0  }
0x1e3: {  	s24 =	rddreg [dreg:$0x5];
	[sflag:s25] =	ssyncadd.s32 $0xFFFFCE00  }
0x1e4: {  	[spmem:s24] =	stream.linear.scatter [tilespmem:s22], [sflag:$0x5], $0x3200, $0x38;
	[tilespmem:$0x1D970] =	vst v63  }
0x1e5: {  	_ =	swait.ge [sflag:s25], $0x3200  }
0x1e6: {  	[sflag:s25] =	ssyncset.done $0x0  }
0x1e7: {  	s26 =	rddreg [dreg:$0x6];
	[sflag:s25] =	ssyncadd.s32 $0xFFFFCE00  }
0x1e8: {  	[spmem:s26] =	stream.linear.scatter [tilespmem:s22], [sflag:$0x5], $0x3200, $0x38;
	[tilespmem:$0x1D970] =	vst v63  }
0x1e9: {  	_ =	swait.ge [sflag:s25], $0x3200  }
0x1ea: {  	[sflag:s25] =	ssyncset.done $0x0  }
0x1eb: {  	s30 =	simm.s32 $0x0;
	s6 =	rddreg [dreg:$0xb];
	[sflag:s25] =	ssyncadd.s32 $0xFFFFCE00  }
0x1ec: {  	[tilespmem:s30], [sflag:$0x5] =	stream.linear.gather [hbm4b:s6+s30], $0x2710, $0x38;
	[tilespmem:$0x1D970] =	vst v63  }
0x1ed: {  	_ =	swait.ge [sflag:s25], $0x2710  }
0x1ee: {  	[sflag:s25] =	ssyncset.done $0x0  }
0x1ef: {  	s8 =	simm.s32 $0x2710;
	s7 =	rddreg [dreg:$0xc];
	[sflag:s25] =	ssyncadd.s32 $0xFFFFD8F0  }
0x1f0: {  	[tilespmem:s8], [sflag:$0x5] =	stream.linear.gather [hbm4b:s7+s30], $0x2710, $0x38;
	[tilespmem:$0x1D970] =	vst v63  }
0x1f1: {  	_ =	swait.ge [sflag:s25], $0x2710  }
0x1f2: {  	[sflag:s25] =	ssyncset.done $0x0  }
0x1f3: {  	s9 =	rddreg [dreg:$0xd];
	[sflag:s25] =	ssyncadd.s32 $0xFFFFD8F0  }
0x1f4: {  	[tilespmem:s28], [sflag:$0x5] =	stream.linear.gather [hbm4b:s9+s30], $0x2710, $0x38;
	[tilespmem:$0x1D970] =	vst v63  }
0x1f5: {  	_ =	swait.ge [sflag:s25], $0x2710  }
0x1f6: {  	[sflag:s25] =	ssyncset.done $0x0  }
0x1f7: {  	s12 =	simm.s32 $0x2;
	[sflag:s25] =	ssyncadd.s32 $0xFFFFD8F0  }
0x1f8: {  	s13 =	simm.s32 $0x7530;
	v1 =	vmov s12;
	s18 =	simm.s32 $0x1;
	[bflag:$0x0] =	sbarrier.arrive $0xFFFF  }
0x1f9: {  	v1 =	vand.u32 $0xFFFFFFFE, v1;
	[tilespmem:s13], [sflag:$0x1] =	stream.indirect.gather [hbm4b:s16+s29], $0x20, s30, s29, $0xb8;
	[tilespmem:$0x1D970] =	vst v63  }
0x1fa: {  	v1 =	vbroadcast v1, $0x0;
	v2 =	vmov s18  }
0x1fb: {  	v2 =	vand.u32 $0xFFFFFFFD, v2;
	[tilespmem:s31], [sflag:$0x2] =	stream.indirect.gather [hbm4b:s16+s29], $0x20, s29, s29, $0xb8;
	[tilespmem:$0x1D970] =	vst v63  }
0x1fc: {  	v2 =	vbroadcast v2, $0x0;
	_ =	swait.ge [sflag:s0], $0x1900  }
0x1fd: {  	[sflag:s0] =	ssyncset.done $0x0  }
0x1fe: {  	s12 =	simm.s32 $0x7570;
	[sflag:s0] =	ssyncadd.s32 $0xFFFFE700  }
0x1ff: {  	v3 =	vmov s30;
	s24 =	simm.s32 $0x3;
	v4 =	vld [tilespmem:s12+$0x0]  }
0x200: {  	v3 =	vand.u32 $0xFFFFFFFC, v3;
	v6 =	vmov s24;
	v5 =	vld.idx.msk [tilespmem:v1+s28+$0x0], $0xffff  }
0x201: {  	v3 =	vbroadcast v3, $0x0;
	v1 =	vld [tilespmem:s12+$0xFFFFFFE0]  }
0x202: {  	s19 =	simm.s32 $0x4;
	v2 =	vld.idx.msk [tilespmem:v2+s28+$0x0], $0xffff  }
0x203: {  	v7 =	vmov s19  }
0x204: {  	v7 =	vand.u32 $0xFFFFFFFC, v7;
	s26 =	simm.s32 $0x6;
	v12 =	vld [tilespmem:s12+$0x20];
	v8 =	vunpack.i.l.bf16.f32 v4  }
0x205: {  	v10 =	vmov s26;
	v6 =	vld.idx.msk [tilespmem:v6+s28+$0x0], $0xffff;
	v4 =	vunpack.i.u.bf16.f32 v4;
	v8 =	vmul.f32 v8, v5  }
0x206: {  	s2 =	simm.s32 $0xA7B0;
	v9 =	vld [tilespmem:s12+$0xFFFFFFC0];
	v11 =	vunpack.i.l.bf16.f32 v1;
	v1 =	vunpack.i.u.bf16.f32 v1;
	v4 =	vmul.f32 v4, v5  }
0x207: {  	v7 =	vbroadcast v7, $0x0;
	v10 =	vand.u32 $0xFFFFFFFE, v10;
	s30 =	simm.s32 $0x5;
	v3 =	vld.idx.msk [tilespmem:v3+s28+$0x0], $0xffff;
	v1 =	vmul.f32 v1, v2;
	[tilespmem:s2+$0x0] =	vst v8  }
0x208: {  	v10 =	vbroadcast v10, $0x0;
	v8 =	vmul.f32 v11, v2;
	v11 =	vmov s30;
	[tilespmem:s2+$0x10] =	vst v4  }
0x209: {  	v13 =	vunpack.i.l.bf16.f32 v12;
	[tilespmem:s2+$0xFFFFFFD0] =	vst v1;
	v4 =	vand.u32 $0xFFFFFFFD, v11;
	v11 =	vld [tilespmem:s12+$0x10]  }
0x20a: {  	v13 =	vmul.f32 v13, v6;
	[tilespmem:s2+$0xFFFFFFC0] =	vst v8  }
0x20b: {  	s5 =	simm.s32 $0x75F0;
	v1 =	vunpack.i.u.bf16.f32 v9;
	v4 =	vbroadcast v4, $0x0;
	v8 =	vunpack.i.l.bf16.f32 v9;
	v9 =	vld [tilespmem:s12+$0xFFFFFFF0]  }
0x20c: {  	v15 =	vld [tilespmem:s5+$0x0];
	v8 =	vmul.f32 v8, v3  }
0x20d: {  	v12 =	vunpack.i.u.bf16.f32 v12;
	[tilespmem:s2+$0x40] =	vst v13;
	v14 =	vmul.f32 v1, v3;
	v1 =	vld.idx.msk [tilespmem:v7+s28+$0x0], $0xffff  }
0x20e: {  	v7 =	vmul.f32 v12, v6;
	[tilespmem:s2+$0xFFFFFF80] =	vst v8;
	v8 =	vld.idx.msk [tilespmem:v10+s28+$0x0], $0xffff;
	v10 =	vunpack.i.u.bf16.f32 v11;
	v11 =	vunpack.i.l.bf16.f32 v11  }
0x20f: {  	s13 =	simm.s32 $0x7;
	v12 =	vld [tilespmem:s5+$0xFFFFFFE0];
	[tilespmem:s2+$0xFFFFFF90] =	vst v14;
	v11 =	vmul.f32 v11, v5;
	v5 =	vmul.f32 v10, v5  }
0x210: {  	s8 =	simm.s32 $0x8;
	[tilespmem:s2+$0x50] =	vst v7;
	v14 =	vld [tilespmem:s5+$0xFFFFFFC0];
	v10 =	vmov s13;
	v7 =	vunpack.i.u.bf16.f32 v9;
	v9 =	vunpack.i.l.bf16.f32 v9  }
0x211: {  	s18 =	simm.s32 $0x9;
	v16 =	vunpack.i.l.bf16.f32 v15;
	v13 =	vld.idx.msk [tilespmem:v4+s28+$0x0], $0xffff;
	v4 =	vmov s8;
	[tilespmem:s2+$0x30] =	vst v5;
	v9 =	vmul.f32 v9, v2  }
0x212: {  	v5 =	vmov s18;
	v7 =	vmul.f32 v7, v2;
	[tilespmem:s2+$0x20] =	vst v11;
	v2 =	vunpack.i.u.bf16.f32 v15  }
0x213: {  	s19 =	simm.s32 $0xA;
	v17 =	vld [tilespmem:s5+$0x20];
	v4 =	vand.u32 $0xFFFFFFFC, v4;
	v11 =	vmul.f32 v16, v8;
	v5 =	vand.u32 $0xFFFFFFFD, v5;
	[tilespmem:s2+$0xFFFFFFE0] =	vst v9  }
0x214: {  	s9 =	simm.s32 $0xA8B0;
	v15 =	vld [tilespmem:s12+$0xFFFFFFD0];
	v16 =	vbroadcast v4, $0x0;
	v4 =	vmov s19;
	v9 =	vmul.f32 v2, v8;
	[tilespmem:s2+$0xFFFFFFF0] =	vst v7  }
0x215: {  	v4 =	vand.u32 $0xFFFFFFFE, v4;
	v7 =	vunpack.i.l.bf16.f32 v14;
	v2 =	vld.idx.msk [tilespmem:v10+s28+$0x0], $0xffff;
	v10 =	vunpack.i.l.bf16.f32 v12;
	[tilespmem:s9+$0x0] =	vst v11  }
0x216: {  	v5 =	vbroadcast v5, $0x0;
	v11 =	vld [tilespmem:s12+$0x30];
	v12 =	vunpack.i.u.bf16.f32 v12;
	v10 =	vmul.f32 v10, v13;
	[tilespmem:s9+$0x10] =	vst v9  }
0x217: {  	v14 =	vunpack.i.u.bf16.f32 v14;
	v4 =	vbroadcast v4, $0x0;
	v9 =	vmul.f32 v12, v13;
	v12 =	vld [tilespmem:s5+$0x10]  }
0x218: {  	v7 =	vmul.f32 v7, v1;
	v14 =	vmul.f32 v14, v1;
	[tilespmem:s9+$0xFFFFFFC0] =	vst v10  }
0x219: {  	v10 =	vunpack.i.u.bf16.f32 v17;
	[tilespmem:s9+$0xFFFFFFD0] =	vst v9;
	v9 =	vunpack.i.u.bf16.f32 v15;
	v15 =	vunpack.i.l.bf16.f32 v15  }
0x21a: {  	s18 =	simm.s32 $0x7670;
	[tilespmem:s9+$0xFFFFFF80] =	vst v7;
	v17 =	vunpack.i.l.bf16.f32 v17;
	v18 =	vld [tilespmem:s5+$0xFFFFFFF0];
	v15 =	vmul.f32 v15, v3;
	v9 =	vmul.f32 v9, v3  }
0x21b: {  	v20 =	vld [tilespmem:s18+$0xFFFFFFE0];
	[tilespmem:s9+$0xFFFFFF90] =	vst v14;
	v17 =	vmul.f32 v17, v2;
	v7 =	vmul.f32 v10, v2  }
0x21c: {  	v14 =	vld [tilespmem:s18+$0x0];
	v10 =	vunpack.i.u.bf16.f32 v11;
	v3 =	vunpack.i.l.bf16.f32 v11;
	[tilespmem:s2+$0xFFFFFFA0] =	vst v15;
	v11 =	vunpack.i.u.bf16.f32 v12  }
0x21d: {  	s24 =	simm.s32 $0xB;
	v19 =	vmul.f32 v3, v6;
	v4 =	vld.idx.msk [tilespmem:v4+s28+$0x0], $0xffff;
	[tilespmem:s9+$0x40] =	vst v17;
	v3 =	vunpack.i.l.bf16.f32 v12;
	v11 =	vmul.f32 v11, v8  }
0x21e: {  	s19 =	simm.s32 $0xC;
	v15 =	vmov s24;
	[tilespmem:s9+$0x50] =	vst v7;
	v17 =	vld [tilespmem:s18+$0xFFFFFFC0];
	v3 =	vmul.f32 v3, v8  }
0x21f: {  	s26 =	simm.s32 $0xD;
	v7 =	vmul.f32 v10, v6;
	v6 =	vmov s19;
	v12 =	vld [tilespmem:s18+$0x20];
	v8 =	vunpack.i.l.bf16.f32 v18;
	[tilespmem:s9+$0x30] =	vst v11  }
0x220: {  	v10 =	vunpack.i.u.bf16.f32 v18;
	v11 =	vmov s26;
	v18 =	vmul.f32 v8, v13;
	[tilespmem:s9+$0x20] =	vst v3;
	v3 =	vld.idx.msk [tilespmem:v16+s28+$0x0], $0xffff  }
0x221: {  	[tilespmem:s2+$0xFFFFFFB0] =	vst v9;
	v16 =	vmul.f32 v10, v13;
	v8 =	vand.u32 $0xFFFFFFFC, v6;
	v6 =	vld.idx.msk [tilespmem:v5+s28+$0x0], $0xffff;
	v11 =	vand.u32 $0xFFFFFFFD, v11  }
0x222: {  	[tilespmem:s2+$0x60] =	vst v19;
	v5 =	vunpack.i.l.bf16.f32 v14;
	v10 =	vbroadcast v8, $0x0;
	v8 =	vbroadcast v11, $0x0;
	v11 =	vld [tilespmem:s5+$0xFFFFFFD0]  }
0x223: {  	v9 =	vld [tilespmem:s5+$0x30];
	v19 =	vunpack.i.l.bf16.f32 v20;
	v21 =	vmul.f32 v5, v4;
	[tilespmem:s9+$0xFFFFFFE0] =	vst v18;
	v18 =	vunpack.i.u.bf16.f32 v14  }
0x224: {  	s30 =	simm.s32 $0xE;
	s12 =	simm.s32 $0xA9B0;
	v5 =	vld.idx.msk [tilespmem:v15+s28+$0x0], $0xffff;
	v13 =	vunpack.i.u.bf16.f32 v17;
	[tilespmem:s9+$0xFFFFFFF0] =	vst v16;
	v14 =	vunpack.i.l.bf16.f32 v17;
	v17 =	vmul.f32 v18, v4  }
0x225: {  	s6 =	simm.s32 $0x10;
	s13 =	simm.s32 $0x7670;
	v16 =	vunpack.i.u.bf16.f32 v20;
	v15 =	vunpack.i.u.bf16.f32 v12;
	v18 =	vmov s30;
	[tilespmem:s12+$0x0] =	vst v21  }
.LBB2_15:
0x226: {  	p0 =	slt.u32 s6, $0xC4;
	v18 =	vand.u32 $0xFFFFFFFE, v18;
	v19 =	vmul.f32 v19, v6;
	[tilespmem:s12+$0x10] =	vst v17;
	v12 =	vunpack.i.l.bf16.f32 v12  }
0x227: {  	v16 =	vmul.f32 v16, v6;
	v20 =	vunpack.i.u.bf16.f32 v11;
	v17 =	vbroadcast v18, $0x0;
	v18 =	vld [tilespmem:s18+$0x10];
	[tilespmem:s2+$0x70] =	vst v7;
	s2 =	smov.u32 s9;
	s9 =	smov.u32 s12  }
0x228: {  	v13 =	vmul.f32 v13, v3;
	v11 =	vunpack.i.l.bf16.f32 v11;
	v7 =	vmul.f32 v14, v3;
	[tilespmem:s12+$0xFFFFFFC0] =	vst v19  }
0x229: {  	v12 =	vmul.f32 v12, v5;
	v14 =	vmul.f32 v15, v5;
	v15 =	vunpack.i.u.bf16.f32 v9;
	v10 =	vld.idx.msk [tilespmem:v10+s28+$0x0], $0xffff;
	[tilespmem:s12+$0xFFFFFFD0] =	vst v16  }
0x22a: {  	v11 =	vmul.f32 v11, v1;
	v19 =	vmul.f32 v20, v1;
	v1 =	vmovc v3;
	[tilespmem:s12+$0xFFFFFF80] =	vst v7;
	v16 =	vld [tilespmem:s18+$0xFFFFFFF0];
	v7 =	vunpack.i.l.bf16.f32 v9  }
0x22b: {  	s18 =	sadd.s32 $0x80, s18;
	v8 =	vld.idx.msk [tilespmem:v8+s28+$0x0], $0xffff;
	[tilespmem:s12+$0xFFFFFF90] =	vst v13;
	v20 =	vmul.f32 v7, v2;
	v7 =	vmul.f32 v15, v2;
	v2 =	vmov v5  }
0x22c: {  	v5 =	vld [tilespmem:s18+$0x0];
	v3 =	vunpack.i.u.bf16.f32 v18;
	v9 =	vunpack.i.l.bf16.f32 v18;
	[tilespmem:s12+$0x40] =	vst v12  }
0x22d: {  	s7 =	sadd.s32 $0x3, s19;
	s19 =	smov.u32 s6;
	v9 =	vmul.f32 v9, v4;
	v12 =	vmul.f32 v3, v4;
	v4 =	vld.idx.msk [tilespmem:v17+s28+$0x0], $0xffff;
	[tilespmem:s12+$0x50] =	vst v14  }
0x22e: {  	v15 =	vmov s7;
	v14 =	vld [tilespmem:s18+$0xFFFFFFC0];
	[tilespmem:s2+$0xFFFFFFA0] =	vst v11  }
0x22f: {  	s7 =	sadd.s32 $0x1, s6;
	v11 =	vmov s6;
	v21 =	vld [tilespmem:s18+$0xFFFFFFE0];
	v13 =	vunpack.i.u.bf16.f32 v16;
	v16 =	vunpack.i.l.bf16.f32 v16;
	[tilespmem:s12+$0x30] =	vst v12;
	v3 =	vmovc v10  }
0x230: {  	v10 =	vmov s7;
	v12 =	vld [tilespmem:s18+$0x20];
	v16 =	vmul.f32 v16, v6;
	v17 =	vmul.f32 v13, v6;
	[tilespmem:s12+$0x20] =	vst v9  }
.Ltmp9:
0x231: {  	v9 =	vand.u32 $0xFFFFFFFC, v11;
	v13 =	vand.u32 $0xFFFFFFFD, v10;
	v6 =	vmov v8;
	v11 =	vld [tilespmem:s13+$0xFFFFFFD0];
	[tilespmem:s2+$0xFFFFFFB0] =	vst v19;
	(pc) =	sbr.rel @p0 .LBB2_15-.Ltmp9, $4  }
0x232: {  	v10 =	vbroadcast v9, $0x0;
	v8 =	vbroadcast v13, $0x0;
	v18 =	vunpack.i.l.bf16.f32 v5;
	[tilespmem:s12+$0xFFFFFFE0] =	vst v16;
	v9 =	vld [tilespmem:s13+$0x30];
	s13 =	smov.u32 s18  }
0x233: {  	v19 =	vunpack.i.u.bf16.f32 v5;
	v22 =	vmul.f32 v18, v4;
	v13 =	vunpack.i.u.bf16.f32 v14;
	v5 =	vld.idx.msk [tilespmem:v15+s28+$0x0], $0xffff;
	[tilespmem:s12+$0xFFFFFFF0] =	vst v17  }
0x234: {  	s7 =	sadd.s32 $0x2, s6;
	v14 =	vunpack.i.l.bf16.f32 v14;
	v17 =	vmul.f32 v19, v4;
	s12 =	sadd.s32 $0x100, s12;
	v16 =	vunpack.i.u.bf16.f32 v21;
	[tilespmem:s2+$0x60] =	vst v20  }
0x235: {  	s6 =	sadd.s32 $0x4, s6;
	v18 =	vmov s7;
	v19 =	vunpack.i.l.bf16.f32 v21;
	[tilespmem:s12+$0x0] =	vst v22;
	v15 =	vunpack.i.u.bf16.f32 v12  }
0x236: {  	v19 =	vmul.f32 v19, v6;
	[tilespmem:s12+$0x10] =	vst v17  }
0x237: {  	v52 =	vand.u32 $0xFFFFFFFE, v18;
	v16 =	vmul.f32 v16, v6;
	[tilespmem:s2+$0x70] =	vst v7  }
0x238: {  	v14 =	vmul.f32 v14, v3;
	v53 =	vld [tilespmem:s18+$0x10];
	v7 =	vbroadcast v52, $0x0;
	[tilespmem:s12+$0xFFFFFFC0] =	vst v19  }
0x239: {  	v12 =	vunpack.i.l.bf16.f32 v12;
	v13 =	vmul.f32 v13, v3;
	[tilespmem:s12+$0xFFFFFFD0] =	vst v16  }
0x23a: {  	v12 =	vmul.f32 v12, v5;
	[tilespmem:s12+$0xFFFFFF80] =	vst v14;
	v14 =	vld [tilespmem:s18+$0xFFFFFFF0]  }
0x23b: {  	v54 =	vunpack.i.l.bf16.f32 v11;
	v15 =	vmul.f32 v15, v5;
	[tilespmem:s12+$0xFFFFFF90] =	vst v13  }
0x23c: {  	v11 =	vunpack.i.u.bf16.f32 v11;
	v13 =	vmul.f32 v54, v1;
	s18 =	sadd.s32 $0x80, s18;
	[tilespmem:s12+$0x40] =	vst v12  }
0x23d: {  	v1 =	vmul.f32 v11, v1;
	v12 =	vld [tilespmem:s18+$0x0];
	[tilespmem:s12+$0x50] =	vst v15;
	v55 =	vunpack.i.u.bf16.f32 v53  }
0x23e: {  	[tilespmem:s9+$0xFFFFFFA0] =	vst v13;
	v56 =	vunpack.i.l.bf16.f32 v53;
	v16 =	vmul.f32 v55, v4;
	v7 =	vld.idx.msk [tilespmem:v7+s28+$0x0], $0xffff  }
0x23f: {  	s6 =	sadd.s32 $0x3, s19;
	[tilespmem:s9+$0xFFFFFFB0] =	vst v1;
	v4 =	vmul.f32 v56, v4;
	v11 =	vunpack.i.l.bf16.f32 v14  }
0x240: {  	v13 =	vmov s6;
	v15 =	vld [tilespmem:s18+$0xFFFFFFE0];
	v14 =	vunpack.i.u.bf16.f32 v14;
	[tilespmem:s12+$0x30] =	vst v16;
	v11 =	vmul.f32 v11, v6  }
0x241: {  	v8 =	vld.idx.msk [tilespmem:v8+s28+$0x0], $0xffff;
	[tilespmem:s12+$0x20] =	vst v4;
	v4 =	vunpack.i.l.bf16.f32 v9;
	v6 =	vmul.f32 v14, v6  }
0x242: {  	v14 =	vunpack.i.l.bf16.f32 v12;
	v1 =	vmul.f32 v4, v2;
	v4 =	vld [tilespmem:s18+$0xFFFFFFC0];
	[tilespmem:s12+$0xFFFFFFE0] =	vst v11  }
0x243: {  	v10 =	vld.idx.msk [tilespmem:v10+s28+$0x0], $0xffff;
	v11 =	vunpack.i.u.bf16.f32 v12;
	[tilespmem:s12+$0xFFFFFFF0] =	vst v6;
	v12 =	vmul.f32 v14, v7  }
0x244: {  	s24 =	sadd.s32 $0x100, s12;
	v6 =	vunpack.i.u.bf16.f32 v9;
	v9 =	vld [tilespmem:s18+$0x20];
	v11 =	vmul.f32 v11, v7;
	[tilespmem:s9+$0x60] =	vst v1  }
0x245: {  	v1 =	vmul.f32 v6, v2;
	v2 =	vld.idx.msk [tilespmem:v13+s28+$0x0], $0xffff;
	v6 =	vunpack.i.l.bf16.f32 v15;
	[tilespmem:s24+$0x0] =	vst v12  }
0x246: {  	v13 =	vunpack.i.u.bf16.f32 v15;
	v6 =	vmul.f32 v6, v8;
	v12 =	vld [tilespmem:s13+$0xFFFFFFD0];
	[tilespmem:s24+$0x10] =	vst v11  }
0x247: {  	v13 =	vmul.f32 v13, v8;
	[tilespmem:s9+$0x70] =	vst v1;
	v11 =	vunpack.i.l.bf16.f32 v4  }
0x248: {  	v14 =	vld [tilespmem:s18+$0x10];
	v1 =	vunpack.i.u.bf16.f32 v4;
	[tilespmem:s24+$0xFFFFFFC0] =	vst v6;
	v4 =	vmul.f32 v11, v10  }
0x249: {  	[tilespmem:s24+$0xFFFFFFD0] =	vst v13;
	v6 =	vunpack.i.l.bf16.f32 v9;
	v1 =	vmul.f32 v1, v10;
	v9 =	vunpack.i.u.bf16.f32 v9  }
0x24a: {  	v9 =	vmul.f32 v9, v2;
	[tilespmem:s24+$0xFFFFFF80] =	vst v4;
	v4 =	vld [tilespmem:s18+$0xFFFFFFF0]  }
0x24b: {  	v6 =	vmul.f32 v6, v2;
	[tilespmem:s24+$0xFFFFFF90] =	vst v1;
	v11 =	vunpack.i.l.bf16.f32 v12  }
0x24c: {  	v1 =	vld [tilespmem:s13+$0x30];
	[tilespmem:s24+$0x50] =	vst v9;
	v9 =	vunpack.i.u.bf16.f32 v12;
	v11 =	vmul.f32 v11, v3  }
0x24d: {  	[tilespmem:s24+$0x40] =	vst v6;
	v13 =	vunpack.i.u.bf16.f32 v14;
	v6 =	vunpack.i.l.bf16.f32 v14;
	v3 =	vmul.f32 v9, v3  }
0x24e: {  	v13 =	vmul.f32 v13, v7;
	v6 =	vmul.f32 v6, v7;
	v7 =	vld [tilespmem:s18+$0xFFFFFFD0];
	[tilespmem:s12+$0xFFFFFFA0] =	vst v11  }
0x24f: {  	[tilespmem:s12+$0xFFFFFFB0] =	vst v3;
	v9 =	vunpack.i.l.bf16.f32 v4  }
0x250: {  	v4 =	vunpack.i.u.bf16.f32 v4;
	[tilespmem:s24+$0x20] =	vst v6;
	v6 =	vld [tilespmem:s18+$0x30];
	v9 =	vmul.f32 v9, v8  }
0x251: {  	[tilespmem:s24+$0x30] =	vst v13;
	v11 =	vunpack.i.l.bf16.f32 v1;
	v4 =	vmul.f32 v4, v8  }
0x252: {  	v1 =	vunpack.i.u.bf16.f32 v1;
	v3 =	vmul.f32 v11, v5;
	[tilespmem:s24+$0xFFFFFFE0] =	vst v9  }
0x253: {  	v1 =	vmul.f32 v1, v5;
	[tilespmem:s24+$0xFFFFFFF0] =	vst v4;
	v4 =	vunpack.i.l.bf16.f32 v7  }
0x254: {  	[tilespmem:s12+$0x60] =	vst v3;
	v3 =	vunpack.i.u.bf16.f32 v7;
	v4 =	vmul.f32 v4, v10  }
0x255: {  	[tilespmem:s12+$0x70] =	vst v1;
	v1 =	vmul.f32 v3, v10;
	v3 =	vunpack.i.l.bf16.f32 v6  }
0x256: {  	v5 =	vunpack.i.u.bf16.f32 v6;
	v3 =	vmul.f32 v3, v2;
	[tilespmem:s24+$0xFFFFFFA0] =	vst v4  }
0x257: {  	v2 =	vmul.f32 v5, v2;
	[tilespmem:s24+$0xFFFFFFB0] =	vst v1  }
0x258: {  	[tilespmem:s24+$0x60] =	vst v3  }
0x259: {  	s26 =	simm.s32 $0xCA;
	s5 =	simm.s32 $0x7530;
	s30 =	simm.s32 $0x190;
	[tilespmem:s24+$0x70] =	vst v2  }
0x25a: {  	v1 =	vmov s26;
	[tilespmem:s5], [sflag:$0x1] =	stream.indirect.gather [hbm4b:s16+s29], $0x20, s30, s29, $0xb8;
	[tilespmem:$0x1D970] =	vst v63  }
0x25b: {  	v1 =	vand.u32 $0xFFFFFFFE, v1;
	s5 =	simm.s32 $0xC8  }
0x25c: {  	s6 =	simm.s32 $0x2710;
	v1 =	vbroadcast v1, $0x0;
	v2 =	vmov s5  }
0x25d: {  	[spmem:s1] =	stream.indirect.scatter.add.f32 [tilespmem:s10], [sflag:$0x3], $0x40, s6, s29, $0xb8;
	v2 =	vand.u32 $0xFFFFFFFC, v2;
	[tilespmem:$0x1D970] =	vst v63  }
0x25e: {  	s7 =	simm.s32 $0xC9;
	_ =	swait.ge [sflag:s11], $0x1900;
	v2 =	vbroadcast v2, $0x0  }
0x25f: {  	v3 =	vmov s7;
	[sflag:s11] =	ssyncset.done $0x0  }
0x260: {  	s8 =	simm.s32 $0x8E70;
	v3 =	vand.u32 $0xFFFFFFFD, v3;
	[sflag:s11] =	ssyncadd.s32 $0xFFFFE700  }
0x261: {  	v3 =	vbroadcast v3, $0x0;
	v4 =	vld [tilespmem:s8+$0x0]  }
0x262: {  	v1 =	vld.idx.msk [tilespmem:v1+s28+$0x0], $0xffff  }
0x263: {  	v5 =	vld [tilespmem:s8+$0xFFFFFFC0]  }
0x264: {  	s9 =	simm.s32 $0xCB;
	s13 =	simm.s32 $0xCC;
	v2 =	vld.idx.msk [tilespmem:v2+s28+$0x0], $0xffff  }
0x265: {  	v7 =	vmov s13;
	v6 =	vmov s9  }
0x266: {  	v7 =	vand.u32 $0xFFFFFFFC, v7;
	v8 =	vunpack.i.l.bf16.f32 v4  }
0x267: {  	s18 =	simm.s32 $0xCE;
	v9 =	vld.idx.msk [tilespmem:v3+s28+$0x0], $0xffff;
	v3 =	vbroadcast v7, $0x0;
	v4 =	vunpack.i.u.bf16.f32 v4;
	v7 =	vmul.f32 v8, v1  }
0x268: {  	s2 =	simm.s32 $0xD9B0;
	v11 =	vmov s18;
	v10 =	vunpack.i.l.bf16.f32 v5;
	v8 =	vld [tilespmem:s8+$0xFFFFFFE0];
	v4 =	vmul.f32 v4, v1  }
0x269: {  	v12 =	vld [tilespmem:s8+$0x20];
	v5 =	vunpack.i.u.bf16.f32 v5;
	[tilespmem:s2+$0x0] =	vst v7;
	v7 =	vand.u32 $0xFFFFFFFE, v11;
	v10 =	vmul.f32 v10, v2  }
0x26a: {  	s19 =	simm.s32 $0xCD;
	v13 =	vld.idx.msk [tilespmem:v6+s28+$0x0], $0xffff;
	[tilespmem:s2+$0x10] =	vst v4;
	v5 =	vmul.f32 v5, v2;
	v4 =	vbroadcast v7, $0x0  }
0x26b: {  	v6 =	vmov s19;
	v7 =	vld [tilespmem:s8+$0x10];
	[tilespmem:s2+$0xFFFFFF80] =	vst v10  }
0x26c: {  	v6 =	vand.u32 $0xFFFFFFFD, v6;
	[tilespmem:s2+$0xFFFFFF90] =	vst v5  }
0x26d: {  	s9 =	simm.s32 $0x8EF0;
	s30 =	simm.s32 $0xD2;
	v5 =	vbroadcast v6, $0x0;
	v6 =	vunpack.i.l.bf16.f32 v8;
	v10 =	vld [tilespmem:s8+$0xFFFFFFD0]  }
0x26e: {  	v61 =	vmov s30;
	v14 =	vld [tilespmem:s9+$0x0];
	v8 =	vunpack.i.u.bf16.f32 v8;
	v6 =	vmul.f32 v6, v9  }
0x26f: {  	v57 =	vld [tilespmem:s9+$0xFFFFFFE0];
	v11 =	vunpack.i.l.bf16.f32 v12;
	v12 =	vunpack.i.u.bf16.f32 v12;
	v8 =	vmul.f32 v8, v9  }
0x270: {  	s24 =	simm.s32 $0xCF;
	v11 =	vmul.f32 v11, v13;
	[tilespmem:s2+$0xFFFFFFC0] =	vst v6;
	v6 =	vunpack.i.u.bf16.f32 v7;
	v7 =	vunpack.i.l.bf16.f32 v7;
	v15 =	vld.idx.msk [tilespmem:v4+s28+$0x0], $0xffff  }
0x271: {  	v3 =	vld.idx.msk [tilespmem:v3+s28+$0x0], $0xffff;
	v12 =	vmul.f32 v12, v13;
	[tilespmem:s2+$0xFFFFFFD0] =	vst v8;
	v8 =	vmov s24;
	v4 =	vmul.f32 v7, v1  }
0x272: {  	s26 =	simm.s32 $0xD1;
	s7 =	simm.s32 $0xD0;
	[tilespmem:s2+$0x40] =	vst v11;
	v6 =	vmul.f32 v6, v1;
	v7 =	vld [tilespmem:s9+$0xFFFFFFC0];
	v58 =	vunpack.i.u.bf16.f32 v10;
	v10 =	vunpack.i.l.bf16.f32 v10  }
0x273: {  	v11 =	vmov s7;
	[tilespmem:s2+$0x50] =	vst v12;
	v1 =	vld.idx.msk [tilespmem:v5+s28+$0x0], $0xffff;
	v5 =	vmov s26;
	v10 =	vmul.f32 v10, v2  }
0x274: {  	v59 =	vld [tilespmem:s8+$0xFFFFFFF0];
	v12 =	vmul.f32 v58, v2;
	[tilespmem:s2+$0x30] =	vst v6;
	v2 =	vand.u32 $0xFFFFFFFC, v11;
	v11 =	vunpack.i.l.bf16.f32 v14  }
0x275: {  	v6 =	vld [tilespmem:s9+$0x20];
	[tilespmem:s2+$0x20] =	vst v4;
	v14 =	vunpack.i.u.bf16.f32 v14;
	v4 =	vbroadcast v2, $0x0;
	v11 =	vmul.f32 v11, v15  }
0x276: {  	s6 =	simm.s32 $0xDAB0;
	v62 =	vand.u32 $0xFFFFFFFE, v61;
	v5 =	vand.u32 $0xFFFFFFFD, v5;
	[tilespmem:s2+$0xFFFFFFA0] =	vst v10;
	v2 =	vld.idx.msk [tilespmem:v8+s28+$0x0], $0xffff;
	v8 =	vmul.f32 v14, v15  }
0x277: {  	v5 =	vbroadcast v5, $0x0;
	v10 =	vunpack.i.u.bf16.f32 v7;
	v14 =	vld [tilespmem:s8+$0x30];
	v7 =	vunpack.i.l.bf16.f32 v7;
	[tilespmem:s6+$0x0] =	vst v11  }
0x278: {  	v16 =	vbroadcast v62, $0x0;
	v60 =	vunpack.i.u.bf16.f32 v57;
	v7 =	vmul.f32 v7, v3;
	[tilespmem:s6+$0x10] =	vst v8  }
0x279: {  	[tilespmem:s2+$0xFFFFFFB0] =	vst v12;
	v20 =	vunpack.i.u.bf16.f32 v59;
	v10 =	vmul.f32 v10, v3;
	v11 =	vunpack.i.l.bf16.f32 v57;
	v63 =	vld [tilespmem:s9+$0x10]  }
0x27a: {  	v17 =	vunpack.i.l.bf16.f32 v59;
	v18 =	vmul.f32 v60, v1;
	[tilespmem:s6+$0xFFFFFF80] =	vst v7;
	v7 =	vmul.f32 v11, v1  }
0x27b: {  	v8 =	vunpack.i.u.bf16.f32 v6;
	v12 =	vunpack.i.l.bf16.f32 v6;
	[tilespmem:s6+$0xFFFFFF90] =	vst v10;
	v10 =	vmul.f32 v20, v9;
	v6 =	vld.idx.msk [tilespmem:v4+s28+$0x0], $0xffff  }
0x27c: {  	v21 =	vmul.f32 v12, v2;
	v22 =	vmul.f32 v8, v2;
	v11 =	vld [tilespmem:s9+$0xFFFFFFD0];
	[tilespmem:s6+$0xFFFFFFC0] =	vst v7;
	v7 =	vunpack.i.l.bf16.f32 v14  }
0x27d: {  	s12 =	simm.s32 $0x8F70;
	[tilespmem:s6+$0xFFFFFFD0] =	vst v18;
	v12 =	vmul.f32 v17, v9;
	v4 =	vld.idx.msk [tilespmem:v5+s28+$0x0], $0xffff;
	v14 =	vunpack.i.u.bf16.f32 v14;
	v8 =	vmul.f32 v7, v13  }
0x27e: {  	v9 =	vld [tilespmem:s12+$0x0];
	v7 =	vmul.f32 v14, v13;
	[tilespmem:s6+$0x40] =	vst v21;
	v14 =	vunpack.i.u.bf16.f32 v63;
	v13 =	vunpack.i.l.bf16.f32 v63  }
0x27f: {  	s18 =	simm.s32 $0x8;
	s13 =	simm.s32 $0xDAB0;
	s19 =	simm.s32 $0xD3;
	v5 =	vld.idx.msk [tilespmem:v16+s28+$0x0], $0xffff;
	[tilespmem:s6+$0x50] =	vst v22;
	v13 =	vmul.f32 v13, v15;
	v14 =	vmul.f32 v14, v15  }
.LBB2_17:
0x280: {  	s7 =	sadd.s32 $0xCC, s18;
	v15 =	vld [tilespmem:s12+$0xFFFFFFC0];
	v16 =	vmov s19;
	[tilespmem:s2+$0xFFFFFFE0] =	vst v12;
	s19 =	smov.u32 s18  }
0x281: {  	v12 =	vmov s7;
	s7 =	sadd.s32 $0xCD, s18;
	v17 =	vld [tilespmem:s12+$0xFFFFFFE0];
	v18 =	vunpack.i.u.bf16.f32 v11;
	v11 =	vunpack.i.l.bf16.f32 v11;
	[tilespmem:s6+$0x30] =	vst v14  }
0x282: {  	v14 =	vmov s7;
	v19 =	vld [tilespmem:s12+$0x20];
	v11 =	vmul.f32 v11, v3;
	v18 =	vmul.f32 v18, v3;
	[tilespmem:s2+$0xFFFFFFF0] =	vst v10;
	v3 =	vmovc v6  }
0x283: {  	v6 =	vand.u32 $0xFFFFFFFC, v12;
	v10 =	vand.u32 $0xFFFFFFFD, v14;
	v12 =	vld [tilespmem:s9+$0xFFFFFFF0];
	[tilespmem:s6+$0x20] =	vst v13  }
0x284: {  	v6 =	vbroadcast v6, $0x0;
	v13 =	vbroadcast v10, $0x0;
	v10 =	vunpack.i.l.bf16.f32 v9;
	[tilespmem:s6+$0xFFFFFFA0] =	vst v11;
	v14 =	vld [tilespmem:s9+$0x30];
	s9 =	smov.u32 s12  }
0x285: {  	v9 =	vunpack.i.u.bf16.f32 v9;
	v11 =	vunpack.i.u.bf16.f32 v15;
	v10 =	vmul.f32 v10, v5;
	v16 =	vld.idx.msk [tilespmem:v16+s28+$0x0], $0xffff;
	[tilespmem:s6+$0xFFFFFFB0] =	vst v18  }
0x286: {  	s7 =	sadd.s32 $0xCE, s18;
	v15 =	vunpack.i.l.bf16.f32 v15;
	v9 =	vmul.f32 v9, v5;
	s6 =	sadd.s32 $0x100, s6;
	v18 =	vunpack.i.u.bf16.f32 v17;
	[tilespmem:s2+$0x60] =	vst v8  }
0x287: {  	s18 =	sadd.s32 $0x4, s18;
	v8 =	vmov s7;
	v17 =	vunpack.i.l.bf16.f32 v17;
	[tilespmem:s6+$0x0] =	vst v10;
	v10 =	vunpack.i.u.bf16.f32 v19  }
0x288: {  	p0 =	slt.u32 s18, $0xC4;
	v15 =	vmul.f32 v15, v3;
	v8 =	vand.u32 $0xFFFFFFFE, v8;
	[tilespmem:s6+$0x10] =	vst v9;
	v9 =	vunpack.i.l.bf16.f32 v19  }
0x289: {  	v19 =	vbroadcast v8, $0x0;
	v8 =	vmul.f32 v11, v3;
	v21 =	vunpack.i.u.bf16.f32 v12;
	v20 =	vld [tilespmem:s12+$0x10];
	[tilespmem:s2+$0x70] =	vst v7;
	s2 =	smov.u32 s13;
	s13 =	smov.u32 s6  }
0x28a: {  	v12 =	vunpack.i.l.bf16.f32 v12;
	v7 =	vmul.f32 v17, v4;
	[tilespmem:s6+$0xFFFFFF80] =	vst v15;
	v15 =	vmul.f32 v18, v4  }
.Ltmp10:
0x28b: {  	v17 =	vmul.f32 v9, v16;
	v18 =	vmul.f32 v10, v16;
	v9 =	vunpack.i.u.bf16.f32 v14;
	v6 =	vld.idx.msk [tilespmem:v6+s28+$0x0], $0xffff;
	[tilespmem:s6+$0xFFFFFF90] =	vst v8;
	(pc) =	sbr.rel @p0 .LBB2_17-.Ltmp10, $4  }
0x28c: {  	v12 =	vmul.f32 v12, v1;
	v10 =	vmul.f32 v21, v1;
	v1 =	vmovc v4;
	v11 =	vld [tilespmem:s12+$0xFFFFFFD0];
	[tilespmem:s6+$0xFFFFFFC0] =	vst v7;
	v7 =	vunpack.i.l.bf16.f32 v14  }
0x28d: {  	s12 =	sadd.s32 $0x80, s12;
	v4 =	vld.idx.msk [tilespmem:v13+s28+$0x0], $0xffff;
	[tilespmem:s6+$0xFFFFFFD0] =	vst v15;
	v8 =	vmul.f32 v7, v2;
	v7 =	vmul.f32 v9, v2;
	v2 =	vmov v16  }
0x28e: {  	v9 =	vld [tilespmem:s12+$0x0];
	v14 =	vunpack.i.u.bf16.f32 v20;
	v13 =	vunpack.i.l.bf16.f32 v20;
	[tilespmem:s6+$0x40] =	vst v17  }
0x28f: {  	s19 =	sadd.s32 $0xCF, s19;
	v13 =	vmul.f32 v13, v5;
	v14 =	vmul.f32 v14, v5;
	v5 =	vld.idx.msk [tilespmem:v19+s28+$0x0], $0xffff;
	[tilespmem:s6+$0x50] =	vst v18  }
0x290: {  	[tilespmem:s2+$0xFFFFFFE0] =	vst v12  }
0x291: {  	[tilespmem:s2+$0xFFFFFFF0] =	vst v10  }
0x292: {  	v38 =	vld [tilespmem:s12+$0xFFFFFFC0];
	[tilespmem:s2+$0x60] =	vst v8  }
0x293: {  	[tilespmem:s2+$0x70] =	vst v7;
	v37 =	vunpack.i.l.bf16.f32 v11  }
0x294: {  	v15 =	vmov s19;
	v40 =	vld [tilespmem:s12+$0xFFFFFFE0];
	[tilespmem:s6+$0x30] =	vst v14;
	v39 =	vunpack.i.u.bf16.f32 v11;
	v12 =	vmul.f32 v37, v3  }
0x295: {  	[tilespmem:s6+$0x20] =	vst v13;
	v3 =	vmul.f32 v39, v3;
	v41 =	vunpack.i.l.bf16.f32 v9  }
0x296: {  	v52 =	vld [tilespmem:s9+$0x30];
	v42 =	vunpack.i.u.bf16.f32 v9;
	[tilespmem:s6+$0xFFFFFFA0] =	vst v12;
	v11 =	vmul.f32 v41, v5  }
0x297: {  	s24 =	sadd.s32 $0x100, s6;
	v45 =	vld [tilespmem:s9+$0xFFFFFFF0];
	[tilespmem:s6+$0xFFFFFFB0] =	vst v3;
	v9 =	vmul.f32 v42, v5;
	v44 =	vunpack.i.l.bf16.f32 v38  }
0x298: {  	v3 =	vld [tilespmem:s12+$0x20];
	v46 =	vunpack.i.u.bf16.f32 v38;
	[tilespmem:s24+$0x0] =	vst v11;
	v12 =	vmul.f32 v44, v6  }
0x299: {  	v43 =	vld.idx.msk [tilespmem:v15+s28+$0x0], $0xffff;
	v47 =	vunpack.i.l.bf16.f32 v40;
	[tilespmem:s24+$0x10] =	vst v9;
	v13 =	vmul.f32 v46, v6  }
0x29a: {  	v49 =	vunpack.i.u.bf16.f32 v40;
	v9 =	vmul.f32 v47, v4;
	[tilespmem:s24+$0xFFFFFF80] =	vst v12  }
0x29b: {  	v59 =	vunpack.i.l.bf16.f32 v52;
	v7 =	vmul.f32 v49, v4;
	v48 =	vld [tilespmem:s12+$0x10];
	[tilespmem:s24+$0xFFFFFF90] =	vst v13  }
0x29c: {  	v51 =	vunpack.i.l.bf16.f32 v45;
	v61 =	vmul.f32 v59, v2;
	[tilespmem:s24+$0xFFFFFFC0] =	vst v9  }
0x29d: {  	[tilespmem:s24+$0xFFFFFFD0] =	vst v7;
	v9 =	vmul.f32 v51, v1;
	v50 =	vunpack.i.l.bf16.f32 v3;
	v12 =	vld [tilespmem:s12+$0xFFFFFFD0]  }
0x29e: {  	[tilespmem:s13+$0x60] =	vst v61;
	v3 =	vunpack.i.u.bf16.f32 v3;
	v10 =	vmul.f32 v50, v43  }
0x29f: {  	v54 =	vunpack.i.u.bf16.f32 v45;
	v3 =	vmul.f32 v3, v43;
	[tilespmem:s13+$0xFFFFFFE0] =	vst v9  }
0x2a0: {  	v1 =	vmul.f32 v54, v1;
	v56 =	vld [tilespmem:s12+$0xFFFFFFF0];
	v53 =	vunpack.i.u.bf16.f32 v48;
	[tilespmem:s24+$0x40] =	vst v10  }
0x2a1: {  	[tilespmem:s24+$0x50] =	vst v3;
	v3 =	vunpack.i.l.bf16.f32 v48;
	v55 =	vmul.f32 v53, v5  }
0x2a2: {  	[tilespmem:s13+$0xFFFFFFF0] =	vst v1;
	v3 =	vmul.f32 v3, v5;
	v1 =	vld [tilespmem:s12+$0x30];
	v57 =	vunpack.i.l.bf16.f32 v12  }
0x2a3: {  	v58 =	vunpack.i.u.bf16.f32 v12;
	[tilespmem:s24+$0x30] =	vst v55;
	v5 =	vmul.f32 v57, v6  }
0x2a4: {  	v60 =	vmul.f32 v58, v6;
	[tilespmem:s24+$0x20] =	vst v3;
	v3 =	vunpack.i.u.bf16.f32 v52  }
0x2a5: {  	v2 =	vmul.f32 v3, v2;
	v3 =	vunpack.i.l.bf16.f32 v56;
	[tilespmem:s24+$0xFFFFFFA0] =	vst v5  }
0x2a6: {  	v62 =	vunpack.i.u.bf16.f32 v56;
	[tilespmem:s24+$0xFFFFFFB0] =	vst v60;
	v3 =	vmul.f32 v3, v4  }
0x2a7: {  	[tilespmem:s13+$0x70] =	vst v2;
	v2 =	vmul.f32 v62, v4;
	v63 =	vunpack.i.l.bf16.f32 v1  }
0x2a8: {  	v1 =	vunpack.i.u.bf16.f32 v1;
	v4 =	vmul.f32 v63, v43;
	[tilespmem:s24+$0xFFFFFFE0] =	vst v3  }
0x2a9: {  	v1 =	vmul.f32 v1, v43;
	[tilespmem:s24+$0xFFFFFFF0] =	vst v2  }
0x2aa: {  	[tilespmem:s24+$0x60] =	vst v4  }
0x2ab: {  	s26 =	simm.s32 $0x258;
	[tilespmem:s24+$0x70] =	vst v1  }
0x2ac: {  	[tilespmem:s31], [sflag:$0x2] =	stream.indirect.gather [hbm4b:s16+s29], $0x20, s26, s29, $0xb8;
	[tilespmem:$0x1D970] =	vst v63  }
0x2ad: {  	s30 =	simm.s32 $0x27D8;
	s9 =	simm.s32 $0x0;
	s24 =	simm.s32 $0x1  }
0x2ae: {  	[spmem:s1] =	stream.indirect.scatter.add.f32 [tilespmem:s14], [sflag:$0x4], $0x40, s30, s29, $0xb8;
	[tilespmem:$0x1D970] =	vst v63  }
.LBB2_19:
0x2af: {  	s6 =	sadd.s32 $0xFFFFFFFC, s9  }
0x2b0: {  	s2 =	sadd.s32 $0x196, s6  }
0x2b1: {  	v1 =	vmov s2  }
0x2b2: {  	_ =	swait.ge [sflag:s0], $0x1900;
	v1 =	vand.u32 $0xFFFFFFFE, v1  }
0x2b3: {  	[sflag:s0] =	ssyncset.done $0x0;
	s13 =	sadd.s32 $0x194, s6;
	v1 =	vbroadcast v1, $0x0  }
0x2b4: {  	s7 =	sadd.s32 $0x195, s6;
	[sflag:s0] =	ssyncadd.s32 $0xFFFFE700;
	v2 =	vmov s13  }
0x2b5: {  	v3 =	vmov s7;
	_ =	swait.ge [sflag:s15], $0x3200;
	v2 =	vand.u32 $0xFFFFFFFC, v2  }
0x2b6: {  	v3 =	vand.u32 $0xFFFFFFFD, v3;
	[sflag:s15] =	ssyncset.done $0x0;
	v2 =	vbroadcast v2, $0x0  }
0x2b7: {  	s18 =	sadd.s32 $0x0, s9;
	s2 =	simm.s32 $0x7570;
	v3 =	vbroadcast v3, $0x0;
	[sflag:s15] =	ssyncadd.s32 $0xFFFFCE00  }
0x2b8: {  	s8 =	sadd.s32 $0x196, s18;
	v4 =	vld [tilespmem:s2+$0x0]  }
0x2b9: {  	s6 =	sadd.s32 $0x197, s6;
	v5 =	vmov s8;
	v1 =	vld.idx.msk [tilespmem:v1+s28+$0x0], $0xffff  }
0x2ba: {  	v6 =	vmov s6;
	v5 =	vand.u32 $0xFFFFFFFE, v5;
	v7 =	vld [tilespmem:s2+$0xFFFFFFC0]  }
0x2bb: {  	v5 =	vbroadcast v5, $0x0;
	v8 =	vld [tilespmem:s2+$0xFFFFFFE0]  }
0x2bc: {  	v11 =	vld.idx.msk [tilespmem:v2+s28+$0x0], $0xffff  }
0x2bd: {  	v12 =	vld.idx.msk [tilespmem:v3+s28+$0x0], $0xffff;
	v2 =	vunpack.i.l.bf16.f32 v4  }
0x2be: {  	s19 =	sadd.s32 $0x194, s18;
	s30 =	sadd.s32 $0x197, s18;
	v9 =	vld [tilespmem:s2+$0x20];
	v3 =	vunpack.i.u.bf16.f32 v4;
	v2 =	vmul.f32 v2, v1  }
0x2bf: {  	s12 =	simm.s32 $0x75F0;
	s13 =	simm.s32 $0xA7B0;
	v15 =	vmov s30;
	v18 =	vld.idx.msk [tilespmem:v6+s28+$0x0], $0xffff;
	v4 =	vmov s19;
	v3 =	vmul.f32 v3, v1  }
0x2c0: {  	v6 =	vld [tilespmem:s12+$0x0];
	v10 =	vunpack.i.l.bf16.f32 v7;
	v13 =	vunpack.i.u.bf16.f32 v8;
	v4 =	vand.u32 $0xFFFFFFFC, v4;
	[tilespmem:s13+$0x0] =	vst v2  }
0x2c1: {  	s26 =	sadd.s32 $0x195, s18;
	v8 =	vunpack.i.l.bf16.f32 v8;
	v10 =	vmul.f32 v10, v11;
	[tilespmem:s13+$0x10] =	vst v3;
	v3 =	vbroadcast v4, $0x0;
	v4 =	vld.idx.msk [tilespmem:v5+s28+$0x0], $0xffff  }
0x2c2: {  	s5 =	sadd.s32 $0x4, s9;
	v8 =	vmul.f32 v8, v12;
	v2 =	vmov s26;
	v5 =	vunpack.i.u.bf16.f32 v7;
	v7 =	vld [tilespmem:s2+$0x10]  }
0x2c3: {  	s30 =	sadd.s32 $0x195, s5;
	v14 =	vunpack.i.u.bf16.f32 v9;
	v13 =	vmul.f32 v13, v12;
	[tilespmem:s13+$0xFFFFFF80] =	vst v10;
	v2 =	vand.u32 $0xFFFFFFFD, v2  }
0x2c4: {  	v20 =	vmov s30;
	v14 =	vmul.f32 v14, v18;
	v10 =	vld [tilespmem:s12+$0xFFFFFFC0];
	[tilespmem:s13+$0xFFFFFFC0] =	vst v8;
	v2 =	vbroadcast v2, $0x0  }
0x2c5: {  	v20 =	vand.u32 $0xFFFFFFFD, v20;
	v9 =	vunpack.i.l.bf16.f32 v9;
	v8 =	vld [tilespmem:s12+$0x20];
	[tilespmem:s13+$0xFFFFFFD0] =	vst v13  }
0x2c6: {  	v16 =	vunpack.i.l.bf16.f32 v6;
	v6 =	vunpack.i.u.bf16.f32 v6;
	[tilespmem:s13+$0x50] =	vst v14;
	v5 =	vmul.f32 v5, v11;
	v14 =	vld [tilespmem:s2+$0xFFFFFFF0]  }
0x2c7: {  	s18 =	sadd.s32 $0x196, s5;
	v16 =	vmul.f32 v16, v4;
	v6 =	vmul.f32 v6, v4;
	v17 =	vunpack.i.u.bf16.f32 v7;
	v3 =	vld.idx.msk [tilespmem:v3+s28+$0x0], $0xffff  }
0x2c8: {  	s19 =	simm.s32 $0xA8B0;
	[tilespmem:s13+$0xFFFFFF90] =	vst v5;
	v5 =	vld [tilespmem:s12+$0xFFFFFFE0];
	v7 =	vunpack.i.l.bf16.f32 v7;
	v13 =	vmul.f32 v17, v1;
	v17 =	vmov s18  }
0x2c9: {  	v9 =	vmul.f32 v9, v18;
	[tilespmem:s19+$0x0] =	vst v16;
	v7 =	vmul.f32 v7, v1;
	v1 =	vld.idx.msk [tilespmem:v15+s28+$0x0], $0xffff;
	v15 =	vand.u32 $0xFFFFFFFE, v17  }
0x2ca: {  	v20 =	vbroadcast v20, $0x0;
	[tilespmem:s19+$0x10] =	vst v6;
	v2 =	vld.idx.msk [tilespmem:v2+s28+$0x0], $0xffff;
	v15 =	vbroadcast v15, $0x0  }
0x2cb: {  	[tilespmem:s13+$0x40] =	vst v9;
	s26 =	sadd.s32 $0x194, s5;
	v19 =	vunpack.i.u.bf16.f32 v8;
	v24 =	vunpack.i.u.bf16.f32 v14;
	v6 =	vunpack.i.l.bf16.f32 v10;
	v17 =	vld [tilespmem:s12+$0x10]  }
0x2cc: {  	v9 =	vld [tilespmem:s2+$0xFFFFFFD0];
	v16 =	vunpack.i.u.bf16.f32 v10;
	[tilespmem:s13+$0x30] =	vst v13;
	v13 =	vmov s26;
	v6 =	vmul.f32 v6, v3  }
0x2cd: {  	v10 =	vunpack.i.u.bf16.f32 v5;
	[tilespmem:s13+$0x20] =	vst v7;
	v13 =	vand.u32 $0xFFFFFFFC, v13;
	v16 =	vmul.f32 v16, v3  }
0x2ce: {  	s6 =	sadd.s32 $0x197, s5;
	v22 =	vld [tilespmem:s2+$0x30];
	s18 =	simm.s32 $0x7670;
	v5 =	vunpack.i.l.bf16.f32 v5;
	v21 =	vbroadcast v13, $0x0;
	v19 =	vmul.f32 v19, v1;
	[tilespmem:s19+$0xFFFFFF80] =	vst v6  }
0x2cf: {  	v7 =	vmov s6;
	v13 =	vld [tilespmem:s18+$0x0];
	v5 =	vmul.f32 v5, v2;
	v6 =	vunpack.i.l.bf16.f32 v8;
	[tilespmem:s19+$0xFFFFFF90] =	vst v16  }
0x2d0: {  	v8 =	vmul.f32 v10, v2;
	v10 =	vunpack.i.u.bf16.f32 v17;
	v23 =	vmul.f32 v6, v1;
	[tilespmem:s19+$0x50] =	vst v19;
	v6 =	vld.idx.msk [tilespmem:v15+s28+$0x0], $0xffff  }
0x2d1: {  	v16 =	vunpack.i.u.bf16.f32 v9;
	v9 =	vunpack.i.l.bf16.f32 v9;
	v25 =	vunpack.i.l.bf16.f32 v17;
	[tilespmem:s19+$0xFFFFFFC0] =	vst v5;
	v15 =	vld [tilespmem:s18+$0xFFFFFFC0]  }
0x2d2: {  	v26 =	vmul.f32 v9, v11;
	v5 =	vmul.f32 v10, v4;
	[tilespmem:s19+$0xFFFFFFD0] =	vst v8;
	v8 =	vunpack.i.l.bf16.f32 v14;
	v10 =	vld [tilespmem:s18+$0xFFFFFFE0]  }
0x2d3: {  	v17 =	vmul.f32 v16, v11;
	v9 =	vunpack.i.l.bf16.f32 v22;
	v16 =	vmul.f32 v8, v12;
	v8 =	vld [tilespmem:s18+$0x20];
	[tilespmem:s19+$0x40] =	vst v23  }
0x2d4: {  	v14 =	vmul.f32 v24, v12;
	v12 =	vmul.f32 v25, v4;
	[tilespmem:s19+$0x30] =	vst v5;
	v5 =	vunpack.i.u.bf16.f32 v22;
	v4 =	vld.idx.msk [tilespmem:v21+s28+$0x0], $0xffff  }
0x2d5: {  	s2 =	smul.u32 $0x190, s24;
	s26 =	simm.s32 $0x8;
	s6 =	simm.s32 $0xA8B0;
	v11 =	vmul.f32 v9, v18;
	[tilespmem:s13+$0xFFFFFFA0] =	vst v26;
	v9 =	vmul.f32 v5, v18;
	v5 =	vld.idx.msk [tilespmem:v20+s28+$0x0], $0xffff;
	v18 =	vunpack.i.l.bf16.f32 v13  }
.LBB2_20:
0x2d6: {  	s7 =	sadd.s32 s26, s9;
	v19 =	vunpack.i.u.bf16.f32 v15;
	v13 =	vunpack.i.u.bf16.f32 v13;
	v18 =	vmul.f32 v18, v6;
	v20 =	vld.idx.msk [tilespmem:v7+s28+$0x0], $0xffff;
	[tilespmem:s13+$0xFFFFFFB0] =	vst v17;
	v21 =	vmovc v6  }
0x2d7: {  	s26 =	sadd.s32 $0x4, s26;
	v6 =	vunpack.i.l.bf16.f32 v15;
	s19 =	sadd.s32 $0x100, s19;
	s8 =	sadd.s32 $0x196, s7;
	v15 =	vunpack.i.u.bf16.f32 v10;
	v7 =	vmul.f32 v13, v21;
	v13 =	vld [tilespmem:s12+$0xFFFFFFD0];
	[tilespmem:s13+$0xFFFFFFE0] =	vst v16  }
0x2d8: {  	s30 =	sadd.s32 $0x194, s7;
	s5 =	sadd.s32 $0x195, s7;
	p0 =	slt.u32 s26, $0xC4;
	v10 =	vunpack.i.l.bf16.f32 v10;
	v16 =	vmov s8;
	[tilespmem:s19+$0x0] =	vst v18;
	v17 =	vunpack.i.u.bf16.f32 v8;
	v18 =	vld [tilespmem:s12+$0xFFFFFFF0]  }
0x2d9: {  	v22 =	vmov s30;
	v23 =	vmov s5;
	s5 =	sadd.s32 $0x197, s7;
	v16 =	vand.u32 $0xFFFFFFFE, v16;
	[tilespmem:s19+$0x10] =	vst v7;
	v24 =	vld [tilespmem:s12+$0x30];
	s12 =	smov.u32 s18  }
0x2da: {  	v7 =	vand.u32 $0xFFFFFFFC, v22;
	v22 =	vand.u32 $0xFFFFFFFD, v23;
	v16 =	vbroadcast v16, $0x0;
	v23 =	vld [tilespmem:s18+$0x10];
	[tilespmem:s13+$0xFFFFFFF0] =	vst v14  }
0x2db: {  	v25 =	vbroadcast v7, $0x0;
	v22 =	vbroadcast v22, $0x0;
	v7 =	vmov s5;
	[tilespmem:s6+$0x20] =	vst v12  }
0x2dc: {  	v8 =	vunpack.i.l.bf16.f32 v8;
	v6 =	vmul.f32 v6, v4;
	v12 =	vmul.f32 v19, v4;
	[tilespmem:s13+$0x60] =	vst v11  }
0x2dd: {  	v10 =	vmul.f32 v10, v5;
	v11 =	vmul.f32 v15, v5;
	v14 =	vunpack.i.u.bf16.f32 v13;
	[tilespmem:s13+$0x70] =	vst v9;
	s13 =	smov.u32 s6;
	s6 =	smov.u32 s19  }
0x2de: {  	s18 =	sadd.s32 $0x80, s18;
	v19 =	vmul.f32 v17, v20;
	v9 =	vmul.f32 v8, v20;
	v8 =	vunpack.i.l.bf16.f32 v13;
	[tilespmem:s19+$0xFFFFFF80] =	vst v6  }
0x2df: {  	v26 =	vunpack.i.u.bf16.f32 v18;
	v18 =	vunpack.i.l.bf16.f32 v18;
	v13 =	vld [tilespmem:s18+$0x0];
	[tilespmem:s19+$0xFFFFFF90] =	vst v12;
	v12 =	vunpack.i.u.bf16.f32 v23  }
0x2e0: {  	v27 =	vunpack.i.u.bf16.f32 v24;
	v23 =	vunpack.i.l.bf16.f32 v23;
	v6 =	vld.idx.msk [tilespmem:v16+s28+$0x0], $0xffff;
	[tilespmem:s19+$0xFFFFFFC0] =	vst v10;
	v12 =	vmul.f32 v12, v21  }
.Ltmp11:
0x2e1: {  	v17 =	vmul.f32 v14, v3;
	v28 =	vmul.f32 v8, v3;
	v3 =	vmovc v4;
	v15 =	vld [tilespmem:s18+$0xFFFFFFC0];
	[tilespmem:s19+$0xFFFFFFD0] =	vst v11;
	v11 =	vunpack.i.l.bf16.f32 v24;
	(pc) =	sbr.rel @p0 .LBB2_20-.Ltmp11, $4  }
0x2e2: {  	v14 =	vmul.f32 v26, v2;
	v16 =	vmul.f32 v18, v2;
	v2 =	vmov v5;
	v10 =	vld [tilespmem:s18+$0xFFFFFFE0];
	[tilespmem:s19+$0x30] =	vst v12  }
0x2e3: {  	v12 =	vmul.f32 v23, v21;
	v11 =	vmul.f32 v11, v1;
	v8 =	vld [tilespmem:s18+$0x20];
	[tilespmem:s19+$0x40] =	vst v9  }
0x2e4: {  	v9 =	vmul.f32 v27, v1;
	v1 =	vmov v20;
	v4 =	vld.idx.msk [tilespmem:v25+s28+$0x0], $0xffff;
	[tilespmem:s19+$0x50] =	vst v19  }
0x2e5: {  	v18 =	vunpack.i.l.bf16.f32 v13;
	v5 =	vld.idx.msk [tilespmem:v22+s28+$0x0], $0xffff;
	[tilespmem:s13+$0xFFFFFFA0] =	vst v28  }
0x2e6: {  	[tilespmem:s13+$0xFFFFFFB0] =	vst v17  }
0x2e7: {  	v13 =	vunpack.i.u.bf16.f32 v13;
	v18 =	vmul.f32 v18, v6;
	[tilespmem:s13+$0xFFFFFFE0] =	vst v16  }
0x2e8: {  	s19 =	sadd.s32 $0x100, s19;
	[tilespmem:s13+$0xFFFFFFF0] =	vst v14;
	v13 =	vmul.f32 v13, v6  }
0x2e9: {  	[tilespmem:s19+$0x0] =	vst v18  }
0x2ea: {  	v7 =	vld.idx.msk [tilespmem:v7+s28+$0x0], $0xffff;
	[tilespmem:s19+$0x10] =	vst v13  }
0x2eb: {  	v14 =	vunpack.i.l.bf16.f32 v15;
	[tilespmem:s6+$0x20] =	vst v12;
	v13 =	vld [tilespmem:s18+$0x10]  }
0x2ec: {  	v12 =	vunpack.i.u.bf16.f32 v15;
	[tilespmem:s13+$0x60] =	vst v11;
	v14 =	vmul.f32 v14, v4  }
0x2ed: {  	v11 =	vld [tilespmem:s12+$0xFFFFFFD0];
	[tilespmem:s13+$0x70] =	vst v9;
	v15 =	vunpack.i.l.bf16.f32 v10;
	v12 =	vmul.f32 v12, v4  }
0x2ee: {  	v9 =	vunpack.i.u.bf16.f32 v10;
	v10 =	vmul.f32 v15, v5;
	[tilespmem:s19+$0xFFFFFF80] =	vst v14  }
0x2ef: {  	v9 =	vmul.f32 v9, v5;
	v15 =	vunpack.i.l.bf16.f32 v8;
	v8 =	vunpack.i.u.bf16.f32 v8;
	v14 =	vld [tilespmem:s12+$0xFFFFFFF0];
	[tilespmem:s19+$0xFFFFFF90] =	vst v12  }
0x2f0: {  	v8 =	vmul.f32 v8, v7;
	[tilespmem:s19+$0xFFFFFFC0] =	vst v10;
	v12 =	vunpack.i.u.bf16.f32 v13  }
0x2f1: {  	[tilespmem:s19+$0xFFFFFFD0] =	vst v9;
	v10 =	vmul.f32 v12, v6  }
0x2f2: {  	v9 =	vld [tilespmem:s12+$0x30];
	[tilespmem:s19+$0x50] =	vst v8;
	v12 =	vmul.f32 v15, v7;
	v15 =	vunpack.i.l.bf16.f32 v11  }
0x2f3: {  	[tilespmem:s19+$0x30] =	vst v10;
	v10 =	vunpack.i.u.bf16.f32 v11;
	v11 =	vmul.f32 v15, v3  }
0x2f4: {  	v8 =	vld [tilespmem:s18+$0xFFFFFFD0];
	[tilespmem:s19+$0x40] =	vst v12;
	v12 =	vunpack.i.l.bf16.f32 v14;
	v3 =	vmul.f32 v10, v3  }
0x2f5: {  	v10 =	vunpack.i.u.bf16.f32 v14;
	v12 =	vmul.f32 v12, v2;
	[tilespmem:s6+$0xFFFFFFA0] =	vst v11  }
0x2f6: {  	v11 =	vunpack.i.l.bf16.f32 v13;
	v2 =	vmul.f32 v10, v2;
	[tilespmem:s6+$0xFFFFFFB0] =	vst v3;
	v3 =	vld [tilespmem:s18+$0xFFFFFFF0]  }
0x2f7: {  	v10 =	vunpack.i.l.bf16.f32 v9;
	v6 =	vmul.f32 v11, v6;
	[tilespmem:s6+$0xFFFFFFE0] =	vst v12  }
0x2f8: {  	v9 =	vunpack.i.u.bf16.f32 v9;
	v10 =	vmul.f32 v10, v1;
	v11 =	vld [tilespmem:s18+$0x30];
	[tilespmem:s6+$0xFFFFFFF0] =	vst v2  }
0x2f9: {  	v1 =	vmul.f32 v9, v1;
	v2 =	vunpack.i.l.bf16.f32 v8;
	[tilespmem:s19+$0x20] =	vst v6  }
0x2fa: {  	[tilespmem:s6+$0x60] =	vst v10;
	v6 =	vunpack.i.u.bf16.f32 v8;
	v2 =	vmul.f32 v2, v4  }
0x2fb: {  	[tilespmem:s6+$0x70] =	vst v1;
	v4 =	vmul.f32 v6, v4;
	v1 =	vunpack.i.l.bf16.f32 v3  }
0x2fc: {  	[tilespmem:s19+$0xFFFFFFA0] =	vst v2;
	v3 =	vunpack.i.u.bf16.f32 v3;
	v1 =	vmul.f32 v1, v5  }
0x2fd: {  	p0 =	seq.s32 s24, $0x18;
	v2 =	vunpack.i.l.bf16.f32 v11;
	[tilespmem:s19+$0xFFFFFFB0] =	vst v4;
	v3 =	vmul.f32 v3, v5  }
0x2fe: {  	s5 =	smul.u32 @!p0 $0x640, s24;
	v4 =	vunpack.i.u.bf16.f32 v11;
	v2 =	vmul.f32 v2, v7;
	[tilespmem:s19+$0xFFFFFFE0] =	vst v1  }
0x2ff: {  	v1 =	vmul.f32 v4, v7;
	[tilespmem:s19+$0xFFFFFFF0] =	vst v3  }
0x300: {  	s30 =	sadd.s32 $0xFFFFFFFC, s9;
	s5 =	sshra.s32 @!p0 s5, $0x2;
	[tilespmem:s19+$0x60] =	vst v2  }
0x301: {  	s7 =	simm.s32 @!p0 $0x7530;
	s5 =	sadd.s32 @!p0 $0x190, s5;
	s6 =	simm.s32 @!p0 $0xC8;
	[tilespmem:s19+$0x70] =	vst v1  }
0x302: {  	[tilespmem:s7], [sflag:$0x1] =	stream.indirect.gather @!p0 [hbm4b:s16+s6], $0x20, s5, s6, $0xb8;
	[tilespmem:$0x1D970] =	vst v63  }
0x303: {  	s8 =	sadd.s32 $0x2710, s2;
	s12 =	sadd.s32 $0x25E, s30  }
0x304: {  	v1 =	vmov s12;
	[spmem:s1] =	stream.indirect.scatter.add.f32 [tilespmem:s10], [sflag:$0x3], $0x40, s8, s29, $0xb8;
	[tilespmem:$0x1D970] =	vst v63  }
0x305: {  	v1 =	vand.u32 $0xFFFFFFFE, v1;
	_ =	swait.ge [sflag:s11], $0x1900  }
0x306: {  	s13 =	sadd.s32 $0x25C, s30;
	v1 =	vbroadcast v1, $0x0;
	[sflag:s11] =	ssyncset.done $0x0  }
0x307: {  	s18 =	sadd.s32 $0x25D, s30;
	v2 =	vmov s13;
	[sflag:s11] =	ssyncadd.s32 $0xFFFFE700  }
0x308: {  	v3 =	vmov s18;
	v2 =	vand.u32 $0xFFFFFFFC, v2;
	_ =	swait.ge [sflag:s17], $0x3200  }
0x309: {  	v3 =	vand.u32 $0xFFFFFFFD, v3;
	v2 =	vbroadcast v2, $0x0;
	[sflag:s17] =	ssyncset.done $0x0  }
0x30a: {  	s19 =	sadd.s32 $0x0, s9;
	v3 =	vbroadcast v3, $0x0;
	s6 =	simm.s32 $0x8E70;
	[sflag:s17] =	ssyncadd.s32 $0xFFFFCE00  }
0x30b: {  	s8 =	sadd.s32 $0x25E, s19;
	v4 =	vld [tilespmem:s6+$0x0]  }
0x30c: {  	s5 =	sadd.s32 $0x25F, s30;
	v5 =	vmov s8;
	v1 =	vld.idx.msk [tilespmem:v1+s28+$0x0], $0xffff  }
0x30d: {  	v6 =	vmov s5;
	v5 =	vand.u32 $0xFFFFFFFE, v5;
	v7 =	vld [tilespmem:s6+$0xFFFFFFC0]  }
0x30e: {  	v5 =	vbroadcast v5, $0x0;
	v8 =	vld [tilespmem:s6+$0xFFFFFFE0]  }
0x30f: {  	v11 =	vld.idx.msk [tilespmem:v2+s28+$0x0], $0xffff  }
0x310: {  	v12 =	vld.idx.msk [tilespmem:v3+s28+$0x0], $0xffff;
	v2 =	vunpack.i.l.bf16.f32 v4  }
0x311: {  	s26 =	sadd.s32 $0x25C, s19;
	v9 =	vld [tilespmem:s6+$0x20];
	v3 =	vunpack.i.u.bf16.f32 v4;
	v2 =	vmul.f32 v2, v1  }
0x312: {  	s13 =	simm.s32 $0xD9B0;
	s12 =	simm.s32 $0x8EF0;
	v18 =	vld.idx.msk [tilespmem:v6+s28+$0x0], $0xffff;
	v4 =	vmov s26;
	v3 =	vmul.f32 v3, v1  }
0x313: {  	v6 =	vld [tilespmem:s12+$0x0];
	v10 =	vunpack.i.l.bf16.f32 v7;
	v13 =	vunpack.i.u.bf16.f32 v8;
	v4 =	vand.u32 $0xFFFFFFFC, v4;
	[tilespmem:s13+$0x0] =	vst v2  }
0x314: {  	s30 =	sadd.s32 $0x25D, s19;
	v8 =	vunpack.i.l.bf16.f32 v8;
	v10 =	vmul.f32 v10, v11;
	[tilespmem:s13+$0x10] =	vst v3;
	v3 =	vbroadcast v4, $0x0;
	v4 =	vld.idx.msk [tilespmem:v5+s28+$0x0], $0xffff  }
0x315: {  	v8 =	vmul.f32 v8, v12;
	v2 =	vmov s30;
	v5 =	vunpack.i.u.bf16.f32 v7;
	v7 =	vld [tilespmem:s6+$0x10]  }
0x316: {  	s8 =	sadd.s32 $0x25F, s19;
	v14 =	vunpack.i.u.bf16.f32 v9;
	v13 =	vmul.f32 v13, v12;
	[tilespmem:s13+$0xFFFFFF80] =	vst v10;
	v2 =	vand.u32 $0xFFFFFFFD, v2  }
0x317: {  	s5 =	sadd.s32 $0x4, s9;
	v15 =	vmov s8;
	v14 =	vmul.f32 v14, v18;
	v10 =	vld [tilespmem:s12+$0xFFFFFFC0];
	[tilespmem:s13+$0xFFFFFFC0] =	vst v8;
	v2 =	vbroadcast v2, $0x0  }
0x318: {  	v9 =	vunpack.i.l.bf16.f32 v9;
	v16 =	vunpack.i.l.bf16.f32 v6;
	v6 =	vunpack.i.u.bf16.f32 v6;
	v8 =	vld [tilespmem:s12+$0x20];
	[tilespmem:s13+$0xFFFFFFD0] =	vst v13;
	s30 =	sadd.s32 $0x25D, s5  }
0x319: {  	v9 =	vmul.f32 v9, v18;
	[tilespmem:s13+$0x50] =	vst v14;
	v5 =	vmul.f32 v5, v11;
	v14 =	vld [tilespmem:s6+$0xFFFFFFF0];
	v20 =	vmov s30  }
0x31a: {  	s18 =	sadd.s32 $0x25E, s5;
	v16 =	vmul.f32 v16, v4;
	v6 =	vmul.f32 v6, v4;
	v17 =	vunpack.i.u.bf16.f32 v7;
	v3 =	vld.idx.msk [tilespmem:v3+s28+$0x0], $0xffff  }
0x31b: {  	s19 =	simm.s32 $0xDAB0;
	[tilespmem:s13+$0xFFFFFF90] =	vst v5;
	v5 =	vld [tilespmem:s12+$0xFFFFFFE0];
	v7 =	vunpack.i.l.bf16.f32 v7;
	v13 =	vmul.f32 v17, v1;
	v17 =	vmov s18  }
0x31c: {  	v20 =	vand.u32 $0xFFFFFFFD, v20;
	[tilespmem:s19+$0x0] =	vst v16;
	v7 =	vmul.f32 v7, v1;
	v1 =	vld.idx.msk [tilespmem:v15+s28+$0x0], $0xffff;
	v15 =	vand.u32 $0xFFFFFFFE, v17  }
0x31d: {  	v20 =	vbroadcast v20, $0x0;
	[tilespmem:s19+$0x10] =	vst v6;
	v2 =	vld.idx.msk [tilespmem:v2+s28+$0x0], $0xffff;
	v15 =	vbroadcast v15, $0x0  }
0x31e: {  	s26 =	sadd.s32 $0x25C, s5;
	[tilespmem:s13+$0x40] =	vst v9;
	v19 =	vunpack.i.u.bf16.f32 v8;
	v24 =	vunpack.i.u.bf16.f32 v14;
	v6 =	vunpack.i.l.bf16.f32 v10;
	v17 =	vld [tilespmem:s12+$0x10]  }
0x31f: {  	v9 =	vld [tilespmem:s6+$0xFFFFFFD0];
	v16 =	vunpack.i.u.bf16.f32 v10;
	[tilespmem:s13+$0x30] =	vst v13;
	v13 =	vmov s26;
	v6 =	vmul.f32 v6, v3  }
0x320: {  	v10 =	vunpack.i.u.bf16.f32 v5;
	[tilespmem:s13+$0x20] =	vst v7;
	v13 =	vand.u32 $0xFFFFFFFC, v13;
	v16 =	vmul.f32 v16, v3  }
0x321: {  	s5 =	sadd.s32 $0x25F, s5;
	v22 =	vld [tilespmem:s6+$0x30];
	s18 =	simm.s32 $0x8F70;
	v5 =	vunpack.i.l.bf16.f32 v5;
	v21 =	vbroadcast v13, $0x0;
	v19 =	vmul.f32 v19, v1;
	[tilespmem:s19+$0xFFFFFF80] =	vst v6  }
0x322: {  	v7 =	vmov s5;
	v13 =	vld [tilespmem:s18+$0x0];
	v5 =	vmul.f32 v5, v2;
	v6 =	vunpack.i.l.bf16.f32 v8;
	[tilespmem:s19+$0xFFFFFF90] =	vst v16  }
0x323: {  	v8 =	vmul.f32 v10, v2;
	v10 =	vunpack.i.u.bf16.f32 v17;
	v23 =	vmul.f32 v6, v1;
	[tilespmem:s19+$0x50] =	vst v19;
	v6 =	vld.idx.msk [tilespmem:v15+s28+$0x0], $0xffff  }
0x324: {  	v16 =	vunpack.i.u.bf16.f32 v9;
	v9 =	vunpack.i.l.bf16.f32 v9;
	v25 =	vunpack.i.l.bf16.f32 v17;
	[tilespmem:s19+$0xFFFFFFC0] =	vst v5;
	v15 =	vld [tilespmem:s18+$0xFFFFFFC0]  }
0x325: {  	v26 =	vmul.f32 v9, v11;
	v5 =	vmul.f32 v10, v4;
	[tilespmem:s19+$0xFFFFFFD0] =	vst v8;
	v8 =	vunpack.i.l.bf16.f32 v14;
	v10 =	vld [tilespmem:s18+$0xFFFFFFE0]  }
0x326: {  	v17 =	vmul.f32 v16, v11;
	v9 =	vunpack.i.l.bf16.f32 v22;
	v16 =	vmul.f32 v8, v12;
	v8 =	vld [tilespmem:s18+$0x20];
	[tilespmem:s19+$0x40] =	vst v23  }
0x327: {  	v14 =	vmul.f32 v24, v12;
	v12 =	vmul.f32 v25, v4;
	[tilespmem:s19+$0x30] =	vst v5;
	v5 =	vunpack.i.u.bf16.f32 v22;
	v4 =	vld.idx.msk [tilespmem:v21+s28+$0x0], $0xffff  }
0x328: {  	s2 =	sadd.s32 $0xC8, s2;
	s6 =	simm.s32 $0xDAB0;
	s26 =	simm.s32 $0x8;
	v11 =	vmul.f32 v9, v18;
	[tilespmem:s13+$0xFFFFFFA0] =	vst v26;
	v9 =	vmul.f32 v5, v18;
	v5 =	vld.idx.msk [tilespmem:v20+s28+$0x0], $0xffff;
	v18 =	vunpack.i.l.bf16.f32 v13  }
.LBB2_22:
0x329: {  	s5 =	sadd.s32 s26, s9;
	v19 =	vunpack.i.u.bf16.f32 v15;
	v13 =	vunpack.i.u.bf16.f32 v13;
	v18 =	vmul.f32 v18, v6;
	v20 =	vld.idx.msk [tilespmem:v7+s28+$0x0], $0xffff;
	[tilespmem:s13+$0xFFFFFFB0] =	vst v17;
	v21 =	vmovc v6  }
0x32a: {  	s26 =	sadd.s32 $0x4, s26;
	v6 =	vunpack.i.l.bf16.f32 v15;
	s19 =	sadd.s32 $0x100, s19;
	s7 =	sadd.s32 $0x25E, s5;
	v15 =	vunpack.i.u.bf16.f32 v10;
	v7 =	vmul.f32 v13, v21;
	v13 =	vld [tilespmem:s12+$0xFFFFFFD0];
	[tilespmem:s13+$0xFFFFFFE0] =	vst v16  }
0x32b: {  	s8 =	sadd.s32 $0x25C, s5;
	s30 =	sadd.s32 $0x25D, s5;
	p1 =	slt.u32 s26, $0xC4;
	v10 =	vunpack.i.l.bf16.f32 v10;
	v16 =	vmov s7;
	[tilespmem:s19+$0x0] =	vst v18;
	v17 =	vunpack.i.u.bf16.f32 v8;
	v18 =	vld [tilespmem:s12+$0xFFFFFFF0]  }
0x32c: {  	s5 =	sadd.s32 $0x25F, s5;
	v22 =	vmov s8;
	v23 =	vmov s30;
	v16 =	vand.u32 $0xFFFFFFFE, v16;
	[tilespmem:s19+$0x10] =	vst v7;
	v24 =	vld [tilespmem:s12+$0x30];
	s12 =	smov.u32 s18  }
0x32d: {  	v7 =	vand.u32 $0xFFFFFFFC, v22;
	v22 =	vand.u32 $0xFFFFFFFD, v23;
	v16 =	vbroadcast v16, $0x0;
	v23 =	vld [tilespmem:s18+$0x10];
	[tilespmem:s13+$0xFFFFFFF0] =	vst v14  }
0x32e: {  	v25 =	vbroadcast v7, $0x0;
	v22 =	vbroadcast v22, $0x0;
	v7 =	vmov s5;
	[tilespmem:s6+$0x20] =	vst v12  }
0x32f: {  	v8 =	vunpack.i.l.bf16.f32 v8;
	v6 =	vmul.f32 v6, v4;
	v12 =	vmul.f32 v19, v4;
	[tilespmem:s13+$0x60] =	vst v11  }
0x330: {  	v10 =	vmul.f32 v10, v5;
	v11 =	vmul.f32 v15, v5;
	v14 =	vunpack.i.u.bf16.f32 v13;
	[tilespmem:s13+$0x70] =	vst v9;
	s13 =	smov.u32 s6;
	s6 =	smov.u32 s19  }
0x331: {  	s18 =	sadd.s32 $0x80, s18;
	v19 =	vmul.f32 v17, v20;
	v9 =	vmul.f32 v8, v20;
	v8 =	vunpack.i.l.bf16.f32 v13;
	[tilespmem:s19+$0xFFFFFF80] =	vst v6  }
0x332: {  	v26 =	vunpack.i.u.bf16.f32 v18;
	v18 =	vunpack.i.l.bf16.f32 v18;
	v13 =	vld [tilespmem:s18+$0x0];
	[tilespmem:s19+$0xFFFFFF90] =	vst v12;
	v12 =	vunpack.i.u.bf16.f32 v23  }
0x333: {  	v27 =	vunpack.i.u.bf16.f32 v24;
	v23 =	vunpack.i.l.bf16.f32 v23;
	v6 =	vld.idx.msk [tilespmem:v16+s28+$0x0], $0xffff;
	[tilespmem:s19+$0xFFFFFFC0] =	vst v10;
	v12 =	vmul.f32 v12, v21  }
.Ltmp12:
0x334: {  	v17 =	vmul.f32 v14, v3;
	v28 =	vmul.f32 v8, v3;
	v3 =	vmovc v4;
	v15 =	vld [tilespmem:s18+$0xFFFFFFC0];
	[tilespmem:s19+$0xFFFFFFD0] =	vst v11;
	v11 =	vunpack.i.l.bf16.f32 v24;
	(pc) =	sbr.rel @p1 .LBB2_22-.Ltmp12, $4  }
0x335: {  	v14 =	vmul.f32 v26, v2;
	v16 =	vmul.f32 v18, v2;
	v2 =	vmov v5;
	v10 =	vld [tilespmem:s18+$0xFFFFFFE0];
	[tilespmem:s19+$0x30] =	vst v12  }
0x336: {  	v12 =	vmul.f32 v23, v21;
	v11 =	vmul.f32 v11, v1;
	v8 =	vld [tilespmem:s18+$0x20];
	[tilespmem:s19+$0x40] =	vst v9  }
0x337: {  	v9 =	vmul.f32 v27, v1;
	v1 =	vmov v20;
	v4 =	vld.idx.msk [tilespmem:v25+s28+$0x0], $0xffff;
	[tilespmem:s19+$0x50] =	vst v19  }
0x338: {  	v18 =	vunpack.i.l.bf16.f32 v13;
	v5 =	vld.idx.msk [tilespmem:v22+s28+$0x0], $0xffff;
	[tilespmem:s13+$0xFFFFFFA0] =	vst v28  }
0x339: {  	[tilespmem:s13+$0xFFFFFFB0] =	vst v17  }
0x33a: {  	[tilespmem:s13+$0xFFFFFFE0] =	vst v16  }
0x33b: {  	[tilespmem:s13+$0xFFFFFFF0] =	vst v14  }
0x33c: {  	[tilespmem:s6+$0x20] =	vst v12  }
0x33d: {  	v13 =	vunpack.i.u.bf16.f32 v13;
	v18 =	vmul.f32 v18, v6;
	[tilespmem:s13+$0x60] =	vst v11  }
0x33e: {  	s19 =	sadd.s32 $0x100, s19;
	v38 =	vunpack.i.l.bf16.f32 v15;
	v7 =	vld.idx.msk [tilespmem:v7+s28+$0x0], $0xffff;
	[tilespmem:s13+$0x70] =	vst v9;
	v13 =	vmul.f32 v13, v6  }
0x33f: {  	v39 =	vunpack.i.u.bf16.f32 v15;
	v40 =	vld [tilespmem:s12+$0xFFFFFFD0];
	[tilespmem:s19+$0x0] =	vst v18;
	v14 =	vmul.f32 v38, v4  }
0x340: {  	v41 =	vunpack.i.l.bf16.f32 v10;
	[tilespmem:s19+$0x10] =	vst v13;
	v12 =	vmul.f32 v39, v4  }
0x341: {  	v44 =	vld [tilespmem:s12+$0xFFFFFFF0];
	v42 =	vunpack.i.u.bf16.f32 v10;
	v43 =	vmul.f32 v41, v5;
	[tilespmem:s19+$0xFFFFFF80] =	vst v14  }
0x342: {  	v46 =	vunpack.i.l.bf16.f32 v8;
	v9 =	vmul.f32 v42, v5;
	[tilespmem:s19+$0xFFFFFF90] =	vst v12  }
0x343: {  	v50 =	vld [tilespmem:s12+$0x30];
	v48 =	vunpack.i.u.bf16.f32 v8;
	v49 =	vmul.f32 v46, v7;
	[tilespmem:s19+$0xFFFFFFC0] =	vst v43  }
0x344: {  	v8 =	vmul.f32 v48, v7;
	v51 =	vunpack.i.l.bf16.f32 v40;
	[tilespmem:s19+$0xFFFFFFD0] =	vst v9  }
0x345: {  	v13 =	vld [tilespmem:s18+$0x10];
	v52 =	vunpack.i.u.bf16.f32 v40;
	v53 =	vmul.f32 v51, v3;
	[tilespmem:s19+$0x40] =	vst v49  }
0x346: {  	v54 =	vunpack.i.l.bf16.f32 v44;
	v3 =	vmul.f32 v52, v3;
	[tilespmem:s19+$0x50] =	vst v8  }
0x347: {  	v56 =	vunpack.i.u.bf16.f32 v44;
	v55 =	vld [tilespmem:s18+$0xFFFFFFD0];
	v12 =	vmul.f32 v54, v2;
	[tilespmem:s6+$0xFFFFFFA0] =	vst v53  }
0x348: {  	v58 =	vunpack.i.l.bf16.f32 v50;
	v2 =	vmul.f32 v56, v2;
	[tilespmem:s6+$0xFFFFFFB0] =	vst v3  }
0x349: {  	v9 =	vunpack.i.u.bf16.f32 v50;
	v10 =	vmul.f32 v58, v1;
	v3 =	vld [tilespmem:s18+$0xFFFFFFF0];
	[tilespmem:s6+$0xFFFFFFE0] =	vst v12  }
0x34a: {  	v1 =	vmul.f32 v9, v1;
	[tilespmem:s6+$0xFFFFFFF0] =	vst v2;
	v45 =	vunpack.i.u.bf16.f32 v13  }
0x34b: {  	v60 =	vld [tilespmem:s18+$0x30];
	[tilespmem:s6+$0x60] =	vst v10;
	v57 =	vunpack.i.l.bf16.f32 v13;
	v47 =	vmul.f32 v45, v6  }
0x34c: {  	[tilespmem:s6+$0x70] =	vst v1;
	v59 =	vmul.f32 v57, v6;
	v2 =	vunpack.i.l.bf16.f32 v55  }
0x34d: {  	v61 =	vunpack.i.u.bf16.f32 v55;
	[tilespmem:s19+$0x30] =	vst v47;
	v2 =	vmul.f32 v2, v4  }
0x34e: {  	[tilespmem:s19+$0x20] =	vst v59;
	v62 =	vmul.f32 v61, v4;
	v1 =	vunpack.i.l.bf16.f32 v3  }
0x34f: {  	v3 =	vunpack.i.u.bf16.f32 v3;
	v1 =	vmul.f32 v1, v5;
	[tilespmem:s19+$0xFFFFFFA0] =	vst v2  }
.Ltmp13:
0x350: {  	v2 =	vunpack.i.l.bf16.f32 v60;
	v3 =	vmul.f32 v3, v5;
	[tilespmem:s19+$0xFFFFFFB0] =	vst v62;
	(pc) =	sbr.rel @p0 .LBB2_25-.Ltmp13, $4  }
0x351: {  	v63 =	vunpack.i.u.bf16.f32 v60;
	v2 =	vmul.f32 v2, v7;
	[tilespmem:s19+$0xFFFFFFE0] =	vst v1  }
0x352: {  	v1 =	vmul.f32 v63, v7;
	[tilespmem:s19+$0xFFFFFFF0] =	vst v3  }
0x353: {  	[tilespmem:s19+$0x60] =	vst v2  }
0x354: {  	s2 =	sadd.s32 $0x2710, s2;
	[tilespmem:s19+$0x70] =	vst v1  }
0x355: {  	s5 =	smul.u32 $0x640, s24;
	_ =	sdelay $0x1  }
.Ltmp14:
0x356: {  	s5 =	sshra.s32 s5, $0x2;
	(pc) =	sbr.rel .LBB2_19-.Ltmp14, $4  }
0x357: {  	s5 =	sadd.s32 $0x258, s5  }
0x358: {  	[tilespmem:s31], [sflag:$0x2] =	stream.indirect.gather [hbm4b:s16+s29], $0x20, s5, s29, $0xb8;
	[tilespmem:$0x1D970] =	vst v63  }
0x359: {  	s24 =	sadd.s32 $0x1, s24;
	s9 =	sadd.s32 $0x190, s9  }
0x35a: {  	[spmem:s1] =	stream.indirect.scatter.add.f32 [tilespmem:s14], [sflag:$0x4], $0x40, s2, s29, $0xb8;
	[tilespmem:$0x1D970] =	vst v63  }
.LBB2_25:
0x35b: {  	[spmem:s1] =	stream.indirect.scatter.add.f32 [tilespmem:s14], [sflag:$0x4], $0x40, s2, s29, $0xb8;
	[tilespmem:$0x1D970] =	vst v63  }
0x35c: {  	_ =	swait.ge [sflag:s15], $0x3200  }
0x35d: {  	[sflag:s15] =	ssyncset.done $0x0  }
0x35e: {  	[sflag:s15] =	ssyncadd.s32 $0xFFFFCE00  }
0x35f: {  	_ =	swait.ge [sflag:s17], $0x3200  }
0x360: {  	[sflag:s17] =	ssyncset.done $0x0  }
0x361: {  	[sflag:s17] =	ssyncadd.s32 $0xFFFFCE00  }
0x362: {  	[bflag:$0x0] =	sbarrier.arrive $0xFFFF  }
0x363: {  	s5 =	simm.s32 $0x10;
	s6 =	simm.s32 $0x8;
	s24 =	rddreg [dreg:$0x12]  }
0x364: {  	[hbm:s24@s5], [sflag:s21] =	dma.strided [spmem:s23@s6], $0x1388, s0, $0x8   }
0x365: {  	_ =	swait.ge [sflag:s25], $0x1388  }
0x366: {  	[sflag:s25] =	ssyncset.done $0x0  }
0x367: {  	s26 =	rddreg [dreg:$0x3];
	[sflag:s25] =	ssyncadd.s32 $0xFFFFEC78  }
0x368: {  	[spmem:s26] =	stream.linear.scatter [tilespmem:s22], [sflag:$0x5], $0x3200, $0x38;
	[tilespmem:$0x1D970] =	vst v63  }
0x369: {  	_ =	swait.ge [sflag:s25], $0x3200  }
0x36a: {  	[sflag:s25] =	ssyncset.done $0x0  }
0x36b: {  	s30 =	rddreg [dreg:$0x4];
	[sflag:s25] =	ssyncadd.s32 $0xFFFFCE00  }
0x36c: {  	[spmem:s30] =	stream.linear.scatter [tilespmem:s22], [sflag:$0x5], $0x3200, $0x38;
	[tilespmem:$0x1D970] =	vst v63  }
0x36d: {  	_ =	swait.ge [sflag:s25], $0x3200  }
0x36e: {  	[sflag:s25] =	ssyncset.done $0x0  }
0x36f: {  	s5 =	rddreg [dreg:$0x5];
	[sflag:s25] =	ssyncadd.s32 $0xFFFFCE00  }
0x370: {  	[spmem:s5] =	stream.linear.scatter [tilespmem:s22], [sflag:$0x5], $0x3200, $0x38;
	[tilespmem:$0x1D970] =	vst v63  }
0x371: {  	_ =	swait.ge [sflag:s25], $0x3200  }
0x372: {  	[sflag:s25] =	ssyncset.done $0x0  }
0x373: {  	s6 =	rddreg [dreg:$0x6];
	[sflag:s25] =	ssyncadd.s32 $0xFFFFCE00  }
0x374: {  	[spmem:s6] =	stream.linear.scatter [tilespmem:s22], [sflag:$0x5], $0x3200, $0x38;
	[tilespmem:$0x1D970] =	vst v63  }
0x375: {  	_ =	swait.ge [sflag:s25], $0x3200  }
0x376: {  	[sflag:s25] =	ssyncset.done $0x0  }
0x377: {  	s7 =	simm.s32 $0x0;
	s8 =	rddreg [dreg:$0xe];
	[sflag:s25] =	ssyncadd.s32 $0xFFFFCE00  }
0x378: {  	[tilespmem:s7], [sflag:$0x5] =	stream.linear.gather [hbm4b:s8+s7], $0x2710, $0x38;
	[tilespmem:$0x1D970] =	vst v63  }
0x379: {  	_ =	swait.ge [sflag:s25], $0x2710  }
0x37a: {  	[sflag:s25] =	ssyncset.done $0x0  }
0x37b: {  	s12 =	simm.s32 $0x2710;
	s9 =	rddreg [dreg:$0xf];
	[sflag:s25] =	ssyncadd.s32 $0xFFFFD8F0  }
0x37c: {  	[tilespmem:s12], [sflag:$0x5] =	stream.linear.gather [hbm4b:s9+s7], $0x2710, $0x38;
	[tilespmem:$0x1D970] =	vst v63  }
0x37d: {  	_ =	swait.ge [sflag:s25], $0x2710  }
0x37e: {  	[sflag:s25] =	ssyncset.done $0x0  }
0x37f: {  	s13 =	rddreg [dreg:$0x10];
	[sflag:s25] =	ssyncadd.s32 $0xFFFFD8F0  }
0x380: {  	[tilespmem:s28], [sflag:$0x5] =	stream.linear.gather [hbm4b:s13+s7], $0x2710, $0x38;
	[tilespmem:$0x1D970] =	vst v63  }
0x381: {  	_ =	swait.ge [sflag:s25], $0x2710  }
0x382: {  	[sflag:s25] =	ssyncset.done $0x0  }
0x383: {  	s18 =	simm.s32 $0x2;
	[sflag:s25] =	ssyncadd.s32 $0xFFFFD8F0  }
0x384: {  	s19 =	simm.s32 $0x7530;
	v1 =	vmov s18;
	s24 =	simm.s32 $0x1;
	[bflag:$0x0] =	sbarrier.arrive $0xFFFF  }
0x385: {  	v1 =	vand.u32 $0xFFFFFFFE, v1;
	[tilespmem:s19], [sflag:$0x1] =	stream.indirect.gather [hbm4b:s20+s29], $0x20, s7, s29, $0xb8;
	[tilespmem:$0x1D970] =	vst v63  }
0x386: {  	v1 =	vbroadcast v1, $0x0;
	v2 =	vmov s24  }
0x387: {  	v2 =	vand.u32 $0xFFFFFFFD, v2;
	[tilespmem:s31], [sflag:$0x2] =	stream.indirect.gather [hbm4b:s20+s29], $0x20, s29, s29, $0xb8;
	[tilespmem:$0x1D970] =	vst v63  }
0x388: {  	v2 =	vbroadcast v2, $0x0;
	_ =	swait.ge [sflag:s0], $0x1900  }
0x389: {  	[sflag:s0] =	ssyncset.done $0x0  }
0x38a: {  	s12 =	simm.s32 $0x7570;
	[sflag:s0] =	ssyncadd.s32 $0xFFFFE700  }
0x38b: {  	v3 =	vmov s7;
	s30 =	simm.s32 $0x3;
	v4 =	vld [tilespmem:s12+$0x0]  }
0x38c: {  	v3 =	vand.u32 $0xFFFFFFFC, v3;
	v6 =	vmov s30;
	v5 =	vld.idx.msk [tilespmem:v1+s28+$0x0], $0xffff  }
0x38d: {  	v3 =	vbroadcast v3, $0x0;
	v1 =	vld [tilespmem:s12+$0xFFFFFFE0]  }
0x38e: {  	s26 =	simm.s32 $0x4;
	v2 =	vld.idx.msk [tilespmem:v2+s28+$0x0], $0xffff  }
0x38f: {  	v7 =	vmov s26  }
0x390: {  	v7 =	vand.u32 $0xFFFFFFFC, v7;
	s6 =	simm.s32 $0x6;
	v12 =	vld [tilespmem:s12+$0x20];
	v8 =	vunpack.i.l.bf16.f32 v4  }
0x391: {  	v10 =	vmov s6;
	v6 =	vld.idx.msk [tilespmem:v6+s28+$0x0], $0xffff;
	v4 =	vunpack.i.u.bf16.f32 v4;
	v8 =	vmul.f32 v8, v5  }
0x392: {  	s2 =	simm.s32 $0xA7B0;
	v9 =	vld [tilespmem:s12+$0xFFFFFFC0];
	v11 =	vunpack.i.l.bf16.f32 v1;
	v1 =	vunpack.i.u.bf16.f32 v1;
	v4 =	vmul.f32 v4, v5  }
0x393: {  	v7 =	vbroadcast v7, $0x0;
	v10 =	vand.u32 $0xFFFFFFFE, v10;
	s7 =	simm.s32 $0x5;
	v3 =	vld.idx.msk [tilespmem:v3+s28+$0x0], $0xffff;
	v1 =	vmul.f32 v1, v2;
	[tilespmem:s2+$0x0] =	vst v8  }
0x394: {  	v10 =	vbroadcast v10, $0x0;
	v8 =	vmul.f32 v11, v2;
	v11 =	vmov s7;
	[tilespmem:s2+$0x10] =	vst v4  }
0x395: {  	v13 =	vunpack.i.l.bf16.f32 v12;
	[tilespmem:s2+$0xFFFFFFD0] =	vst v1;
	v4 =	vand.u32 $0xFFFFFFFD, v11;
	v11 =	vld [tilespmem:s12+$0x10]  }
0x396: {  	v13 =	vmul.f32 v13, v6;
	[tilespmem:s2+$0xFFFFFFC0] =	vst v8  }
0x397: {  	s8 =	simm.s32 $0x75F0;
	v1 =	vunpack.i.u.bf16.f32 v9;
	v4 =	vbroadcast v4, $0x0;
	v8 =	vunpack.i.l.bf16.f32 v9;
	v9 =	vld [tilespmem:s12+$0xFFFFFFF0]  }
0x398: {  	v15 =	vld [tilespmem:s8+$0x0];
	v8 =	vmul.f32 v8, v3  }
0x399: {  	v12 =	vunpack.i.u.bf16.f32 v12;
	[tilespmem:s2+$0x40] =	vst v13;
	v14 =	vmul.f32 v1, v3;
	v1 =	vld.idx.msk [tilespmem:v7+s28+$0x0], $0xffff  }
0x39a: {  	v7 =	vmul.f32 v12, v6;
	[tilespmem:s2+$0xFFFFFF80] =	vst v8;
	v8 =	vld.idx.msk [tilespmem:v10+s28+$0x0], $0xffff;
	v10 =	vunpack.i.u.bf16.f32 v11;
	v11 =	vunpack.i.l.bf16.f32 v11  }
0x39b: {  	s13 =	simm.s32 $0x7;
	v12 =	vld [tilespmem:s8+$0xFFFFFFE0];
	[tilespmem:s2+$0xFFFFFF90] =	vst v14;
	v11 =	vmul.f32 v11, v5;
	v5 =	vmul.f32 v10, v5  }
0x39c: {  	s7 =	simm.s32 $0x8;
	[tilespmem:s2+$0x50] =	vst v7;
	v14 =	vld [tilespmem:s8+$0xFFFFFFC0];
	v10 =	vmov s13;
	v7 =	vunpack.i.u.bf16.f32 v9;
	v9 =	vunpack.i.l.bf16.f32 v9  }
0x39d: {  	s18 =	simm.s32 $0x9;
	v16 =	vunpack.i.l.bf16.f32 v15;
	v13 =	vld.idx.msk [tilespmem:v4+s28+$0x0], $0xffff;
	v4 =	vmov s7;
	[tilespmem:s2+$0x30] =	vst v5;
	v9 =	vmul.f32 v9, v2  }
0x39e: {  	v5 =	vmov s18;
	v7 =	vmul.f32 v7, v2;
	[tilespmem:s2+$0x20] =	vst v11;
	v2 =	vunpack.i.u.bf16.f32 v15  }
0x39f: {  	s19 =	simm.s32 $0xA;
	v17 =	vld [tilespmem:s8+$0x20];
	v4 =	vand.u32 $0xFFFFFFFC, v4;
	v11 =	vmul.f32 v16, v8;
	v5 =	vand.u32 $0xFFFFFFFD, v5;
	[tilespmem:s2+$0xFFFFFFE0] =	vst v9  }
0x3a0: {  	s9 =	simm.s32 $0xA8B0;
	v15 =	vld [tilespmem:s12+$0xFFFFFFD0];
	v16 =	vbroadcast v4, $0x0;
	v4 =	vmov s19;
	v9 =	vmul.f32 v2, v8;
	[tilespmem:s2+$0xFFFFFFF0] =	vst v7  }
0x3a1: {  	v4 =	vand.u32 $0xFFFFFFFE, v4;
	v7 =	vunpack.i.l.bf16.f32 v14;
	v2 =	vld.idx.msk [tilespmem:v10+s28+$0x0], $0xffff;
	v10 =	vunpack.i.l.bf16.f32 v12;
	[tilespmem:s9+$0x0] =	vst v11  }
0x3a2: {  	v5 =	vbroadcast v5, $0x0;
	v11 =	vld [tilespmem:s12+$0x30];
	v12 =	vunpack.i.u.bf16.f32 v12;
	v10 =	vmul.f32 v10, v13;
	[tilespmem:s9+$0x10] =	vst v9  }
0x3a3: {  	v14 =	vunpack.i.u.bf16.f32 v14;
	v4 =	vbroadcast v4, $0x0;
	v9 =	vmul.f32 v12, v13;
	v12 =	vld [tilespmem:s8+$0x10]  }
0x3a4: {  	v7 =	vmul.f32 v7, v1;
	v14 =	vmul.f32 v14, v1;
	[tilespmem:s9+$0xFFFFFFC0] =	vst v10  }
0x3a5: {  	v10 =	vunpack.i.u.bf16.f32 v17;
	[tilespmem:s9+$0xFFFFFFD0] =	vst v9;
	v9 =	vunpack.i.u.bf16.f32 v15;
	v15 =	vunpack.i.l.bf16.f32 v15  }
0x3a6: {  	s18 =	simm.s32 $0x7670;
	[tilespmem:s9+$0xFFFFFF80] =	vst v7;
	v17 =	vunpack.i.l.bf16.f32 v17;
	v18 =	vld [tilespmem:s8+$0xFFFFFFF0];
	v15 =	vmul.f32 v15, v3;
	v9 =	vmul.f32 v9, v3  }
0x3a7: {  	v20 =	vld [tilespmem:s18+$0xFFFFFFE0];
	[tilespmem:s9+$0xFFFFFF90] =	vst v14;
	v17 =	vmul.f32 v17, v2;
	v7 =	vmul.f32 v10, v2  }
0x3a8: {  	v14 =	vld [tilespmem:s18+$0x0];
	v10 =	vunpack.i.u.bf16.f32 v11;
	v3 =	vunpack.i.l.bf16.f32 v11;
	[tilespmem:s2+$0xFFFFFFA0] =	vst v15;
	v11 =	vunpack.i.u.bf16.f32 v12  }
0x3a9: {  	s24 =	simm.s32 $0xB;
	v19 =	vmul.f32 v3, v6;
	v4 =	vld.idx.msk [tilespmem:v4+s28+$0x0], $0xffff;
	[tilespmem:s9+$0x40] =	vst v17;
	v3 =	vunpack.i.l.bf16.f32 v12;
	v11 =	vmul.f32 v11, v8  }
0x3aa: {  	s19 =	simm.s32 $0xC;
	v15 =	vmov s24;
	[tilespmem:s9+$0x50] =	vst v7;
	v17 =	vld [tilespmem:s18+$0xFFFFFFC0];
	v3 =	vmul.f32 v3, v8  }
0x3ab: {  	s26 =	simm.s32 $0xD;
	v7 =	vmul.f32 v10, v6;
	v6 =	vmov s19;
	v12 =	vld [tilespmem:s18+$0x20];
	v8 =	vunpack.i.l.bf16.f32 v18;
	[tilespmem:s9+$0x30] =	vst v11  }
0x3ac: {  	v10 =	vunpack.i.u.bf16.f32 v18;
	v11 =	vmov s26;
	v18 =	vmul.f32 v8, v13;
	[tilespmem:s9+$0x20] =	vst v3;
	v3 =	vld.idx.msk [tilespmem:v16+s28+$0x0], $0xffff  }
0x3ad: {  	[tilespmem:s2+$0xFFFFFFB0] =	vst v9;
	v16 =	vmul.f32 v10, v13;
	v8 =	vand.u32 $0xFFFFFFFC, v6;
	v6 =	vld.idx.msk [tilespmem:v5+s28+$0x0], $0xffff;
	v11 =	vand.u32 $0xFFFFFFFD, v11  }
0x3ae: {  	[tilespmem:s2+$0x60] =	vst v19;
	v5 =	vunpack.i.l.bf16.f32 v14;
	v10 =	vbroadcast v8, $0x0;
	v8 =	vbroadcast v11, $0x0;
	v11 =	vld [tilespmem:s8+$0xFFFFFFD0]  }
0x3af: {  	v9 =	vld [tilespmem:s8+$0x30];
	v19 =	vunpack.i.l.bf16.f32 v20;
	v21 =	vmul.f32 v5, v4;
	[tilespmem:s9+$0xFFFFFFE0] =	vst v18;
	v18 =	vunpack.i.u.bf16.f32 v14  }
0x3b0: {  	s30 =	simm.s32 $0xE;
	s12 =	simm.s32 $0xA9B0;
	v5 =	vld.idx.msk [tilespmem:v15+s28+$0x0], $0xffff;
	v13 =	vunpack.i.u.bf16.f32 v17;
	[tilespmem:s9+$0xFFFFFFF0] =	vst v16;
	v14 =	vunpack.i.l.bf16.f32 v17;
	v17 =	vmul.f32 v18, v4  }
0x3b1: {  	s6 =	simm.s32 $0x10;
	s13 =	simm.s32 $0x7670;
	v16 =	vunpack.i.u.bf16.f32 v20;
	v15 =	vunpack.i.u.bf16.f32 v12;
	v18 =	vmov s30;
	[tilespmem:s12+$0x0] =	vst v21  }
.LBB2_26:
0x3b2: {  	p0 =	slt.u32 s6, $0xC4;
	v18 =	vand.u32 $0xFFFFFFFE, v18;
	v19 =	vmul.f32 v19, v6;
	[tilespmem:s12+$0x10] =	vst v17;
	v12 =	vunpack.i.l.bf16.f32 v12  }
0x3b3: {  	v16 =	vmul.f32 v16, v6;
	v20 =	vunpack.i.u.bf16.f32 v11;
	v17 =	vbroadcast v18, $0x0;
	v18 =	vld [tilespmem:s18+$0x10];
	[tilespmem:s2+$0x70] =	vst v7;
	s2 =	smov.u32 s9;
	s9 =	smov.u32 s12  }
0x3b4: {  	v13 =	vmul.f32 v13, v3;
	v11 =	vunpack.i.l.bf16.f32 v11;
	v7 =	vmul.f32 v14, v3;
	[tilespmem:s12+$0xFFFFFFC0] =	vst v19  }
0x3b5: {  	v12 =	vmul.f32 v12, v5;
	v14 =	vmul.f32 v15, v5;
	v15 =	vunpack.i.u.bf16.f32 v9;
	v10 =	vld.idx.msk [tilespmem:v10+s28+$0x0], $0xffff;
	[tilespmem:s12+$0xFFFFFFD0] =	vst v16  }
0x3b6: {  	v11 =	vmul.f32 v11, v1;
	v19 =	vmul.f32 v20, v1;
	v1 =	vmovc v3;
	[tilespmem:s12+$0xFFFFFF80] =	vst v7;
	v16 =	vld [tilespmem:s18+$0xFFFFFFF0];
	v7 =	vunpack.i.l.bf16.f32 v9  }
0x3b7: {  	s18 =	sadd.s32 $0x80, s18;
	v8 =	vld.idx.msk [tilespmem:v8+s28+$0x0], $0xffff;
	[tilespmem:s12+$0xFFFFFF90] =	vst v13;
	v20 =	vmul.f32 v7, v2;
	v7 =	vmul.f32 v15, v2;
	v2 =	vmov v5  }
0x3b8: {  	v5 =	vld [tilespmem:s18+$0x0];
	v3 =	vunpack.i.u.bf16.f32 v18;
	v9 =	vunpack.i.l.bf16.f32 v18;
	[tilespmem:s12+$0x40] =	vst v12  }
0x3b9: {  	s5 =	sadd.s32 $0x3, s19;
	s19 =	smov.u32 s6;
	v9 =	vmul.f32 v9, v4;
	v12 =	vmul.f32 v3, v4;
	v4 =	vld.idx.msk [tilespmem:v17+s28+$0x0], $0xffff;
	[tilespmem:s12+$0x50] =	vst v14  }
0x3ba: {  	v15 =	vmov s5;
	v14 =	vld [tilespmem:s18+$0xFFFFFFC0];
	[tilespmem:s2+$0xFFFFFFA0] =	vst v11  }
0x3bb: {  	s5 =	sadd.s32 $0x1, s6;
	v11 =	vmov s6;
	v21 =	vld [tilespmem:s18+$0xFFFFFFE0];
	v13 =	vunpack.i.u.bf16.f32 v16;
	v16 =	vunpack.i.l.bf16.f32 v16;
	[tilespmem:s12+$0x30] =	vst v12;
	v3 =	vmovc v10  }
0x3bc: {  	v10 =	vmov s5;
	v12 =	vld [tilespmem:s18+$0x20];
	v16 =	vmul.f32 v16, v6;
	v17 =	vmul.f32 v13, v6;
	[tilespmem:s12+$0x20] =	vst v9  }
.Ltmp15:
0x3bd: {  	v9 =	vand.u32 $0xFFFFFFFC, v11;
	v13 =	vand.u32 $0xFFFFFFFD, v10;
	v6 =	vmov v8;
	v11 =	vld [tilespmem:s13+$0xFFFFFFD0];
	[tilespmem:s2+$0xFFFFFFB0] =	vst v19;
	(pc) =	sbr.rel @p0 .LBB2_26-.Ltmp15, $4  }
0x3be: {  	v10 =	vbroadcast v9, $0x0;
	v8 =	vbroadcast v13, $0x0;
	v18 =	vunpack.i.l.bf16.f32 v5;
	[tilespmem:s12+$0xFFFFFFE0] =	vst v16;
	v9 =	vld [tilespmem:s13+$0x30];
	s13 =	smov.u32 s18  }
0x3bf: {  	v19 =	vunpack.i.u.bf16.f32 v5;
	v22 =	vmul.f32 v18, v4;
	v13 =	vunpack.i.u.bf16.f32 v14;
	v5 =	vld.idx.msk [tilespmem:v15+s28+$0x0], $0xffff;
	[tilespmem:s12+$0xFFFFFFF0] =	vst v17  }
0x3c0: {  	s5 =	sadd.s32 $0x2, s6;
	v14 =	vunpack.i.l.bf16.f32 v14;
	v17 =	vmul.f32 v19, v4;
	s12 =	sadd.s32 $0x100, s12;
	v16 =	vunpack.i.u.bf16.f32 v21;
	[tilespmem:s2+$0x60] =	vst v20  }
0x3c1: {  	s6 =	sadd.s32 $0x4, s6;
	v18 =	vmov s5;
	v19 =	vunpack.i.l.bf16.f32 v21;
	[tilespmem:s12+$0x0] =	vst v22;
	v15 =	vunpack.i.u.bf16.f32 v12  }
0x3c2: {  	v19 =	vmul.f32 v19, v6;
	[tilespmem:s12+$0x10] =	vst v17  }
0x3c3: {  	v52 =	vand.u32 $0xFFFFFFFE, v18;
	v16 =	vmul.f32 v16, v6;
	[tilespmem:s2+$0x70] =	vst v7  }
0x3c4: {  	v14 =	vmul.f32 v14, v3;
	v53 =	vld [tilespmem:s18+$0x10];
	v7 =	vbroadcast v52, $0x0;
	[tilespmem:s12+$0xFFFFFFC0] =	vst v19  }
0x3c5: {  	v12 =	vunpack.i.l.bf16.f32 v12;
	v13 =	vmul.f32 v13, v3;
	[tilespmem:s12+$0xFFFFFFD0] =	vst v16  }
0x3c6: {  	v12 =	vmul.f32 v12, v5;
	[tilespmem:s12+$0xFFFFFF80] =	vst v14;
	v14 =	vld [tilespmem:s18+$0xFFFFFFF0]  }
0x3c7: {  	v54 =	vunpack.i.l.bf16.f32 v11;
	v15 =	vmul.f32 v15, v5;
	[tilespmem:s12+$0xFFFFFF90] =	vst v13  }
0x3c8: {  	v11 =	vunpack.i.u.bf16.f32 v11;
	v13 =	vmul.f32 v54, v1;
	s18 =	sadd.s32 $0x80, s18;
	[tilespmem:s12+$0x40] =	vst v12  }
0x3c9: {  	v1 =	vmul.f32 v11, v1;
	v12 =	vld [tilespmem:s18+$0x0];
	[tilespmem:s12+$0x50] =	vst v15;
	v55 =	vunpack.i.u.bf16.f32 v53  }
0x3ca: {  	[tilespmem:s9+$0xFFFFFFA0] =	vst v13;
	v56 =	vunpack.i.l.bf16.f32 v53;
	v16 =	vmul.f32 v55, v4;
	v7 =	vld.idx.msk [tilespmem:v7+s28+$0x0], $0xffff  }
0x3cb: {  	s5 =	sadd.s32 $0x3, s19;
	[tilespmem:s9+$0xFFFFFFB0] =	vst v1;
	v4 =	vmul.f32 v56, v4;
	v11 =	vunpack.i.l.bf16.f32 v14  }
0x3cc: {  	v13 =	vmov s5;
	v15 =	vld [tilespmem:s18+$0xFFFFFFE0];
	v14 =	vunpack.i.u.bf16.f32 v14;
	[tilespmem:s12+$0x30] =	vst v16;
	v11 =	vmul.f32 v11, v6  }
0x3cd: {  	v8 =	vld.idx.msk [tilespmem:v8+s28+$0x0], $0xffff;
	[tilespmem:s12+$0x20] =	vst v4;
	v4 =	vunpack.i.l.bf16.f32 v9;
	v6 =	vmul.f32 v14, v6  }
0x3ce: {  	v14 =	vunpack.i.l.bf16.f32 v12;
	v1 =	vmul.f32 v4, v2;
	v4 =	vld [tilespmem:s18+$0xFFFFFFC0];
	[tilespmem:s12+$0xFFFFFFE0] =	vst v11  }
0x3cf: {  	v10 =	vld.idx.msk [tilespmem:v10+s28+$0x0], $0xffff;
	v11 =	vunpack.i.u.bf16.f32 v12;
	[tilespmem:s12+$0xFFFFFFF0] =	vst v6;
	v12 =	vmul.f32 v14, v7  }
0x3d0: {  	s6 =	sadd.s32 $0x100, s12;
	v6 =	vunpack.i.u.bf16.f32 v9;
	v9 =	vld [tilespmem:s18+$0x20];
	v11 =	vmul.f32 v11, v7;
	[tilespmem:s9+$0x60] =	vst v1  }
0x3d1: {  	v1 =	vmul.f32 v6, v2;
	v2 =	vld.idx.msk [tilespmem:v13+s28+$0x0], $0xffff;
	v6 =	vunpack.i.l.bf16.f32 v15;
	[tilespmem:s6+$0x0] =	vst v12  }
0x3d2: {  	v13 =	vunpack.i.u.bf16.f32 v15;
	v6 =	vmul.f32 v6, v8;
	v12 =	vld [tilespmem:s13+$0xFFFFFFD0];
	[tilespmem:s6+$0x10] =	vst v11  }
0x3d3: {  	v13 =	vmul.f32 v13, v8;
	[tilespmem:s9+$0x70] =	vst v1;
	v11 =	vunpack.i.l.bf16.f32 v4  }
0x3d4: {  	v14 =	vld [tilespmem:s18+$0x10];
	v1 =	vunpack.i.u.bf16.f32 v4;
	[tilespmem:s6+$0xFFFFFFC0] =	vst v6;
	v4 =	vmul.f32 v11, v10  }
0x3d5: {  	[tilespmem:s6+$0xFFFFFFD0] =	vst v13;
	v6 =	vunpack.i.l.bf16.f32 v9;
	v1 =	vmul.f32 v1, v10;
	v9 =	vunpack.i.u.bf16.f32 v9  }
0x3d6: {  	v9 =	vmul.f32 v9, v2;
	[tilespmem:s6+$0xFFFFFF80] =	vst v4;
	v4 =	vld [tilespmem:s18+$0xFFFFFFF0]  }
0x3d7: {  	v6 =	vmul.f32 v6, v2;
	[tilespmem:s6+$0xFFFFFF90] =	vst v1;
	v11 =	vunpack.i.l.bf16.f32 v12  }
0x3d8: {  	v1 =	vld [tilespmem:s13+$0x30];
	[tilespmem:s6+$0x50] =	vst v9;
	v9 =	vunpack.i.u.bf16.f32 v12;
	v11 =	vmul.f32 v11, v3  }
0x3d9: {  	[tilespmem:s6+$0x40] =	vst v6;
	v13 =	vunpack.i.u.bf16.f32 v14;
	v6 =	vunpack.i.l.bf16.f32 v14;
	v3 =	vmul.f32 v9, v3  }
0x3da: {  	v13 =	vmul.f32 v13, v7;
	v6 =	vmul.f32 v6, v7;
	v7 =	vld [tilespmem:s18+$0xFFFFFFD0];
	[tilespmem:s12+$0xFFFFFFA0] =	vst v11  }
0x3db: {  	[tilespmem:s12+$0xFFFFFFB0] =	vst v3;
	v9 =	vunpack.i.l.bf16.f32 v4  }
0x3dc: {  	v4 =	vunpack.i.u.bf16.f32 v4;
	[tilespmem:s6+$0x20] =	vst v6;
	v6 =	vld [tilespmem:s18+$0x30];
	v9 =	vmul.f32 v9, v8  }
0x3dd: {  	[tilespmem:s6+$0x30] =	vst v13;
	v11 =	vunpack.i.l.bf16.f32 v1;
	v4 =	vmul.f32 v4, v8  }
0x3de: {  	v1 =	vunpack.i.u.bf16.f32 v1;
	v3 =	vmul.f32 v11, v5;
	[tilespmem:s6+$0xFFFFFFE0] =	vst v9  }
0x3df: {  	v1 =	vmul.f32 v1, v5;
	[tilespmem:s6+$0xFFFFFFF0] =	vst v4;
	v4 =	vunpack.i.l.bf16.f32 v7  }
0x3e0: {  	[tilespmem:s12+$0x60] =	vst v3;
	v3 =	vunpack.i.u.bf16.f32 v7;
	v4 =	vmul.f32 v4, v10  }
0x3e1: {  	[tilespmem:s12+$0x70] =	vst v1;
	v1 =	vmul.f32 v3, v10;
	v3 =	vunpack.i.l.bf16.f32 v6  }
0x3e2: {  	v5 =	vunpack.i.u.bf16.f32 v6;
	v3 =	vmul.f32 v3, v2;
	[tilespmem:s6+$0xFFFFFFA0] =	vst v4  }
0x3e3: {  	v2 =	vmul.f32 v5, v2;
	[tilespmem:s6+$0xFFFFFFB0] =	vst v1  }
0x3e4: {  	s19 =	simm.s32 $0xCA;
	[tilespmem:s6+$0x60] =	vst v3  }
0x3e5: {  	s24 =	simm.s32 $0x7530;
	s26 =	simm.s32 $0x190;
	s30 =	simm.s32 $0xC8;
	v1 =	vmov s19;
	[tilespmem:s6+$0x70] =	vst v2  }
0x3e6: {  	v1 =	vand.u32 $0xFFFFFFFE, v1;
	[tilespmem:s24], [sflag:$0x1] =	stream.indirect.gather [hbm4b:s20+s29], $0x20, s26, s29, $0xb8;
	[tilespmem:$0x1D970] =	vst v63  }
0x3e7: {  	s5 =	simm.s32 $0x2710;
	v2 =	vmov s30;
	v1 =	vbroadcast v1, $0x0  }
0x3e8: {  	v2 =	vand.u32 $0xFFFFFFFC, v2;
	[spmem:s1] =	stream.indirect.scatter.add.f32 [tilespmem:s10], [sflag:$0x3], $0x40, s5, s29, $0xb8;
	[tilespmem:$0x1D970] =	vst v63  }
0x3e9: {  	s6 =	simm.s32 $0xC9;
	v2 =	vbroadcast v2, $0x0;
	_ =	swait.ge [sflag:s11], $0x1900  }
0x3ea: {  	v3 =	vmov s6;
	[sflag:s11] =	ssyncset.done $0x0  }
0x3eb: {  	s7 =	simm.s32 $0x8E70;
	v3 =	vand.u32 $0xFFFFFFFD, v3;
	[sflag:s11] =	ssyncadd.s32 $0xFFFFE700  }
0x3ec: {  	v3 =	vbroadcast v3, $0x0;
	v4 =	vld [tilespmem:s7+$0x0]  }
0x3ed: {  	v1 =	vld.idx.msk [tilespmem:v1+s28+$0x0], $0xffff  }
0x3ee: {  	v5 =	vld [tilespmem:s7+$0xFFFFFFC0]  }
0x3ef: {  	s9 =	simm.s32 $0xCC;
	v2 =	vld.idx.msk [tilespmem:v2+s28+$0x0], $0xffff  }
0x3f0: {  	s8 =	simm.s32 $0xCB;
	v7 =	vmov s9  }
0x3f1: {  	v7 =	vand.u32 $0xFFFFFFFC, v7;
	v6 =	vmov s8;
	v8 =	vunpack.i.l.bf16.f32 v4  }
0x3f2: {  	v9 =	vld.idx.msk [tilespmem:v3+s28+$0x0], $0xffff;
	v3 =	vbroadcast v7, $0x0;
	v4 =	vunpack.i.u.bf16.f32 v4;
	v7 =	vmul.f32 v8, v1  }
0x3f3: {  	s2 =	simm.s32 $0xD9B0;
	s13 =	simm.s32 $0xCE;
	v10 =	vunpack.i.l.bf16.f32 v5;
	v4 =	vmul.f32 v4, v1  }
0x3f4: {  	v11 =	vmov s13;
	v5 =	vunpack.i.u.bf16.f32 v5;
	v8 =	vld [tilespmem:s7+$0xFFFFFFE0];
	v10 =	vmul.f32 v10, v2;
	[tilespmem:s2+$0x0] =	vst v7  }
0x3f5: {  	v12 =	vld [tilespmem:s7+$0x20];
	v5 =	vmul.f32 v5, v2;
	v7 =	vand.u32 $0xFFFFFFFE, v11;
	[tilespmem:s2+$0x10] =	vst v4  }
0x3f6: {  	s18 =	simm.s32 $0xCD;
	v13 =	vld.idx.msk [tilespmem:v6+s28+$0x0], $0xffff;
	[tilespmem:s2+$0xFFFFFF80] =	vst v10;
	v4 =	vbroadcast v7, $0x0  }
0x3f7: {  	v6 =	vmov s18;
	[tilespmem:s2+$0xFFFFFF90] =	vst v5;
	v7 =	vld [tilespmem:s7+$0x10]  }
0x3f8: {  	v6 =	vand.u32 $0xFFFFFFFD, v6;
	v10 =	vld [tilespmem:s7+$0xFFFFFFD0]  }
0x3f9: {  	s9 =	simm.s32 $0x8EF0;
	s30 =	simm.s32 $0xD2;
	v5 =	vbroadcast v6, $0x0;
	v6 =	vunpack.i.l.bf16.f32 v8  }
0x3fa: {  	v61 =	vmov s30;
	v14 =	vld [tilespmem:s9+$0x0];
	v8 =	vunpack.i.u.bf16.f32 v8;
	v6 =	vmul.f32 v6, v9  }
0x3fb: {  	v57 =	vld [tilespmem:s9+$0xFFFFFFE0];
	v11 =	vunpack.i.l.bf16.f32 v12;
	v12 =	vunpack.i.u.bf16.f32 v12;
	v8 =	vmul.f32 v8, v9  }
0x3fc: {  	s19 =	simm.s32 $0xCF;
	v11 =	vmul.f32 v11, v13;
	v12 =	vmul.f32 v12, v13;
	[tilespmem:s2+$0xFFFFFFC0] =	vst v6;
	v6 =	vunpack.i.u.bf16.f32 v7;
	v15 =	vld.idx.msk [tilespmem:v4+s28+$0x0], $0xffff  }
0x3fd: {  	v3 =	vld.idx.msk [tilespmem:v3+s28+$0x0], $0xffff;
	v7 =	vunpack.i.l.bf16.f32 v7;
	[tilespmem:s2+$0xFFFFFFD0] =	vst v8;
	v8 =	vmov s19;
	v58 =	vunpack.i.u.bf16.f32 v10  }
0x3fe: {  	s24 =	simm.s32 $0xD0;
	s26 =	simm.s32 $0xD1;
	[tilespmem:s2+$0x40] =	vst v11;
	v10 =	vunpack.i.l.bf16.f32 v10;
	v4 =	vmul.f32 v7, v1;
	v6 =	vmul.f32 v6, v1;
	v7 =	vld [tilespmem:s9+$0xFFFFFFC0]  }
0x3ff: {  	v11 =	vmov s24;
	[tilespmem:s2+$0x50] =	vst v12;
	v1 =	vld.idx.msk [tilespmem:v5+s28+$0x0], $0xffff;
	v5 =	vmov s26;
	v10 =	vmul.f32 v10, v2  }
0x400: {  	v12 =	vmul.f32 v58, v2;
	v2 =	vand.u32 $0xFFFFFFFC, v11;
	v11 =	vunpack.i.l.bf16.f32 v14;
	v59 =	vld [tilespmem:s7+$0xFFFFFFF0];
	[tilespmem:s2+$0x30] =	vst v6  }
0x401: {  	v14 =	vunpack.i.u.bf16.f32 v14;
	v6 =	vld [tilespmem:s9+$0x20];
	[tilespmem:s2+$0x20] =	vst v4;
	v4 =	vbroadcast v2, $0x0;
	v11 =	vmul.f32 v11, v15  }
0x402: {  	s6 =	simm.s32 $0xDAB0;
	v62 =	vand.u32 $0xFFFFFFFE, v61;
	v5 =	vand.u32 $0xFFFFFFFD, v5;
	[tilespmem:s2+$0xFFFFFFA0] =	vst v10;
	v2 =	vld.idx.msk [tilespmem:v8+s28+$0x0], $0xffff;
	v8 =	vmul.f32 v14, v15  }
0x403: {  	v5 =	vbroadcast v5, $0x0;
	v10 =	vunpack.i.u.bf16.f32 v7;
	v14 =	vld [tilespmem:s7+$0x30];
	v7 =	vunpack.i.l.bf16.f32 v7;
	[tilespmem:s6+$0x0] =	vst v11  }
0x404: {  	v16 =	vbroadcast v62, $0x0;
	v60 =	vunpack.i.u.bf16.f32 v57;
	v7 =	vmul.f32 v7, v3;
	[tilespmem:s6+$0x10] =	vst v8  }
0x405: {  	[tilespmem:s2+$0xFFFFFFB0] =	vst v12;
	v20 =	vunpack.i.u.bf16.f32 v59;
	v10 =	vmul.f32 v10, v3;
	v11 =	vunpack.i.l.bf16.f32 v57;
	v63 =	vld [tilespmem:s9+$0x10]  }
0x406: {  	v18 =	vmul.f32 v60, v1;
	v17 =	vunpack.i.l.bf16.f32 v59;
	[tilespmem:s6+$0xFFFFFF80] =	vst v7;
	v7 =	vmul.f32 v11, v1  }
0x407: {  	v8 =	vunpack.i.u.bf16.f32 v6;
	v12 =	vunpack.i.l.bf16.f32 v6;
	v6 =	vld.idx.msk [tilespmem:v4+s28+$0x0], $0xffff;
	[tilespmem:s6+$0xFFFFFF90] =	vst v10;
	v10 =	vmul.f32 v20, v9  }
0x408: {  	v21 =	vmul.f32 v12, v2;
	v22 =	vmul.f32 v8, v2;
	v11 =	vld [tilespmem:s9+$0xFFFFFFD0];
	[tilespmem:s6+$0xFFFFFFC0] =	vst v7;
	v7 =	vunpack.i.l.bf16.f32 v14  }
0x409: {  	[tilespmem:s6+$0xFFFFFFD0] =	vst v18;
	v4 =	vld.idx.msk [tilespmem:v5+s28+$0x0], $0xffff;
	v12 =	vmul.f32 v17, v9;
	v14 =	vunpack.i.u.bf16.f32 v14;
	v8 =	vmul.f32 v7, v13  }
0x40a: {  	s12 =	simm.s32 $0x8F70;
	v5 =	vld.idx.msk [tilespmem:v16+s28+$0x0], $0xffff;
	v7 =	vmul.f32 v14, v13;
	[tilespmem:s6+$0x40] =	vst v21;
	v14 =	vunpack.i.u.bf16.f32 v63;
	v13 =	vunpack.i.l.bf16.f32 v63  }
0x40b: {  	s13 =	simm.s32 $0xDAB0;
	s18 =	simm.s32 $0x8;
	s19 =	simm.s32 $0xD3;
	v9 =	vld [tilespmem:s12+$0x0];
	[tilespmem:s6+$0x50] =	vst v22;
	v13 =	vmul.f32 v13, v15;
	v14 =	vmul.f32 v14, v15  }
.LBB2_28:
0x40c: {  	s5 =	sadd.s32 $0xCC, s18;
	v15 =	vld [tilespmem:s12+$0xFFFFFFC0];
	v16 =	vmov s19;
	[tilespmem:s2+$0xFFFFFFE0] =	vst v12;
	s19 =	smov.u32 s18  }
0x40d: {  	v12 =	vmov s5;
	s5 =	sadd.s32 $0xCD, s18;
	v17 =	vld [tilespmem:s12+$0xFFFFFFE0];
	v18 =	vunpack.i.u.bf16.f32 v11;
	v11 =	vunpack.i.l.bf16.f32 v11;
	[tilespmem:s6+$0x30] =	vst v14  }
0x40e: {  	v14 =	vmov s5;
	v19 =	vld [tilespmem:s12+$0x20];
	v11 =	vmul.f32 v11, v3;
	v18 =	vmul.f32 v18, v3;
	[tilespmem:s2+$0xFFFFFFF0] =	vst v10;
	v3 =	vmovc v6  }
0x40f: {  	v6 =	vand.u32 $0xFFFFFFFC, v12;
	v10 =	vand.u32 $0xFFFFFFFD, v14;
	v12 =	vld [tilespmem:s9+$0xFFFFFFF0];
	[tilespmem:s6+$0x20] =	vst v13  }
0x410: {  	v6 =	vbroadcast v6, $0x0;
	v13 =	vbroadcast v10, $0x0;
	v10 =	vunpack.i.l.bf16.f32 v9;
	[tilespmem:s6+$0xFFFFFFA0] =	vst v11;
	v14 =	vld [tilespmem:s9+$0x30];
	s9 =	smov.u32 s12  }
0x411: {  	v9 =	vunpack.i.u.bf16.f32 v9;
	v11 =	vunpack.i.u.bf16.f32 v15;
	v10 =	vmul.f32 v10, v5;
	v16 =	vld.idx.msk [tilespmem:v16+s28+$0x0], $0xffff;
	[tilespmem:s6+$0xFFFFFFB0] =	vst v18  }
0x412: {  	s5 =	sadd.s32 $0xCE, s18;
	v15 =	vunpack.i.l.bf16.f32 v15;
	v9 =	vmul.f32 v9, v5;
	s6 =	sadd.s32 $0x100, s6;
	v18 =	vunpack.i.u.bf16.f32 v17;
	[tilespmem:s2+$0x60] =	vst v8  }
0x413: {  	s18 =	sadd.s32 $0x4, s18;
	v8 =	vmov s5;
	v17 =	vunpack.i.l.bf16.f32 v17;
	[tilespmem:s6+$0x0] =	vst v10;
	v10 =	vunpack.i.u.bf16.f32 v19  }
0x414: {  	p0 =	slt.u32 s18, $0xC4;
	v15 =	vmul.f32 v15, v3;
	v8 =	vand.u32 $0xFFFFFFFE, v8;
	[tilespmem:s6+$0x10] =	vst v9;
	v9 =	vunpack.i.l.bf16.f32 v19  }
0x415: {  	v19 =	vbroadcast v8, $0x0;
	v8 =	vmul.f32 v11, v3;
	v21 =	vunpack.i.u.bf16.f32 v12;
	v20 =	vld [tilespmem:s12+$0x10];
	[tilespmem:s2+$0x70] =	vst v7;
	s2 =	smov.u32 s13;
	s13 =	smov.u32 s6  }
0x416: {  	v12 =	vunpack.i.l.bf16.f32 v12;
	v7 =	vmul.f32 v17, v4;
	[tilespmem:s6+$0xFFFFFF80] =	vst v15;
	v15 =	vmul.f32 v18, v4  }
.Ltmp16:
0x417: {  	v17 =	vmul.f32 v9, v16;
	v18 =	vmul.f32 v10, v16;
	v9 =	vunpack.i.u.bf16.f32 v14;
	v6 =	vld.idx.msk [tilespmem:v6+s28+$0x0], $0xffff;
	[tilespmem:s6+$0xFFFFFF90] =	vst v8;
	(pc) =	sbr.rel @p0 .LBB2_28-.Ltmp16, $4  }
0x418: {  	v12 =	vmul.f32 v12, v1;
	v10 =	vmul.f32 v21, v1;
	v1 =	vmovc v4;
	v11 =	vld [tilespmem:s12+$0xFFFFFFD0];
	[tilespmem:s6+$0xFFFFFFC0] =	vst v7;
	v7 =	vunpack.i.l.bf16.f32 v14  }
0x419: {  	s12 =	sadd.s32 $0x80, s12;
	v4 =	vld.idx.msk [tilespmem:v13+s28+$0x0], $0xffff;
	[tilespmem:s6+$0xFFFFFFD0] =	vst v15;
	v8 =	vmul.f32 v7, v2;
	v7 =	vmul.f32 v9, v2;
	v2 =	vmov v16  }
0x41a: {  	v9 =	vld [tilespmem:s12+$0x0];
	v14 =	vunpack.i.u.bf16.f32 v20;
	v13 =	vunpack.i.l.bf16.f32 v20;
	[tilespmem:s6+$0x40] =	vst v17  }
0x41b: {  	s19 =	sadd.s32 $0xCF, s19;
	v13 =	vmul.f32 v13, v5;
	v14 =	vmul.f32 v14, v5;
	v5 =	vld.idx.msk [tilespmem:v19+s28+$0x0], $0xffff;
	[tilespmem:s6+$0x50] =	vst v18  }
0x41c: {  	[tilespmem:s2+$0xFFFFFFE0] =	vst v12  }
0x41d: {  	[tilespmem:s2+$0xFFFFFFF0] =	vst v10  }
0x41e: {  	v38 =	vld [tilespmem:s12+$0xFFFFFFC0];
	[tilespmem:s2+$0x60] =	vst v8  }
0x41f: {  	[tilespmem:s2+$0x70] =	vst v7;
	v37 =	vunpack.i.l.bf16.f32 v11  }
0x420: {  	v15 =	vmov s19;
	v40 =	vld [tilespmem:s12+$0xFFFFFFE0];
	[tilespmem:s6+$0x30] =	vst v14;
	v39 =	vunpack.i.u.bf16.f32 v11;
	v12 =	vmul.f32 v37, v3  }
0x421: {  	[tilespmem:s6+$0x20] =	vst v13;
	v3 =	vmul.f32 v39, v3;
	v41 =	vunpack.i.l.bf16.f32 v9  }
0x422: {  	v52 =	vld [tilespmem:s9+$0x30];
	v42 =	vunpack.i.u.bf16.f32 v9;
	[tilespmem:s6+$0xFFFFFFA0] =	vst v12;
	v11 =	vmul.f32 v41, v5  }
0x423: {  	s24 =	sadd.s32 $0x100, s6;
	v45 =	vld [tilespmem:s9+$0xFFFFFFF0];
	[tilespmem:s6+$0xFFFFFFB0] =	vst v3;
	v9 =	vmul.f32 v42, v5;
	v44 =	vunpack.i.l.bf16.f32 v38  }
0x424: {  	v3 =	vld [tilespmem:s12+$0x20];
	v46 =	vunpack.i.u.bf16.f32 v38;
	[tilespmem:s24+$0x0] =	vst v11;
	v12 =	vmul.f32 v44, v6  }
0x425: {  	v43 =	vld.idx.msk [tilespmem:v15+s28+$0x0], $0xffff;
	v47 =	vunpack.i.l.bf16.f32 v40;
	[tilespmem:s24+$0x10] =	vst v9;
	v13 =	vmul.f32 v46, v6  }
0x426: {  	v49 =	vunpack.i.u.bf16.f32 v40;
	v9 =	vmul.f32 v47, v4;
	[tilespmem:s24+$0xFFFFFF80] =	vst v12  }
0x427: {  	v59 =	vunpack.i.l.bf16.f32 v52;
	v7 =	vmul.f32 v49, v4;
	v48 =	vld [tilespmem:s12+$0x10];
	[tilespmem:s24+$0xFFFFFF90] =	vst v13  }
0x428: {  	v51 =	vunpack.i.l.bf16.f32 v45;
	v61 =	vmul.f32 v59, v2;
	[tilespmem:s24+$0xFFFFFFC0] =	vst v9  }
0x429: {  	[tilespmem:s24+$0xFFFFFFD0] =	vst v7;
	v9 =	vmul.f32 v51, v1;
	v50 =	vunpack.i.l.bf16.f32 v3;
	v12 =	vld [tilespmem:s12+$0xFFFFFFD0]  }
0x42a: {  	[tilespmem:s13+$0x60] =	vst v61;
	v3 =	vunpack.i.u.bf16.f32 v3;
	v10 =	vmul.f32 v50, v43  }
0x42b: {  	v54 =	vunpack.i.u.bf16.f32 v45;
	v3 =	vmul.f32 v3, v43;
	[tilespmem:s13+$0xFFFFFFE0] =	vst v9  }
0x42c: {  	v1 =	vmul.f32 v54, v1;
	v56 =	vld [tilespmem:s12+$0xFFFFFFF0];
	v53 =	vunpack.i.u.bf16.f32 v48;
	[tilespmem:s24+$0x40] =	vst v10  }
0x42d: {  	[tilespmem:s24+$0x50] =	vst v3;
	v3 =	vunpack.i.l.bf16.f32 v48;
	v55 =	vmul.f32 v53, v5  }
0x42e: {  	[tilespmem:s13+$0xFFFFFFF0] =	vst v1;
	v3 =	vmul.f32 v3, v5;
	v1 =	vld [tilespmem:s12+$0x30];
	v57 =	vunpack.i.l.bf16.f32 v12  }
0x42f: {  	v58 =	vunpack.i.u.bf16.f32 v12;
	[tilespmem:s24+$0x30] =	vst v55;
	v5 =	vmul.f32 v57, v6  }
0x430: {  	v60 =	vmul.f32 v58, v6;
	[tilespmem:s24+$0x20] =	vst v3;
	v3 =	vunpack.i.u.bf16.f32 v52  }
0x431: {  	v2 =	vmul.f32 v3, v2;
	v3 =	vunpack.i.l.bf16.f32 v56;
	[tilespmem:s24+$0xFFFFFFA0] =	vst v5  }
0x432: {  	v62 =	vunpack.i.u.bf16.f32 v56;
	[tilespmem:s24+$0xFFFFFFB0] =	vst v60;
	v3 =	vmul.f32 v3, v4  }
0x433: {  	[tilespmem:s13+$0x70] =	vst v2;
	v2 =	vmul.f32 v62, v4;
	v63 =	vunpack.i.l.bf16.f32 v1  }
0x434: {  	v1 =	vunpack.i.u.bf16.f32 v1;
	v4 =	vmul.f32 v63, v43;
	[tilespmem:s24+$0xFFFFFFE0] =	vst v3  }
0x435: {  	v1 =	vmul.f32 v1, v43;
	[tilespmem:s24+$0xFFFFFFF0] =	vst v2  }
0x436: {  	[tilespmem:s24+$0x60] =	vst v4  }
0x437: {  	s26 =	simm.s32 $0x258;
	[tilespmem:s24+$0x70] =	vst v1  }
0x438: {  	[tilespmem:s31], [sflag:$0x2] =	stream.indirect.gather [hbm4b:s20+s29], $0x20, s26, s29, $0xb8;
	[tilespmem:$0x1D970] =	vst v63  }
0x439: {  	s30 =	simm.s32 $0x27D8;
	s9 =	simm.s32 $0x0;
	s24 =	simm.s32 $0x1  }
0x43a: {  	[spmem:s1] =	stream.indirect.scatter.add.f32 [tilespmem:s14], [sflag:$0x4], $0x40, s30, s29, $0xb8;
	[tilespmem:$0x1D970] =	vst v63  }
.LBB2_30:
0x43b: {  	s5 =	sadd.s32 $0xFFFFFFFC, s9  }
0x43c: {  	s2 =	sadd.s32 $0x196, s5  }
0x43d: {  	v1 =	vmov s2  }
0x43e: {  	_ =	swait.ge [sflag:s0], $0x1900;
	v1 =	vand.u32 $0xFFFFFFFE, v1  }
0x43f: {  	[sflag:s0] =	ssyncset.done $0x0;
	s18 =	sadd.s32 $0x194, s5;
	v1 =	vbroadcast v1, $0x0  }
0x440: {  	s6 =	sadd.s32 $0x195, s5;
	[sflag:s0] =	ssyncadd.s32 $0xFFFFE700;
	v2 =	vmov s18  }
0x441: {  	v3 =	vmov s6;
	_ =	swait.ge [sflag:s15], $0x3200;
	v2 =	vand.u32 $0xFFFFFFFC, v2  }
0x442: {  	v3 =	vand.u32 $0xFFFFFFFD, v3;
	[sflag:s15] =	ssyncset.done $0x0;
	v2 =	vbroadcast v2, $0x0  }
0x443: {  	s19 =	sadd.s32 $0x0, s9;
	s2 =	simm.s32 $0x7570;
	v3 =	vbroadcast v3, $0x0;
	[sflag:s15] =	ssyncadd.s32 $0xFFFFCE00  }
0x444: {  	s7 =	sadd.s32 $0x196, s19;
	v4 =	vld [tilespmem:s2+$0x0]  }
0x445: {  	s5 =	sadd.s32 $0x197, s5;
	v5 =	vmov s7;
	v1 =	vld.idx.msk [tilespmem:v1+s28+$0x0], $0xffff  }
0x446: {  	v6 =	vmov s5;
	v5 =	vand.u32 $0xFFFFFFFE, v5;
	v7 =	vld [tilespmem:s2+$0xFFFFFFC0]  }
0x447: {  	v5 =	vbroadcast v5, $0x0;
	v8 =	vld [tilespmem:s2+$0xFFFFFFE0]  }
0x448: {  	v11 =	vld.idx.msk [tilespmem:v2+s28+$0x0], $0xffff  }
0x449: {  	v12 =	vld.idx.msk [tilespmem:v3+s28+$0x0], $0xffff;
	v2 =	vunpack.i.l.bf16.f32 v4  }
0x44a: {  	s26 =	sadd.s32 $0x194, s19;
	s7 =	sadd.s32 $0x197, s19;
	v9 =	vld [tilespmem:s2+$0x20];
	v3 =	vunpack.i.u.bf16.f32 v4;
	v2 =	vmul.f32 v2, v1  }
0x44b: {  	s13 =	simm.s32 $0xA7B0;
	s12 =	simm.s32 $0x75F0;
	v15 =	vmov s7;
	v18 =	vld.idx.msk [tilespmem:v6+s28+$0x0], $0xffff;
	v4 =	vmov s26;
	v3 =	vmul.f32 v3, v1  }
0x44c: {  	v6 =	vld [tilespmem:s12+$0x0];
	v10 =	vunpack.i.l.bf16.f32 v7;
	v13 =	vunpack.i.u.bf16.f32 v8;
	v4 =	vand.u32 $0xFFFFFFFC, v4;
	[tilespmem:s13+$0x0] =	vst v2  }
0x44d: {  	s30 =	sadd.s32 $0x195, s19;
	v8 =	vunpack.i.l.bf16.f32 v8;
	v10 =	vmul.f32 v10, v11;
	[tilespmem:s13+$0x10] =	vst v3;
	v3 =	vbroadcast v4, $0x0;
	v4 =	vld.idx.msk [tilespmem:v5+s28+$0x0], $0xffff  }
0x44e: {  	v8 =	vmul.f32 v8, v12;
	v2 =	vmov s30;
	v5 =	vunpack.i.u.bf16.f32 v7;
	v7 =	vld [tilespmem:s2+$0x10]  }
0x44f: {  	v14 =	vunpack.i.u.bf16.f32 v9;
	v13 =	vmul.f32 v13, v12;
	[tilespmem:s13+$0xFFFFFF80] =	vst v10;
	v2 =	vand.u32 $0xFFFFFFFD, v2  }
0x450: {  	s8 =	sadd.s32 $0x4, s9;
	v9 =	vunpack.i.l.bf16.f32 v9;
	v14 =	vmul.f32 v14, v18;
	v10 =	vld [tilespmem:s12+$0xFFFFFFC0];
	[tilespmem:s13+$0xFFFFFFC0] =	vst v8;
	v2 =	vbroadcast v2, $0x0  }
0x451: {  	v16 =	vunpack.i.l.bf16.f32 v6;
	v9 =	vmul.f32 v9, v18;
	v8 =	vld [tilespmem:s12+$0x20];
	[tilespmem:s13+$0xFFFFFFD0] =	vst v13;
	s30 =	sadd.s32 $0x195, s8  }
0x452: {  	v6 =	vunpack.i.u.bf16.f32 v6;
	[tilespmem:s13+$0x50] =	vst v14;
	v5 =	vmul.f32 v5, v11;
	v14 =	vld [tilespmem:s2+$0xFFFFFFF0];
	v20 =	vmov s30  }
0x453: {  	s18 =	sadd.s32 $0x196, s8;
	v16 =	vmul.f32 v16, v4;
	v6 =	vmul.f32 v6, v4;
	v17 =	vunpack.i.u.bf16.f32 v7;
	v3 =	vld.idx.msk [tilespmem:v3+s28+$0x0], $0xffff  }
0x454: {  	s19 =	simm.s32 $0xA8B0;
	[tilespmem:s13+$0xFFFFFF90] =	vst v5;
	v5 =	vld [tilespmem:s12+$0xFFFFFFE0];
	v7 =	vunpack.i.l.bf16.f32 v7;
	v13 =	vmul.f32 v17, v1;
	v17 =	vmov s18  }
0x455: {  	v20 =	vand.u32 $0xFFFFFFFD, v20;
	[tilespmem:s19+$0x0] =	vst v16;
	v7 =	vmul.f32 v7, v1;
	v1 =	vld.idx.msk [tilespmem:v15+s28+$0x0], $0xffff;
	v15 =	vand.u32 $0xFFFFFFFE, v17  }
0x456: {  	v20 =	vbroadcast v20, $0x0;
	[tilespmem:s19+$0x10] =	vst v6;
	v2 =	vld.idx.msk [tilespmem:v2+s28+$0x0], $0xffff;
	v15 =	vbroadcast v15, $0x0  }
0x457: {  	s26 =	sadd.s32 $0x194, s8;
	[tilespmem:s13+$0x40] =	vst v9;
	v19 =	vunpack.i.u.bf16.f32 v8;
	v24 =	vunpack.i.u.bf16.f32 v14;
	v6 =	vunpack.i.l.bf16.f32 v10;
	v17 =	vld [tilespmem:s12+$0x10]  }
0x458: {  	v9 =	vld [tilespmem:s2+$0xFFFFFFD0];
	v16 =	vunpack.i.u.bf16.f32 v10;
	[tilespmem:s13+$0x30] =	vst v13;
	v13 =	vmov s26;
	v6 =	vmul.f32 v6, v3  }
0x459: {  	v10 =	vunpack.i.u.bf16.f32 v5;
	[tilespmem:s13+$0x20] =	vst v7;
	v13 =	vand.u32 $0xFFFFFFFC, v13;
	v16 =	vmul.f32 v16, v3  }
0x45a: {  	s5 =	sadd.s32 $0x197, s8;
	v22 =	vld [tilespmem:s2+$0x30];
	s18 =	simm.s32 $0x7670;
	v5 =	vunpack.i.l.bf16.f32 v5;
	v21 =	vbroadcast v13, $0x0;
	v19 =	vmul.f32 v19, v1;
	[tilespmem:s19+$0xFFFFFF80] =	vst v6  }
0x45b: {  	v7 =	vmov s5;
	v13 =	vld [tilespmem:s18+$0x0];
	v5 =	vmul.f32 v5, v2;
	v6 =	vunpack.i.l.bf16.f32 v8;
	[tilespmem:s19+$0xFFFFFF90] =	vst v16  }
0x45c: {  	v8 =	vmul.f32 v10, v2;
	v10 =	vunpack.i.u.bf16.f32 v17;
	v23 =	vmul.f32 v6, v1;
	[tilespmem:s19+$0x50] =	vst v19;
	v6 =	vld.idx.msk [tilespmem:v15+s28+$0x0], $0xffff  }
0x45d: {  	v16 =	vunpack.i.u.bf16.f32 v9;
	v9 =	vunpack.i.l.bf16.f32 v9;
	v25 =	vunpack.i.l.bf16.f32 v17;
	[tilespmem:s19+$0xFFFFFFC0] =	vst v5;
	v15 =	vld [tilespmem:s18+$0xFFFFFFC0]  }
0x45e: {  	v26 =	vmul.f32 v9, v11;
	v5 =	vmul.f32 v10, v4;
	[tilespmem:s19+$0xFFFFFFD0] =	vst v8;
	v8 =	vunpack.i.l.bf16.f32 v14;
	v10 =	vld [tilespmem:s18+$0xFFFFFFE0]  }
0x45f: {  	v17 =	vmul.f32 v16, v11;
	v9 =	vunpack.i.l.bf16.f32 v22;
	v16 =	vmul.f32 v8, v12;
	v8 =	vld [tilespmem:s18+$0x20];
	[tilespmem:s19+$0x40] =	vst v23  }
0x460: {  	v14 =	vmul.f32 v24, v12;
	v12 =	vmul.f32 v25, v4;
	[tilespmem:s19+$0x30] =	vst v5;
	v5 =	vunpack.i.u.bf16.f32 v22;
	v4 =	vld.idx.msk [tilespmem:v21+s28+$0x0], $0xffff  }
0x461: {  	s6 =	simm.s32 $0xA8B0;
	s2 =	smul.u32 $0x190, s24;
	s26 =	simm.s32 $0x8;
	v11 =	vmul.f32 v9, v18;
	[tilespmem:s13+$0xFFFFFFA0] =	vst v26;
	v9 =	vmul.f32 v5, v18;
	v5 =	vld.idx.msk [tilespmem:v20+s28+$0x0], $0xffff;
	v18 =	vunpack.i.l.bf16.f32 v13  }
.LBB2_31:
0x462: {  	s5 =	sadd.s32 s26, s9;
	v19 =	vunpack.i.u.bf16.f32 v15;
	v13 =	vunpack.i.u.bf16.f32 v13;
	v18 =	vmul.f32 v18, v6;
	v20 =	vld.idx.msk [tilespmem:v7+s28+$0x0], $0xffff;
	[tilespmem:s13+$0xFFFFFFB0] =	vst v17;
	v21 =	vmovc v6  }
0x463: {  	s26 =	sadd.s32 $0x4, s26;
	v6 =	vunpack.i.l.bf16.f32 v15;
	s19 =	sadd.s32 $0x100, s19;
	s7 =	sadd.s32 $0x196, s5;
	v15 =	vunpack.i.u.bf16.f32 v10;
	v7 =	vmul.f32 v13, v21;
	v13 =	vld [tilespmem:s12+$0xFFFFFFD0];
	[tilespmem:s13+$0xFFFFFFE0] =	vst v16  }
0x464: {  	s8 =	sadd.s32 $0x194, s5;
	s30 =	sadd.s32 $0x195, s5;
	p0 =	slt.u32 s26, $0xC4;
	v10 =	vunpack.i.l.bf16.f32 v10;
	v16 =	vmov s7;
	[tilespmem:s19+$0x0] =	vst v18;
	v17 =	vunpack.i.u.bf16.f32 v8;
	v18 =	vld [tilespmem:s12+$0xFFFFFFF0]  }
0x465: {  	s5 =	sadd.s32 $0x197, s5;
	v22 =	vmov s8;
	v23 =	vmov s30;
	v16 =	vand.u32 $0xFFFFFFFE, v16;
	[tilespmem:s19+$0x10] =	vst v7;
	v24 =	vld [tilespmem:s12+$0x30];
	s12 =	smov.u32 s18  }
0x466: {  	v7 =	vand.u32 $0xFFFFFFFC, v22;
	v22 =	vand.u32 $0xFFFFFFFD, v23;
	v16 =	vbroadcast v16, $0x0;
	v23 =	vld [tilespmem:s18+$0x10];
	[tilespmem:s13+$0xFFFFFFF0] =	vst v14  }
0x467: {  	v25 =	vbroadcast v7, $0x0;
	v22 =	vbroadcast v22, $0x0;
	v7 =	vmov s5;
	[tilespmem:s6+$0x20] =	vst v12  }
0x468: {  	v8 =	vunpack.i.l.bf16.f32 v8;
	v6 =	vmul.f32 v6, v4;
	v12 =	vmul.f32 v19, v4;
	[tilespmem:s13+$0x60] =	vst v11  }
0x469: {  	v10 =	vmul.f32 v10, v5;
	v11 =	vmul.f32 v15, v5;
	v14 =	vunpack.i.u.bf16.f32 v13;
	[tilespmem:s13+$0x70] =	vst v9;
	s13 =	smov.u32 s6;
	s6 =	smov.u32 s19  }
0x46a: {  	s18 =	sadd.s32 $0x80, s18;
	v19 =	vmul.f32 v17, v20;
	v9 =	vmul.f32 v8, v20;
	v8 =	vunpack.i.l.bf16.f32 v13;
	[tilespmem:s19+$0xFFFFFF80] =	vst v6  }
0x46b: {  	v26 =	vunpack.i.u.bf16.f32 v18;
	v18 =	vunpack.i.l.bf16.f32 v18;
	v13 =	vld [tilespmem:s18+$0x0];
	[tilespmem:s19+$0xFFFFFF90] =	vst v12;
	v12 =	vunpack.i.u.bf16.f32 v23  }
0x46c: {  	v27 =	vunpack.i.u.bf16.f32 v24;
	v23 =	vunpack.i.l.bf16.f32 v23;
	v6 =	vld.idx.msk [tilespmem:v16+s28+$0x0], $0xffff;
	[tilespmem:s19+$0xFFFFFFC0] =	vst v10;
	v12 =	vmul.f32 v12, v21  }
.Ltmp17:
0x46d: {  	v17 =	vmul.f32 v14, v3;
	v28 =	vmul.f32 v8, v3;
	v3 =	vmovc v4;
	v15 =	vld [tilespmem:s18+$0xFFFFFFC0];
	[tilespmem:s19+$0xFFFFFFD0] =	vst v11;
	v11 =	vunpack.i.l.bf16.f32 v24;
	(pc) =	sbr.rel @p0 .LBB2_31-.Ltmp17, $4  }
0x46e: {  	v14 =	vmul.f32 v26, v2;
	v16 =	vmul.f32 v18, v2;
	v2 =	vmov v5;
	v10 =	vld [tilespmem:s18+$0xFFFFFFE0];
	[tilespmem:s19+$0x30] =	vst v12  }
0x46f: {  	v12 =	vmul.f32 v23, v21;
	v11 =	vmul.f32 v11, v1;
	v8 =	vld [tilespmem:s18+$0x20];
	[tilespmem:s19+$0x40] =	vst v9  }
0x470: {  	v9 =	vmul.f32 v27, v1;
	v1 =	vmov v20;
	v4 =	vld.idx.msk [tilespmem:v25+s28+$0x0], $0xffff;
	[tilespmem:s19+$0x50] =	vst v19  }
0x471: {  	v18 =	vunpack.i.l.bf16.f32 v13;
	v5 =	vld.idx.msk [tilespmem:v22+s28+$0x0], $0xffff;
	[tilespmem:s13+$0xFFFFFFA0] =	vst v28  }
0x472: {  	[tilespmem:s13+$0xFFFFFFB0] =	vst v17  }
0x473: {  	v13 =	vunpack.i.u.bf16.f32 v13;
	v18 =	vmul.f32 v18, v6;
	[tilespmem:s13+$0xFFFFFFE0] =	vst v16  }
0x474: {  	s19 =	sadd.s32 $0x100, s19;
	[tilespmem:s13+$0xFFFFFFF0] =	vst v14;
	v13 =	vmul.f32 v13, v6  }
0x475: {  	[tilespmem:s19+$0x0] =	vst v18  }
0x476: {  	v7 =	vld.idx.msk [tilespmem:v7+s28+$0x0], $0xffff;
	[tilespmem:s19+$0x10] =	vst v13  }
0x477: {  	v14 =	vunpack.i.l.bf16.f32 v15;
	[tilespmem:s6+$0x20] =	vst v12;
	v13 =	vld [tilespmem:s18+$0x10]  }
0x478: {  	v12 =	vunpack.i.u.bf16.f32 v15;
	[tilespmem:s13+$0x60] =	vst v11;
	v14 =	vmul.f32 v14, v4  }
0x479: {  	v11 =	vld [tilespmem:s12+$0xFFFFFFD0];
	[tilespmem:s13+$0x70] =	vst v9;
	v15 =	vunpack.i.l.bf16.f32 v10;
	v12 =	vmul.f32 v12, v4  }
0x47a: {  	v9 =	vunpack.i.u.bf16.f32 v10;
	v10 =	vmul.f32 v15, v5;
	[tilespmem:s19+$0xFFFFFF80] =	vst v14  }
0x47b: {  	v9 =	vmul.f32 v9, v5;
	v15 =	vunpack.i.l.bf16.f32 v8;
	v8 =	vunpack.i.u.bf16.f32 v8;
	v14 =	vld [tilespmem:s12+$0xFFFFFFF0];
	[tilespmem:s19+$0xFFFFFF90] =	vst v12  }
0x47c: {  	v8 =	vmul.f32 v8, v7;
	[tilespmem:s19+$0xFFFFFFC0] =	vst v10;
	v12 =	vunpack.i.u.bf16.f32 v13  }
0x47d: {  	[tilespmem:s19+$0xFFFFFFD0] =	vst v9;
	v10 =	vmul.f32 v12, v6  }
0x47e: {  	v9 =	vld [tilespmem:s12+$0x30];
	[tilespmem:s19+$0x50] =	vst v8;
	v12 =	vmul.f32 v15, v7;
	v15 =	vunpack.i.l.bf16.f32 v11  }
0x47f: {  	[tilespmem:s19+$0x30] =	vst v10;
	v10 =	vunpack.i.u.bf16.f32 v11;
	v11 =	vmul.f32 v15, v3  }
0x480: {  	v8 =	vld [tilespmem:s18+$0xFFFFFFD0];
	[tilespmem:s19+$0x40] =	vst v12;
	v12 =	vunpack.i.l.bf16.f32 v14;
	v3 =	vmul.f32 v10, v3  }
0x481: {  	v10 =	vunpack.i.u.bf16.f32 v14;
	v12 =	vmul.f32 v12, v2;
	[tilespmem:s6+$0xFFFFFFA0] =	vst v11  }
0x482: {  	v11 =	vunpack.i.l.bf16.f32 v13;
	v2 =	vmul.f32 v10, v2;
	[tilespmem:s6+$0xFFFFFFB0] =	vst v3;
	v3 =	vld [tilespmem:s18+$0xFFFFFFF0]  }
0x483: {  	v10 =	vunpack.i.l.bf16.f32 v9;
	v6 =	vmul.f32 v11, v6;
	[tilespmem:s6+$0xFFFFFFE0] =	vst v12  }
0x484: {  	v9 =	vunpack.i.u.bf16.f32 v9;
	v10 =	vmul.f32 v10, v1;
	v11 =	vld [tilespmem:s18+$0x30];
	[tilespmem:s6+$0xFFFFFFF0] =	vst v2  }
0x485: {  	v1 =	vmul.f32 v9, v1;
	v2 =	vunpack.i.l.bf16.f32 v8;
	[tilespmem:s19+$0x20] =	vst v6  }
0x486: {  	[tilespmem:s6+$0x60] =	vst v10;
	v6 =	vunpack.i.u.bf16.f32 v8;
	v2 =	vmul.f32 v2, v4  }
0x487: {  	[tilespmem:s6+$0x70] =	vst v1;
	v4 =	vmul.f32 v6, v4;
	v1 =	vunpack.i.l.bf16.f32 v3  }
0x488: {  	[tilespmem:s19+$0xFFFFFFA0] =	vst v2;
	v3 =	vunpack.i.u.bf16.f32 v3;
	v1 =	vmul.f32 v1, v5  }
0x489: {  	p0 =	seq.s32 s24, $0x18;
	v2 =	vunpack.i.l.bf16.f32 v11;
	[tilespmem:s19+$0xFFFFFFB0] =	vst v4;
	v3 =	vmul.f32 v3, v5  }
0x48a: {  	s5 =	smul.u32 @!p0 $0x640, s24;
	v4 =	vunpack.i.u.bf16.f32 v11;
	v2 =	vmul.f32 v2, v7;
	[tilespmem:s19+$0xFFFFFFE0] =	vst v1  }
0x48b: {  	v1 =	vmul.f32 v4, v7;
	[tilespmem:s19+$0xFFFFFFF0] =	vst v3  }
0x48c: {  	s30 =	sadd.s32 $0xFFFFFFFC, s9;
	s5 =	sshra.s32 @!p0 s5, $0x2;
	[tilespmem:s19+$0x60] =	vst v2  }
0x48d: {  	s7 =	simm.s32 @!p0 $0x7530;
	s5 =	sadd.s32 @!p0 $0x190, s5;
	s6 =	simm.s32 @!p0 $0xC8;
	[tilespmem:s19+$0x70] =	vst v1  }
0x48e: {  	[tilespmem:s7], [sflag:$0x1] =	stream.indirect.gather @!p0 [hbm4b:s20+s6], $0x20, s5, s6, $0xb8;
	[tilespmem:$0x1D970] =	vst v63  }
0x48f: {  	s8 =	sadd.s32 $0x2710, s2;
	s12 =	sadd.s32 $0x25E, s30  }
0x490: {  	v1 =	vmov s12;
	[spmem:s1] =	stream.indirect.scatter.add.f32 [tilespmem:s10], [sflag:$0x3], $0x40, s8, s29, $0xb8;
	[tilespmem:$0x1D970] =	vst v63  }
0x491: {  	v1 =	vand.u32 $0xFFFFFFFE, v1;
	_ =	swait.ge [sflag:s11], $0x1900  }
0x492: {  	s13 =	sadd.s32 $0x25C, s30;
	v1 =	vbroadcast v1, $0x0;
	[sflag:s11] =	ssyncset.done $0x0  }
0x493: {  	s18 =	sadd.s32 $0x25D, s30;
	v2 =	vmov s13;
	[sflag:s11] =	ssyncadd.s32 $0xFFFFE700  }
0x494: {  	v3 =	vmov s18;
	v2 =	vand.u32 $0xFFFFFFFC, v2;
	_ =	swait.ge [sflag:s17], $0x3200  }
0x495: {  	v3 =	vand.u32 $0xFFFFFFFD, v3;
	v2 =	vbroadcast v2, $0x0;
	[sflag:s17] =	ssyncset.done $0x0  }
0x496: {  	s19 =	sadd.s32 $0x0, s9;
	v3 =	vbroadcast v3, $0x0;
	s6 =	simm.s32 $0x8E70;
	[sflag:s17] =	ssyncadd.s32 $0xFFFFCE00  }
0x497: {  	s8 =	sadd.s32 $0x25E, s19;
	v4 =	vld [tilespmem:s6+$0x0]  }
0x498: {  	s5 =	sadd.s32 $0x25F, s30;
	v5 =	vmov s8;
	v1 =	vld.idx.msk [tilespmem:v1+s28+$0x0], $0xffff  }
0x499: {  	v6 =	vmov s5;
	v5 =	vand.u32 $0xFFFFFFFE, v5;
	v7 =	vld [tilespmem:s6+$0xFFFFFFC0]  }
0x49a: {  	v5 =	vbroadcast v5, $0x0;
	v8 =	vld [tilespmem:s6+$0xFFFFFFE0]  }
0x49b: {  	v11 =	vld.idx.msk [tilespmem:v2+s28+$0x0], $0xffff  }
0x49c: {  	v12 =	vld.idx.msk [tilespmem:v3+s28+$0x0], $0xffff;
	v2 =	vunpack.i.l.bf16.f32 v4  }
0x49d: {  	s26 =	sadd.s32 $0x25C, s19;
	v9 =	vld [tilespmem:s6+$0x20];
	v3 =	vunpack.i.u.bf16.f32 v4;
	v2 =	vmul.f32 v2, v1  }
0x49e: {  	s13 =	simm.s32 $0xD9B0;
	s12 =	simm.s32 $0x8EF0;
	v18 =	vld.idx.msk [tilespmem:v6+s28+$0x0], $0xffff;
	v4 =	vmov s26;
	v3 =	vmul.f32 v3, v1  }
0x49f: {  	v6 =	vld [tilespmem:s12+$0x0];
	v10 =	vunpack.i.l.bf16.f32 v7;
	v13 =	vunpack.i.u.bf16.f32 v8;
	v4 =	vand.u32 $0xFFFFFFFC, v4;
	[tilespmem:s13+$0x0] =	vst v2  }
0x4a0: {  	s30 =	sadd.s32 $0x25D, s19;
	v8 =	vunpack.i.l.bf16.f32 v8;
	v10 =	vmul.f32 v10, v11;
	[tilespmem:s13+$0x10] =	vst v3;
	v3 =	vbroadcast v4, $0x0;
	v4 =	vld.idx.msk [tilespmem:v5+s28+$0x0], $0xffff  }
0x4a1: {  	v8 =	vmul.f32 v8, v12;
	v2 =	vmov s30;
	v5 =	vunpack.i.u.bf16.f32 v7;
	v7 =	vld [tilespmem:s6+$0x10]  }
0x4a2: {  	s8 =	sadd.s32 $0x25F, s19;
	v14 =	vunpack.i.u.bf16.f32 v9;
	v13 =	vmul.f32 v13, v12;
	[tilespmem:s13+$0xFFFFFF80] =	vst v10;
	v2 =	vand.u32 $0xFFFFFFFD, v2  }
0x4a3: {  	s5 =	sadd.s32 $0x4, s9;
	v15 =	vmov s8;
	v14 =	vmul.f32 v14, v18;
	v10 =	vld [tilespmem:s12+$0xFFFFFFC0];
	[tilespmem:s13+$0xFFFFFFC0] =	vst v8;
	v2 =	vbroadcast v2, $0x0  }
0x4a4: {  	v9 =	vunpack.i.l.bf16.f32 v9;
	v16 =	vunpack.i.l.bf16.f32 v6;
	v6 =	vunpack.i.u.bf16.f32 v6;
	v8 =	vld [tilespmem:s12+$0x20];
	[tilespmem:s13+$0xFFFFFFD0] =	vst v13;
	s30 =	sadd.s32 $0x25D, s5  }
0x4a5: {  	v9 =	vmul.f32 v9, v18;
	[tilespmem:s13+$0x50] =	vst v14;
	v5 =	vmul.f32 v5, v11;
	v14 =	vld [tilespmem:s6+$0xFFFFFFF0];
	v20 =	vmov s30  }
0x4a6: {  	s18 =	sadd.s32 $0x25E, s5;
	v16 =	vmul.f32 v16, v4;
	v6 =	vmul.f32 v6, v4;
	v17 =	vunpack.i.u.bf16.f32 v7;
	v3 =	vld.idx.msk [tilespmem:v3+s28+$0x0], $0xffff  }
0x4a7: {  	s19 =	simm.s32 $0xDAB0;
	[tilespmem:s13+$0xFFFFFF90] =	vst v5;
	v5 =	vld [tilespmem:s12+$0xFFFFFFE0];
	v7 =	vunpack.i.l.bf16.f32 v7;
	v13 =	vmul.f32 v17, v1;
	v17 =	vmov s18  }
0x4a8: {  	v20 =	vand.u32 $0xFFFFFFFD, v20;
	[tilespmem:s19+$0x0] =	vst v16;
	v7 =	vmul.f32 v7, v1;
	v1 =	vld.idx.msk [tilespmem:v15+s28+$0x0], $0xffff;
	v15 =	vand.u32 $0xFFFFFFFE, v17  }
0x4a9: {  	v20 =	vbroadcast v20, $0x0;
	[tilespmem:s19+$0x10] =	vst v6;
	v2 =	vld.idx.msk [tilespmem:v2+s28+$0x0], $0xffff;
	v15 =	vbroadcast v15, $0x0  }
0x4aa: {  	s26 =	sadd.s32 $0x25C, s5;
	[tilespmem:s13+$0x40] =	vst v9;
	v19 =	vunpack.i.u.bf16.f32 v8;
	v24 =	vunpack.i.u.bf16.f32 v14;
	v6 =	vunpack.i.l.bf16.f32 v10;
	v17 =	vld [tilespmem:s12+$0x10]  }
0x4ab: {  	v9 =	vld [tilespmem:s6+$0xFFFFFFD0];
	v16 =	vunpack.i.u.bf16.f32 v10;
	[tilespmem:s13+$0x30] =	vst v13;
	v13 =	vmov s26;
	v6 =	vmul.f32 v6, v3  }
0x4ac: {  	v10 =	vunpack.i.u.bf16.f32 v5;
	[tilespmem:s13+$0x20] =	vst v7;
	v13 =	vand.u32 $0xFFFFFFFC, v13;
	v16 =	vmul.f32 v16, v3  }
0x4ad: {  	s5 =	sadd.s32 $0x25F, s5;
	v22 =	vld [tilespmem:s6+$0x30];
	s18 =	simm.s32 $0x8F70;
	v5 =	vunpack.i.l.bf16.f32 v5;
	v21 =	vbroadcast v13, $0x0;
	v19 =	vmul.f32 v19, v1;
	[tilespmem:s19+$0xFFFFFF80] =	vst v6  }
0x4ae: {  	v7 =	vmov s5;
	v13 =	vld [tilespmem:s18+$0x0];
	v5 =	vmul.f32 v5, v2;
	v6 =	vunpack.i.l.bf16.f32 v8;
	[tilespmem:s19+$0xFFFFFF90] =	vst v16  }
0x4af: {  	v8 =	vmul.f32 v10, v2;
	v10 =	vunpack.i.u.bf16.f32 v17;
	v23 =	vmul.f32 v6, v1;
	[tilespmem:s19+$0x50] =	vst v19;
	v6 =	vld.idx.msk [tilespmem:v15+s28+$0x0], $0xffff  }
0x4b0: {  	v16 =	vunpack.i.u.bf16.f32 v9;
	v9 =	vunpack.i.l.bf16.f32 v9;
	v25 =	vunpack.i.l.bf16.f32 v17;
	[tilespmem:s19+$0xFFFFFFC0] =	vst v5;
	v15 =	vld [tilespmem:s18+$0xFFFFFFC0]  }
0x4b1: {  	v26 =	vmul.f32 v9, v11;
	v5 =	vmul.f32 v10, v4;
	[tilespmem:s19+$0xFFFFFFD0] =	vst v8;
	v8 =	vunpack.i.l.bf16.f32 v14;
	v10 =	vld [tilespmem:s18+$0xFFFFFFE0]  }
0x4b2: {  	v17 =	vmul.f32 v16, v11;
	v9 =	vunpack.i.l.bf16.f32 v22;
	v16 =	vmul.f32 v8, v12;
	v8 =	vld [tilespmem:s18+$0x20];
	[tilespmem:s19+$0x40] =	vst v23  }
0x4b3: {  	v14 =	vmul.f32 v24, v12;
	v12 =	vmul.f32 v25, v4;
	[tilespmem:s19+$0x30] =	vst v5;
	v5 =	vunpack.i.u.bf16.f32 v22;
	v4 =	vld.idx.msk [tilespmem:v21+s28+$0x0], $0xffff  }
0x4b4: {  	s2 =	sadd.s32 $0xC8, s2;
	s6 =	simm.s32 $0xDAB0;
	s26 =	simm.s32 $0x8;
	v11 =	vmul.f32 v9, v18;
	[tilespmem:s13+$0xFFFFFFA0] =	vst v26;
	v9 =	vmul.f32 v5, v18;
	v5 =	vld.idx.msk [tilespmem:v20+s28+$0x0], $0xffff;
	v18 =	vunpack.i.l.bf16.f32 v13  }
.LBB2_33:
0x4b5: {  	s5 =	sadd.s32 s26, s9;
	v19 =	vunpack.i.u.bf16.f32 v15;
	v13 =	vunpack.i.u.bf16.f32 v13;
	v18 =	vmul.f32 v18, v6;
	v20 =	vld.idx.msk [tilespmem:v7+s28+$0x0], $0xffff;
	[tilespmem:s13+$0xFFFFFFB0] =	vst v17;
	v21 =	vmovc v6  }
0x4b6: {  	s26 =	sadd.s32 $0x4, s26;
	v6 =	vunpack.i.l.bf16.f32 v15;
	s19 =	sadd.s32 $0x100, s19;
	s7 =	sadd.s32 $0x25E, s5;
	v15 =	vunpack.i.u.bf16.f32 v10;
	v7 =	vmul.f32 v13, v21;
	v13 =	vld [tilespmem:s12+$0xFFFFFFD0];
	[tilespmem:s13+$0xFFFFFFE0] =	vst v16  }
0x4b7: {  	s8 =	sadd.s32 $0x25C, s5;
	s30 =	sadd.s32 $0x25D, s5;
	p1 =	slt.u32 s26, $0xC4;
	v10 =	vunpack.i.l.bf16.f32 v10;
	v16 =	vmov s7;
	[tilespmem:s19+$0x0] =	vst v18;
	v17 =	vunpack.i.u.bf16.f32 v8;
	v18 =	vld [tilespmem:s12+$0xFFFFFFF0]  }
0x4b8: {  	s5 =	sadd.s32 $0x25F, s5;
	v22 =	vmov s8;
	v23 =	vmov s30;
	v16 =	vand.u32 $0xFFFFFFFE, v16;
	[tilespmem:s19+$0x10] =	vst v7;
	v24 =	vld [tilespmem:s12+$0x30];
	s12 =	smov.u32 s18  }
0x4b9: {  	v7 =	vand.u32 $0xFFFFFFFC, v22;
	v22 =	vand.u32 $0xFFFFFFFD, v23;
	v16 =	vbroadcast v16, $0x0;
	v23 =	vld [tilespmem:s18+$0x10];
	[tilespmem:s13+$0xFFFFFFF0] =	vst v14  }
0x4ba: {  	v25 =	vbroadcast v7, $0x0;
	v22 =	vbroadcast v22, $0x0;
	v7 =	vmov s5;
	[tilespmem:s6+$0x20] =	vst v12  }
0x4bb: {  	v8 =	vunpack.i.l.bf16.f32 v8;
	v6 =	vmul.f32 v6, v4;
	v12 =	vmul.f32 v19, v4;
	[tilespmem:s13+$0x60] =	vst v11  }
0x4bc: {  	v10 =	vmul.f32 v10, v5;
	v11 =	vmul.f32 v15, v5;
	v14 =	vunpack.i.u.bf16.f32 v13;
	[tilespmem:s13+$0x70] =	vst v9;
	s13 =	smov.u32 s6;
	s6 =	smov.u32 s19  }
0x4bd: {  	s18 =	sadd.s32 $0x80, s18;
	v19 =	vmul.f32 v17, v20;
	v9 =	vmul.f32 v8, v20;
	v8 =	vunpack.i.l.bf16.f32 v13;
	[tilespmem:s19+$0xFFFFFF80] =	vst v6  }
0x4be: {  	v26 =	vunpack.i.u.bf16.f32 v18;
	v18 =	vunpack.i.l.bf16.f32 v18;
	v13 =	vld [tilespmem:s18+$0x0];
	[tilespmem:s19+$0xFFFFFF90] =	vst v12;
	v12 =	vunpack.i.u.bf16.f32 v23  }
0x4bf: {  	v27 =	vunpack.i.u.bf16.f32 v24;
	v23 =	vunpack.i.l.bf16.f32 v23;
	v6 =	vld.idx.msk [tilespmem:v16+s28+$0x0], $0xffff;
	[tilespmem:s19+$0xFFFFFFC0] =	vst v10;
	v12 =	vmul.f32 v12, v21  }
.Ltmp18:
0x4c0: {  	v17 =	vmul.f32 v14, v3;
	v28 =	vmul.f32 v8, v3;
	v3 =	vmovc v4;
	v15 =	vld [tilespmem:s18+$0xFFFFFFC0];
	[tilespmem:s19+$0xFFFFFFD0] =	vst v11;
	v11 =	vunpack.i.l.bf16.f32 v24;
	(pc) =	sbr.rel @p1 .LBB2_33-.Ltmp18, $4  }
0x4c1: {  	v14 =	vmul.f32 v26, v2;
	v16 =	vmul.f32 v18, v2;
	v2 =	vmov v5;
	v10 =	vld [tilespmem:s18+$0xFFFFFFE0];
	[tilespmem:s19+$0x30] =	vst v12  }
0x4c2: {  	v12 =	vmul.f32 v23, v21;
	v11 =	vmul.f32 v11, v1;
	v8 =	vld [tilespmem:s18+$0x20];
	[tilespmem:s19+$0x40] =	vst v9  }
0x4c3: {  	v9 =	vmul.f32 v27, v1;
	v1 =	vmov v20;
	v4 =	vld.idx.msk [tilespmem:v25+s28+$0x0], $0xffff;
	[tilespmem:s19+$0x50] =	vst v19  }
0x4c4: {  	v18 =	vunpack.i.l.bf16.f32 v13;
	v5 =	vld.idx.msk [tilespmem:v22+s28+$0x0], $0xffff;
	[tilespmem:s13+$0xFFFFFFA0] =	vst v28  }
0x4c5: {  	[tilespmem:s13+$0xFFFFFFB0] =	vst v17  }
0x4c6: {  	[tilespmem:s13+$0xFFFFFFE0] =	vst v16  }
0x4c7: {  	[tilespmem:s13+$0xFFFFFFF0] =	vst v14  }
0x4c8: {  	[tilespmem:s6+$0x20] =	vst v12  }
0x4c9: {  	v13 =	vunpack.i.u.bf16.f32 v13;
	v18 =	vmul.f32 v18, v6;
	[tilespmem:s13+$0x60] =	vst v11  }
0x4ca: {  	s19 =	sadd.s32 $0x100, s19;
	v38 =	vunpack.i.l.bf16.f32 v15;
	v7 =	vld.idx.msk [tilespmem:v7+s28+$0x0], $0xffff;
	[tilespmem:s13+$0x70] =	vst v9;
	v13 =	vmul.f32 v13, v6  }
0x4cb: {  	v39 =	vunpack.i.u.bf16.f32 v15;
	v40 =	vld [tilespmem:s12+$0xFFFFFFD0];
	[tilespmem:s19+$0x0] =	vst v18;
	v14 =	vmul.f32 v38, v4  }
0x4cc: {  	v41 =	vunpack.i.l.bf16.f32 v10;
	[tilespmem:s19+$0x10] =	vst v13;
	v12 =	vmul.f32 v39, v4  }
0x4cd: {  	v44 =	vld [tilespmem:s12+$0xFFFFFFF0];
	v42 =	vunpack.i.u.bf16.f32 v10;
	v43 =	vmul.f32 v41, v5;
	[tilespmem:s19+$0xFFFFFF80] =	vst v14  }
0x4ce: {  	v46 =	vunpack.i.l.bf16.f32 v8;
	v9 =	vmul.f32 v42, v5;
	[tilespmem:s19+$0xFFFFFF90] =	vst v12  }
0x4cf: {  	v50 =	vld [tilespmem:s12+$0x30];
	v48 =	vunpack.i.u.bf16.f32 v8;
	v49 =	vmul.f32 v46, v7;
	[tilespmem:s19+$0xFFFFFFC0] =	vst v43  }
0x4d0: {  	v8 =	vmul.f32 v48, v7;
	v51 =	vunpack.i.l.bf16.f32 v40;
	[tilespmem:s19+$0xFFFFFFD0] =	vst v9  }
0x4d1: {  	v13 =	vld [tilespmem:s18+$0x10];
	v52 =	vunpack.i.u.bf16.f32 v40;
	v53 =	vmul.f32 v51, v3;
	[tilespmem:s19+$0x40] =	vst v49  }
0x4d2: {  	v54 =	vunpack.i.l.bf16.f32 v44;
	v3 =	vmul.f32 v52, v3;
	[tilespmem:s19+$0x50] =	vst v8  }
0x4d3: {  	v56 =	vunpack.i.u.bf16.f32 v44;
	v55 =	vld [tilespmem:s18+$0xFFFFFFD0];
	v12 =	vmul.f32 v54, v2;
	[tilespmem:s6+$0xFFFFFFA0] =	vst v53  }
0x4d4: {  	v58 =	vunpack.i.l.bf16.f32 v50;
	v2 =	vmul.f32 v56, v2;
	[tilespmem:s6+$0xFFFFFFB0] =	vst v3  }
0x4d5: {  	v9 =	vunpack.i.u.bf16.f32 v50;
	v10 =	vmul.f32 v58, v1;
	v3 =	vld [tilespmem:s18+$0xFFFFFFF0];
	[tilespmem:s6+$0xFFFFFFE0] =	vst v12  }
0x4d6: {  	v1 =	vmul.f32 v9, v1;
	[tilespmem:s6+$0xFFFFFFF0] =	vst v2;
	v45 =	vunpack.i.u.bf16.f32 v13  }
0x4d7: {  	v60 =	vld [tilespmem:s18+$0x30];
	[tilespmem:s6+$0x60] =	vst v10;
	v57 =	vunpack.i.l.bf16.f32 v13;
	v47 =	vmul.f32 v45, v6  }
0x4d8: {  	[tilespmem:s6+$0x70] =	vst v1;
	v59 =	vmul.f32 v57, v6;
	v2 =	vunpack.i.l.bf16.f32 v55  }
0x4d9: {  	v61 =	vunpack.i.u.bf16.f32 v55;
	[tilespmem:s19+$0x30] =	vst v47;
	v2 =	vmul.f32 v2, v4  }
0x4da: {  	[tilespmem:s19+$0x20] =	vst v59;
	v62 =	vmul.f32 v61, v4;
	v1 =	vunpack.i.l.bf16.f32 v3  }
0x4db: {  	v3 =	vunpack.i.u.bf16.f32 v3;
	v1 =	vmul.f32 v1, v5;
	[tilespmem:s19+$0xFFFFFFA0] =	vst v2  }
.Ltmp19:
0x4dc: {  	v2 =	vunpack.i.l.bf16.f32 v60;
	v3 =	vmul.f32 v3, v5;
	[tilespmem:s19+$0xFFFFFFB0] =	vst v62;
	(pc) =	sbr.rel @p0 .LBB2_36-.Ltmp19, $4  }
0x4dd: {  	v63 =	vunpack.i.u.bf16.f32 v60;
	v2 =	vmul.f32 v2, v7;
	[tilespmem:s19+$0xFFFFFFE0] =	vst v1  }
0x4de: {  	v1 =	vmul.f32 v63, v7;
	[tilespmem:s19+$0xFFFFFFF0] =	vst v3  }
0x4df: {  	[tilespmem:s19+$0x60] =	vst v2  }
0x4e0: {  	s2 =	sadd.s32 $0x2710, s2;
	[tilespmem:s19+$0x70] =	vst v1  }
0x4e1: {  	s5 =	smul.u32 $0x640, s24;
	_ =	sdelay $0x1  }
.Ltmp20:
0x4e2: {  	s5 =	sshra.s32 s5, $0x2;
	(pc) =	sbr.rel .LBB2_30-.Ltmp20, $4  }
0x4e3: {  	s5 =	sadd.s32 $0x258, s5  }
0x4e4: {  	[tilespmem:s31], [sflag:$0x2] =	stream.indirect.gather [hbm4b:s20+s29], $0x20, s5, s29, $0xb8;
	[tilespmem:$0x1D970] =	vst v63  }
0x4e5: {  	s24 =	sadd.s32 $0x1, s24;
	s9 =	sadd.s32 $0x190, s9  }
0x4e6: {  	[spmem:s1] =	stream.indirect.scatter.add.f32 [tilespmem:s14], [sflag:$0x4], $0x40, s2, s29, $0xb8;
	[tilespmem:$0x1D970] =	vst v63  }
.LBB2_37:
0x4e7: {  	_ =	sfence.sel $0x180000  }
0x4e8: {  	[bflag:$0x0] =	sbarrier.arrive $0xFFFF  }
0x4e9: {  	_ =	strace $0x90000047  }
0x4ea: {  	s0 =	stileid.u32;
	[bflag:$0x2] =	sbarrier.arrive $0xFFFF  }
0x4eb: {  	p0 =	sne.s32 s0, $0x0;
	s0 =	rddreg [dreg:$0x2]  }
0x4ec: {  	s0 =	sadd.s32 @!p0 $0x100000, s0  }
0x4ed: {  	[sflag:s0] =	ssyncadd.tile.s32 @!p0 $0x1;
	_ =	shalt  }
.Lfunc_end2:
_tile_overlayer_lowered:
.L_overlay_start_2:
0x4ee: {  	(tag) =	ssettag $0x2  }
0x4ef: {  	s0 =	rddreg [dreg:$0x0];
	s2 =	stileid.u32  }
0x4f0: {  	s1 =	rddreg [dreg:$0x1];
	p0 =	sne.s32 s2, $0x0  }
0x4f1: {  	s3 =	rddreg [dreg:$0x2];
	[bflag:$0x3] =	sbarrier.arrive $0xFFFF;
	s2 =	simm.s32 @!p0 $0x1C05  }
0x4f2: {  	[timem:s3], [sflag:s2] =	dma.local @!p0 [hbm:s0], s1  }
0x4f3: {  	s0 =	simm.s32 @!p0 $0x5  }
0x4f4: {  	_ =	swait.ge @!p0 [sflag:s0], s1  }
0x4f5: {  	s1 =	ssub.s32 @!p0 $0x0, s1;
	[sflag:s0] =	ssyncset.done @!p0 $0x0  }
0x4f6: {  	[sflag:s0] =	ssyncadd.s32 @!p0 s1  }
0x4f7: {  	[bflag:$0x3] =	sbarrier.arrive $0xFFFF  }
0x4f8: {  	_ =	shalt  }

</sc_bundles>
